<compile_context>
chip_gen: v7x
topology: tpu7x:2x2x1
jax: 0.10.2.dev20260603
libtpu: 0.0.44.dev20260713+nightly
codegen_flags: <defaults>
</compile_context>

<pallas_src>
import functools

import jax
import jax.numpy as jnp
from jax import lax
from jax.experimental import pallas as pl
from jax.experimental.pallas import tpu as pltpu
from jax.experimental.pallas import tpu_sc as plsc

N = 10000
E = 160000
F_IN = 256
H = 512
C = 10
G = 64

NC = 2
NS = 16
L = 16

EB = 80
EROWS = E // EB
RPT = EROWS // NS
FC = 128

ROW8 = 624
TAIL = N - NS * ROW8
TOFF = NS * ROW8
ZR = 16

NB = 2000
GRID = N // NB

_f32 = jnp.float32


def _mesh():
    return plsc.VectorSubcoreMesh(
        core_axis_name="c", subcore_axis_name="s", num_cores=NC, num_subcores=NS
    )


def _zero_zbuf(zb, rows, width):
    zero = jnp.zeros((L,), _f32)

    def zrow(r, _):
        for k in range(width // L):
            zb[r, pl.ds(k * L, L)] = zero
        return 0

    lax.fori_loop(0, rows, zrow, 0)


def _clear_shared(zb, shared, s):
    for t in range(ROW8 // ZR):
        pltpu.sync_copy(zb, shared.at[pl.ds(s * ROW8 + t * ZR, ZR)])

    @pl.when(s == 0)
    def _():
        pltpu.sync_copy(zb.at[pl.ds(0, TAIL)], shared.at[pl.ds(TOFF, TAIL)])


def _dump_shared(shared, out, s):
    pltpu.sync_copy(shared.at[pl.ds(s * ROW8, ROW8)],
                    out.at[pl.ds(s * ROW8, ROW8)])

    @pl.when(s == 0)
    def _():
        pltpu.sync_copy(shared.at[pl.ds(TOFF, TAIL)],
                        out.at[pl.ds(TOFF, TAIL)])


def _deg_body(dst_hbm, out_hbm, shared, dst_v, zb, ones_v):
    c = lax.axis_index("c")
    s = lax.axis_index("s")

    @pl.when(c == 0)
    def _():
        _zero_zbuf(zb, ZR, FC)
        one = jnp.full((L,), 1.0, _f32)

        def orow(r, _):
            for k in range(FC // L):
                ones_v[r, pl.ds(k * L, L)] = one
            return 0

        lax.fori_loop(0, EB, orow, 0)
        _clear_shared(zb, shared, s)
        plsc.subcore_barrier()
        pltpu.sync_copy(dst_hbm.at[s], dst_v)

        def body(j, _):
            pltpu.sync_copy(ones_v, shared.at[dst_v.at[j]], add=True)
            return 0

        lax.fori_loop(0, RPT, body, 0)
        plsc.subcore_barrier()
        _dump_shared(shared, out_hbm, s)


_deg = functools.partial(
    pl.kernel,
    out_type=jax.ShapeDtypeStruct((N, FC), _f32),
    mesh=_mesh(),
    scratch_types=[
        pltpu.VMEM_SHARED((N, FC), _f32),
        pltpu.VMEM((RPT, EB), jnp.int32),
        pltpu.VMEM((ZR, FC), _f32),
        pltpu.VMEM((EB, FC), _f32),
    ],
)(_deg_body)


EPT = E // NS


def _make_agg(n_chunks):
    out_t = tuple(jax.ShapeDtypeStruct((N, FC), _f32) for _ in range(n_chunks))
    scratch = [
        pltpu.VMEM_SHARED((N, FC), _f32),
        pltpu.VMEM((EPT,), jnp.int32),
        pltpu.VMEM((RPT, EB), jnp.int32),
        pltpu.VMEM((EB, FC), _f32),
        pltpu.VMEM((EB, FC), _f32),
        pltpu.SemaphoreType.DMA,
        pltpu.SemaphoreType.DMA,
    ]

    def body(src_hbm, dst_hbm, *rest):
        xs = rest[:n_chunks]
        outs = rest[n_chunks:2 * n_chunks]
        shared, src_v, dst_v, r0, r1, sem0, sem1 = rest[2 * n_chunks:]
        c = lax.axis_index("c")
        s = lax.axis_index("s")

        pltpu.sync_copy(src_hbm.at[pl.ds(s * EPT, EPT)], src_v)
        pltpu.sync_copy(dst_hbm.at[s], dst_v)

        for k in range(n_chunks):
            @pl.when(c == (k % NC))
            def _(k=k):
                _zero_zbuf(r0, EB, FC)
                for t in range(7):
                    pltpu.sync_copy(r0, shared.at[pl.ds(s * ROW8 + t * EB, EB)])
                pltpu.sync_copy(r0.at[pl.ds(0, ROW8 - 7 * EB)],
                                shared.at[pl.ds(s * ROW8 + 7 * EB,
                                                ROW8 - 7 * EB)])

                @pl.when(s == 0)
                def _():
                    pltpu.sync_copy(r0.at[pl.ds(0, TAIL)],
                                    shared.at[pl.ds(TOFF, TAIL)])

                plsc.subcore_barrier()

                def gather(j, buf, sem):
                    return pltpu.async_copy(
                        xs[k].at[src_v.at[pl.ds(j * EB, EB)]], buf, sem)

                gather(0, r0, sem0)

                def ebody(it, _):
                    j0 = it * 2
                    gather(j0 + 1, r1, sem1)
                    pltpu.make_async_copy(
                        xs[k].at[src_v.at[pl.ds(0, EB)]], r0, sem0).wait()
                    pltpu.sync_copy(r0, shared.at[dst_v.at[j0]], add=True)
                    gather(j0 + 2, r0, sem0)
                    pltpu.make_async_copy(
                        xs[k].at[src_v.at[pl.ds(0, EB)]], r1, sem1).wait()
                    pltpu.sync_copy(r1, shared.at[dst_v.at[j0 + 1]], add=True)
                    return 0

                lax.fori_loop(0, (RPT - 1) // 2, ebody, 0)
                pltpu.make_async_copy(
                    xs[k].at[src_v.at[pl.ds(0, EB)]], r0, sem0).wait()
                pltpu.sync_copy(r0, shared.at[dst_v.at[RPT - 1]], add=True)
                plsc.subcore_barrier()
                _dump_shared(shared, outs[k], s)

    return functools.partial(
        pl.kernel, out_type=out_t, mesh=_mesh(), scratch_types=scratch
    )(body)


_agg256 = _make_agg(2)
_agg512 = _make_agg(4)


def _prescale_body(deg_ref, x_ref, xs0_ref, xs1_ref, dinv_ref):
    d = deg_ref[:, 0:1] + 1.0
    dinv = lax.rsqrt(d)
    dinv_ref[...] = dinv
    xs = x_ref[...] * dinv
    xs0_ref[...] = xs[:, :FC]
    xs1_ref[...] = xs[:, FC:]


def _prescale(deg2, x):
    return pl.pallas_call(
        _prescale_body,
        grid=(GRID,),
        in_specs=[
            pl.BlockSpec((NB, FC), lambda i: (i, 0)),
            pl.BlockSpec((NB, F_IN), lambda i: (i, 0)),
        ],
        out_specs=[
            pl.BlockSpec((NB, FC), lambda i: (i, 0)),
            pl.BlockSpec((NB, FC), lambda i: (i, 0)),
            pl.BlockSpec((NB, 1), lambda i: (i, 0)),
        ],
        out_shape=[
            jax.ShapeDtypeStruct((N, FC), _f32),
            jax.ShapeDtypeStruct((N, FC), _f32),
            jax.ShapeDtypeStruct((N, 1), _f32),
        ],
    )(deg2, x)


def _layer1_body(s0, s1, x0, x1, dinv, w, b, h0, h1, h2, h3):
    dv = dinv[...]
    a0 = dv * (s0[...] + x0[...])
    a1 = dv * (s1[...] + x1[...])
    agg = jnp.concatenate([a0, a1], axis=1)
    h = lax.dot_general(agg, w[...], (((1,), (0,)), ((), ())),
                        preferred_element_type=_f32)
    h = jnp.maximum(h + b[...], 0.0) * dv
    h0[...] = h[:, 0 * FC:1 * FC]
    h1[...] = h[:, 1 * FC:2 * FC]
    h2[...] = h[:, 2 * FC:3 * FC]
    h3[...] = h[:, 3 * FC:4 * FC]


def _layer1(s0, s1, x0, x1, dinv, w1, b1):
    return pl.pallas_call(
        _layer1_body,
        grid=(GRID,),
        in_specs=[
            pl.BlockSpec((NB, FC), lambda i: (i, 0)),
            pl.BlockSpec((NB, FC), lambda i: (i, 0)),
            pl.BlockSpec((NB, FC), lambda i: (i, 0)),
            pl.BlockSpec((NB, FC), lambda i: (i, 0)),
            pl.BlockSpec((NB, 1), lambda i: (i, 0)),
            pl.BlockSpec((F_IN, H), lambda i: (0, 0)),
            pl.BlockSpec((1, H), lambda i: (0, 0)),
        ],
        out_specs=[pl.BlockSpec((NB, FC), lambda i: (i, 0))] * 4,
        out_shape=[jax.ShapeDtypeStruct((N, FC), _f32)] * 4,
    )(s0, s1, x0, x1, dinv, w1, b1)


def _layer2_body(s0, s1, s2, s3, h0, h1, h2, h3, dinv, w, b, bat, wl, bl,
                 out_ref, sums, counts):
    i = pl.program_id(0)

    @pl.when(i == 0)
    def _():
        sums[...] = jnp.zeros_like(sums)
        counts[...] = jnp.zeros_like(counts)

    dv = dinv[...]
    agg = jnp.concatenate(
        [dv * (s0[...] + h0[...]), dv * (s1[...] + h1[...]),
         dv * (s2[...] + h2[...]), dv * (s3[...] + h3[...])], axis=1)
    h = lax.dot_general(agg, w[...], (((1,), (0,)), ((), ())),
                        preferred_element_type=_f32)
    h = jnp.maximum(h + b[...], 0.0)

    gid = lax.broadcasted_iota(jnp.int32, (NB, G), 1)
    oh = (bat[...] == gid).astype(_f32)
    sums[...] = sums[...] + lax.dot_general(
        oh, h, (((0,), (0,)), ((), ())), preferred_element_type=_f32)
    ones = jnp.ones((NB, 1), _f32)
    counts[:, 0:1] = counts[:, 0:1] + lax.dot_general(
        oh, ones, (((0,), (0,)), ((), ())), preferred_element_type=_f32)

    @pl.when(i == GRID - 1)
    def _():
        pooled = sums[...] / jnp.maximum(counts[:, 0:1], 1.0)
        out_ref[...] = lax.dot_general(
            pooled, wl[...], (((1,), (0,)), ((), ())),
            preferred_element_type=_f32) + bl[...]


def _layer2(s, hs, dinv, w2, b2, bat2, wl, bl):
    return pl.pallas_call(
        _layer2_body,
        grid=(GRID,),
        in_specs=[pl.BlockSpec((NB, FC), lambda i: (i, 0))] * 8 + [
            pl.BlockSpec((NB, 1), lambda i: (i, 0)),
            pl.BlockSpec((H, H), lambda i: (0, 0)),
            pl.BlockSpec((1, H), lambda i: (0, 0)),
            pl.BlockSpec((NB, 1), lambda i: (i, 0)),
            pl.BlockSpec((H, C), lambda i: (0, 0)),
            pl.BlockSpec((1, C), lambda i: (0, 0)),
        ],
        out_specs=pl.BlockSpec((G, C), lambda i: (0, 0)),
        out_shape=jax.ShapeDtypeStruct((G, C), _f32),
        scratch_shapes=[pltpu.VMEM((G, H), _f32), pltpu.VMEM((G, 128), _f32)],
    )(*s, *hs, dinv, w2, b2, bat2, wl, bl)


def kernel(x, edge_index, batch, W1, b1, W2, b2, Wl, bl):
    src1 = edge_index[0]
    dst3 = edge_index[1].reshape(NS, RPT, EB)

    deg2 = _deg(dst3)
    xs0, xs1, dinv = _prescale(deg2, x)
    S0, S1 = _agg256(src1, dst3, xs0, xs1)
    hs = _layer1(S0, S1, xs0, xs1, dinv, W1, b1.reshape(1, H))
    T = _agg512(src1, dst3, *hs)
    return _layer2(T, hs, dinv, W2, b2.reshape(1, H), batch.reshape(N, 1),
                   Wl, bl.reshape(1, C))

# --- scband reference (transcript-rebuilt; emitter-appended) ---
"""Pipeline reference for scband-gcn-43576738186083 (READ-ONLY COPY).

The authoritative reference and input builder live on the scoring server;
editing this copy changes nothing except your own understanding.
"""

import jax, jax.numpy as jnp
import numpy as np

N = 10000
E = 160000
F_IN = 256
H = 512
C = 10
G = 64


def gcn_conv(x, edge_index, W, b, num_nodes):
    # PyG GCNConv: add self-loops, symmetric normalization D^-1/2 (A+I) D^-1/2,
    # x' = A_hat @ (x W) + b
    src = edge_index[0]
    dst = edge_index[1]
    loop = jnp.arange(num_nodes, dtype=src.dtype)
    src = jnp.concatenate([src, loop])
    dst = jnp.concatenate([dst, loop])
    deg = jnp.zeros((num_nodes,), dtype=x.dtype).at[dst].add(1.0)
    dinv = jnp.where(deg > 0, jax.lax.rsqrt(deg), 0.0)
    norm = dinv[src] * dinv[dst]
    h = x @ W
    msg = jnp.take(h, src, axis=0) * norm[:, None]
    out = jnp.zeros((num_nodes, W.shape[1]), dtype=x.dtype).at[dst].add(msg)
    return out + b


def setup_inputs(seed: int = 0) -> dict:
    key = jax.random.key(seed)
    ks = jax.random.split(key, 8)
    x = jax.random.normal(ks[0], (N, F_IN), dtype=jnp.float32)
    edge_index = jax.random.randint(ks[1], (2, E), 0, N, dtype=jnp.int32)
    batch = jnp.sort(jax.random.randint(ks[2], (N,), 0, G, dtype=jnp.int32))
    W1 = jax.random.normal(ks[3], (F_IN, H), dtype=jnp.float32) * 0.05
    b1 = jnp.zeros((H,), dtype=jnp.float32)
    W2 = jax.random.normal(ks[4], (H, H), dtype=jnp.float32) * 0.05
    b2 = jnp.zeros((H,), dtype=jnp.float32)
    Wl = jax.random.normal(ks[5], (H, C), dtype=jnp.float32) * 0.05
    bl = jnp.zeros((C,), dtype=jnp.float32)
    return {"x": x, "edge_index": edge_index, "batch": batch,
            "W1": W1, "b1": b1, "W2": W2, "b2": b2, "Wl": Wl, "bl": bl}


def reference(x, edge_index, batch, W1, b1, W2, b2, Wl, bl):
    h = jax.nn.relu(gcn_conv(x, edge_index, W1, b1, N))
    h = jax.nn.relu(gcn_conv(h, edge_index, W2, b2, N))
    # global_mean_pool over graph ids
    sums = jax.ops.segment_sum(h, batch, num_segments=G)
    counts = jax.ops.segment_sum(jnp.ones((N, 1), dtype=h.dtype), batch, num_segments=G)
    pooled = sums / jnp.maximum(counts, 1.0)
    # dropout p=0.5 is identity in eval mode
    return pooled @ Wl + bl

if __name__ == "__main__":
    import jax
    _d = setup_inputs()
    print(jax.jit(kernel)(*tuple(_d.values())))

</pallas_src>

<mosaic_0001>
#map = affine_map<(d0, d1) -> (0)>
#map1 = affine_map<(d0, d1) -> (0, 0, 0)>
#map2 = affine_map<(d0, d1) -> (0, 0)>
module attributes {stable_mosaic.version = 14 : i64} {
  func.func @body(%arg0: i32, %arg1: i32, %arg2: memref<160000xi32, #tpu.memory_space<hbm>>, %arg3: memref<16x125x80xi32, #tpu.memory_space<hbm>>, %arg4: memref<10000x128xf32, #tpu.memory_space<hbm>>, %arg5: memref<10000x128xf32, #tpu.memory_space<hbm>>, %arg6: memref<10000x128xf32, #tpu.memory_space<hbm>>, %arg7: memref<10000x128xf32, #tpu.memory_space<hbm>>, %arg8: memref<10000x128xf32, #tpu.memory_space<vmem_shared>>, %arg9: memref<10000xi32, #tpu.memory_space<vmem>>, %arg10: memref<125x80xi32, #tpu.memory_space<vmem>>, %arg11: memref<80x128xf32, #tpu.memory_space<vmem>>, %arg12: memref<80x128xf32, #tpu.memory_space<vmem>>, %arg13: memref<!tpu.dma_semaphore, #tpu.memory_space<semaphore_mem>>, %arg14: memref<!tpu.dma_semaphore, #tpu.memory_space<semaphore_mem>>) attributes {dimension_semantics = [#tpu.dimension_semantics<core_parallel>, #tpu.dimension_semantics<subcore_parallel>], iteration_bounds = array<i64: 2, 16>, scalar_prefetch = 0 : i64, scratch_operands = 7 : i64, tpu.core_type = #tpu.core_type<sc_vector_subcore>, window_params = [{transform_indices = #map}, {transform_indices = #map1}, {transform_indices = #map2}, {transform_indices = #map2}, {transform_indices = #map2}, {transform_indices = #map2}]} {
    %mul3A = arith.constant 10000 : i32
    %mul3A_0 = arith.muli %arg1, %mul3A : i32
    "tpu.region"() ({
      %run_scoped3A = tpu.sem_alloc : memref<!tpu.dma_semaphore, #tpu.memory_space<semaphore_mem>>
      %dma_start3A = tpu.memref_slice %arg2[%mul3A_0] : memref<160000xi32, #tpu.memory_space<hbm>> -> memref<10000xi32, #tpu.memory_space<hbm>>
      %dma_start3A_8 = tpu.memref_slice %arg2[%mul3A_0] : memref<160000xi32, #tpu.memory_space<hbm>> -> memref<10000xi32, #tpu.memory_space<hbm>>
      tpu.enqueue_dma source(%dma_start3A_8 : memref<10000xi32, #tpu.memory_space<hbm>>) target(%arg9 : memref<10000xi32, #tpu.memory_space<vmem>>) target_semaphore(%run_scoped3A : memref<!tpu.dma_semaphore, #tpu.memory_space<semaphore_mem>>)
      %dma_wait3A = tpu.memref_slice %arg2[%mul3A_0] : memref<160000xi32, #tpu.memory_space<hbm>> -> memref<10000xi32, #tpu.memory_space<hbm>>
      %dma_wait3A_9 = tpu.memref_slice %arg2[%mul3A_0] : memref<160000xi32, #tpu.memory_space<hbm>> -> memref<10000xi32, #tpu.memory_space<hbm>>
      tpu.wait_dma2 semaphore(%run_scoped3A : memref<!tpu.dma_semaphore, #tpu.memory_space<semaphore_mem>>) src(%dma_wait3A_9 : memref<10000xi32, #tpu.memory_space<hbm>>) dst(%arg9 : memref<10000xi32, #tpu.memory_space<vmem>>)
      tpu.yield
    }) : () -> ()
    "tpu.region"() ({
      %run_scoped3A = tpu.sem_alloc : memref<!tpu.dma_semaphore, #tpu.memory_space<semaphore_mem>>
      %dma_start3A = arith.constant 0 : i32
      %dma_start3A_8 = arith.constant 0 : i32
      %dma_start3A_9 = tpu.memref_slice %arg3[%arg1, %dma_start3A, %dma_start3A_8] : memref<16x125x80xi32, #tpu.memory_space<hbm>> -> memref<1x125x80xi32, #tpu.memory_space<hbm>>
      %dma_start3A_10 = tpu.memref_squeeze %dma_start3A_9 : memref<1x125x80xi32, #tpu.memory_space<hbm>> -> memref<125x80xi32, #tpu.memory_space<hbm>>
      %dma_start3A_11 = arith.constant 0 : i32
      %dma_start3A_12 = arith.constant 0 : i32
      %dma_start3A_13 = tpu.memref_slice %arg3[%arg1, %dma_start3A_11, %dma_start3A_12] : memref<16x125x80xi32, #tpu.memory_space<hbm>> -> memref<1x125x80xi32, #tpu.memory_space<hbm>>
      %dma_start3A_14 = tpu.memref_squeeze %dma_start3A_13 : memref<1x125x80xi32, #tpu.memory_space<hbm>> -> memref<125x80xi32, #tpu.memory_space<hbm>>
      tpu.enqueue_dma source(%dma_start3A_14 : memref<125x80xi32, #tpu.memory_space<hbm>>) target(%arg10 : memref<125x80xi32, #tpu.memory_space<vmem>>) target_semaphore(%run_scoped3A : memref<!tpu.dma_semaphore, #tpu.memory_space<semaphore_mem>>)
      %dma_wait3A = arith.constant 0 : i32
      %dma_wait3A_15 = arith.constant 0 : i32
      %dma_wait3A_16 = tpu.memref_slice %arg3[%arg1, %dma_wait3A, %dma_wait3A_15] : memref<16x125x80xi32, #tpu.memory_space<hbm>> -> memref<1x125x80xi32, #tpu.memory_space<hbm>>
      %dma_wait3A_17 = tpu.memref_squeeze %dma_wait3A_16 : memref<1x125x80xi32, #tpu.memory_space<hbm>> -> memref<125x80xi32, #tpu.memory_space<hbm>>
      %dma_wait3A_18 = arith.constant 0 : i32
      %dma_wait3A_19 = arith.constant 0 : i32
      %dma_wait3A_20 = tpu.memref_slice %arg3[%arg1, %dma_wait3A_18, %dma_wait3A_19] : memref<16x125x80xi32, #tpu.memory_space<hbm>> -> memref<1x125x80xi32, #tpu.memory_space<hbm>>
      %dma_wait3A_21 = tpu.memref_squeeze %dma_wait3A_20 : memref<1x125x80xi32, #tpu.memory_space<hbm>> -> memref<125x80xi32, #tpu.memory_space<hbm>>
      tpu.wait_dma2 semaphore(%run_scoped3A : memref<!tpu.dma_semaphore, #tpu.memory_space<semaphore_mem>>) src(%dma_wait3A_21 : memref<125x80xi32, #tpu.memory_space<hbm>>) dst(%arg10 : memref<125x80xi32, #tpu.memory_space<vmem>>)
      tpu.yield
    }) : () -> ()
    %eq3A = arith.constant 0 : i32
    %eq3A_1 = arith.cmpi eq, %arg0, %eq3A : i32
    %convert_element_type3A = arith.extui %eq3A_1 : i1 to i32
    %cond3A = arith.constant 0 : i32
    %cond3A_2 = arith.cmpi ne, %convert_element_type3A, %cond3A : i32
    scf.if %cond3A_2 {
      %broadcast_in_dim3A = arith.constant 0.000000e+00 : f32
      %broadcast_in_dim3A_8 = vector.broadcast %broadcast_in_dim3A : f32 to vector<16xf32>
      %scan3A = arith.constant 0 : i32
      %scan3A_9 = arith.constant 0 : i32
      %scan3A_10 = arith.constant 80 : i32
      %scan3A_11 = arith.addi %scan3A_9, %scan3A_10 : i32
      %scan3A_12 = arith.constant 1 : i32
      %scan3A_13 = scf.for %scan3A_76 = %scan3A_9 to %scan3A_11 step %scan3A_12 iter_args(%scan3A_77 = %scan3A) -> (i32)  : i32 {
        %swap3A = arith.index_cast %scan3A_76 : i32 to index
        %swap3A_78 = arith.constant 0 : index
        %swap3A_79 = tpu.vector_load %arg11[%swap3A, %swap3A_78] {strides = array<i32>} : memref<80x128xf32, #tpu.memory_space<vmem>>, vector<1x16xf32>,
        %swap3A_80 = vector.shape_cast %swap3A_79 : vector<1x16xf32> to vector<16xf32>
        %swap3A_81 = vector.shape_cast %broadcast_in_dim3A_8 : vector<16xf32> to vector<1x16xf32>
        tpu.vector_store %arg11[%swap3A, %swap3A_78], %swap3A_81 {strides = array<i32>} : memref<80x128xf32, #tpu.memory_space<vmem>>, vector<1x16xf32>,
        %swap3A_82 = arith.index_cast %scan3A_76 : i32 to index
        %swap3A_83 = arith.constant 16 : index
        %swap3A_84 = tpu.vector_load %arg11[%swap3A_82, %swap3A_83] {strides = array<i32>} : memref<80x128xf32, #tpu.memory_space<vmem>>, vector<1x16xf32>,
        %swap3A_85 = vector.shape_cast %swap3A_84 : vector<1x16xf32> to vector<16xf32>
        %swap3A_86 = vector.shape_cast %broadcast_in_dim3A_8 : vector<16xf32> to vector<1x16xf32>
        tpu.vector_store %arg11[%swap3A_82, %swap3A_83], %swap3A_86 {strides = array<i32>} : memref<80x128xf32, #tpu.memory_space<vmem>>, vector<1x16xf32>,
        %swap3A_87 = arith.index_cast %scan3A_76 : i32 to index
        %swap3A_88 = arith.constant 32 : index
        %swap3A_89 = tpu.vector_load %arg11[%swap3A_87, %swap3A_88] {strides = array<i32>} : memref<80x128xf32, #tpu.memory_space<vmem>>, vector<1x16xf32>,
        %swap3A_90 = vector.shape_cast %swap3A_89 : vector<1x16xf32> to vector<16xf32>
        %swap3A_91 = vector.shape_cast %broadcast_in_dim3A_8 : vector<16xf32> to vector<1x16xf32>
        tpu.vector_store %arg11[%swap3A_87, %swap3A_88], %swap3A_91 {strides = array<i32>} : memref<80x128xf32, #tpu.memory_space<vmem>>, vector<1x16xf32>,
        %swap3A_92 = arith.index_cast %scan3A_76 : i32 to index
        %swap3A_93 = arith.constant 48 : index
        %swap3A_94 = tpu.vector_load %arg11[%swap3A_92, %swap3A_93] {strides = array<i32>} : memref<80x128xf32, #tpu.memory_space<vmem>>, vector<1x16xf32>,
        %swap3A_95 = vector.shape_cast %swap3A_94 : vector<1x16xf32> to vector<16xf32>
        %swap3A_96 = vector.shape_cast %broadcast_in_dim3A_8 : vector<16xf32> to vector<1x16xf32>
        tpu.vector_store %arg11[%swap3A_92, %swap3A_93], %swap3A_96 {strides = array<i32>} : memref<80x128xf32, #tpu.memory_space<vmem>>, vector<1x16xf32>,
        %swap3A_97 = arith.index_cast %scan3A_76 : i32 to index
        %swap3A_98 = arith.constant 64 : index
        %swap3A_99 = tpu.vector_load %arg11[%swap3A_97, %swap3A_98] {strides = array<i32>} : memref<80x128xf32, #tpu.memory_space<vmem>>, vector<1x16xf32>,
        %swap3A_100 = vector.shape_cast %swap3A_99 : vector<1x16xf32> to vector<16xf32>
        %swap3A_101 = vector.shape_cast %broadcast_in_dim3A_8 : vector<16xf32> to vector<1x16xf32>
        tpu.vector_store %arg11[%swap3A_97, %swap3A_98], %swap3A_101 {strides = array<i32>} : memref<80x128xf32, #tpu.memory_space<vmem>>, vector<1x16xf32>,
        %swap3A_102 = arith.index_cast %scan3A_76 : i32 to index
        %swap3A_103 = arith.constant 80 : index
        %swap3A_104 = tpu.vector_load %arg11[%swap3A_102, %swap3A_103] {strides = array<i32>} : memref<80x128xf32, #tpu.memory_space<vmem>>, vector<1x16xf32>,
        %swap3A_105 = vector.shape_cast %swap3A_104 : vector<1x16xf32> to vector<16xf32>
        %swap3A_106 = vector.shape_cast %broadcast_in_dim3A_8 : vector<16xf32> to vector<1x16xf32>
        tpu.vector_store %arg11[%swap3A_102, %swap3A_103], %swap3A_106 {strides = array<i32>} : memref<80x128xf32, #tpu.memory_space<vmem>>, vector<1x16xf32>,
        %swap3A_107 = arith.index_cast %scan3A_76 : i32 to index
        %swap3A_108 = arith.constant 96 : index
        %swap3A_109 = tpu.vector_load %arg11[%swap3A_107, %swap3A_108] {strides = array<i32>} : memref<80x128xf32, #tpu.memory_space<vmem>>, vector<1x16xf32>,
        %swap3A_110 = vector.shape_cast %swap3A_109 : vector<1x16xf32> to vector<16xf32>
        %swap3A_111 = vector.shape_cast %broadcast_in_dim3A_8 : vector<16xf32> to vector<1x16xf32>
        tpu.vector_store %arg11[%swap3A_107, %swap3A_108], %swap3A_111 {strides = array<i32>} : memref<80x128xf32, #tpu.memory_space<vmem>>, vector<1x16xf32>,
        %swap3A_112 = arith.index_cast %scan3A_76 : i32 to index
        %swap3A_113 = arith.constant 112 : index
        %swap3A_114 = tpu.vector_load %arg11[%swap3A_112, %swap3A_113] {strides = array<i32>} : memref<80x128xf32, #tpu.memory_space<vmem>>, vector<1x16xf32>,
        %swap3A_115 = vector.shape_cast %swap3A_114 : vector<1x16xf32> to vector<16xf32>
        %swap3A_116 = vector.shape_cast %broadcast_in_dim3A_8 : vector<16xf32> to vector<1x16xf32>
        tpu.vector_store %arg11[%swap3A_112, %swap3A_113], %swap3A_116 {strides = array<i32>} : memref<80x128xf32, #tpu.memory_space<vmem>>, vector<1x16xf32>,
        %scan3A_117 = arith.constant 0 : i32
        scf.yield %scan3A_117 : i32
      }
      %scan3A_14 = arith.constant 80 : i32
      %mul3A_15 = arith.constant 624 : i32
      %mul3A_16 = arith.muli %arg1, %mul3A_15 : i32
      %add3A = arith.constant 0 : i32
      %add3A_17 = arith.addi %mul3A_16, %add3A : i32
      "tpu.region"() ({
        %run_scoped3A_76 = tpu.sem_alloc : memref<!tpu.dma_semaphore, #tpu.memory_space<semaphore_mem>>
        %dma_start3A_77 = arith.constant 0 : i32
        %dma_start3A_78 = tpu.memref_slice %arg8[%add3A_17, %dma_start3A_77] : memref<10000x128xf32, #tpu.memory_space<vmem_shared>> -> memref<80x128xf32, #tpu.memory_space<vmem_shared>>
        %dma_start3A_79 = arith.constant 0 : i32
        %dma_start3A_80 = tpu.memref_slice %arg8[%add3A_17, %dma_start3A_79] : memref<10000x128xf32, #tpu.memory_space<vmem_shared>> -> memref<80x128xf32, #tpu.memory_space<vmem_shared>>
        tpu.enqueue_dma source(%arg11 : memref<80x128xf32, #tpu.memory_space<vmem>>) target(%dma_start3A_80 : memref<80x128xf32, #tpu.memory_space<vmem_shared>>) target_semaphore(%run_scoped3A_76 : memref<!tpu.dma_semaphore, #tpu.memory_space<semaphore_mem>>)
        %dma_wait3A_81 = arith.constant 0 : i32
        %dma_wait3A_82 = tpu.memref_slice %arg8[%add3A_17, %dma_wait3A_81] : memref<10000x128xf32, #tpu.memory_space<vmem_shared>> -> memref<80x128xf32, #tpu.memory_space<vmem_shared>>
        %dma_wait3A_83 = arith.constant 0 : i32
        %dma_wait3A_84 = tpu.memref_slice %arg8[%add3A_17, %dma_wait3A_83] : memref<10000x128xf32, #tpu.memory_space<vmem_shared>> -> memref<80x128xf32, #tpu.memory_space<vmem_shared>>
        tpu.wait_dma2 semaphore(%run_scoped3A_76 : memref<!tpu.dma_semaphore, #tpu.memory_space<semaphore_mem>>) src(%arg11 : memref<80x128xf32, #tpu.memory_space<vmem>>) dst(%dma_wait3A_84 : memref<80x128xf32, #tpu.memory_space<vmem_shared>>)
        tpu.yield
      }) : () -> ()
      %mul3A_18 = arith.constant 624 : i32
      %mul3A_19 = arith.muli %arg1, %mul3A_18 : i32
      %add3A_20 = arith.constant 80 : i32
      %add3A_21 = arith.addi %mul3A_19, %add3A_20 : i32
      "tpu.region"() ({
        %run_scoped3A_76 = tpu.sem_alloc : memref<!tpu.dma_semaphore, #tpu.memory_space<semaphore_mem>>
        %dma_start3A_77 = arith.constant 0 : i32
        %dma_start3A_78 = tpu.memref_slice %arg8[%add3A_21, %dma_start3A_77] : memref<10000x128xf32, #tpu.memory_space<vmem_shared>> -> memref<80x128xf32, #tpu.memory_space<vmem_shared>>
        %dma_start3A_79 = arith.constant 0 : i32
        %dma_start3A_80 = tpu.memref_slice %arg8[%add3A_21, %dma_start3A_79] : memref<10000x128xf32, #tpu.memory_space<vmem_shared>> -> memref<80x128xf32, #tpu.memory_space<vmem_shared>>
        tpu.enqueue_dma source(%arg11 : memref<80x128xf32, #tpu.memory_space<vmem>>) target(%dma_start3A_80 : memref<80x128xf32, #tpu.memory_space<vmem_shared>>) target_semaphore(%run_scoped3A_76 : memref<!tpu.dma_semaphore, #tpu.memory_space<semaphore_mem>>)
        %dma_wait3A_81 = arith.constant 0 : i32
        %dma_wait3A_82 = tpu.memref_slice %arg8[%add3A_21, %dma_wait3A_81] : memref<10000x128xf32, #tpu.memory_space<vmem_shared>> -> memref<80x128xf32, #tpu.memory_space<vmem_shared>>
        %dma_wait3A_83 = arith.constant 0 : i32
        %dma_wait3A_84 = tpu.memref_slice %arg8[%add3A_21, %dma_wait3A_83] : memref<10000x128xf32, #tpu.memory_space<vmem_shared>> -> memref<80x128xf32, #tpu.memory_space<vmem_shared>>
        tpu.wait_dma2 semaphore(%run_scoped3A_76 : memref<!tpu.dma_semaphore, #tpu.memory_space<semaphore_mem>>) src(%arg11 : memref<80x128xf32, #tpu.memory_space<vmem>>) dst(%dma_wait3A_84 : memref<80x128xf32, #tpu.memory_space<vmem_shared>>)
        tpu.yield
      }) : () -> ()
      %mul3A_22 = arith.constant 624 : i32
      %mul3A_23 = arith.muli %arg1, %mul3A_22 : i32
      %add3A_24 = arith.constant 160 : i32
      %add3A_25 = arith.addi %mul3A_23, %add3A_24 : i32
      "tpu.region"() ({
        %run_scoped3A_76 = tpu.sem_alloc : memref<!tpu.dma_semaphore, #tpu.memory_space<semaphore_mem>>
        %dma_start3A_77 = arith.constant 0 : i32
        %dma_start3A_78 = tpu.memref_slice %arg8[%add3A_25, %dma_start3A_77] : memref<10000x128xf32, #tpu.memory_space<vmem_shared>> -> memref<80x128xf32, #tpu.memory_space<vmem_shared>>
        %dma_start3A_79 = arith.constant 0 : i32
        %dma_start3A_80 = tpu.memref_slice %arg8[%add3A_25, %dma_start3A_79] : memref<10000x128xf32, #tpu.memory_space<vmem_shared>> -> memref<80x128xf32, #tpu.memory_space<vmem_shared>>
        tpu.enqueue_dma source(%arg11 : memref<80x128xf32, #tpu.memory_space<vmem>>) target(%dma_start3A_80 : memref<80x128xf32, #tpu.memory_space<vmem_shared>>) target_semaphore(%run_scoped3A_76 : memref<!tpu.dma_semaphore, #tpu.memory_space<semaphore_mem>>)
        %dma_wait3A_81 = arith.constant 0 : i32
        %dma_wait3A_82 = tpu.memref_slice %arg8[%add3A_25, %dma_wait3A_81] : memref<10000x128xf32, #tpu.memory_space<vmem_shared>> -> memref<80x128xf32, #tpu.memory_space<vmem_shared>>
        %dma_wait3A_83 = arith.constant 0 : i32
        %dma_wait3A_84 = tpu.memref_slice %arg8[%add3A_25, %dma_wait3A_83] : memref<10000x128xf32, #tpu.memory_space<vmem_shared>> -> memref<80x128xf32, #tpu.memory_space<vmem_shared>>
        tpu.wait_dma2 semaphore(%run_scoped3A_76 : memref<!tpu.dma_semaphore, #tpu.memory_space<semaphore_mem>>) src(%arg11 : memref<80x128xf32, #tpu.memory_space<vmem>>) dst(%dma_wait3A_84 : memref<80x128xf32, #tpu.memory_space<vmem_shared>>)
        tpu.yield
      }) : () -> ()
      %mul3A_26 = arith.constant 624 : i32
      %mul3A_27 = arith.muli %arg1, %mul3A_26 : i32
      %add3A_28 = arith.constant 240 : i32
      %add3A_29 = arith.addi %mul3A_27, %add3A_28 : i32
      "tpu.region"() ({
        %run_scoped3A_76 = tpu.sem_alloc : memref<!tpu.dma_semaphore, #tpu.memory_space<semaphore_mem>>
        %dma_start3A_77 = arith.constant 0 : i32
        %dma_start3A_78 = tpu.memref_slice %arg8[%add3A_29, %dma_start3A_77] : memref<10000x128xf32, #tpu.memory_space<vmem_shared>> -> memref<80x128xf32, #tpu.memory_space<vmem_shared>>
        %dma_start3A_79 = arith.constant 0 : i32
        %dma_start3A_80 = tpu.memref_slice %arg8[%add3A_29, %dma_start3A_79] : memref<10000x128xf32, #tpu.memory_space<vmem_shared>> -> memref<80x128xf32, #tpu.memory_space<vmem_shared>>
        tpu.enqueue_dma source(%arg11 : memref<80x128xf32, #tpu.memory_space<vmem>>) target(%dma_start3A_80 : memref<80x128xf32, #tpu.memory_space<vmem_shared>>) target_semaphore(%run_scoped3A_76 : memref<!tpu.dma_semaphore, #tpu.memory_space<semaphore_mem>>)
        %dma_wait3A_81 = arith.constant 0 : i32
        %dma_wait3A_82 = tpu.memref_slice %arg8[%add3A_29, %dma_wait3A_81] : memref<10000x128xf32, #tpu.memory_space<vmem_shared>> -> memref<80x128xf32, #tpu.memory_space<vmem_shared>>
        %dma_wait3A_83 = arith.constant 0 : i32
        %dma_wait3A_84 = tpu.memref_slice %arg8[%add3A_29, %dma_wait3A_83] : memref<10000x128xf32, #tpu.memory_space<vmem_shared>> -> memref<80x128xf32, #tpu.memory_space<vmem_shared>>
        tpu.wait_dma2 semaphore(%run_scoped3A_76 : memref<!tpu.dma_semaphore, #tpu.memory_space<semaphore_mem>>) src(%arg11 : memref<80x128xf32, #tpu.memory_space<vmem>>) dst(%dma_wait3A_84 : memref<80x128xf32, #tpu.memory_space<vmem_shared>>)
        tpu.yield
      }) : () -> ()
      %mul3A_30 = arith.constant 624 : i32
      %mul3A_31 = arith.muli %arg1, %mul3A_30 : i32
      %add3A_32 = arith.constant 320 : i32
      %add3A_33 = arith.addi %mul3A_31, %add3A_32 : i32
      "tpu.region"() ({
        %run_scoped3A_76 = tpu.sem_alloc : memref<!tpu.dma_semaphore, #tpu.memory_space<semaphore_mem>>
        %dma_start3A_77 = arith.constant 0 : i32
        %dma_start3A_78 = tpu.memref_slice %arg8[%add3A_33, %dma_start3A_77] : memref<10000x128xf32, #tpu.memory_space<vmem_shared>> -> memref<80x128xf32, #tpu.memory_space<vmem_shared>>
        %dma_start3A_79 = arith.constant 0 : i32
        %dma_start3A_80 = tpu.memref_slice %arg8[%add3A_33, %dma_start3A_79] : memref<10000x128xf32, #tpu.memory_space<vmem_shared>> -> memref<80x128xf32, #tpu.memory_space<vmem_shared>>
        tpu.enqueue_dma source(%arg11 : memref<80x128xf32, #tpu.memory_space<vmem>>) target(%dma_start3A_80 : memref<80x128xf32, #tpu.memory_space<vmem_shared>>) target_semaphore(%run_scoped3A_76 : memref<!tpu.dma_semaphore, #tpu.memory_space<semaphore_mem>>)
        %dma_wait3A_81 = arith.constant 0 : i32
        %dma_wait3A_82 = tpu.memref_slice %arg8[%add3A_33, %dma_wait3A_81] : memref<10000x128xf32, #tpu.memory_space<vmem_shared>> -> memref<80x128xf32, #tpu.memory_space<vmem_shared>>
        %dma_wait3A_83 = arith.constant 0 : i32
        %dma_wait3A_84 = tpu.memref_slice %arg8[%add3A_33, %dma_wait3A_83] : memref<10000x128xf32, #tpu.memory_space<vmem_shared>> -> memref<80x128xf32, #tpu.memory_space<vmem_shared>>
        tpu.wait_dma2 semaphore(%run_scoped3A_76 : memref<!tpu.dma_semaphore, #tpu.memory_space<semaphore_mem>>) src(%arg11 : memref<80x128xf32, #tpu.memory_space<vmem>>) dst(%dma_wait3A_84 : memref<80x128xf32, #tpu.memory_space<vmem_shared>>)
        tpu.yield
      }) : () -> ()
      %mul3A_34 = arith.constant 624 : i32
      %mul3A_35 = arith.muli %arg1, %mul3A_34 : i32
      %add3A_36 = arith.constant 400 : i32
      %add3A_37 = arith.addi %mul3A_35, %add3A_36 : i32
      "tpu.region"() ({
        %run_scoped3A_76 = tpu.sem_alloc : memref<!tpu.dma_semaphore, #tpu.memory_space<semaphore_mem>>
        %dma_start3A_77 = arith.constant 0 : i32
        %dma_start3A_78 = tpu.memref_slice %arg8[%add3A_37, %dma_start3A_77] : memref<10000x128xf32, #tpu.memory_space<vmem_shared>> -> memref<80x128xf32, #tpu.memory_space<vmem_shared>>
        %dma_start3A_79 = arith.constant 0 : i32
        %dma_start3A_80 = tpu.memref_slice %arg8[%add3A_37, %dma_start3A_79] : memref<10000x128xf32, #tpu.memory_space<vmem_shared>> -> memref<80x128xf32, #tpu.memory_space<vmem_shared>>
        tpu.enqueue_dma source(%arg11 : memref<80x128xf32, #tpu.memory_space<vmem>>) target(%dma_start3A_80 : memref<80x128xf32, #tpu.memory_space<vmem_shared>>) target_semaphore(%run_scoped3A_76 : memref<!tpu.dma_semaphore, #tpu.memory_space<semaphore_mem>>)
        %dma_wait3A_81 = arith.constant 0 : i32
        %dma_wait3A_82 = tpu.memref_slice %arg8[%add3A_37, %dma_wait3A_81] : memref<10000x128xf32, #tpu.memory_space<vmem_shared>> -> memref<80x128xf32, #tpu.memory_space<vmem_shared>>
        %dma_wait3A_83 = arith.constant 0 : i32
        %dma_wait3A_84 = tpu.memref_slice %arg8[%add3A_37, %dma_wait3A_83] : memref<10000x128xf32, #tpu.memory_space<vmem_shared>> -> memref<80x128xf32, #tpu.memory_space<vmem_shared>>
        tpu.wait_dma2 semaphore(%run_scoped3A_76 : memref<!tpu.dma_semaphore, #tpu.memory_space<semaphore_mem>>) src(%arg11 : memref<80x128xf32, #tpu.memory_space<vmem>>) dst(%dma_wait3A_84 : memref<80x128xf32, #tpu.memory_space<vmem_shared>>)
        tpu.yield
      }) : () -> ()
      %mul3A_38 = arith.constant 624 : i32
      %mul3A_39 = arith.muli %arg1, %mul3A_38 : i32
      %add3A_40 = arith.constant 480 : i32
      %add3A_41 = arith.addi %mul3A_39, %add3A_40 : i32
      "tpu.region"() ({
        %run_scoped3A_76 = tpu.sem_alloc : memref<!tpu.dma_semaphore, #tpu.memory_space<semaphore_mem>>
        %dma_start3A_77 = arith.constant 0 : i32
        %dma_start3A_78 = tpu.memref_slice %arg8[%add3A_41, %dma_start3A_77] : memref<10000x128xf32, #tpu.memory_space<vmem_shared>> -> memref<80x128xf32, #tpu.memory_space<vmem_shared>>
        %dma_start3A_79 = arith.constant 0 : i32
        %dma_start3A_80 = tpu.memref_slice %arg8[%add3A_41, %dma_start3A_79] : memref<10000x128xf32, #tpu.memory_space<vmem_shared>> -> memref<80x128xf32, #tpu.memory_space<vmem_shared>>
        tpu.enqueue_dma source(%arg11 : memref<80x128xf32, #tpu.memory_space<vmem>>) target(%dma_start3A_80 : memref<80x128xf32, #tpu.memory_space<vmem_shared>>) target_semaphore(%run_scoped3A_76 : memref<!tpu.dma_semaphore, #tpu.memory_space<semaphore_mem>>)
        %dma_wait3A_81 = arith.constant 0 : i32
        %dma_wait3A_82 = tpu.memref_slice %arg8[%add3A_41, %dma_wait3A_81] : memref<10000x128xf32, #tpu.memory_space<vmem_shared>> -> memref<80x128xf32, #tpu.memory_space<vmem_shared>>
        %dma_wait3A_83 = arith.constant 0 : i32
        %dma_wait3A_84 = tpu.memref_slice %arg8[%add3A_41, %dma_wait3A_83] : memref<10000x128xf32, #tpu.memory_space<vmem_shared>> -> memref<80x128xf32, #tpu.memory_space<vmem_shared>>
        tpu.wait_dma2 semaphore(%run_scoped3A_76 : memref<!tpu.dma_semaphore, #tpu.memory_space<semaphore_mem>>) src(%arg11 : memref<80x128xf32, #tpu.memory_space<vmem>>) dst(%dma_wait3A_84 : memref<80x128xf32, #tpu.memory_space<vmem_shared>>)
        tpu.yield
      }) : () -> ()
      %mul3A_42 = arith.constant 624 : i32
      %mul3A_43 = arith.muli %arg1, %mul3A_42 : i32
      %add3A_44 = arith.constant 560 : i32
      %add3A_45 = arith.addi %mul3A_43, %add3A_44 : i32
      "tpu.region"() ({
        %run_scoped3A_76 = tpu.sem_alloc : memref<!tpu.dma_semaphore, #tpu.memory_space<semaphore_mem>>
        %dma_start3A_77 = arith.constant 0 : i32
        %dma_start3A_78 = arith.constant 0 : i32
        %dma_start3A_79 = tpu.memref_slice %arg11[%dma_start3A_77, %dma_start3A_78] : memref<80x128xf32, #tpu.memory_space<vmem>> -> memref<64x128xf32, #tpu.memory_space<vmem>>
        %dma_start3A_80 = arith.constant 0 : i32
        %dma_start3A_81 = tpu.memref_slice %arg8[%add3A_45, %dma_start3A_80] : memref<10000x128xf32, #tpu.memory_space<vmem_shared>> -> memref<64x128xf32, #tpu.memory_space<vmem_shared>>
        %dma_start3A_82 = arith.constant 0 : i32
        %dma_start3A_83 = tpu.memref_slice %arg8[%add3A_45, %dma_start3A_82] : memref<10000x128xf32, #tpu.memory_space<vmem_shared>> -> memref<64x128xf32, #tpu.memory_space<vmem_shared>>
        %dma_start3A_84 = arith.constant 0 : i32
        %dma_start3A_85 = arith.constant 0 : i32
        %dma_start3A_86 = tpu.memref_slice %arg11[%dma_start3A_84, %dma_start3A_85] : memref<80x128xf32, #tpu.memory_space<vmem>> -> memref<64x128xf32, #tpu.memory_space<vmem>>
        tpu.enqueue_dma source(%dma_start3A_86 : memref<64x128xf32, #tpu.memory_space<vmem>>) target(%dma_start3A_83 : memref<64x128xf32, #tpu.memory_space<vmem_shared>>) target_semaphore(%run_scoped3A_76 : memref<!tpu.dma_semaphore, #tpu.memory_space<semaphore_mem>>)
        %dma_wait3A_87 = arith.constant 0 : i32
        %dma_wait3A_88 = arith.constant 0 : i32
        %dma_wait3A_89 = tpu.memref_slice %arg11[%dma_wait3A_87, %dma_wait3A_88] : memref<80x128xf32, #tpu.memory_space<vmem>> -> memref<64x128xf32, #tpu.memory_space<vmem>>
        %dma_wait3A_90 = arith.constant 0 : i32
        %dma_wait3A_91 = tpu.memref_slice %arg8[%add3A_45, %dma_wait3A_90] : memref<10000x128xf32, #tpu.memory_space<vmem_shared>> -> memref<64x128xf32, #tpu.memory_space<vmem_shared>>
        %dma_wait3A_92 = arith.constant 0 : i32
        %dma_wait3A_93 = tpu.memref_slice %arg8[%add3A_45, %dma_wait3A_92] : memref<10000x128xf32, #tpu.memory_space<vmem_shared>> -> memref<64x128xf32, #tpu.memory_space<vmem_shared>>
        %dma_wait3A_94 = arith.constant 0 : i32
        %dma_wait3A_95 = arith.constant 0 : i32
        %dma_wait3A_96 = tpu.memref_slice %arg11[%dma_wait3A_94, %dma_wait3A_95] : memref<80x128xf32, #tpu.memory_space<vmem>> -> memref<64x128xf32, #tpu.memory_space<vmem>>
        tpu.wait_dma2 semaphore(%run_scoped3A_76 : memref<!tpu.dma_semaphore, #tpu.memory_space<semaphore_mem>>) src(%dma_wait3A_96 : memref<64x128xf32, #tpu.memory_space<vmem>>) dst(%dma_wait3A_93 : memref<64x128xf32, #tpu.memory_space<vmem_shared>>)
        tpu.yield
      }) : () -> ()
      %eq3A_46 = arith.constant 0 : i32
      %eq3A_47 = arith.cmpi eq, %arg1, %eq3A_46 : i32
      %convert_element_type3A_48 = arith.extui %eq3A_47 : i1 to i32
      %cond3A_49 = arith.constant 0 : i32
      %cond3A_50 = arith.cmpi ne, %convert_element_type3A_48, %cond3A_49 : i32
      scf.if %cond3A_50 {
        "tpu.region"() ({
          %run_scoped3A_76 = tpu.sem_alloc : memref<!tpu.dma_semaphore, #tpu.memory_space<semaphore_mem>>
          %dma_start3A_77 = arith.constant 0 : i32
          %dma_start3A_78 = arith.constant 0 : i32
          %dma_start3A_79 = tpu.memref_slice %arg11[%dma_start3A_77, %dma_start3A_78] : memref<80x128xf32, #tpu.memory_space<vmem>> -> memref<16x128xf32, #tpu.memory_space<vmem>>
          %dma_start3A_80 = arith.constant 9984 : i32
          %dma_start3A_81 = arith.constant 0 : i32
          %dma_start3A_82 = tpu.memref_slice %arg8[%dma_start3A_80, %dma_start3A_81] : memref<10000x128xf32, #tpu.memory_space<vmem_shared>> -> memref<16x128xf32, #tpu.memory_space<vmem_shared>>
          %dma_start3A_83 = arith.constant 9984 : i32
          %dma_start3A_84 = arith.constant 0 : i32
          %dma_start3A_85 = tpu.memref_slice %arg8[%dma_start3A_83, %dma_start3A_84] : memref<10000x128xf32, #tpu.memory_space<vmem_shared>> -> memref<16x128xf32, #tpu.memory_space<vmem_shared>>
          %dma_start3A_86 = arith.constant 0 : i32
          %dma_start3A_87 = arith.constant 0 : i32
          %dma_start3A_88 = tpu.memref_slice %arg11[%dma_start3A_86, %dma_start3A_87] : memref<80x128xf32, #tpu.memory_space<vmem>> -> memref<16x128xf32, #tpu.memory_space<vmem>>
          tpu.enqueue_dma source(%dma_start3A_88 : memref<16x128xf32, #tpu.memory_space<vmem>>) target(%dma_start3A_85 : memref<16x128xf32, #tpu.memory_space<vmem_shared>>) target_semaphore(%run_scoped3A_76 : memref<!tpu.dma_semaphore, #tpu.memory_space<semaphore_mem>>)
          %dma_wait3A_89 = arith.constant 0 : i32
          %dma_wait3A_90 = arith.constant 0 : i32
          %dma_wait3A_91 = tpu.memref_slice %arg11[%dma_wait3A_89, %dma_wait3A_90] : memref<80x128xf32, #tpu.memory_space<vmem>> -> memref<16x128xf32, #tpu.memory_space<vmem>>
          %dma_wait3A_92 = arith.constant 9984 : i32
          %dma_wait3A_93 = arith.constant 0 : i32
          %dma_wait3A_94 = tpu.memref_slice %arg8[%dma_wait3A_92, %dma_wait3A_93] : memref<10000x128xf32, #tpu.memory_space<vmem_shared>> -> memref<16x128xf32, #tpu.memory_space<vmem_shared>>
          %dma_wait3A_95 = arith.constant 9984 : i32
          %dma_wait3A_96 = arith.constant 0 : i32
          %dma_wait3A_97 = tpu.memref_slice %arg8[%dma_wait3A_95, %dma_wait3A_96] : memref<10000x128xf32, #tpu.memory_space<vmem_shared>> -> memref<16x128xf32, #tpu.memory_space<vmem_shared>>
          %dma_wait3A_98 = arith.constant 0 : i32
          %dma_wait3A_99 = arith.constant 0 : i32
          %dma_wait3A_100 = tpu.memref_slice %arg11[%dma_wait3A_98, %dma_wait3A_99] : memref<80x128xf32, #tpu.memory_space<vmem>> -> memref<16x128xf32, #tpu.memory_space<vmem>>
          tpu.wait_dma2 semaphore(%run_scoped3A_76 : memref<!tpu.dma_semaphore, #tpu.memory_space<semaphore_mem>>) src(%dma_wait3A_100 : memref<16x128xf32, #tpu.memory_space<vmem>>) dst(%dma_wait3A_97 : memref<16x128xf32, #tpu.memory_space<vmem_shared>>)
          tpu.yield
        }) : () -> ()
      } else {
      }
      %barrier3A = arith.constant 0 : index
      tpu.barrier barrier_id(%barrier3A)
      %dma_start3A = arith.constant 0 : i32
      %dma_start3A_51 = tpu.memref_slice %arg9[%dma_start3A] : memref<10000xi32, #tpu.memory_space<vmem>> -> memref<80xi32, #tpu.memory_space<vmem>>
      %dma_start3A_52 = arith.constant 0 : i32
      %dma_start3A_53 = arith.constant 0 : i32
      %dma_start3A_54 = tpu.memref_slice %arg4[%dma_start3A_52, %dma_start3A_53] : memref<10000x128xf32, #tpu.memory_space<hbm>> -> memref<10000x128xf32, #tpu.memory_space<hbm>>
      tpu.enqueue_indirect_dma source(%dma_start3A_54 : memref<10000x128xf32, #tpu.memory_space<hbm>>) target(%arg11 : memref<80x128xf32, #tpu.memory_space<vmem>>) offsets(%dma_start3A_51 : memref<80xi32, #tpu.memory_space<vmem>>) semaphore(%arg13 : memref<!tpu.dma_semaphore, #tpu.memory_space<semaphore_mem>>)
      %scan3A_55 = arith.constant 0 : i32
      %scan3A_56 = arith.constant 0 : i32
      %scan3A_57 = arith.constant 62 : i32
      %scan3A_58 = arith.addi %scan3A_56, %scan3A_57 : i32
      %scan3A_59 = arith.constant 1 : i32
      %scan3A_60 = scf.for %scan3A_76 = %scan3A_56 to %scan3A_58 step %scan3A_59 iter_args(%scan3A_77 = %scan3A_55) -> (i32)  : i32 {
        %mul3A_78 = arith.constant 2 : i32
        %mul3A_79 = arith.muli %scan3A_76, %mul3A_78 : i32
        %add3A_80 = arith.constant 1 : i32
        %add3A_81 = arith.addi %mul3A_79, %add3A_80 : i32
        %mul3A_82 = arith.constant 80 : i32
        %mul3A_83 = arith.muli %add3A_81, %mul3A_82 : i32
        %dma_start3A_84 = tpu.memref_slice %arg9[%mul3A_83] : memref<10000xi32, #tpu.memory_space<vmem>> -> memref<80xi32, #tpu.memory_space<vmem>>
        %dma_start3A_85 = arith.constant 0 : i32
        %dma_start3A_86 = arith.constant 0 : i32
        %dma_start3A_87 = tpu.memref_slice %arg4[%dma_start3A_85, %dma_start3A_86] : memref<10000x128xf32, #tpu.memory_space<hbm>> -> memref<10000x128xf32, #tpu.memory_space<hbm>>
        tpu.enqueue_indirect_dma source(%dma_start3A_87 : memref<10000x128xf32, #tpu.memory_space<hbm>>) target(%arg12 : memref<80x128xf32, #tpu.memory_space<vmem>>) offsets(%dma_start3A_84 : memref<80xi32, #tpu.memory_space<vmem>>) semaphore(%arg14 : memref<!tpu.dma_semaphore, #tpu.memory_space<semaphore_mem>>)
        %dma_wait3A_88 = arith.constant 0 : i32
        %dma_wait3A_89 = tpu.memref_slice %arg9[%dma_wait3A_88] : memref<10000xi32, #tpu.memory_space<vmem>> -> memref<80xi32, #tpu.memory_space<vmem>>
        %dma_wait3A_90 = arith.constant 0 : i32
        %dma_wait3A_91 = arith.constant 0 : i32
        %dma_wait3A_92 = tpu.memref_slice %arg4[%dma_wait3A_90, %dma_wait3A_91] : memref<10000x128xf32, #tpu.memory_space<hbm>> -> memref<10000x128xf32, #tpu.memory_space<hbm>>
        tpu.wait_indirect_dma semaphore(%arg13 : memref<!tpu.dma_semaphore, #tpu.memory_space<semaphore_mem>>) src(%dma_wait3A_92 : memref<10000x128xf32, #tpu.memory_space<hbm>>) dst(%arg11 : memref<80x128xf32, #tpu.memory_space<vmem>>)
        "tpu.region"() ({
          %run_scoped3A_109 = tpu.sem_alloc : memref<!tpu.dma_semaphore, #tpu.memory_space<semaphore_mem>>
          %dma_start3A_110 = arith.constant 0 : i32
          %dma_start3A_111 = tpu.memref_slice %arg10[%mul3A_79, %dma_start3A_110] : memref<125x80xi32, #tpu.memory_space<vmem>> -> memref<1x80xi32, #tpu.memory_space<vmem>>
          %dma_start3A_112 = tpu.memref_squeeze %dma_start3A_111 : memref<1x80xi32, #tpu.memory_space<vmem>> -> memref<80xi32, #tpu.memory_space<vmem>>
          %dma_start3A_113 = arith.constant 0 : i32
          %dma_start3A_114 = arith.constant 0 : i32
          %dma_start3A_115 = tpu.memref_slice %arg8[%dma_start3A_113, %dma_start3A_114] : memref<10000x128xf32, #tpu.memory_space<vmem_shared>> -> memref<10000x128xf32, #tpu.memory_space<vmem_shared>>
          tpu.enqueue_indirect_dma source(%arg11 : memref<80x128xf32, #tpu.memory_space<vmem>>) target(%dma_start3A_115 : memref<10000x128xf32, #tpu.memory_space<vmem_shared>>) offsets(%dma_start3A_112 : memref<80xi32, #tpu.memory_space<vmem>>) semaphore(%run_scoped3A_109 : memref<!tpu.dma_semaphore, #tpu.memory_space<semaphore_mem>>) {add = true}
          %dma_wait3A_116 = arith.constant 0 : i32
          %dma_wait3A_117 = tpu.memref_slice %arg10[%mul3A_79, %dma_wait3A_116] : memref<125x80xi32, #tpu.memory_space<vmem>> -> memref<1x80xi32, #tpu.memory_space<vmem>>
          %dma_wait3A_118 = tpu.memref_squeeze %dma_wait3A_117 : memref<1x80xi32, #tpu.memory_space<vmem>> -> memref<80xi32, #tpu.memory_space<vmem>>
          %dma_wait3A_119 = arith.constant 0 : i32
          %dma_wait3A_120 = arith.constant 0 : i32
          %dma_wait3A_121 = tpu.memref_slice %arg8[%dma_wait3A_119, %dma_wait3A_120] : memref<10000x128xf32, #tpu.memory_space<vmem_shared>> -> memref<10000x128xf32, #tpu.memory_space<vmem_shared>>
          tpu.wait_indirect_dma semaphore(%run_scoped3A_109 : memref<!tpu.dma_semaphore, #tpu.memory_space<semaphore_mem>>) src(%arg11 : memref<80x128xf32, #tpu.memory_space<vmem>>) dst(%dma_wait3A_121 : memref<10000x128xf32, #tpu.memory_space<vmem_shared>>)
          tpu.yield
        }) : () -> ()
        %add3A_93 = arith.constant 2 : i32
        %add3A_94 = arith.addi %mul3A_79, %add3A_93 : i32
        %mul3A_95 = arith.constant 80 : i32
        %mul3A_96 = arith.muli %add3A_94, %mul3A_95 : i32
        %dma_start3A_97 = tpu.memref_slice %arg9[%mul3A_96] : memref<10000xi32, #tpu.memory_space<vmem>> -> memref<80xi32, #tpu.memory_space<vmem>>
        %dma_start3A_98 = arith.constant 0 : i32
        %dma_start3A_99 = arith.constant 0 : i32
        %dma_start3A_100 = tpu.memref_slice %arg4[%dma_start3A_98, %dma_start3A_99] : memref<10000x128xf32, #tpu.memory_space<hbm>> -> memref<10000x128xf32, #tpu.memory_space<hbm>>
        tpu.enqueue_indirect_dma source(%dma_start3A_100 : memref<10000x128xf32, #tpu.memory_space<hbm>>) target(%arg11 : memref<80x128xf32, #tpu.memory_space<vmem>>) offsets(%dma_start3A_97 : memref<80xi32, #tpu.memory_space<vmem>>) semaphore(%arg13 : memref<!tpu.dma_semaphore, #tpu.memory_space<semaphore_mem>>)
        %dma_wait3A_101 = arith.constant 0 : i32
        %dma_wait3A_102 = tpu.memref_slice %arg9[%dma_wait3A_101] : memref<10000xi32, #tpu.memory_space<vmem>> -> memref<80xi32, #tpu.memory_space<vmem>>
        %dma_wait3A_103 = arith.constant 0 : i32
        %dma_wait3A_104 = arith.constant 0 : i32
        %dma_wait3A_105 = tpu.memref_slice %arg4[%dma_wait3A_103, %dma_wait3A_104] : memref<10000x128xf32, #tpu.memory_space<hbm>> -> memref<10000x128xf32, #tpu.memory_space<hbm>>
        tpu.wait_indirect_dma semaphore(%arg14 : memref<!tpu.dma_semaphore, #tpu.memory_space<semaphore_mem>>) src(%dma_wait3A_105 : memref<10000x128xf32, #tpu.memory_space<hbm>>) dst(%arg12 : memref<80x128xf32, #tpu.memory_space<vmem>>)
        %add3A_106 = arith.constant 1 : i32
        %add3A_107 = arith.addi %mul3A_79, %add3A_106 : i32
        "tpu.region"() ({
          %run_scoped3A_109 = tpu.sem_alloc : memref<!tpu.dma_semaphore, #tpu.memory_space<semaphore_mem>>
          %dma_start3A_110 = arith.constant 0 : i32
          %dma_start3A_111 = tpu.memref_slice %arg10[%add3A_107, %dma_start3A_110] : memref<125x80xi32, #tpu.memory_space<vmem>> -> memref<1x80xi32, #tpu.memory_space<vmem>>
          %dma_start3A_112 = tpu.memref_squeeze %dma_start3A_111 : memref<1x80xi32, #tpu.memory_space<vmem>> -> memref<80xi32, #tpu.memory_space<vmem>>
          %dma_start3A_113 = arith.constant 0 : i32
          %dma_start3A_114 = arith.constant 0 : i32
          %dma_start3A_115 = tpu.memref_slice %arg8[%dma_start3A_113, %dma_start3A_114] : memref<10000x128xf32, #tpu.memory_space<vmem_shared>> -> memref<10000x128xf32, #tpu.memory_space<vmem_shared>>
          tpu.enqueue_indirect_dma source(%arg12 : memref<80x128xf32, #tpu.memory_space<vmem>>) target(%dma_start3A_115 : memref<10000x128xf32, #tpu.memory_space<vmem_shared>>) offsets(%dma_start3A_112 : memref<80xi32, #tpu.memory_space<vmem>>) semaphore(%run_scoped3A_109 : memref<!tpu.dma_semaphore, #tpu.memory_space<semaphore_mem>>) {add = true}
          %dma_wait3A_116 = arith.constant 0 : i32
          %dma_wait3A_117 = tpu.memref_slice %arg10[%add3A_107, %dma_wait3A_116] : memref<125x80xi32, #tpu.memory_space<vmem>> -> memref<1x80xi32, #tpu.memory_space<vmem>>
          %dma_wait3A_118 = tpu.memref_squeeze %dma_wait3A_117 : memref<1x80xi32, #tpu.memory_space<vmem>> -> memref<80xi32, #tpu.memory_space<vmem>>
          %dma_wait3A_119 = arith.constant 0 : i32
          %dma_wait3A_120 = arith.constant 0 : i32
          %dma_wait3A_121 = tpu.memref_slice %arg8[%dma_wait3A_119, %dma_wait3A_120] : memref<10000x128xf32, #tpu.memory_space<vmem_shared>> -> memref<10000x128xf32, #tpu.memory_space<vmem_shared>>
          tpu.wait_indirect_dma semaphore(%run_scoped3A_109 : memref<!tpu.dma_semaphore, #tpu.memory_space<semaphore_mem>>) src(%arg12 : memref<80x128xf32, #tpu.memory_space<vmem>>) dst(%dma_wait3A_121 : memref<10000x128xf32, #tpu.memory_space<vmem_shared>>)
          tpu.yield
        }) : () -> ()
        %scan3A_108 = arith.constant 0 : i32
        scf.yield %scan3A_108 : i32
      }
      %scan3A_61 = arith.constant 62 : i32
      %dma_wait3A = arith.constant 0 : i32
      %dma_wait3A_62 = tpu.memref_slice %arg9[%dma_wait3A] : memref<10000xi32, #tpu.memory_space<vmem>> -> memref<80xi32, #tpu.memory_space<vmem>>
      %dma_wait3A_63 = arith.constant 0 : i32
      %dma_wait3A_64 = arith.constant 0 : i32
      %dma_wait3A_65 = tpu.memref_slice %arg4[%dma_wait3A_63, %dma_wait3A_64] : memref<10000x128xf32, #tpu.memory_space<hbm>> -> memref<10000x128xf32, #tpu.memory_space<hbm>>
      tpu.wait_indirect_dma semaphore(%arg13 : memref<!tpu.dma_semaphore, #tpu.memory_space<semaphore_mem>>) src(%dma_wait3A_65 : memref<10000x128xf32, #tpu.memory_space<hbm>>) dst(%arg11 : memref<80x128xf32, #tpu.memory_space<vmem>>)
      %run_scoped3A = arith.constant 124 : i32
      "tpu.region"() ({
        %run_scoped3A_76 = tpu.sem_alloc : memref<!tpu.dma_semaphore, #tpu.memory_space<semaphore_mem>>
        %dma_start3A_77 = arith.constant 0 : i32
        %dma_start3A_78 = tpu.memref_slice %arg10[%run_scoped3A, %dma_start3A_77] : memref<125x80xi32, #tpu.memory_space<vmem>> -> memref<1x80xi32, #tpu.memory_space<vmem>>
        %dma_start3A_79 = tpu.memref_squeeze %dma_start3A_78 : memref<1x80xi32, #tpu.memory_space<vmem>> -> memref<80xi32, #tpu.memory_space<vmem>>
        %dma_start3A_80 = arith.constant 0 : i32
        %dma_start3A_81 = arith.constant 0 : i32
        %dma_start3A_82 = tpu.memref_slice %arg8[%dma_start3A_80, %dma_start3A_81] : memref<10000x128xf32, #tpu.memory_space<vmem_shared>> -> memref<10000x128xf32, #tpu.memory_space<vmem_shared>>
        tpu.enqueue_indirect_dma source(%arg11 : memref<80x128xf32, #tpu.memory_space<vmem>>) target(%dma_start3A_82 : memref<10000x128xf32, #tpu.memory_space<vmem_shared>>) offsets(%dma_start3A_79 : memref<80xi32, #tpu.memory_space<vmem>>) semaphore(%run_scoped3A_76 : memref<!tpu.dma_semaphore, #tpu.memory_space<semaphore_mem>>) {add = true}
        %dma_wait3A_83 = arith.constant 0 : i32
        %dma_wait3A_84 = tpu.memref_slice %arg10[%run_scoped3A, %dma_wait3A_83] : memref<125x80xi32, #tpu.memory_space<vmem>> -> memref<1x80xi32, #tpu.memory_space<vmem>>
        %dma_wait3A_85 = tpu.memref_squeeze %dma_wait3A_84 : memref<1x80xi32, #tpu.memory_space<vmem>> -> memref<80xi32, #tpu.memory_space<vmem>>
        %dma_wait3A_86 = arith.constant 0 : i32
        %dma_wait3A_87 = arith.constant 0 : i32
        %dma_wait3A_88 = tpu.memref_slice %arg8[%dma_wait3A_86, %dma_wait3A_87] : memref<10000x128xf32, #tpu.memory_space<vmem_shared>> -> memref<10000x128xf32, #tpu.memory_space<vmem_shared>>
        tpu.wait_indirect_dma semaphore(%run_scoped3A_76 : memref<!tpu.dma_semaphore, #tpu.memory_space<semaphore_mem>>) src(%arg11 : memref<80x128xf32, #tpu.memory_space<vmem>>) dst(%dma_wait3A_88 : memref<10000x128xf32, #tpu.memory_space<vmem_shared>>)
        tpu.yield
      }) : () -> ()
      %barrier3A_66 = arith.constant 0 : index
      tpu.barrier barrier_id(%barrier3A_66)
      %mul3A_67 = arith.constant 624 : i32
      %mul3A_68 = arith.muli %arg1, %mul3A_67 : i32
      %mul3A_69 = arith.constant 624 : i32
      %mul3A_70 = arith.muli %arg1, %mul3A_69 : i32
      "tpu.region"() ({
        %run_scoped3A_76 = tpu.sem_alloc : memref<!tpu.dma_semaphore, #tpu.memory_space<semaphore_mem>>
        %dma_start3A_77 = arith.constant 0 : i32
        %dma_start3A_78 = tpu.memref_slice %arg6[%mul3A_70, %dma_start3A_77] : memref<10000x128xf32, #tpu.memory_space<hbm>> -> memref<624x128xf32, #tpu.memory_space<hbm>>
        %dma_start3A_79 = arith.constant 0 : i32
        %dma_start3A_80 = tpu.memref_slice %arg8[%mul3A_68, %dma_start3A_79] : memref<10000x128xf32, #tpu.memory_space<vmem_shared>> -> memref<624x128xf32, #tpu.memory_space<vmem_shared>>
        tpu.enqueue_dma source(%dma_start3A_80 : memref<624x128xf32, #tpu.memory_space<vmem_shared>>) target(%dma_start3A_78 : memref<624x128xf32, #tpu.memory_space<hbm>>) target_semaphore(%run_scoped3A_76 : memref<!tpu.dma_semaphore, #tpu.memory_space<semaphore_mem>>)
        %dma_wait3A_81 = arith.constant 0 : i32
        %dma_wait3A_82 = tpu.memref_slice %arg6[%mul3A_70, %dma_wait3A_81] : memref<10000x128xf32, #tpu.memory_space<hbm>> -> memref<624x128xf32, #tpu.memory_space<hbm>>
        %dma_wait3A_83 = arith.constant 0 : i32
        %dma_wait3A_84 = tpu.memref_slice %arg8[%mul3A_68, %dma_wait3A_83] : memref<10000x128xf32, #tpu.memory_space<vmem_shared>> -> memref<624x128xf32, #tpu.memory_space<vmem_shared>>
        tpu.wait_dma2 semaphore(%run_scoped3A_76 : memref<!tpu.dma_semaphore, #tpu.memory_space<semaphore_mem>>) src(%dma_wait3A_84 : memref<624x128xf32, #tpu.memory_space<vmem_shared>>) dst(%dma_wait3A_82 : memref<624x128xf32, #tpu.memory_space<hbm>>)
        tpu.yield
      }) : () -> ()
      %eq3A_71 = arith.constant 0 : i32
      %eq3A_72 = arith.cmpi eq, %arg1, %eq3A_71 : i32
      %convert_element_type3A_73 = arith.extui %eq3A_72 : i1 to i32
      %cond3A_74 = arith.constant 0 : i32
      %cond3A_75 = arith.cmpi ne, %convert_element_type3A_73, %cond3A_74 : i32
      scf.if %cond3A_75 {
        "tpu.region"() ({
          %run_scoped3A_76 = tpu.sem_alloc : memref<!tpu.dma_semaphore, #tpu.memory_space<semaphore_mem>>
          %dma_start3A_77 = arith.constant 9984 : i32
          %dma_start3A_78 = arith.constant 0 : i32
          %dma_start3A_79 = tpu.memref_slice %arg6[%dma_start3A_77, %dma_start3A_78] : memref<10000x128xf32, #tpu.memory_space<hbm>> -> memref<16x128xf32, #tpu.memory_space<hbm>>
          %dma_start3A_80 = arith.constant 9984 : i32
          %dma_start3A_81 = arith.constant 0 : i32
          %dma_start3A_82 = tpu.memref_slice %arg8[%dma_start3A_80, %dma_start3A_81] : memref<10000x128xf32, #tpu.memory_space<vmem_shared>> -> memref<16x128xf32, #tpu.memory_space<vmem_shared>>
          tpu.enqueue_dma source(%dma_start3A_82 : memref<16x128xf32, #tpu.memory_space<vmem_shared>>) target(%dma_start3A_79 : memref<16x128xf32, #tpu.memory_space<hbm>>) target_semaphore(%run_scoped3A_76 : memref<!tpu.dma_semaphore, #tpu.memory_space<semaphore_mem>>)
          %dma_wait3A_83 = arith.constant 9984 : i32
          %dma_wait3A_84 = arith.constant 0 : i32
          %dma_wait3A_85 = tpu.memref_slice %arg6[%dma_wait3A_83, %dma_wait3A_84] : memref<10000x128xf32, #tpu.memory_space<hbm>> -> memref<16x128xf32, #tpu.memory_space<hbm>>
          %dma_wait3A_86 = arith.constant 9984 : i32
          %dma_wait3A_87 = arith.constant 0 : i32
          %dma_wait3A_88 = tpu.memref_slice %arg8[%dma_wait3A_86, %dma_wait3A_87] : memref<10000x128xf32, #tpu.memory_space<vmem_shared>> -> memref<16x128xf32, #tpu.memory_space<vmem_shared>>
          tpu.wait_dma2 semaphore(%run_scoped3A_76 : memref<!tpu.dma_semaphore, #tpu.memory_space<semaphore_mem>>) src(%dma_wait3A_88 : memref<16x128xf32, #tpu.memory_space<vmem_shared>>) dst(%dma_wait3A_85 : memref<16x128xf32, #tpu.memory_space<hbm>>)
          tpu.yield
        }) : () -> ()
      } else {
      }
    } else {
    }
    %eq3A_3 = arith.constant 1 : i32
    %eq3A_4 = arith.cmpi eq, %arg0, %eq3A_3 : i32
    %convert_element_type3A_5 = arith.extui %eq3A_4 : i1 to i32
    %cond3A_6 = arith.constant 0 : i32
    %cond3A_7 = arith.cmpi ne, %convert_element_type3A_5, %cond3A_6 : i32
    scf.if %cond3A_7 {
      %broadcast_in_dim3A = arith.constant 0.000000e+00 : f32
      %broadcast_in_dim3A_8 = vector.broadcast %broadcast_in_dim3A : f32 to vector<16xf32>
      %scan3A = arith.constant 0 : i32
      %scan3A_9 = arith.constant 0 : i32
      %scan3A_10 = arith.constant 80 : i32
      %scan3A_11 = arith.addi %scan3A_9, %scan3A_10 : i32
      %scan3A_12 = arith.constant 1 : i32
      %scan3A_13 = scf.for %scan3A_76 = %scan3A_9 to %scan3A_11 step %scan3A_12 iter_args(%scan3A_77 = %scan3A) -> (i32)  : i32 {
        %swap3A = arith.index_cast %scan3A_76 : i32 to index
        %swap3A_78 = arith.constant 0 : index
        %swap3A_79 = tpu.vector_load %arg11[%swap3A, %swap3A_78] {strides = array<i32>} : memref<80x128xf32, #tpu.memory_space<vmem>>, vector<1x16xf32>,
        %swap3A_80 = vector.shape_cast %swap3A_79 : vector<1x16xf32> to vector<16xf32>
        %swap3A_81 = vector.shape_cast %broadcast_in_dim3A_8 : vector<16xf32> to vector<1x16xf32>
        tpu.vector_store %arg11[%swap3A, %swap3A_78], %swap3A_81 {strides = array<i32>} : memref<80x128xf32, #tpu.memory_space<vmem>>, vector<1x16xf32>,
        %swap3A_82 = arith.index_cast %scan3A_76 : i32 to index
        %swap3A_83 = arith.constant 16 : index
        %swap3A_84 = tpu.vector_load %arg11[%swap3A_82, %swap3A_83] {strides = array<i32>} : memref<80x128xf32, #tpu.memory_space<vmem>>, vector<1x16xf32>,
        %swap3A_85 = vector.shape_cast %swap3A_84 : vector<1x16xf32> to vector<16xf32>
        %swap3A_86 = vector.shape_cast %broadcast_in_dim3A_8 : vector<16xf32> to vector<1x16xf32>
        tpu.vector_store %arg11[%swap3A_82, %swap3A_83], %swap3A_86 {strides = array<i32>} : memref<80x128xf32, #tpu.memory_space<vmem>>, vector<1x16xf32>,
        %swap3A_87 = arith.index_cast %scan3A_76 : i32 to index
        %swap3A_88 = arith.constant 32 : index
        %swap3A_89 = tpu.vector_load %arg11[%swap3A_87, %swap3A_88] {strides = array<i32>} : memref<80x128xf32, #tpu.memory_space<vmem>>, vector<1x16xf32>,
        %swap3A_90 = vector.shape_cast %swap3A_89 : vector<1x16xf32> to vector<16xf32>
        %swap3A_91 = vector.shape_cast %broadcast_in_dim3A_8 : vector<16xf32> to vector<1x16xf32>
        tpu.vector_store %arg11[%swap3A_87, %swap3A_88], %swap3A_91 {strides = array<i32>} : memref<80x128xf32, #tpu.memory_space<vmem>>, vector<1x16xf32>,
        %swap3A_92 = arith.index_cast %scan3A_76 : i32 to index
        %swap3A_93 = arith.constant 48 : index
        %swap3A_94 = tpu.vector_load %arg11[%swap3A_92, %swap3A_93] {strides = array<i32>} : memref<80x128xf32, #tpu.memory_space<vmem>>, vector<1x16xf32>,
        %swap3A_95 = vector.shape_cast %swap3A_94 : vector<1x16xf32> to vector<16xf32>
        %swap3A_96 = vector.shape_cast %broadcast_in_dim3A_8 : vector<16xf32> to vector<1x16xf32>
        tpu.vector_store %arg11[%swap3A_92, %swap3A_93], %swap3A_96 {strides = array<i32>} : memref<80x128xf32, #tpu.memory_space<vmem>>, vector<1x16xf32>,
        %swap3A_97 = arith.index_cast %scan3A_76 : i32 to index
        %swap3A_98 = arith.constant 64 : index
        %swap3A_99 = tpu.vector_load %arg11[%swap3A_97, %swap3A_98] {strides = array<i32>} : memref<80x128xf32, #tpu.memory_space<vmem>>, vector<1x16xf32>,
        %swap3A_100 = vector.shape_cast %swap3A_99 : vector<1x16xf32> to vector<16xf32>
        %swap3A_101 = vector.shape_cast %broadcast_in_dim3A_8 : vector<16xf32> to vector<1x16xf32>
        tpu.vector_store %arg11[%swap3A_97, %swap3A_98], %swap3A_101 {strides = array<i32>} : memref<80x128xf32, #tpu.memory_space<vmem>>, vector<1x16xf32>,
        %swap3A_102 = arith.index_cast %scan3A_76 : i32 to index
        %swap3A_103 = arith.constant 80 : index
        %swap3A_104 = tpu.vector_load %arg11[%swap3A_102, %swap3A_103] {strides = array<i32>} : memref<80x128xf32, #tpu.memory_space<vmem>>, vector<1x16xf32>,
        %swap3A_105 = vector.shape_cast %swap3A_104 : vector<1x16xf32> to vector<16xf32>
        %swap3A_106 = vector.shape_cast %broadcast_in_dim3A_8 : vector<16xf32> to vector<1x16xf32>
        tpu.vector_store %arg11[%swap3A_102, %swap3A_103], %swap3A_106 {strides = array<i32>} : memref<80x128xf32, #tpu.memory_space<vmem>>, vector<1x16xf32>,
        %swap3A_107 = arith.index_cast %scan3A_76 : i32 to index
        %swap3A_108 = arith.constant 96 : index
        %swap3A_109 = tpu.vector_load %arg11[%swap3A_107, %swap3A_108] {strides = array<i32>} : memref<80x128xf32, #tpu.memory_space<vmem>>, vector<1x16xf32>,
        %swap3A_110 = vector.shape_cast %swap3A_109 : vector<1x16xf32> to vector<16xf32>
        %swap3A_111 = vector.shape_cast %broadcast_in_dim3A_8 : vector<16xf32> to vector<1x16xf32>
        tpu.vector_store %arg11[%swap3A_107, %swap3A_108], %swap3A_111 {strides = array<i32>} : memref<80x128xf32, #tpu.memory_space<vmem>>, vector<1x16xf32>,
        %swap3A_112 = arith.index_cast %scan3A_76 : i32 to index
        %swap3A_113 = arith.constant 112 : index
        %swap3A_114 = tpu.vector_load %arg11[%swap3A_112, %swap3A_113] {strides = array<i32>} : memref<80x128xf32, #tpu.memory_space<vmem>>, vector<1x16xf32>,
        %swap3A_115 = vector.shape_cast %swap3A_114 : vector<1x16xf32> to vector<16xf32>
        %swap3A_116 = vector.shape_cast %broadcast_in_dim3A_8 : vector<16xf32> to vector<1x16xf32>
        tpu.vector_store %arg11[%swap3A_112, %swap3A_113], %swap3A_116 {strides = array<i32>} : memref<80x128xf32, #tpu.memory_space<vmem>>, vector<1x16xf32>,
        %scan3A_117 = arith.constant 0 : i32
        scf.yield %scan3A_117 : i32
      }
      %scan3A_14 = arith.constant 80 : i32
      %mul3A_15 = arith.constant 624 : i32
      %mul3A_16 = arith.muli %arg1, %mul3A_15 : i32
      %add3A = arith.constant 0 : i32
      %add3A_17 = arith.addi %mul3A_16, %add3A : i32
      "tpu.region"() ({
        %run_scoped3A_76 = tpu.sem_alloc : memref<!tpu.dma_semaphore, #tpu.memory_space<semaphore_mem>>
        %dma_start3A_77 = arith.constant 0 : i32
        %dma_start3A_78 = tpu.memref_slice %arg8[%add3A_17, %dma_start3A_77] : memref<10000x128xf32, #tpu.memory_space<vmem_shared>> -> memref<80x128xf32, #tpu.memory_space<vmem_shared>>
        %dma_start3A_79 = arith.constant 0 : i32
        %dma_start3A_80 = tpu.memref_slice %arg8[%add3A_17, %dma_start3A_79] : memref<10000x128xf32, #tpu.memory_space<vmem_shared>> -> memref<80x128xf32, #tpu.memory_space<vmem_shared>>
        tpu.enqueue_dma source(%arg11 : memref<80x128xf32, #tpu.memory_space<vmem>>) target(%dma_start3A_80 : memref<80x128xf32, #tpu.memory_space<vmem_shared>>) target_semaphore(%run_scoped3A_76 : memref<!tpu.dma_semaphore, #tpu.memory_space<semaphore_mem>>)
        %dma_wait3A_81 = arith.constant 0 : i32
        %dma_wait3A_82 = tpu.memref_slice %arg8[%add3A_17, %dma_wait3A_81] : memref<10000x128xf32, #tpu.memory_space<vmem_shared>> -> memref<80x128xf32, #tpu.memory_space<vmem_shared>>
        %dma_wait3A_83 = arith.constant 0 : i32
        %dma_wait3A_84 = tpu.memref_slice %arg8[%add3A_17, %dma_wait3A_83] : memref<10000x128xf32, #tpu.memory_space<vmem_shared>> -> memref<80x128xf32, #tpu.memory_space<vmem_shared>>
        tpu.wait_dma2 semaphore(%run_scoped3A_76 : memref<!tpu.dma_semaphore, #tpu.memory_space<semaphore_mem>>) src(%arg11 : memref<80x128xf32, #tpu.memory_space<vmem>>) dst(%dma_wait3A_84 : memref<80x128xf32, #tpu.memory_space<vmem_shared>>)
        tpu.yield
      }) : () -> ()
      %mul3A_18 = arith.constant 624 : i32
      %mul3A_19 = arith.muli %arg1, %mul3A_18 : i32
      %add3A_20 = arith.constant 80 : i32
      %add3A_21 = arith.addi %mul3A_19, %add3A_20 : i32
      "tpu.region"() ({
        %run_scoped3A_76 = tpu.sem_alloc : memref<!tpu.dma_semaphore, #tpu.memory_space<semaphore_mem>>
        %dma_start3A_77 = arith.constant 0 : i32
        %dma_start3A_78 = tpu.memref_slice %arg8[%add3A_21, %dma_start3A_77] : memref<10000x128xf32, #tpu.memory_space<vmem_shared>> -> memref<80x128xf32, #tpu.memory_space<vmem_shared>>
        %dma_start3A_79 = arith.constant 0 : i32
        %dma_start3A_80 = tpu.memref_slice %arg8[%add3A_21, %dma_start3A_79] : memref<10000x128xf32, #tpu.memory_space<vmem_shared>> -> memref<80x128xf32, #tpu.memory_space<vmem_shared>>
        tpu.enqueue_dma source(%arg11 : memref<80x128xf32, #tpu.memory_space<vmem>>) target(%dma_start3A_80 : memref<80x128xf32, #tpu.memory_space<vmem_shared>>) target_semaphore(%run_scoped3A_76 : memref<!tpu.dma_semaphore, #tpu.memory_space<semaphore_mem>>)
        %dma_wait3A_81 = arith.constant 0 : i32
        %dma_wait3A_82 = tpu.memref_slice %arg8[%add3A_21, %dma_wait3A_81] : memref<10000x128xf32, #tpu.memory_space<vmem_shared>> -> memref<80x128xf32, #tpu.memory_space<vmem_shared>>
        %dma_wait3A_83 = arith.constant 0 : i32
        %dma_wait3A_84 = tpu.memref_slice %arg8[%add3A_21, %dma_wait3A_83] : memref<10000x128xf32, #tpu.memory_space<vmem_shared>> -> memref<80x128xf32, #tpu.memory_space<vmem_shared>>
        tpu.wait_dma2 semaphore(%run_scoped3A_76 : memref<!tpu.dma_semaphore, #tpu.memory_space<semaphore_mem>>) src(%arg11 : memref<80x128xf32, #tpu.memory_space<vmem>>) dst(%dma_wait3A_84 : memref<80x128xf32, #tpu.memory_space<vmem_shared>>)
        tpu.yield
      }) : () -> ()
      %mul3A_22 = arith.constant 624 : i32
      %mul3A_23 = arith.muli %arg1, %mul3A_22 : i32
      %add3A_24 = arith.constant 160 : i32
      %add3A_25 = arith.addi %mul3A_23, %add3A_24 : i32
      "tpu.region"() ({
        %run_scoped3A_76 = tpu.sem_alloc : memref<!tpu.dma_semaphore, #tpu.memory_space<semaphore_mem>>
        %dma_start3A_77 = arith.constant 0 : i32
        %dma_start3A_78 = tpu.memref_slice %arg8[%add3A_25, %dma_start3A_77] : memref<10000x128xf32, #tpu.memory_space<vmem_shared>> -> memref<80x128xf32, #tpu.memory_space<vmem_shared>>
        %dma_start3A_79 = arith.constant 0 : i32
        %dma_start3A_80 = tpu.memref_slice %arg8[%add3A_25, %dma_start3A_79] : memref<10000x128xf32, #tpu.memory_space<vmem_shared>> -> memref<80x128xf32, #tpu.memory_space<vmem_shared>>
        tpu.enqueue_dma source(%arg11 : memref<80x128xf32, #tpu.memory_space<vmem>>) target(%dma_start3A_80 : memref<80x128xf32, #tpu.memory_space<vmem_shared>>) target_semaphore(%run_scoped3A_76 : memref<!tpu.dma_semaphore, #tpu.memory_space<semaphore_mem>>)
        %dma_wait3A_81 = arith.constant 0 : i32
        %dma_wait3A_82 = tpu.memref_slice %arg8[%add3A_25, %dma_wait3A_81] : memref<10000x128xf32, #tpu.memory_space<vmem_shared>> -> memref<80x128xf32, #tpu.memory_space<vmem_shared>>
        %dma_wait3A_83 = arith.constant 0 : i32
        %dma_wait3A_84 = tpu.memref_slice %arg8[%add3A_25, %dma_wait3A_83] : memref<10000x128xf32, #tpu.memory_space<vmem_shared>> -> memref<80x128xf32, #tpu.memory_space<vmem_shared>>
        tpu.wait_dma2 semaphore(%run_scoped3A_76 : memref<!tpu.dma_semaphore, #tpu.memory_space<semaphore_mem>>) src(%arg11 : memref<80x128xf32, #tpu.memory_space<vmem>>) dst(%dma_wait3A_84 : memref<80x128xf32, #tpu.memory_space<vmem_shared>>)
        tpu.yield
      }) : () -> ()
      %mul3A_26 = arith.constant 624 : i32
      %mul3A_27 = arith.muli %arg1, %mul3A_26 : i32
      %add3A_28 = arith.constant 240 : i32
      %add3A_29 = arith.addi %mul3A_27, %add3A_28 : i32
      "tpu.region"() ({
        %run_scoped3A_76 = tpu.sem_alloc : memref<!tpu.dma_semaphore, #tpu.memory_space<semaphore_mem>>
        %dma_start3A_77 = arith.constant 0 : i32
        %dma_start3A_78 = tpu.memref_slice %arg8[%add3A_29, %dma_start3A_77] : memref<10000x128xf32, #tpu.memory_space<vmem_shared>> -> memref<80x128xf32, #tpu.memory_space<vmem_shared>>
        %dma_start3A_79 = arith.constant 0 : i32
        %dma_start3A_80 = tpu.memref_slice %arg8[%add3A_29, %dma_start3A_79] : memref<10000x128xf32, #tpu.memory_space<vmem_shared>> -> memref<80x128xf32, #tpu.memory_space<vmem_shared>>
        tpu.enqueue_dma source(%arg11 : memref<80x128xf32, #tpu.memory_space<vmem>>) target(%dma_start3A_80 : memref<80x128xf32, #tpu.memory_space<vmem_shared>>) target_semaphore(%run_scoped3A_76 : memref<!tpu.dma_semaphore, #tpu.memory_space<semaphore_mem>>)
        %dma_wait3A_81 = arith.constant 0 : i32
        %dma_wait3A_82 = tpu.memref_slice %arg8[%add3A_29, %dma_wait3A_81] : memref<10000x128xf32, #tpu.memory_space<vmem_shared>> -> memref<80x128xf32, #tpu.memory_space<vmem_shared>>
        %dma_wait3A_83 = arith.constant 0 : i32
        %dma_wait3A_84 = tpu.memref_slice %arg8[%add3A_29, %dma_wait3A_83] : memref<10000x128xf32, #tpu.memory_space<vmem_shared>> -> memref<80x128xf32, #tpu.memory_space<vmem_shared>>
        tpu.wait_dma2 semaphore(%run_scoped3A_76 : memref<!tpu.dma_semaphore, #tpu.memory_space<semaphore_mem>>) src(%arg11 : memref<80x128xf32, #tpu.memory_space<vmem>>) dst(%dma_wait3A_84 : memref<80x128xf32, #tpu.memory_space<vmem_shared>>)
        tpu.yield
      }) : () -> ()
      %mul3A_30 = arith.constant 624 : i32
      %mul3A_31 = arith.muli %arg1, %mul3A_30 : i32
      %add3A_32 = arith.constant 320 : i32
      %add3A_33 = arith.addi %mul3A_31, %add3A_32 : i32
      "tpu.region"() ({
        %run_scoped3A_76 = tpu.sem_alloc : memref<!tpu.dma_semaphore, #tpu.memory_space<semaphore_mem>>
        %dma_start3A_77 = arith.constant 0 : i32
        %dma_start3A_78 = tpu.memref_slice %arg8[%add3A_33, %dma_start3A_77] : memref<10000x128xf32, #tpu.memory_space<vmem_shared>> -> memref<80x128xf32, #tpu.memory_space<vmem_shared>>
        %dma_start3A_79 = arith.constant 0 : i32
        %dma_start3A_80 = tpu.memref_slice %arg8[%add3A_33, %dma_start3A_79] : memref<10000x128xf32, #tpu.memory_space<vmem_shared>> -> memref<80x128xf32, #tpu.memory_space<vmem_shared>>
        tpu.enqueue_dma source(%arg11 : memref<80x128xf32, #tpu.memory_space<vmem>>) target(%dma_start3A_80 : memref<80x128xf32, #tpu.memory_space<vmem_shared>>) target_semaphore(%run_scoped3A_76 : memref<!tpu.dma_semaphore, #tpu.memory_space<semaphore_mem>>)
        %dma_wait3A_81 = arith.constant 0 : i32
        %dma_wait3A_82 = tpu.memref_slice %arg8[%add3A_33, %dma_wait3A_81] : memref<10000x128xf32, #tpu.memory_space<vmem_shared>> -> memref<80x128xf32, #tpu.memory_space<vmem_shared>>
        %dma_wait3A_83 = arith.constant 0 : i32
        %dma_wait3A_84 = tpu.memref_slice %arg8[%add3A_33, %dma_wait3A_83] : memref<10000x128xf32, #tpu.memory_space<vmem_shared>> -> memref<80x128xf32, #tpu.memory_space<vmem_shared>>
        tpu.wait_dma2 semaphore(%run_scoped3A_76 : memref<!tpu.dma_semaphore, #tpu.memory_space<semaphore_mem>>) src(%arg11 : memref<80x128xf32, #tpu.memory_space<vmem>>) dst(%dma_wait3A_84 : memref<80x128xf32, #tpu.memory_space<vmem_shared>>)
        tpu.yield
      }) : () -> ()
      %mul3A_34 = arith.constant 624 : i32
      %mul3A_35 = arith.muli %arg1, %mul3A_34 : i32
      %add3A_36 = arith.constant 400 : i32
      %add3A_37 = arith.addi %mul3A_35, %add3A_36 : i32
      "tpu.region"() ({
        %run_scoped3A_76 = tpu.sem_alloc : memref<!tpu.dma_semaphore, #tpu.memory_space<semaphore_mem>>
        %dma_start3A_77 = arith.constant 0 : i32
        %dma_start3A_78 = tpu.memref_slice %arg8[%add3A_37, %dma_start3A_77] : memref<10000x128xf32, #tpu.memory_space<vmem_shared>> -> memref<80x128xf32, #tpu.memory_space<vmem_shared>>
        %dma_start3A_79 = arith.constant 0 : i32
        %dma_start3A_80 = tpu.memref_slice %arg8[%add3A_37, %dma_start3A_79] : memref<10000x128xf32, #tpu.memory_space<vmem_shared>> -> memref<80x128xf32, #tpu.memory_space<vmem_shared>>
        tpu.enqueue_dma source(%arg11 : memref<80x128xf32, #tpu.memory_space<vmem>>) target(%dma_start3A_80 : memref<80x128xf32, #tpu.memory_space<vmem_shared>>) target_semaphore(%run_scoped3A_76 : memref<!tpu.dma_semaphore, #tpu.memory_space<semaphore_mem>>)
        %dma_wait3A_81 = arith.constant 0 : i32
        %dma_wait3A_82 = tpu.memref_slice %arg8[%add3A_37, %dma_wait3A_81] : memref<10000x128xf32, #tpu.memory_space<vmem_shared>> -> memref<80x128xf32, #tpu.memory_space<vmem_shared>>
        %dma_wait3A_83 = arith.constant 0 : i32
        %dma_wait3A_84 = tpu.memref_slice %arg8[%add3A_37, %dma_wait3A_83] : memref<10000x128xf32, #tpu.memory_space<vmem_shared>> -> memref<80x128xf32, #tpu.memory_space<vmem_shared>>
        tpu.wait_dma2 semaphore(%run_scoped3A_76 : memref<!tpu.dma_semaphore, #tpu.memory_space<semaphore_mem>>) src(%arg11 : memref<80x128xf32, #tpu.memory_space<vmem>>) dst(%dma_wait3A_84 : memref<80x128xf32, #tpu.memory_space<vmem_shared>>)
        tpu.yield
      }) : () -> ()
      %mul3A_38 = arith.constant 624 : i32
      %mul3A_39 = arith.muli %arg1, %mul3A_38 : i32
      %add3A_40 = arith.constant 480 : i32
      %add3A_41 = arith.addi %mul3A_39, %add3A_40 : i32
      "tpu.region"() ({
        %run_scoped3A_76 = tpu.sem_alloc : memref<!tpu.dma_semaphore, #tpu.memory_space<semaphore_mem>>
        %dma_start3A_77 = arith.constant 0 : i32
        %dma_start3A_78 = tpu.memref_slice %arg8[%add3A_41, %dma_start3A_77] : memref<10000x128xf32, #tpu.memory_space<vmem_shared>> -> memref<80x128xf32, #tpu.memory_space<vmem_shared>>
        %dma_start3A_79 = arith.constant 0 : i32
        %dma_start3A_80 = tpu.memref_slice %arg8[%add3A_41, %dma_start3A_79] : memref<10000x128xf32, #tpu.memory_space<vmem_shared>> -> memref<80x128xf32, #tpu.memory_space<vmem_shared>>
        tpu.enqueue_dma source(%arg11 : memref<80x128xf32, #tpu.memory_space<vmem>>) target(%dma_start3A_80 : memref<80x128xf32, #tpu.memory_space<vmem_shared>>) target_semaphore(%run_scoped3A_76 : memref<!tpu.dma_semaphore, #tpu.memory_space<semaphore_mem>>)
        %dma_wait3A_81 = arith.constant 0 : i32
        %dma_wait3A_82 = tpu.memref_slice %arg8[%add3A_41, %dma_wait3A_81] : memref<10000x128xf32, #tpu.memory_space<vmem_shared>> -> memref<80x128xf32, #tpu.memory_space<vmem_shared>>
        %dma_wait3A_83 = arith.constant 0 : i32
        %dma_wait3A_84 = tpu.memref_slice %arg8[%add3A_41, %dma_wait3A_83] : memref<10000x128xf32, #tpu.memory_space<vmem_shared>> -> memref<80x128xf32, #tpu.memory_space<vmem_shared>>
        tpu.wait_dma2 semaphore(%run_scoped3A_76 : memref<!tpu.dma_semaphore, #tpu.memory_space<semaphore_mem>>) src(%arg11 : memref<80x128xf32, #tpu.memory_space<vmem>>) dst(%dma_wait3A_84 : memref<80x128xf32, #tpu.memory_space<vmem_shared>>)
        tpu.yield
      }) : () -> ()
      %mul3A_42 = arith.constant 624 : i32
      %mul3A_43 = arith.muli %arg1, %mul3A_42 : i32
      %add3A_44 = arith.constant 560 : i32
      %add3A_45 = arith.addi %mul3A_43, %add3A_44 : i32
      "tpu.region"() ({
        %run_scoped3A_76 = tpu.sem_alloc : memref<!tpu.dma_semaphore, #tpu.memory_space<semaphore_mem>>
        %dma_start3A_77 = arith.constant 0 : i32
        %dma_start3A_78 = arith.constant 0 : i32
        %dma_start3A_79 = tpu.memref_slice %arg11[%dma_start3A_77, %dma_start3A_78] : memref<80x128xf32, #tpu.memory_space<vmem>> -> memref<64x128xf32, #tpu.memory_space<vmem>>
        %dma_start3A_80 = arith.constant 0 : i32
        %dma_start3A_81 = tpu.memref_slice %arg8[%add3A_45, %dma_start3A_80] : memref<10000x128xf32, #tpu.memory_space<vmem_shared>> -> memref<64x128xf32, #tpu.memory_space<vmem_shared>>
        %dma_start3A_82 = arith.constant 0 : i32
        %dma_start3A_83 = tpu.memref_slice %arg8[%add3A_45, %dma_start3A_82] : memref<10000x128xf32, #tpu.memory_space<vmem_shared>> -> memref<64x128xf32, #tpu.memory_space<vmem_shared>>
        %dma_start3A_84 = arith.constant 0 : i32
        %dma_start3A_85 = arith.constant 0 : i32
        %dma_start3A_86 = tpu.memref_slice %arg11[%dma_start3A_84, %dma_start3A_85] : memref<80x128xf32, #tpu.memory_space<vmem>> -> memref<64x128xf32, #tpu.memory_space<vmem>>
        tpu.enqueue_dma source(%dma_start3A_86 : memref<64x128xf32, #tpu.memory_space<vmem>>) target(%dma_start3A_83 : memref<64x128xf32, #tpu.memory_space<vmem_shared>>) target_semaphore(%run_scoped3A_76 : memref<!tpu.dma_semaphore, #tpu.memory_space<semaphore_mem>>)
        %dma_wait3A_87 = arith.constant 0 : i32
        %dma_wait3A_88 = arith.constant 0 : i32
        %dma_wait3A_89 = tpu.memref_slice %arg11[%dma_wait3A_87, %dma_wait3A_88] : memref<80x128xf32, #tpu.memory_space<vmem>> -> memref<64x128xf32, #tpu.memory_space<vmem>>
        %dma_wait3A_90 = arith.constant 0 : i32
        %dma_wait3A_91 = tpu.memref_slice %arg8[%add3A_45, %dma_wait3A_90] : memref<10000x128xf32, #tpu.memory_space<vmem_shared>> -> memref<64x128xf32, #tpu.memory_space<vmem_shared>>
        %dma_wait3A_92 = arith.constant 0 : i32
        %dma_wait3A_93 = tpu.memref_slice %arg8[%add3A_45, %dma_wait3A_92] : memref<10000x128xf32, #tpu.memory_space<vmem_shared>> -> memref<64x128xf32, #tpu.memory_space<vmem_shared>>
        %dma_wait3A_94 = arith.constant 0 : i32
        %dma_wait3A_95 = arith.constant 0 : i32
        %dma_wait3A_96 = tpu.memref_slice %arg11[%dma_wait3A_94, %dma_wait3A_95] : memref<80x128xf32, #tpu.memory_space<vmem>> -> memref<64x128xf32, #tpu.memory_space<vmem>>
        tpu.wait_dma2 semaphore(%run_scoped3A_76 : memref<!tpu.dma_semaphore, #tpu.memory_space<semaphore_mem>>) src(%dma_wait3A_96 : memref<64x128xf32, #tpu.memory_space<vmem>>) dst(%dma_wait3A_93 : memref<64x128xf32, #tpu.memory_space<vmem_shared>>)
        tpu.yield
      }) : () -> ()
      %eq3A_46 = arith.constant 0 : i32
      %eq3A_47 = arith.cmpi eq, %arg1, %eq3A_46 : i32
      %convert_element_type3A_48 = arith.extui %eq3A_47 : i1 to i32
      %cond3A_49 = arith.constant 0 : i32
      %cond3A_50 = arith.cmpi ne, %convert_element_type3A_48, %cond3A_49 : i32
      scf.if %cond3A_50 {
        "tpu.region"() ({
          %run_scoped3A_76 = tpu.sem_alloc : memref<!tpu.dma_semaphore, #tpu.memory_space<semaphore_mem>>
          %dma_start3A_77 = arith.constant 0 : i32
          %dma_start3A_78 = arith.constant 0 : i32
          %dma_start3A_79 = tpu.memref_slice %arg11[%dma_start3A_77, %dma_start3A_78] : memref<80x128xf32, #tpu.memory_space<vmem>> -> memref<16x128xf32, #tpu.memory_space<vmem>>
          %dma_start3A_80 = arith.constant 9984 : i32
          %dma_start3A_81 = arith.constant 0 : i32
          %dma_start3A_82 = tpu.memref_slice %arg8[%dma_start3A_80, %dma_start3A_81] : memref<10000x128xf32, #tpu.memory_space<vmem_shared>> -> memref<16x128xf32, #tpu.memory_space<vmem_shared>>
          %dma_start3A_83 = arith.constant 9984 : i32
          %dma_start3A_84 = arith.constant 0 : i32
          %dma_start3A_85 = tpu.memref_slice %arg8[%dma_start3A_83, %dma_start3A_84] : memref<10000x128xf32, #tpu.memory_space<vmem_shared>> -> memref<16x128xf32, #tpu.memory_space<vmem_shared>>
          %dma_start3A_86 = arith.constant 0 : i32
          %dma_start3A_87 = arith.constant 0 : i32
          %dma_start3A_88 = tpu.memref_slice %arg11[%dma_start3A_86, %dma_start3A_87] : memref<80x128xf32, #tpu.memory_space<vmem>> -> memref<16x128xf32, #tpu.memory_space<vmem>>
          tpu.enqueue_dma source(%dma_start3A_88 : memref<16x128xf32, #tpu.memory_space<vmem>>) target(%dma_start3A_85 : memref<16x128xf32, #tpu.memory_space<vmem_shared>>) target_semaphore(%run_scoped3A_76 : memref<!tpu.dma_semaphore, #tpu.memory_space<semaphore_mem>>)
          %dma_wait3A_89 = arith.constant 0 : i32
          %dma_wait3A_90 = arith.constant 0 : i32
          %dma_wait3A_91 = tpu.memref_slice %arg11[%dma_wait3A_89, %dma_wait3A_90] : memref<80x128xf32, #tpu.memory_space<vmem>> -> memref<16x128xf32, #tpu.memory_space<vmem>>
          %dma_wait3A_92 = arith.constant 9984 : i32
          %dma_wait3A_93 = arith.constant 0 : i32
          %dma_wait3A_94 = tpu.memref_slice %arg8[%dma_wait3A_92, %dma_wait3A_93] : memref<10000x128xf32, #tpu.memory_space<vmem_shared>> -> memref<16x128xf32, #tpu.memory_space<vmem_shared>>
          %dma_wait3A_95 = arith.constant 9984 : i32
          %dma_wait3A_96 = arith.constant 0 : i32
          %dma_wait3A_97 = tpu.memref_slice %arg8[%dma_wait3A_95, %dma_wait3A_96] : memref<10000x128xf32, #tpu.memory_space<vmem_shared>> -> memref<16x128xf32, #tpu.memory_space<vmem_shared>>
          %dma_wait3A_98 = arith.constant 0 : i32
          %dma_wait3A_99 = arith.constant 0 : i32
          %dma_wait3A_100 = tpu.memref_slice %arg11[%dma_wait3A_98, %dma_wait3A_99] : memref<80x128xf32, #tpu.memory_space<vmem>> -> memref<16x128xf32, #tpu.memory_space<vmem>>
          tpu.wait_dma2 semaphore(%run_scoped3A_76 : memref<!tpu.dma_semaphore, #tpu.memory_space<semaphore_mem>>) src(%dma_wait3A_100 : memref<16x128xf32, #tpu.memory_space<vmem>>) dst(%dma_wait3A_97 : memref<16x128xf32, #tpu.memory_space<vmem_shared>>)
          tpu.yield
        }) : () -> ()
      } else {
      }
      %barrier3A = arith.constant 0 : index
      tpu.barrier barrier_id(%barrier3A)
      %dma_start3A = arith.constant 0 : i32
      %dma_start3A_51 = tpu.memref_slice %arg9[%dma_start3A] : memref<10000xi32, #tpu.memory_space<vmem>> -> memref<80xi32, #tpu.memory_space<vmem>>
      %dma_start3A_52 = arith.constant 0 : i32
      %dma_start3A_53 = arith.constant 0 : i32
      %dma_start3A_54 = tpu.memref_slice %arg5[%dma_start3A_52, %dma_start3A_53] : memref<10000x128xf32, #tpu.memory_space<hbm>> -> memref<10000x128xf32, #tpu.memory_space<hbm>>
      tpu.enqueue_indirect_dma source(%dma_start3A_54 : memref<10000x128xf32, #tpu.memory_space<hbm>>) target(%arg11 : memref<80x128xf32, #tpu.memory_space<vmem>>) offsets(%dma_start3A_51 : memref<80xi32, #tpu.memory_space<vmem>>) semaphore(%arg13 : memref<!tpu.dma_semaphore, #tpu.memory_space<semaphore_mem>>)
      %scan3A_55 = arith.constant 0 : i32
      %scan3A_56 = arith.constant 0 : i32
      %scan3A_57 = arith.constant 62 : i32
      %scan3A_58 = arith.addi %scan3A_56, %scan3A_57 : i32
      %scan3A_59 = arith.constant 1 : i32
      %scan3A_60 = scf.for %scan3A_76 = %scan3A_56 to %scan3A_58 step %scan3A_59 iter_args(%scan3A_77 = %scan3A_55) -> (i32)  : i32 {
        %mul3A_78 = arith.constant 2 : i32
        %mul3A_79 = arith.muli %scan3A_76, %mul3A_78 : i32
        %add3A_80 = arith.constant 1 : i32
        %add3A_81 = arith.addi %mul3A_79, %add3A_80 : i32
        %mul3A_82 = arith.constant 80 : i32
        %mul3A_83 = arith.muli %add3A_81, %mul3A_82 : i32
        %dma_start3A_84 = tpu.memref_slice %arg9[%mul3A_83] : memref<10000xi32, #tpu.memory_space<vmem>> -> memref<80xi32, #tpu.memory_space<vmem>>
        %dma_start3A_85 = arith.constant 0 : i32
        %dma_start3A_86 = arith.constant 0 : i32
        %dma_start3A_87 = tpu.memref_slice %arg5[%dma_start3A_85, %dma_start3A_86] : memref<10000x128xf32, #tpu.memory_space<hbm>> -> memref<10000x128xf32, #tpu.memory_space<hbm>>
        tpu.enqueue_indirect_dma source(%dma_start3A_87 : memref<10000x128xf32, #tpu.memory_space<hbm>>) target(%arg12 : memref<80x128xf32, #tpu.memory_space<vmem>>) offsets(%dma_start3A_84 : memref<80xi32, #tpu.memory_space<vmem>>) semaphore(%arg14 : memref<!tpu.dma_semaphore, #tpu.memory_space<semaphore_mem>>)
        %dma_wait3A_88 = arith.constant 0 : i32
        %dma_wait3A_89 = tpu.memref_slice %arg9[%dma_wait3A_88] : memref<10000xi32, #tpu.memory_space<vmem>> -> memref<80xi32, #tpu.memory_space<vmem>>
        %dma_wait3A_90 = arith.constant 0 : i32
        %dma_wait3A_91 = arith.constant 0 : i32
        %dma_wait3A_92 = tpu.memref_slice %arg5[%dma_wait3A_90, %dma_wait3A_91] : memref<10000x128xf32, #tpu.memory_space<hbm>> -> memref<10000x128xf32, #tpu.memory_space<hbm>>
        tpu.wait_indirect_dma semaphore(%arg13 : memref<!tpu.dma_semaphore, #tpu.memory_space<semaphore_mem>>) src(%dma_wait3A_92 : memref<10000x128xf32, #tpu.memory_space<hbm>>) dst(%arg11 : memref<80x128xf32, #tpu.memory_space<vmem>>)
        "tpu.region"() ({
          %run_scoped3A_109 = tpu.sem_alloc : memref<!tpu.dma_semaphore, #tpu.memory_space<semaphore_mem>>
          %dma_start3A_110 = arith.constant 0 : i32
          %dma_start3A_111 = tpu.memref_slice %arg10[%mul3A_79, %dma_start3A_110] : memref<125x80xi32, #tpu.memory_space<vmem>> -> memref<1x80xi32, #tpu.memory_space<vmem>>
          %dma_start3A_112 = tpu.memref_squeeze %dma_start3A_111 : memref<1x80xi32, #tpu.memory_space<vmem>> -> memref<80xi32, #tpu.memory_space<vmem>>
          %dma_start3A_113 = arith.constant 0 : i32
          %dma_start3A_114 = arith.constant 0 : i32
          %dma_start3A_115 = tpu.memref_slice %arg8[%dma_start3A_113, %dma_start3A_114] : memref<10000x128xf32, #tpu.memory_space<vmem_shared>> -> memref<10000x128xf32, #tpu.memory_space<vmem_shared>>
          tpu.enqueue_indirect_dma source(%arg11 : memref<80x128xf32, #tpu.memory_space<vmem>>) target(%dma_start3A_115 : memref<10000x128xf32, #tpu.memory_space<vmem_shared>>) offsets(%dma_start3A_112 : memref<80xi32, #tpu.memory_space<vmem>>) semaphore(%run_scoped3A_109 : memref<!tpu.dma_semaphore, #tpu.memory_space<semaphore_mem>>) {add = true}
          %dma_wait3A_116 = arith.constant 0 : i32
          %dma_wait3A_117 = tpu.memref_slice %arg10[%mul3A_79, %dma_wait3A_116] : memref<125x80xi32, #tpu.memory_space<vmem>> -> memref<1x80xi32, #tpu.memory_space<vmem>>
          %dma_wait3A_118 = tpu.memref_squeeze %dma_wait3A_117 : memref<1x80xi32, #tpu.memory_space<vmem>> -> memref<80xi32, #tpu.memory_space<vmem>>
          %dma_wait3A_119 = arith.constant 0 : i32
          %dma_wait3A_120 = arith.constant 0 : i32
          %dma_wait3A_121 = tpu.memref_slice %arg8[%dma_wait3A_119, %dma_wait3A_120] : memref<10000x128xf32, #tpu.memory_space<vmem_shared>> -> memref<10000x128xf32, #tpu.memory_space<vmem_shared>>
          tpu.wait_indirect_dma semaphore(%run_scoped3A_109 : memref<!tpu.dma_semaphore, #tpu.memory_space<semaphore_mem>>) src(%arg11 : memref<80x128xf32, #tpu.memory_space<vmem>>) dst(%dma_wait3A_121 : memref<10000x128xf32, #tpu.memory_space<vmem_shared>>)
          tpu.yield
        }) : () -> ()
        %add3A_93 = arith.constant 2 : i32
        %add3A_94 = arith.addi %mul3A_79, %add3A_93 : i32
        %mul3A_95 = arith.constant 80 : i32
        %mul3A_96 = arith.muli %add3A_94, %mul3A_95 : i32
        %dma_start3A_97 = tpu.memref_slice %arg9[%mul3A_96] : memref<10000xi32, #tpu.memory_space<vmem>> -> memref<80xi32, #tpu.memory_space<vmem>>
        %dma_start3A_98 = arith.constant 0 : i32
        %dma_start3A_99 = arith.constant 0 : i32
        %dma_start3A_100 = tpu.memref_slice %arg5[%dma_start3A_98, %dma_start3A_99] : memref<10000x128xf32, #tpu.memory_space<hbm>> -> memref<10000x128xf32, #tpu.memory_space<hbm>>
        tpu.enqueue_indirect_dma source(%dma_start3A_100 : memref<10000x128xf32, #tpu.memory_space<hbm>>) target(%arg11 : memref<80x128xf32, #tpu.memory_space<vmem>>) offsets(%dma_start3A_97 : memref<80xi32, #tpu.memory_space<vmem>>) semaphore(%arg13 : memref<!tpu.dma_semaphore, #tpu.memory_space<semaphore_mem>>)
        %dma_wait3A_101 = arith.constant 0 : i32
        %dma_wait3A_102 = tpu.memref_slice %arg9[%dma_wait3A_101] : memref<10000xi32, #tpu.memory_space<vmem>> -> memref<80xi32, #tpu.memory_space<vmem>>
        %dma_wait3A_103 = arith.constant 0 : i32
        %dma_wait3A_104 = arith.constant 0 : i32
        %dma_wait3A_105 = tpu.memref_slice %arg5[%dma_wait3A_103, %dma_wait3A_104] : memref<10000x128xf32, #tpu.memory_space<hbm>> -> memref<10000x128xf32, #tpu.memory_space<hbm>>
        tpu.wait_indirect_dma semaphore(%arg14 : memref<!tpu.dma_semaphore, #tpu.memory_space<semaphore_mem>>) src(%dma_wait3A_105 : memref<10000x128xf32, #tpu.memory_space<hbm>>) dst(%arg12 : memref<80x128xf32, #tpu.memory_space<vmem>>)
        %add3A_106 = arith.constant 1 : i32
        %add3A_107 = arith.addi %mul3A_79, %add3A_106 : i32
        "tpu.region"() ({
          %run_scoped3A_109 = tpu.sem_alloc : memref<!tpu.dma_semaphore, #tpu.memory_space<semaphore_mem>>
          %dma_start3A_110 = arith.constant 0 : i32
          %dma_start3A_111 = tpu.memref_slice %arg10[%add3A_107, %dma_start3A_110] : memref<125x80xi32, #tpu.memory_space<vmem>> -> memref<1x80xi32, #tpu.memory_space<vmem>>
          %dma_start3A_112 = tpu.memref_squeeze %dma_start3A_111 : memref<1x80xi32, #tpu.memory_space<vmem>> -> memref<80xi32, #tpu.memory_space<vmem>>
          %dma_start3A_113 = arith.constant 0 : i32
          %dma_start3A_114 = arith.constant 0 : i32
          %dma_start3A_115 = tpu.memref_slice %arg8[%dma_start3A_113, %dma_start3A_114] : memref<10000x128xf32, #tpu.memory_space<vmem_shared>> -> memref<10000x128xf32, #tpu.memory_space<vmem_shared>>
          tpu.enqueue_indirect_dma source(%arg12 : memref<80x128xf32, #tpu.memory_space<vmem>>) target(%dma_start3A_115 : memref<10000x128xf32, #tpu.memory_space<vmem_shared>>) offsets(%dma_start3A_112 : memref<80xi32, #tpu.memory_space<vmem>>) semaphore(%run_scoped3A_109 : memref<!tpu.dma_semaphore, #tpu.memory_space<semaphore_mem>>) {add = true}
          %dma_wait3A_116 = arith.constant 0 : i32
          %dma_wait3A_117 = tpu.memref_slice %arg10[%add3A_107, %dma_wait3A_116] : memref<125x80xi32, #tpu.memory_space<vmem>> -> memref<1x80xi32, #tpu.memory_space<vmem>>
          %dma_wait3A_118 = tpu.memref_squeeze %dma_wait3A_117 : memref<1x80xi32, #tpu.memory_space<vmem>> -> memref<80xi32, #tpu.memory_space<vmem>>
          %dma_wait3A_119 = arith.constant 0 : i32
          %dma_wait3A_120 = arith.constant 0 : i32
          %dma_wait3A_121 = tpu.memref_slice %arg8[%dma_wait3A_119, %dma_wait3A_120] : memref<10000x128xf32, #tpu.memory_space<vmem_shared>> -> memref<10000x128xf32, #tpu.memory_space<vmem_shared>>
          tpu.wait_indirect_dma semaphore(%run_scoped3A_109 : memref<!tpu.dma_semaphore, #tpu.memory_space<semaphore_mem>>) src(%arg12 : memref<80x128xf32, #tpu.memory_space<vmem>>) dst(%dma_wait3A_121 : memref<10000x128xf32, #tpu.memory_space<vmem_shared>>)
          tpu.yield
        }) : () -> ()
        %scan3A_108 = arith.constant 0 : i32
        scf.yield %scan3A_108 : i32
      }
      %scan3A_61 = arith.constant 62 : i32
      %dma_wait3A = arith.constant 0 : i32
      %dma_wait3A_62 = tpu.memref_slice %arg9[%dma_wait3A] : memref<10000xi32, #tpu.memory_space<vmem>> -> memref<80xi32, #tpu.memory_space<vmem>>
      %dma_wait3A_63 = arith.constant 0 : i32
      %dma_wait3A_64 = arith.constant 0 : i32
      %dma_wait3A_65 = tpu.memref_slice %arg5[%dma_wait3A_63, %dma_wait3A_64] : memref<10000x128xf32, #tpu.memory_space<hbm>> -> memref<10000x128xf32, #tpu.memory_space<hbm>>
      tpu.wait_indirect_dma semaphore(%arg13 : memref<!tpu.dma_semaphore, #tpu.memory_space<semaphore_mem>>) src(%dma_wait3A_65 : memref<10000x128xf32, #tpu.memory_space<hbm>>) dst(%arg11 : memref<80x128xf32, #tpu.memory_space<vmem>>)
      %run_scoped3A = arith.constant 124 : i32
      "tpu.region"() ({
        %run_scoped3A_76 = tpu.sem_alloc : memref<!tpu.dma_semaphore, #tpu.memory_space<semaphore_mem>>
        %dma_start3A_77 = arith.constant 0 : i32
        %dma_start3A_78 = tpu.memref_slice %arg10[%run_scoped3A, %dma_start3A_77] : memref<125x80xi32, #tpu.memory_space<vmem>> -> memref<1x80xi32, #tpu.memory_space<vmem>>
        %dma_start3A_79 = tpu.memref_squeeze %dma_start3A_78 : memref<1x80xi32, #tpu.memory_space<vmem>> -> memref<80xi32, #tpu.memory_space<vmem>>
        %dma_start3A_80 = arith.constant 0 : i32
        %dma_start3A_81 = arith.constant 0 : i32
        %dma_start3A_82 = tpu.memref_slice %arg8[%dma_start3A_80, %dma_start3A_81] : memref<10000x128xf32, #tpu.memory_space<vmem_shared>> -> memref<10000x128xf32, #tpu.memory_space<vmem_shared>>
        tpu.enqueue_indirect_dma source(%arg11 : memref<80x128xf32, #tpu.memory_space<vmem>>) target(%dma_start3A_82 : memref<10000x128xf32, #tpu.memory_space<vmem_shared>>) offsets(%dma_start3A_79 : memref<80xi32, #tpu.memory_space<vmem>>) semaphore(%run_scoped3A_76 : memref<!tpu.dma_semaphore, #tpu.memory_space<semaphore_mem>>) {add = true}
        %dma_wait3A_83 = arith.constant 0 : i32
        %dma_wait3A_84 = tpu.memref_slice %arg10[%run_scoped3A, %dma_wait3A_83] : memref<125x80xi32, #tpu.memory_space<vmem>> -> memref<1x80xi32, #tpu.memory_space<vmem>>
        %dma_wait3A_85 = tpu.memref_squeeze %dma_wait3A_84 : memref<1x80xi32, #tpu.memory_space<vmem>> -> memref<80xi32, #tpu.memory_space<vmem>>
        %dma_wait3A_86 = arith.constant 0 : i32
        %dma_wait3A_87 = arith.constant 0 : i32
        %dma_wait3A_88 = tpu.memref_slice %arg8[%dma_wait3A_86, %dma_wait3A_87] : memref<10000x128xf32, #tpu.memory_space<vmem_shared>> -> memref<10000x128xf32, #tpu.memory_space<vmem_shared>>
        tpu.wait_indirect_dma semaphore(%run_scoped3A_76 : memref<!tpu.dma_semaphore, #tpu.memory_space<semaphore_mem>>) src(%arg11 : memref<80x128xf32, #tpu.memory_space<vmem>>) dst(%dma_wait3A_88 : memref<10000x128xf32, #tpu.memory_space<vmem_shared>>)
        tpu.yield
      }) : () -> ()
      %barrier3A_66 = arith.constant 0 : index
      tpu.barrier barrier_id(%barrier3A_66)
      %mul3A_67 = arith.constant 624 : i32
      %mul3A_68 = arith.muli %arg1, %mul3A_67 : i32
      %mul3A_69 = arith.constant 624 : i32
      %mul3A_70 = arith.muli %arg1, %mul3A_69 : i32
      "tpu.region"() ({
        %run_scoped3A_76 = tpu.sem_alloc : memref<!tpu.dma_semaphore, #tpu.memory_space<semaphore_mem>>
        %dma_start3A_77 = arith.constant 0 : i32
        %dma_start3A_78 = tpu.memref_slice %arg7[%mul3A_70, %dma_start3A_77] : memref<10000x128xf32, #tpu.memory_space<hbm>> -> memref<624x128xf32, #tpu.memory_space<hbm>>
        %dma_start3A_79 = arith.constant 0 : i32
        %dma_start3A_80 = tpu.memref_slice %arg8[%mul3A_68, %dma_start3A_79] : memref<10000x128xf32, #tpu.memory_space<vmem_shared>> -> memref<624x128xf32, #tpu.memory_space<vmem_shared>>
        tpu.enqueue_dma source(%dma_start3A_80 : memref<624x128xf32, #tpu.memory_space<vmem_shared>>) target(%dma_start3A_78 : memref<624x128xf32, #tpu.memory_space<hbm>>) target_semaphore(%run_scoped3A_76 : memref<!tpu.dma_semaphore, #tpu.memory_space<semaphore_mem>>)
        %dma_wait3A_81 = arith.constant 0 : i32
        %dma_wait3A_82 = tpu.memref_slice %arg7[%mul3A_70, %dma_wait3A_81] : memref<10000x128xf32, #tpu.memory_space<hbm>> -> memref<624x128xf32, #tpu.memory_space<hbm>>
        %dma_wait3A_83 = arith.constant 0 : i32
        %dma_wait3A_84 = tpu.memref_slice %arg8[%mul3A_68, %dma_wait3A_83] : memref<10000x128xf32, #tpu.memory_space<vmem_shared>> -> memref<624x128xf32, #tpu.memory_space<vmem_shared>>
        tpu.wait_dma2 semaphore(%run_scoped3A_76 : memref<!tpu.dma_semaphore, #tpu.memory_space<semaphore_mem>>) src(%dma_wait3A_84 : memref<624x128xf32, #tpu.memory_space<vmem_shared>>) dst(%dma_wait3A_82 : memref<624x128xf32, #tpu.memory_space<hbm>>)
        tpu.yield
      }) : () -> ()
      %eq3A_71 = arith.constant 0 : i32
      %eq3A_72 = arith.cmpi eq, %arg1, %eq3A_71 : i32
      %convert_element_type3A_73 = arith.extui %eq3A_72 : i1 to i32
      %cond3A_74 = arith.constant 0 : i32
      %cond3A_75 = arith.cmpi ne, %convert_element_type3A_73, %cond3A_74 : i32
      scf.if %cond3A_75 {
        "tpu.region"() ({
          %run_scoped3A_76 = tpu.sem_alloc : memref<!tpu.dma_semaphore, #tpu.memory_space<semaphore_mem>>
          %dma_start3A_77 = arith.constant 9984 : i32
          %dma_start3A_78 = arith.constant 0 : i32
          %dma_start3A_79 = tpu.memref_slice %arg7[%dma_start3A_77, %dma_start3A_78] : memref<10000x128xf32, #tpu.memory_space<hbm>> -> memref<16x128xf32, #tpu.memory_space<hbm>>
          %dma_start3A_80 = arith.constant 9984 : i32
          %dma_start3A_81 = arith.constant 0 : i32
          %dma_start3A_82 = tpu.memref_slice %arg8[%dma_start3A_80, %dma_start3A_81] : memref<10000x128xf32, #tpu.memory_space<vmem_shared>> -> memref<16x128xf32, #tpu.memory_space<vmem_shared>>
          tpu.enqueue_dma source(%dma_start3A_82 : memref<16x128xf32, #tpu.memory_space<vmem_shared>>) target(%dma_start3A_79 : memref<16x128xf32, #tpu.memory_space<hbm>>) target_semaphore(%run_scoped3A_76 : memref<!tpu.dma_semaphore, #tpu.memory_space<semaphore_mem>>)
          %dma_wait3A_83 = arith.constant 9984 : i32
          %dma_wait3A_84 = arith.constant 0 : i32
          %dma_wait3A_85 = tpu.memref_slice %arg7[%dma_wait3A_83, %dma_wait3A_84] : memref<10000x128xf32, #tpu.memory_space<hbm>> -> memref<16x128xf32, #tpu.memory_space<hbm>>
          %dma_wait3A_86 = arith.constant 9984 : i32
          %dma_wait3A_87 = arith.constant 0 : i32
          %dma_wait3A_88 = tpu.memref_slice %arg8[%dma_wait3A_86, %dma_wait3A_87] : memref<10000x128xf32, #tpu.memory_space<vmem_shared>> -> memref<16x128xf32, #tpu.memory_space<vmem_shared>>
          tpu.wait_dma2 semaphore(%run_scoped3A_76 : memref<!tpu.dma_semaphore, #tpu.memory_space<semaphore_mem>>) src(%dma_wait3A_88 : memref<16x128xf32, #tpu.memory_space<vmem_shared>>) dst(%dma_wait3A_85 : memref<16x128xf32, #tpu.memory_space<hbm>>)
          tpu.yield
        }) : () -> ()
      } else {
      }
    } else {
    }
    return
  }
}

#map = affine_map<(d0, d1) -> (0, 0, 0)>
#map1 = affine_map<(d0, d1) -> (0, 0)>
module attributes {stable_mosaic.version = 14 : i64} {
  func.func @_deg_body(%arg0: i32, %arg1: i32, %arg2: memref<16x125x80xi32, #tpu.memory_space<hbm>>, %arg3: memref<10000x128xf32, #tpu.memory_space<hbm>>, %arg4: memref<10000x128xf32, #tpu.memory_space<vmem_shared>>, %arg5: memref<125x80xi32, #tpu.memory_space<vmem>>, %arg6: memref<16x128xf32, #tpu.memory_space<vmem>>, %arg7: memref<80x128xf32, #tpu.memory_space<vmem>>) attributes {dimension_semantics = [#tpu.dimension_semantics<core_parallel>, #tpu.dimension_semantics<subcore_parallel>], iteration_bounds = array<i64: 2, 16>, scalar_prefetch = 0 : i64, scratch_operands = 4 : i64, tpu.core_type = #tpu.core_type<sc_vector_subcore>, window_params = [{transform_indices = #map}, {transform_indices = #map1}]} {
    %eq3A = arith.constant 0 : i32
    %eq3A_0 = arith.cmpi eq, %arg0, %eq3A : i32
    %convert_element_type3A = arith.extui %eq3A_0 : i1 to i32
    %cond3A = arith.constant 0 : i32
    %cond3A_1 = arith.cmpi ne, %convert_element_type3A, %cond3A : i32
    scf.if %cond3A_1 {
      %broadcast_in_dim3A = arith.constant 0.000000e+00 : f32
      %broadcast_in_dim3A_2 = vector.broadcast %broadcast_in_dim3A : f32 to vector<16xf32>
      %scan3A = arith.constant 0 : i32
      %scan3A_3 = arith.constant 0 : i32
      %scan3A_4 = arith.constant 16 : i32
      %scan3A_5 = arith.addi %scan3A_3, %scan3A_4 : i32
      %scan3A_6 = arith.constant 1 : i32
      %scan3A_7 = scf.for %scan3A_194 = %scan3A_3 to %scan3A_5 step %scan3A_6 iter_args(%scan3A_195 = %scan3A) -> (i32)  : i32 {
        %swap3A = arith.index_cast %scan3A_194 : i32 to index
        %swap3A_196 = arith.constant 0 : index
        %swap3A_197 = tpu.vector_load %arg6[%swap3A, %swap3A_196] {strides = array<i32>} : memref<16x128xf32, #tpu.memory_space<vmem>>, vector<1x16xf32>,
        %swap3A_198 = vector.shape_cast %swap3A_197 : vector<1x16xf32> to vector<16xf32>
        %swap3A_199 = vector.shape_cast %broadcast_in_dim3A_2 : vector<16xf32> to vector<1x16xf32>
        tpu.vector_store %arg6[%swap3A, %swap3A_196], %swap3A_199 {strides = array<i32>} : memref<16x128xf32, #tpu.memory_space<vmem>>, vector<1x16xf32>,
        %swap3A_200 = arith.index_cast %scan3A_194 : i32 to index
        %swap3A_201 = arith.constant 16 : index
        %swap3A_202 = tpu.vector_load %arg6[%swap3A_200, %swap3A_201] {strides = array<i32>} : memref<16x128xf32, #tpu.memory_space<vmem>>, vector<1x16xf32>,
        %swap3A_203 = vector.shape_cast %swap3A_202 : vector<1x16xf32> to vector<16xf32>
        %swap3A_204 = vector.shape_cast %broadcast_in_dim3A_2 : vector<16xf32> to vector<1x16xf32>
        tpu.vector_store %arg6[%swap3A_200, %swap3A_201], %swap3A_204 {strides = array<i32>} : memref<16x128xf32, #tpu.memory_space<vmem>>, vector<1x16xf32>,
        %swap3A_205 = arith.index_cast %scan3A_194 : i32 to index
        %swap3A_206 = arith.constant 32 : index
        %swap3A_207 = tpu.vector_load %arg6[%swap3A_205, %swap3A_206] {strides = array<i32>} : memref<16x128xf32, #tpu.memory_space<vmem>>, vector<1x16xf32>,
        %swap3A_208 = vector.shape_cast %swap3A_207 : vector<1x16xf32> to vector<16xf32>
        %swap3A_209 = vector.shape_cast %broadcast_in_dim3A_2 : vector<16xf32> to vector<1x16xf32>
        tpu.vector_store %arg6[%swap3A_205, %swap3A_206], %swap3A_209 {strides = array<i32>} : memref<16x128xf32, #tpu.memory_space<vmem>>, vector<1x16xf32>,
        %swap3A_210 = arith.index_cast %scan3A_194 : i32 to index
        %swap3A_211 = arith.constant 48 : index
        %swap3A_212 = tpu.vector_load %arg6[%swap3A_210, %swap3A_211] {strides = array<i32>} : memref<16x128xf32, #tpu.memory_space<vmem>>, vector<1x16xf32>,
        %swap3A_213 = vector.shape_cast %swap3A_212 : vector<1x16xf32> to vector<16xf32>
        %swap3A_214 = vector.shape_cast %broadcast_in_dim3A_2 : vector<16xf32> to vector<1x16xf32>
        tpu.vector_store %arg6[%swap3A_210, %swap3A_211], %swap3A_214 {strides = array<i32>} : memref<16x128xf32, #tpu.memory_space<vmem>>, vector<1x16xf32>,
        %swap3A_215 = arith.index_cast %scan3A_194 : i32 to index
        %swap3A_216 = arith.constant 64 : index
        %swap3A_217 = tpu.vector_load %arg6[%swap3A_215, %swap3A_216] {strides = array<i32>} : memref<16x128xf32, #tpu.memory_space<vmem>>, vector<1x16xf32>,
        %swap3A_218 = vector.shape_cast %swap3A_217 : vector<1x16xf32> to vector<16xf32>
        %swap3A_219 = vector.shape_cast %broadcast_in_dim3A_2 : vector<16xf32> to vector<1x16xf32>
        tpu.vector_store %arg6[%swap3A_215, %swap3A_216], %swap3A_219 {strides = array<i32>} : memref<16x128xf32, #tpu.memory_space<vmem>>, vector<1x16xf32>,
        %swap3A_220 = arith.index_cast %scan3A_194 : i32 to index
        %swap3A_221 = arith.constant 80 : index
        %swap3A_222 = tpu.vector_load %arg6[%swap3A_220, %swap3A_221] {strides = array<i32>} : memref<16x128xf32, #tpu.memory_space<vmem>>, vector<1x16xf32>,
        %swap3A_223 = vector.shape_cast %swap3A_222 : vector<1x16xf32> to vector<16xf32>
        %swap3A_224 = vector.shape_cast %broadcast_in_dim3A_2 : vector<16xf32> to vector<1x16xf32>
        tpu.vector_store %arg6[%swap3A_220, %swap3A_221], %swap3A_224 {strides = array<i32>} : memref<16x128xf32, #tpu.memory_space<vmem>>, vector<1x16xf32>,
        %swap3A_225 = arith.index_cast %scan3A_194 : i32 to index
        %swap3A_226 = arith.constant 96 : index
        %swap3A_227 = tpu.vector_load %arg6[%swap3A_225, %swap3A_226] {strides = array<i32>} : memref<16x128xf32, #tpu.memory_space<vmem>>, vector<1x16xf32>,
        %swap3A_228 = vector.shape_cast %swap3A_227 : vector<1x16xf32> to vector<16xf32>
        %swap3A_229 = vector.shape_cast %broadcast_in_dim3A_2 : vector<16xf32> to vector<1x16xf32>
        tpu.vector_store %arg6[%swap3A_225, %swap3A_226], %swap3A_229 {strides = array<i32>} : memref<16x128xf32, #tpu.memory_space<vmem>>, vector<1x16xf32>,
        %swap3A_230 = arith.index_cast %scan3A_194 : i32 to index
        %swap3A_231 = arith.constant 112 : index
        %swap3A_232 = tpu.vector_load %arg6[%swap3A_230, %swap3A_231] {strides = array<i32>} : memref<16x128xf32, #tpu.memory_space<vmem>>, vector<1x16xf32>,
        %swap3A_233 = vector.shape_cast %swap3A_232 : vector<1x16xf32> to vector<16xf32>
        %swap3A_234 = vector.shape_cast %broadcast_in_dim3A_2 : vector<16xf32> to vector<1x16xf32>
        tpu.vector_store %arg6[%swap3A_230, %swap3A_231], %swap3A_234 {strides = array<i32>} : memref<16x128xf32, #tpu.memory_space<vmem>>, vector<1x16xf32>,
        %scan3A_235 = arith.constant 0 : i32
        scf.yield %scan3A_235 : i32
      }
      %scan3A_8 = arith.constant 16 : i32
      %broadcast_in_dim3A_9 = arith.constant 1.000000e+00 : f32
      %broadcast_in_dim3A_10 = vector.broadcast %broadcast_in_dim3A_9 : f32 to vector<16xf32>
      %scan3A_11 = arith.constant 0 : i32
      %scan3A_12 = arith.constant 0 : i32
      %scan3A_13 = arith.constant 80 : i32
      %scan3A_14 = arith.addi %scan3A_12, %scan3A_13 : i32
      %scan3A_15 = arith.constant 1 : i32
      %scan3A_16 = scf.for %scan3A_194 = %scan3A_12 to %scan3A_14 step %scan3A_15 iter_args(%scan3A_195 = %scan3A_11) -> (i32)  : i32 {
        %swap3A = arith.index_cast %scan3A_194 : i32 to index
        %swap3A_196 = arith.constant 0 : index
        %swap3A_197 = tpu.vector_load %arg7[%swap3A, %swap3A_196] {strides = array<i32>} : memref<80x128xf32, #tpu.memory_space<vmem>>, vector<1x16xf32>,
        %swap3A_198 = vector.shape_cast %swap3A_197 : vector<1x16xf32> to vector<16xf32>
        %swap3A_199 = vector.shape_cast %broadcast_in_dim3A_10 : vector<16xf32> to vector<1x16xf32>
        tpu.vector_store %arg7[%swap3A, %swap3A_196], %swap3A_199 {strides = array<i32>} : memref<80x128xf32, #tpu.memory_space<vmem>>, vector<1x16xf32>,
        %swap3A_200 = arith.index_cast %scan3A_194 : i32 to index
        %swap3A_201 = arith.constant 16 : index
        %swap3A_202 = tpu.vector_load %arg7[%swap3A_200, %swap3A_201] {strides = array<i32>} : memref<80x128xf32, #tpu.memory_space<vmem>>, vector<1x16xf32>,
        %swap3A_203 = vector.shape_cast %swap3A_202 : vector<1x16xf32> to vector<16xf32>
        %swap3A_204 = vector.shape_cast %broadcast_in_dim3A_10 : vector<16xf32> to vector<1x16xf32>
        tpu.vector_store %arg7[%swap3A_200, %swap3A_201], %swap3A_204 {strides = array<i32>} : memref<80x128xf32, #tpu.memory_space<vmem>>, vector<1x16xf32>,
        %swap3A_205 = arith.index_cast %scan3A_194 : i32 to index
        %swap3A_206 = arith.constant 32 : index
        %swap3A_207 = tpu.vector_load %arg7[%swap3A_205, %swap3A_206] {strides = array<i32>} : memref<80x128xf32, #tpu.memory_space<vmem>>, vector<1x16xf32>,
        %swap3A_208 = vector.shape_cast %swap3A_207 : vector<1x16xf32> to vector<16xf32>
        %swap3A_209 = vector.shape_cast %broadcast_in_dim3A_10 : vector<16xf32> to vector<1x16xf32>
        tpu.vector_store %arg7[%swap3A_205, %swap3A_206], %swap3A_209 {strides = array<i32>} : memref<80x128xf32, #tpu.memory_space<vmem>>, vector<1x16xf32>,
        %swap3A_210 = arith.index_cast %scan3A_194 : i32 to index
        %swap3A_211 = arith.constant 48 : index
        %swap3A_212 = tpu.vector_load %arg7[%swap3A_210, %swap3A_211] {strides = array<i32>} : memref<80x128xf32, #tpu.memory_space<vmem>>, vector<1x16xf32>,
        %swap3A_213 = vector.shape_cast %swap3A_212 : vector<1x16xf32> to vector<16xf32>
        %swap3A_214 = vector.shape_cast %broadcast_in_dim3A_10 : vector<16xf32> to vector<1x16xf32>
        tpu.vector_store %arg7[%swap3A_210, %swap3A_211], %swap3A_214 {strides = array<i32>} : memref<80x128xf32, #tpu.memory_space<vmem>>, vector<1x16xf32>,
        %swap3A_215 = arith.index_cast %scan3A_194 : i32 to index
        %swap3A_216 = arith.constant 64 : index
        %swap3A_217 = tpu.vector_load %arg7[%swap3A_215, %swap3A_216] {strides = array<i32>} : memref<80x128xf32, #tpu.memory_space<vmem>>, vector<1x16xf32>,
        %swap3A_218 = vector.shape_cast %swap3A_217 : vector<1x16xf32> to vector<16xf32>
        %swap3A_219 = vector.shape_cast %broadcast_in_dim3A_10 : vector<16xf32> to vector<1x16xf32>
        tpu.vector_store %arg7[%swap3A_215, %swap3A_216], %swap3A_219 {strides = array<i32>} : memref<80x128xf32, #tpu.memory_space<vmem>>, vector<1x16xf32>,
        %swap3A_220 = arith.index_cast %scan3A_194 : i32 to index
        %swap3A_221 = arith.constant 80 : index
        %swap3A_222 = tpu.vector_load %arg7[%swap3A_220, %swap3A_221] {strides = array<i32>} : memref<80x128xf32, #tpu.memory_space<vmem>>, vector<1x16xf32>,
        %swap3A_223 = vector.shape_cast %swap3A_222 : vector<1x16xf32> to vector<16xf32>
        %swap3A_224 = vector.shape_cast %broadcast_in_dim3A_10 : vector<16xf32> to vector<1x16xf32>
        tpu.vector_store %arg7[%swap3A_220, %swap3A_221], %swap3A_224 {strides = array<i32>} : memref<80x128xf32, #tpu.memory_space<vmem>>, vector<1x16xf32>,
        %swap3A_225 = arith.index_cast %scan3A_194 : i32 to index
        %swap3A_226 = arith.constant 96 : index
        %swap3A_227 = tpu.vector_load %arg7[%swap3A_225, %swap3A_226] {strides = array<i32>} : memref<80x128xf32, #tpu.memory_space<vmem>>, vector<1x16xf32>,
        %swap3A_228 = vector.shape_cast %swap3A_227 : vector<1x16xf32> to vector<16xf32>
        %swap3A_229 = vector.shape_cast %broadcast_in_dim3A_10 : vector<16xf32> to vector<1x16xf32>
        tpu.vector_store %arg7[%swap3A_225, %swap3A_226], %swap3A_229 {strides = array<i32>} : memref<80x128xf32, #tpu.memory_space<vmem>>, vector<1x16xf32>,
        %swap3A_230 = arith.index_cast %scan3A_194 : i32 to index
        %swap3A_231 = arith.constant 112 : index
        %swap3A_232 = tpu.vector_load %arg7[%swap3A_230, %swap3A_231] {strides = array<i32>} : memref<80x128xf32, #tpu.memory_space<vmem>>, vector<1x16xf32>,
        %swap3A_233 = vector.shape_cast %swap3A_232 : vector<1x16xf32> to vector<16xf32>
        %swap3A_234 = vector.shape_cast %broadcast_in_dim3A_10 : vector<16xf32> to vector<1x16xf32>
        tpu.vector_store %arg7[%swap3A_230, %swap3A_231], %swap3A_234 {strides = array<i32>} : memref<80x128xf32, #tpu.memory_space<vmem>>, vector<1x16xf32>,
        %scan3A_235 = arith.constant 0 : i32
        scf.yield %scan3A_235 : i32
      }
      %scan3A_17 = arith.constant 80 : i32
      %mul3A = arith.constant 624 : i32
      %mul3A_18 = arith.muli %arg1, %mul3A : i32
      %add3A = arith.constant 0 : i32
      %add3A_19 = arith.addi %mul3A_18, %add3A : i32
      "tpu.region"() ({
        %run_scoped3A = tpu.sem_alloc : memref<!tpu.dma_semaphore, #tpu.memory_space<semaphore_mem>>
        %dma_start3A = arith.constant 0 : i32
        %dma_start3A_194 = tpu.memref_slice %arg4[%add3A_19, %dma_start3A] : memref<10000x128xf32, #tpu.memory_space<vmem_shared>> -> memref<16x128xf32, #tpu.memory_space<vmem_shared>>
        %dma_start3A_195 = arith.constant 0 : i32
        %dma_start3A_196 = tpu.memref_slice %arg4[%add3A_19, %dma_start3A_195] : memref<10000x128xf32, #tpu.memory_space<vmem_shared>> -> memref<16x128xf32, #tpu.memory_space<vmem_shared>>
        tpu.enqueue_dma source(%arg6 : memref<16x128xf32, #tpu.memory_space<vmem>>) target(%dma_start3A_196 : memref<16x128xf32, #tpu.memory_space<vmem_shared>>) target_semaphore(%run_scoped3A : memref<!tpu.dma_semaphore, #tpu.memory_space<semaphore_mem>>)
        %dma_wait3A = arith.constant 0 : i32
        %dma_wait3A_197 = tpu.memref_slice %arg4[%add3A_19, %dma_wait3A] : memref<10000x128xf32, #tpu.memory_space<vmem_shared>> -> memref<16x128xf32, #tpu.memory_space<vmem_shared>>
        %dma_wait3A_198 = arith.constant 0 : i32
        %dma_wait3A_199 = tpu.memref_slice %arg4[%add3A_19, %dma_wait3A_198] : memref<10000x128xf32, #tpu.memory_space<vmem_shared>> -> memref<16x128xf32, #tpu.memory_space<vmem_shared>>
        tpu.wait_dma2 semaphore(%run_scoped3A : memref<!tpu.dma_semaphore, #tpu.memory_space<semaphore_mem>>) src(%arg6 : memref<16x128xf32, #tpu.memory_space<vmem>>) dst(%dma_wait3A_199 : memref<16x128xf32, #tpu.memory_space<vmem_shared>>)
        tpu.yield
      }) : () -> ()
      %mul3A_20 = arith.constant 624 : i32
      %mul3A_21 = arith.muli %arg1, %mul3A_20 : i32
      %add3A_22 = arith.constant 16 : i32
      %add3A_23 = arith.addi %mul3A_21, %add3A_22 : i32
      "tpu.region"() ({
        %run_scoped3A = tpu.sem_alloc : memref<!tpu.dma_semaphore, #tpu.memory_space<semaphore_mem>>
        %dma_start3A = arith.constant 0 : i32
        %dma_start3A_194 = tpu.memref_slice %arg4[%add3A_23, %dma_start3A] : memref<10000x128xf32, #tpu.memory_space<vmem_shared>> -> memref<16x128xf32, #tpu.memory_space<vmem_shared>>
        %dma_start3A_195 = arith.constant 0 : i32
        %dma_start3A_196 = tpu.memref_slice %arg4[%add3A_23, %dma_start3A_195] : memref<10000x128xf32, #tpu.memory_space<vmem_shared>> -> memref<16x128xf32, #tpu.memory_space<vmem_shared>>
        tpu.enqueue_dma source(%arg6 : memref<16x128xf32, #tpu.memory_space<vmem>>) target(%dma_start3A_196 : memref<16x128xf32, #tpu.memory_space<vmem_shared>>) target_semaphore(%run_scoped3A : memref<!tpu.dma_semaphore, #tpu.memory_space<semaphore_mem>>)
        %dma_wait3A = arith.constant 0 : i32
        %dma_wait3A_197 = tpu.memref_slice %arg4[%add3A_23, %dma_wait3A] : memref<10000x128xf32, #tpu.memory_space<vmem_shared>> -> memref<16x128xf32, #tpu.memory_space<vmem_shared>>
        %dma_wait3A_198 = arith.constant 0 : i32
        %dma_wait3A_199 = tpu.memref_slice %arg4[%add3A_23, %dma_wait3A_198] : memref<10000x128xf32, #tpu.memory_space<vmem_shared>> -> memref<16x128xf32, #tpu.memory_space<vmem_shared>>
        tpu.wait_dma2 semaphore(%run_scoped3A : memref<!tpu.dma_semaphore, #tpu.memory_space<semaphore_mem>>) src(%arg6 : memref<16x128xf32, #tpu.memory_space<vmem>>) dst(%dma_wait3A_199 : memref<16x128xf32, #tpu.memory_space<vmem_shared>>)
        tpu.yield
      }) : () -> ()
      %mul3A_24 = arith.constant 624 : i32
      %mul3A_25 = arith.muli %arg1, %mul3A_24 : i32
      %add3A_26 = arith.constant 32 : i32
      %add3A_27 = arith.addi %mul3A_25, %add3A_26 : i32
      "tpu.region"() ({
        %run_scoped3A = tpu.sem_alloc : memref<!tpu.dma_semaphore, #tpu.memory_space<semaphore_mem>>
        %dma_start3A = arith.constant 0 : i32
        %dma_start3A_194 = tpu.memref_slice %arg4[%add3A_27, %dma_start3A] : memref<10000x128xf32, #tpu.memory_space<vmem_shared>> -> memref<16x128xf32, #tpu.memory_space<vmem_shared>>
        %dma_start3A_195 = arith.constant 0 : i32
        %dma_start3A_196 = tpu.memref_slice %arg4[%add3A_27, %dma_start3A_195] : memref<10000x128xf32, #tpu.memory_space<vmem_shared>> -> memref<16x128xf32, #tpu.memory_space<vmem_shared>>
        tpu.enqueue_dma source(%arg6 : memref<16x128xf32, #tpu.memory_space<vmem>>) target(%dma_start3A_196 : memref<16x128xf32, #tpu.memory_space<vmem_shared>>) target_semaphore(%run_scoped3A : memref<!tpu.dma_semaphore, #tpu.memory_space<semaphore_mem>>)
        %dma_wait3A = arith.constant 0 : i32
        %dma_wait3A_197 = tpu.memref_slice %arg4[%add3A_27, %dma_wait3A] : memref<10000x128xf32, #tpu.memory_space<vmem_shared>> -> memref<16x128xf32, #tpu.memory_space<vmem_shared>>
        %dma_wait3A_198 = arith.constant 0 : i32
        %dma_wait3A_199 = tpu.memref_slice %arg4[%add3A_27, %dma_wait3A_198] : memref<10000x128xf32, #tpu.memory_space<vmem_shared>> -> memref<16x128xf32, #tpu.memory_space<vmem_shared>>
        tpu.wait_dma2 semaphore(%run_scoped3A : memref<!tpu.dma_semaphore, #tpu.memory_space<semaphore_mem>>) src(%arg6 : memref<16x128xf32, #tpu.memory_space<vmem>>) dst(%dma_wait3A_199 : memref<16x128xf32, #tpu.memory_space<vmem_shared>>)
        tpu.yield
      }) : () -> ()
      %mul3A_28 = arith.constant 624 : i32
      %mul3A_29 = arith.muli %arg1, %mul3A_28 : i32
      %add3A_30 = arith.constant 48 : i32
      %add3A_31 = arith.addi %mul3A_29, %add3A_30 : i32
      "tpu.region"() ({
        %run_scoped3A = tpu.sem_alloc : memref<!tpu.dma_semaphore, #tpu.memory_space<semaphore_mem>>
        %dma_start3A = arith.constant 0 : i32
        %dma_start3A_194 = tpu.memref_slice %arg4[%add3A_31, %dma_start3A] : memref<10000x128xf32, #tpu.memory_space<vmem_shared>> -> memref<16x128xf32, #tpu.memory_space<vmem_shared>>
        %dma_start3A_195 = arith.constant 0 : i32
        %dma_start3A_196 = tpu.memref_slice %arg4[%add3A_31, %dma_start3A_195] : memref<10000x128xf32, #tpu.memory_space<vmem_shared>> -> memref<16x128xf32, #tpu.memory_space<vmem_shared>>
        tpu.enqueue_dma source(%arg6 : memref<16x128xf32, #tpu.memory_space<vmem>>) target(%dma_start3A_196 : memref<16x128xf32, #tpu.memory_space<vmem_shared>>) target_semaphore(%run_scoped3A : memref<!tpu.dma_semaphore, #tpu.memory_space<semaphore_mem>>)
        %dma_wait3A = arith.constant 0 : i32
        %dma_wait3A_197 = tpu.memref_slice %arg4[%add3A_31, %dma_wait3A] : memref<10000x128xf32, #tpu.memory_space<vmem_shared>> -> memref<16x128xf32, #tpu.memory_space<vmem_shared>>
        %dma_wait3A_198 = arith.constant 0 : i32
        %dma_wait3A_199 = tpu.memref_slice %arg4[%add3A_31, %dma_wait3A_198] : memref<10000x128xf32, #tpu.memory_space<vmem_shared>> -> memref<16x128xf32, #tpu.memory_space<vmem_shared>>
        tpu.wait_dma2 semaphore(%run_scoped3A : memref<!tpu.dma_semaphore, #tpu.memory_space<semaphore_mem>>) src(%arg6 : memref<16x128xf32, #tpu.memory_space<vmem>>) dst(%dma_wait3A_199 : memref<16x128xf32, #tpu.memory_space<vmem_shared>>)
        tpu.yield
      }) : () -> ()
      %mul3A_32 = arith.constant 624 : i32
      %mul3A_33 = arith.muli %arg1, %mul3A_32 : i32
      %add3A_34 = arith.constant 64 : i32
      %add3A_35 = arith.addi %mul3A_33, %add3A_34 : i32
      "tpu.region"() ({
        %run_scoped3A = tpu.sem_alloc : memref<!tpu.dma_semaphore, #tpu.memory_space<semaphore_mem>>
        %dma_start3A = arith.constant 0 : i32
        %dma_start3A_194 = tpu.memref_slice %arg4[%add3A_35, %dma_start3A] : memref<10000x128xf32, #tpu.memory_space<vmem_shared>> -> memref<16x128xf32, #tpu.memory_space<vmem_shared>>
        %dma_start3A_195 = arith.constant 0 : i32
        %dma_start3A_196 = tpu.memref_slice %arg4[%add3A_35, %dma_start3A_195] : memref<10000x128xf32, #tpu.memory_space<vmem_shared>> -> memref<16x128xf32, #tpu.memory_space<vmem_shared>>
        tpu.enqueue_dma source(%arg6 : memref<16x128xf32, #tpu.memory_space<vmem>>) target(%dma_start3A_196 : memref<16x128xf32, #tpu.memory_space<vmem_shared>>) target_semaphore(%run_scoped3A : memref<!tpu.dma_semaphore, #tpu.memory_space<semaphore_mem>>)
        %dma_wait3A = arith.constant 0 : i32
        %dma_wait3A_197 = tpu.memref_slice %arg4[%add3A_35, %dma_wait3A] : memref<10000x128xf32, #tpu.memory_space<vmem_shared>> -> memref<16x128xf32, #tpu.memory_space<vmem_shared>>
        %dma_wait3A_198 = arith.constant 0 : i32
        %dma_wait3A_199 = tpu.memref_slice %arg4[%add3A_35, %dma_wait3A_198] : memref<10000x128xf32, #tpu.memory_space<vmem_shared>> -> memref<16x128xf32, #tpu.memory_space<vmem_shared>>
        tpu.wait_dma2 semaphore(%run_scoped3A : memref<!tpu.dma_semaphore, #tpu.memory_space<semaphore_mem>>) src(%arg6 : memref<16x128xf32, #tpu.memory_space<vmem>>) dst(%dma_wait3A_199 : memref<16x128xf32, #tpu.memory_space<vmem_shared>>)
        tpu.yield
      }) : () -> ()
      %mul3A_36 = arith.constant 624 : i32
      %mul3A_37 = arith.muli %arg1, %mul3A_36 : i32
      %add3A_38 = arith.constant 80 : i32
      %add3A_39 = arith.addi %mul3A_37, %add3A_38 : i32
      "tpu.region"() ({
        %run_scoped3A = tpu.sem_alloc : memref<!tpu.dma_semaphore, #tpu.memory_space<semaphore_mem>>
        %dma_start3A = arith.constant 0 : i32
        %dma_start3A_194 = tpu.memref_slice %arg4[%add3A_39, %dma_start3A] : memref<10000x128xf32, #tpu.memory_space<vmem_shared>> -> memref<16x128xf32, #tpu.memory_space<vmem_shared>>
        %dma_start3A_195 = arith.constant 0 : i32
        %dma_start3A_196 = tpu.memref_slice %arg4[%add3A_39, %dma_start3A_195] : memref<10000x128xf32, #tpu.memory_space<vmem_shared>> -> memref<16x128xf32, #tpu.memory_space<vmem_shared>>
        tpu.enqueue_dma source(%arg6 : memref<16x128xf32, #tpu.memory_space<vmem>>) target(%dma_start3A_196 : memref<16x128xf32, #tpu.memory_space<vmem_shared>>) target_semaphore(%run_scoped3A : memref<!tpu.dma_semaphore, #tpu.memory_space<semaphore_mem>>)
        %dma_wait3A = arith.constant 0 : i32
        %dma_wait3A_197 = tpu.memref_slice %arg4[%add3A_39, %dma_wait3A] : memref<10000x128xf32, #tpu.memory_space<vmem_shared>> -> memref<16x128xf32, #tpu.memory_space<vmem_shared>>
        %dma_wait3A_198 = arith.constant 0 : i32
        %dma_wait3A_199 = tpu.memref_slice %arg4[%add3A_39, %dma_wait3A_198] : memref<10000x128xf32, #tpu.memory_space<vmem_shared>> -> memref<16x128xf32, #tpu.memory_space<vmem_shared>>
        tpu.wait_dma2 semaphore(%run_scoped3A : memref<!tpu.dma_semaphore, #tpu.memory_space<semaphore_mem>>) src(%arg6 : memref<16x128xf32, #tpu.memory_space<vmem>>) dst(%dma_wait3A_199 : memref<16x128xf32, #tpu.memory_space<vmem_shared>>)
        tpu.yield
      }) : () -> ()
      %mul3A_40 = arith.constant 624 : i32
      %mul3A_41 = arith.muli %arg1, %mul3A_40 : i32
      %add3A_42 = arith.constant 96 : i32
      %add3A_43 = arith.addi %mul3A_41, %add3A_42 : i32
      "tpu.region"() ({
        %run_scoped3A = tpu.sem_alloc : memref<!tpu.dma_semaphore, #tpu.memory_space<semaphore_mem>>
        %dma_start3A = arith.constant 0 : i32
        %dma_start3A_194 = tpu.memref_slice %arg4[%add3A_43, %dma_start3A] : memref<10000x128xf32, #tpu.memory_space<vmem_shared>> -> memref<16x128xf32, #tpu.memory_space<vmem_shared>>
        %dma_start3A_195 = arith.constant 0 : i32
        %dma_start3A_196 = tpu.memref_slice %arg4[%add3A_43, %dma_start3A_195] : memref<10000x128xf32, #tpu.memory_space<vmem_shared>> -> memref<16x128xf32, #tpu.memory_space<vmem_shared>>
        tpu.enqueue_dma source(%arg6 : memref<16x128xf32, #tpu.memory_space<vmem>>) target(%dma_start3A_196 : memref<16x128xf32, #tpu.memory_space<vmem_shared>>) target_semaphore(%run_scoped3A : memref<!tpu.dma_semaphore, #tpu.memory_space<semaphore_mem>>)
        %dma_wait3A = arith.constant 0 : i32
        %dma_wait3A_197 = tpu.memref_slice %arg4[%add3A_43, %dma_wait3A] : memref<10000x128xf32, #tpu.memory_space<vmem_shared>> -> memref<16x128xf32, #tpu.memory_space<vmem_shared>>
        %dma_wait3A_198 = arith.constant 0 : i32
        %dma_wait3A_199 = tpu.memref_slice %arg4[%add3A_43, %dma_wait3A_198] : memref<10000x128xf32, #tpu.memory_space<vmem_shared>> -> memref<16x128xf32, #tpu.memory_space<vmem_shared>>
        tpu.wait_dma2 semaphore(%run_scoped3A : memref<!tpu.dma_semaphore, #tpu.memory_space<semaphore_mem>>) src(%arg6 : memref<16x128xf32, #tpu.memory_space<vmem>>) dst(%dma_wait3A_199 : memref<16x128xf32, #tpu.memory_space<vmem_shared>>)
        tpu.yield
      }) : () -> ()
      %mul3A_44 = arith.constant 624 : i32
      %mul3A_45 = arith.muli %arg1, %mul3A_44 : i32
      %add3A_46 = arith.constant 112 : i32
      %add3A_47 = arith.addi %mul3A_45, %add3A_46 : i32
      "tpu.region"() ({
        %run_scoped3A = tpu.sem_alloc : memref<!tpu.dma_semaphore, #tpu.memory_space<semaphore_mem>>
        %dma_start3A = arith.constant 0 : i32
        %dma_start3A_194 = tpu.memref_slice %arg4[%add3A_47, %dma_start3A] : memref<10000x128xf32, #tpu.memory_space<vmem_shared>> -> memref<16x128xf32, #tpu.memory_space<vmem_shared>>
        %dma_start3A_195 = arith.constant 0 : i32
        %dma_start3A_196 = tpu.memref_slice %arg4[%add3A_47, %dma_start3A_195] : memref<10000x128xf32, #tpu.memory_space<vmem_shared>> -> memref<16x128xf32, #tpu.memory_space<vmem_shared>>
        tpu.enqueue_dma source(%arg6 : memref<16x128xf32, #tpu.memory_space<vmem>>) target(%dma_start3A_196 : memref<16x128xf32, #tpu.memory_space<vmem_shared>>) target_semaphore(%run_scoped3A : memref<!tpu.dma_semaphore, #tpu.memory_space<semaphore_mem>>)
        %dma_wait3A = arith.constant 0 : i32
        %dma_wait3A_197 = tpu.memref_slice %arg4[%add3A_47, %dma_wait3A] : memref<10000x128xf32, #tpu.memory_space<vmem_shared>> -> memref<16x128xf32, #tpu.memory_space<vmem_shared>>
        %dma_wait3A_198 = arith.constant 0 : i32
        %dma_wait3A_199 = tpu.memref_slice %arg4[%add3A_47, %dma_wait3A_198] : memref<10000x128xf32, #tpu.memory_space<vmem_shared>> -> memref<16x128xf32, #tpu.memory_space<vmem_shared>>
        tpu.wait_dma2 semaphore(%run_scoped3A : memref<!tpu.dma_semaphore, #tpu.memory_space<semaphore_mem>>) src(%arg6 : memref<16x128xf32, #tpu.memory_space<vmem>>) dst(%dma_wait3A_199 : memref<16x128xf32, #tpu.memory_space<vmem_shared>>)
        tpu.yield
      }) : () -> ()
      %mul3A_48 = arith.constant 624 : i32
      %mul3A_49 = arith.muli %arg1, %mul3A_48 : i32
      %add3A_50 = arith.constant 128 : i32
      %add3A_51 = arith.addi %mul3A_49, %add3A_50 : i32
      "tpu.region"() ({
        %run_scoped3A = tpu.sem_alloc : memref<!tpu.dma_semaphore, #tpu.memory_space<semaphore_mem>>
        %dma_start3A = arith.constant 0 : i32
        %dma_start3A_194 = tpu.memref_slice %arg4[%add3A_51, %dma_start3A] : memref<10000x128xf32, #tpu.memory_space<vmem_shared>> -> memref<16x128xf32, #tpu.memory_space<vmem_shared>>
        %dma_start3A_195 = arith.constant 0 : i32
        %dma_start3A_196 = tpu.memref_slice %arg4[%add3A_51, %dma_start3A_195] : memref<10000x128xf32, #tpu.memory_space<vmem_shared>> -> memref<16x128xf32, #tpu.memory_space<vmem_shared>>
        tpu.enqueue_dma source(%arg6 : memref<16x128xf32, #tpu.memory_space<vmem>>) target(%dma_start3A_196 : memref<16x128xf32, #tpu.memory_space<vmem_shared>>) target_semaphore(%run_scoped3A : memref<!tpu.dma_semaphore, #tpu.memory_space<semaphore_mem>>)
        %dma_wait3A = arith.constant 0 : i32
        %dma_wait3A_197 = tpu.memref_slice %arg4[%add3A_51, %dma_wait3A] : memref<10000x128xf32, #tpu.memory_space<vmem_shared>> -> memref<16x128xf32, #tpu.memory_space<vmem_shared>>
        %dma_wait3A_198 = arith.constant 0 : i32
        %dma_wait3A_199 = tpu.memref_slice %arg4[%add3A_51, %dma_wait3A_198] : memref<10000x128xf32, #tpu.memory_space<vmem_shared>> -> memref<16x128xf32, #tpu.memory_space<vmem_shared>>
        tpu.wait_dma2 semaphore(%run_scoped3A : memref<!tpu.dma_semaphore, #tpu.memory_space<semaphore_mem>>) src(%arg6 : memref<16x128xf32, #tpu.memory_space<vmem>>) dst(%dma_wait3A_199 : memref<16x128xf32, #tpu.memory_space<vmem_shared>>)
        tpu.yield
      }) : () -> ()
      %mul3A_52 = arith.constant 624 : i32
      %mul3A_53 = arith.muli %arg1, %mul3A_52 : i32
      %add3A_54 = arith.constant 144 : i32
      %add3A_55 = arith.addi %mul3A_53, %add3A_54 : i32
      "tpu.region"() ({
        %run_scoped3A = tpu.sem_alloc : memref<!tpu.dma_semaphore, #tpu.memory_space<semaphore_mem>>
        %dma_start3A = arith.constant 0 : i32
        %dma_start3A_194 = tpu.memref_slice %arg4[%add3A_55, %dma_start3A] : memref<10000x128xf32, #tpu.memory_space<vmem_shared>> -> memref<16x128xf32, #tpu.memory_space<vmem_shared>>
        %dma_start3A_195 = arith.constant 0 : i32
        %dma_start3A_196 = tpu.memref_slice %arg4[%add3A_55, %dma_start3A_195] : memref<10000x128xf32, #tpu.memory_space<vmem_shared>> -> memref<16x128xf32, #tpu.memory_space<vmem_shared>>
        tpu.enqueue_dma source(%arg6 : memref<16x128xf32, #tpu.memory_space<vmem>>) target(%dma_start3A_196 : memref<16x128xf32, #tpu.memory_space<vmem_shared>>) target_semaphore(%run_scoped3A : memref<!tpu.dma_semaphore, #tpu.memory_space<semaphore_mem>>)
        %dma_wait3A = arith.constant 0 : i32
        %dma_wait3A_197 = tpu.memref_slice %arg4[%add3A_55, %dma_wait3A] : memref<10000x128xf32, #tpu.memory_space<vmem_shared>> -> memref<16x128xf32, #tpu.memory_space<vmem_shared>>
        %dma_wait3A_198 = arith.constant 0 : i32
        %dma_wait3A_199 = tpu.memref_slice %arg4[%add3A_55, %dma_wait3A_198] : memref<10000x128xf32, #tpu.memory_space<vmem_shared>> -> memref<16x128xf32, #tpu.memory_space<vmem_shared>>
        tpu.wait_dma2 semaphore(%run_scoped3A : memref<!tpu.dma_semaphore, #tpu.memory_space<semaphore_mem>>) src(%arg6 : memref<16x128xf32, #tpu.memory_space<vmem>>) dst(%dma_wait3A_199 : memref<16x128xf32, #tpu.memory_space<vmem_shared>>)
        tpu.yield
      }) : () -> ()
      %mul3A_56 = arith.constant 624 : i32
      %mul3A_57 = arith.muli %arg1, %mul3A_56 : i32
      %add3A_58 = arith.constant 160 : i32
      %add3A_59 = arith.addi %mul3A_57, %add3A_58 : i32
      "tpu.region"() ({
        %run_scoped3A = tpu.sem_alloc : memref<!tpu.dma_semaphore, #tpu.memory_space<semaphore_mem>>
        %dma_start3A = arith.constant 0 : i32
        %dma_start3A_194 = tpu.memref_slice %arg4[%add3A_59, %dma_start3A] : memref<10000x128xf32, #tpu.memory_space<vmem_shared>> -> memref<16x128xf32, #tpu.memory_space<vmem_shared>>
        %dma_start3A_195 = arith.constant 0 : i32
        %dma_start3A_196 = tpu.memref_slice %arg4[%add3A_59, %dma_start3A_195] : memref<10000x128xf32, #tpu.memory_space<vmem_shared>> -> memref<16x128xf32, #tpu.memory_space<vmem_shared>>
        tpu.enqueue_dma source(%arg6 : memref<16x128xf32, #tpu.memory_space<vmem>>) target(%dma_start3A_196 : memref<16x128xf32, #tpu.memory_space<vmem_shared>>) target_semaphore(%run_scoped3A : memref<!tpu.dma_semaphore, #tpu.memory_space<semaphore_mem>>)
        %dma_wait3A = arith.constant 0 : i32
        %dma_wait3A_197 = tpu.memref_slice %arg4[%add3A_59, %dma_wait3A] : memref<10000x128xf32, #tpu.memory_space<vmem_shared>> -> memref<16x128xf32, #tpu.memory_space<vmem_shared>>
        %dma_wait3A_198 = arith.constant 0 : i32
        %dma_wait3A_199 = tpu.memref_slice %arg4[%add3A_59, %dma_wait3A_198] : memref<10000x128xf32, #tpu.memory_space<vmem_shared>> -> memref<16x128xf32, #tpu.memory_space<vmem_shared>>
        tpu.wait_dma2 semaphore(%run_scoped3A : memref<!tpu.dma_semaphore, #tpu.memory_space<semaphore_mem>>) src(%arg6 : memref<16x128xf32, #tpu.memory_space<vmem>>) dst(%dma_wait3A_199 : memref<16x128xf32, #tpu.memory_space<vmem_shared>>)
        tpu.yield
      }) : () -> ()
      %mul3A_60 = arith.constant 624 : i32
      %mul3A_61 = arith.muli %arg1, %mul3A_60 : i32
      %add3A_62 = arith.constant 176 : i32
      %add3A_63 = arith.addi %mul3A_61, %add3A_62 : i32
      "tpu.region"() ({
        %run_scoped3A = tpu.sem_alloc : memref<!tpu.dma_semaphore, #tpu.memory_space<semaphore_mem>>
        %dma_start3A = arith.constant 0 : i32
        %dma_start3A_194 = tpu.memref_slice %arg4[%add3A_63, %dma_start3A] : memref<10000x128xf32, #tpu.memory_space<vmem_shared>> -> memref<16x128xf32, #tpu.memory_space<vmem_shared>>
        %dma_start3A_195 = arith.constant 0 : i32
        %dma_start3A_196 = tpu.memref_slice %arg4[%add3A_63, %dma_start3A_195] : memref<10000x128xf32, #tpu.memory_space<vmem_shared>> -> memref<16x128xf32, #tpu.memory_space<vmem_shared>>
        tpu.enqueue_dma source(%arg6 : memref<16x128xf32, #tpu.memory_space<vmem>>) target(%dma_start3A_196 : memref<16x128xf32, #tpu.memory_space<vmem_shared>>) target_semaphore(%run_scoped3A : memref<!tpu.dma_semaphore, #tpu.memory_space<semaphore_mem>>)
        %dma_wait3A = arith.constant 0 : i32
        %dma_wait3A_197 = tpu.memref_slice %arg4[%add3A_63, %dma_wait3A] : memref<10000x128xf32, #tpu.memory_space<vmem_shared>> -> memref<16x128xf32, #tpu.memory_space<vmem_shared>>
        %dma_wait3A_198 = arith.constant 0 : i32
        %dma_wait3A_199 = tpu.memref_slice %arg4[%add3A_63, %dma_wait3A_198] : memref<10000x128xf32, #tpu.memory_space<vmem_shared>> -> memref<16x128xf32, #tpu.memory_space<vmem_shared>>
        tpu.wait_dma2 semaphore(%run_scoped3A : memref<!tpu.dma_semaphore, #tpu.memory_space<semaphore_mem>>) src(%arg6 : memref<16x128xf32, #tpu.memory_space<vmem>>) dst(%dma_wait3A_199 : memref<16x128xf32, #tpu.memory_space<vmem_shared>>)
        tpu.yield
      }) : () -> ()
      %mul3A_64 = arith.constant 624 : i32
      %mul3A_65 = arith.muli %arg1, %mul3A_64 : i32
      %add3A_66 = arith.constant 192 : i32
      %add3A_67 = arith.addi %mul3A_65, %add3A_66 : i32
      "tpu.region"() ({
        %run_scoped3A = tpu.sem_alloc : memref<!tpu.dma_semaphore, #tpu.memory_space<semaphore_mem>>
        %dma_start3A = arith.constant 0 : i32
        %dma_start3A_194 = tpu.memref_slice %arg4[%add3A_67, %dma_start3A] : memref<10000x128xf32, #tpu.memory_space<vmem_shared>> -> memref<16x128xf32, #tpu.memory_space<vmem_shared>>
        %dma_start3A_195 = arith.constant 0 : i32
        %dma_start3A_196 = tpu.memref_slice %arg4[%add3A_67, %dma_start3A_195] : memref<10000x128xf32, #tpu.memory_space<vmem_shared>> -> memref<16x128xf32, #tpu.memory_space<vmem_shared>>
        tpu.enqueue_dma source(%arg6 : memref<16x128xf32, #tpu.memory_space<vmem>>) target(%dma_start3A_196 : memref<16x128xf32, #tpu.memory_space<vmem_shared>>) target_semaphore(%run_scoped3A : memref<!tpu.dma_semaphore, #tpu.memory_space<semaphore_mem>>)
        %dma_wait3A = arith.constant 0 : i32
        %dma_wait3A_197 = tpu.memref_slice %arg4[%add3A_67, %dma_wait3A] : memref<10000x128xf32, #tpu.memory_space<vmem_shared>> -> memref<16x128xf32, #tpu.memory_space<vmem_shared>>
        %dma_wait3A_198 = arith.constant 0 : i32
        %dma_wait3A_199 = tpu.memref_slice %arg4[%add3A_67, %dma_wait3A_198] : memref<10000x128xf32, #tpu.memory_space<vmem_shared>> -> memref<16x128xf32, #tpu.memory_space<vmem_shared>>
        tpu.wait_dma2 semaphore(%run_scoped3A : memref<!tpu.dma_semaphore, #tpu.memory_space<semaphore_mem>>) src(%arg6 : memref<16x128xf32, #tpu.memory_space<vmem>>) dst(%dma_wait3A_199 : memref<16x128xf32, #tpu.memory_space<vmem_shared>>)
        tpu.yield
      }) : () -> ()
      %mul3A_68 = arith.constant 624 : i32
      %mul3A_69 = arith.muli %arg1, %mul3A_68 : i32
      %add3A_70 = arith.constant 208 : i32
      %add3A_71 = arith.addi %mul3A_69, %add3A_70 : i32
      "tpu.region"() ({
        %run_scoped3A = tpu.sem_alloc : memref<!tpu.dma_semaphore, #tpu.memory_space<semaphore_mem>>
        %dma_start3A = arith.constant 0 : i32
        %dma_start3A_194 = tpu.memref_slice %arg4[%add3A_71, %dma_start3A] : memref<10000x128xf32, #tpu.memory_space<vmem_shared>> -> memref<16x128xf32, #tpu.memory_space<vmem_shared>>
        %dma_start3A_195 = arith.constant 0 : i32
        %dma_start3A_196 = tpu.memref_slice %arg4[%add3A_71, %dma_start3A_195] : memref<10000x128xf32, #tpu.memory_space<vmem_shared>> -> memref<16x128xf32, #tpu.memory_space<vmem_shared>>
        tpu.enqueue_dma source(%arg6 : memref<16x128xf32, #tpu.memory_space<vmem>>) target(%dma_start3A_196 : memref<16x128xf32, #tpu.memory_space<vmem_shared>>) target_semaphore(%run_scoped3A : memref<!tpu.dma_semaphore, #tpu.memory_space<semaphore_mem>>)
        %dma_wait3A = arith.constant 0 : i32
        %dma_wait3A_197 = tpu.memref_slice %arg4[%add3A_71, %dma_wait3A] : memref<10000x128xf32, #tpu.memory_space<vmem_shared>> -> memref<16x128xf32, #tpu.memory_space<vmem_shared>>
        %dma_wait3A_198 = arith.constant 0 : i32
        %dma_wait3A_199 = tpu.memref_slice %arg4[%add3A_71, %dma_wait3A_198] : memref<10000x128xf32, #tpu.memory_space<vmem_shared>> -> memref<16x128xf32, #tpu.memory_space<vmem_shared>>
        tpu.wait_dma2 semaphore(%run_scoped3A : memref<!tpu.dma_semaphore, #tpu.memory_space<semaphore_mem>>) src(%arg6 : memref<16x128xf32, #tpu.memory_space<vmem>>) dst(%dma_wait3A_199 : memref<16x128xf32, #tpu.memory_space<vmem_shared>>)
        tpu.yield
      }) : () -> ()
      %mul3A_72 = arith.constant 624 : i32
      %mul3A_73 = arith.muli %arg1, %mul3A_72 : i32
      %add3A_74 = arith.constant 224 : i32
      %add3A_75 = arith.addi %mul3A_73, %add3A_74 : i32
      "tpu.region"() ({
        %run_scoped3A = tpu.sem_alloc : memref<!tpu.dma_semaphore, #tpu.memory_space<semaphore_mem>>
        %dma_start3A = arith.constant 0 : i32
        %dma_start3A_194 = tpu.memref_slice %arg4[%add3A_75, %dma_start3A] : memref<10000x128xf32, #tpu.memory_space<vmem_shared>> -> memref<16x128xf32, #tpu.memory_space<vmem_shared>>
        %dma_start3A_195 = arith.constant 0 : i32
        %dma_start3A_196 = tpu.memref_slice %arg4[%add3A_75, %dma_start3A_195] : memref<10000x128xf32, #tpu.memory_space<vmem_shared>> -> memref<16x128xf32, #tpu.memory_space<vmem_shared>>
        tpu.enqueue_dma source(%arg6 : memref<16x128xf32, #tpu.memory_space<vmem>>) target(%dma_start3A_196 : memref<16x128xf32, #tpu.memory_space<vmem_shared>>) target_semaphore(%run_scoped3A : memref<!tpu.dma_semaphore, #tpu.memory_space<semaphore_mem>>)
        %dma_wait3A = arith.constant 0 : i32
        %dma_wait3A_197 = tpu.memref_slice %arg4[%add3A_75, %dma_wait3A] : memref<10000x128xf32, #tpu.memory_space<vmem_shared>> -> memref<16x128xf32, #tpu.memory_space<vmem_shared>>
        %dma_wait3A_198 = arith.constant 0 : i32
        %dma_wait3A_199 = tpu.memref_slice %arg4[%add3A_75, %dma_wait3A_198] : memref<10000x128xf32, #tpu.memory_space<vmem_shared>> -> memref<16x128xf32, #tpu.memory_space<vmem_shared>>
        tpu.wait_dma2 semaphore(%run_scoped3A : memref<!tpu.dma_semaphore, #tpu.memory_space<semaphore_mem>>) src(%arg6 : memref<16x128xf32, #tpu.memory_space<vmem>>) dst(%dma_wait3A_199 : memref<16x128xf32, #tpu.memory_space<vmem_shared>>)
        tpu.yield
      }) : () -> ()
      %mul3A_76 = arith.constant 624 : i32
      %mul3A_77 = arith.muli %arg1, %mul3A_76 : i32
      %add3A_78 = arith.constant 240 : i32
      %add3A_79 = arith.addi %mul3A_77, %add3A_78 : i32
      "tpu.region"() ({
        %run_scoped3A = tpu.sem_alloc : memref<!tpu.dma_semaphore, #tpu.memory_space<semaphore_mem>>
        %dma_start3A = arith.constant 0 : i32
        %dma_start3A_194 = tpu.memref_slice %arg4[%add3A_79, %dma_start3A] : memref<10000x128xf32, #tpu.memory_space<vmem_shared>> -> memref<16x128xf32, #tpu.memory_space<vmem_shared>>
        %dma_start3A_195 = arith.constant 0 : i32
        %dma_start3A_196 = tpu.memref_slice %arg4[%add3A_79, %dma_start3A_195] : memref<10000x128xf32, #tpu.memory_space<vmem_shared>> -> memref<16x128xf32, #tpu.memory_space<vmem_shared>>
        tpu.enqueue_dma source(%arg6 : memref<16x128xf32, #tpu.memory_space<vmem>>) target(%dma_start3A_196 : memref<16x128xf32, #tpu.memory_space<vmem_shared>>) target_semaphore(%run_scoped3A : memref<!tpu.dma_semaphore, #tpu.memory_space<semaphore_mem>>)
        %dma_wait3A = arith.constant 0 : i32
        %dma_wait3A_197 = tpu.memref_slice %arg4[%add3A_79, %dma_wait3A] : memref<10000x128xf32, #tpu.memory_space<vmem_shared>> -> memref<16x128xf32, #tpu.memory_space<vmem_shared>>
        %dma_wait3A_198 = arith.constant 0 : i32
        %dma_wait3A_199 = tpu.memref_slice %arg4[%add3A_79, %dma_wait3A_198] : memref<10000x128xf32, #tpu.memory_space<vmem_shared>> -> memref<16x128xf32, #tpu.memory_space<vmem_shared>>
        tpu.wait_dma2 semaphore(%run_scoped3A : memref<!tpu.dma_semaphore, #tpu.memory_space<semaphore_mem>>) src(%arg6 : memref<16x128xf32, #tpu.memory_space<vmem>>) dst(%dma_wait3A_199 : memref<16x128xf32, #tpu.memory_space<vmem_shared>>)
        tpu.yield
      }) : () -> ()
      %mul3A_80 = arith.constant 624 : i32
      %mul3A_81 = arith.muli %arg1, %mul3A_80 : i32
      %add3A_82 = arith.constant 256 : i32
      %add3A_83 = arith.addi %mul3A_81, %add3A_82 : i32
      "tpu.region"() ({
        %run_scoped3A = tpu.sem_alloc : memref<!tpu.dma_semaphore, #tpu.memory_space<semaphore_mem>>
        %dma_start3A = arith.constant 0 : i32
        %dma_start3A_194 = tpu.memref_slice %arg4[%add3A_83, %dma_start3A] : memref<10000x128xf32, #tpu.memory_space<vmem_shared>> -> memref<16x128xf32, #tpu.memory_space<vmem_shared>>
        %dma_start3A_195 = arith.constant 0 : i32
        %dma_start3A_196 = tpu.memref_slice %arg4[%add3A_83, %dma_start3A_195] : memref<10000x128xf32, #tpu.memory_space<vmem_shared>> -> memref<16x128xf32, #tpu.memory_space<vmem_shared>>
        tpu.enqueue_dma source(%arg6 : memref<16x128xf32, #tpu.memory_space<vmem>>) target(%dma_start3A_196 : memref<16x128xf32, #tpu.memory_space<vmem_shared>>) target_semaphore(%run_scoped3A : memref<!tpu.dma_semaphore, #tpu.memory_space<semaphore_mem>>)
        %dma_wait3A = arith.constant 0 : i32
        %dma_wait3A_197 = tpu.memref_slice %arg4[%add3A_83, %dma_wait3A] : memref<10000x128xf32, #tpu.memory_space<vmem_shared>> -> memref<16x128xf32, #tpu.memory_space<vmem_shared>>
        %dma_wait3A_198 = arith.constant 0 : i32
        %dma_wait3A_199 = tpu.memref_slice %arg4[%add3A_83, %dma_wait3A_198] : memref<10000x128xf32, #tpu.memory_space<vmem_shared>> -> memref<16x128xf32, #tpu.memory_space<vmem_shared>>
        tpu.wait_dma2 semaphore(%run_scoped3A : memref<!tpu.dma_semaphore, #tpu.memory_space<semaphore_mem>>) src(%arg6 : memref<16x128xf32, #tpu.memory_space<vmem>>) dst(%dma_wait3A_199 : memref<16x128xf32, #tpu.memory_space<vmem_shared>>)
        tpu.yield
      }) : () -> ()
      %mul3A_84 = arith.constant 624 : i32
      %mul3A_85 = arith.muli %arg1, %mul3A_84 : i32
      %add3A_86 = arith.constant 272 : i32
      %add3A_87 = arith.addi %mul3A_85, %add3A_86 : i32
      "tpu.region"() ({
        %run_scoped3A = tpu.sem_alloc : memref<!tpu.dma_semaphore, #tpu.memory_space<semaphore_mem>>
        %dma_start3A = arith.constant 0 : i32
        %dma_start3A_194 = tpu.memref_slice %arg4[%add3A_87, %dma_start3A] : memref<10000x128xf32, #tpu.memory_space<vmem_shared>> -> memref<16x128xf32, #tpu.memory_space<vmem_shared>>
        %dma_start3A_195 = arith.constant 0 : i32
        %dma_start3A_196 = tpu.memref_slice %arg4[%add3A_87, %dma_start3A_195] : memref<10000x128xf32, #tpu.memory_space<vmem_shared>> -> memref<16x128xf32, #tpu.memory_space<vmem_shared>>
        tpu.enqueue_dma source(%arg6 : memref<16x128xf32, #tpu.memory_space<vmem>>) target(%dma_start3A_196 : memref<16x128xf32, #tpu.memory_space<vmem_shared>>) target_semaphore(%run_scoped3A : memref<!tpu.dma_semaphore, #tpu.memory_space<semaphore_mem>>)
        %dma_wait3A = arith.constant 0 : i32
        %dma_wait3A_197 = tpu.memref_slice %arg4[%add3A_87, %dma_wait3A] : memref<10000x128xf32, #tpu.memory_space<vmem_shared>> -> memref<16x128xf32, #tpu.memory_space<vmem_shared>>
        %dma_wait3A_198 = arith.constant 0 : i32
        %dma_wait3A_199 = tpu.memref_slice %arg4[%add3A_87, %dma_wait3A_198] : memref<10000x128xf32, #tpu.memory_space<vmem_shared>> -> memref<16x128xf32, #tpu.memory_space<vmem_shared>>
        tpu.wait_dma2 semaphore(%run_scoped3A : memref<!tpu.dma_semaphore, #tpu.memory_space<semaphore_mem>>) src(%arg6 : memref<16x128xf32, #tpu.memory_space<vmem>>) dst(%dma_wait3A_199 : memref<16x128xf32, #tpu.memory_space<vmem_shared>>)
        tpu.yield
      }) : () -> ()
      %mul3A_88 = arith.constant 624 : i32
      %mul3A_89 = arith.muli %arg1, %mul3A_88 : i32
      %add3A_90 = arith.constant 288 : i32
      %add3A_91 = arith.addi %mul3A_89, %add3A_90 : i32
      "tpu.region"() ({
        %run_scoped3A = tpu.sem_alloc : memref<!tpu.dma_semaphore, #tpu.memory_space<semaphore_mem>>
        %dma_start3A = arith.constant 0 : i32
        %dma_start3A_194 = tpu.memref_slice %arg4[%add3A_91, %dma_start3A] : memref<10000x128xf32, #tpu.memory_space<vmem_shared>> -> memref<16x128xf32, #tpu.memory_space<vmem_shared>>
        %dma_start3A_195 = arith.constant 0 : i32
        %dma_start3A_196 = tpu.memref_slice %arg4[%add3A_91, %dma_start3A_195] : memref<10000x128xf32, #tpu.memory_space<vmem_shared>> -> memref<16x128xf32, #tpu.memory_space<vmem_shared>>
        tpu.enqueue_dma source(%arg6 : memref<16x128xf32, #tpu.memory_space<vmem>>) target(%dma_start3A_196 : memref<16x128xf32, #tpu.memory_space<vmem_shared>>) target_semaphore(%run_scoped3A : memref<!tpu.dma_semaphore, #tpu.memory_space<semaphore_mem>>)
        %dma_wait3A = arith.constant 0 : i32
        %dma_wait3A_197 = tpu.memref_slice %arg4[%add3A_91, %dma_wait3A] : memref<10000x128xf32, #tpu.memory_space<vmem_shared>> -> memref<16x128xf32, #tpu.memory_space<vmem_shared>>
        %dma_wait3A_198 = arith.constant 0 : i32
        %dma_wait3A_199 = tpu.memref_slice %arg4[%add3A_91, %dma_wait3A_198] : memref<10000x128xf32, #tpu.memory_space<vmem_shared>> -> memref<16x128xf32, #tpu.memory_space<vmem_shared>>
        tpu.wait_dma2 semaphore(%run_scoped3A : memref<!tpu.dma_semaphore, #tpu.memory_space<semaphore_mem>>) src(%arg6 : memref<16x128xf32, #tpu.memory_space<vmem>>) dst(%dma_wait3A_199 : memref<16x128xf32, #tpu.memory_space<vmem_shared>>)
        tpu.yield
      }) : () -> ()
      %mul3A_92 = arith.constant 624 : i32
      %mul3A_93 = arith.muli %arg1, %mul3A_92 : i32
      %add3A_94 = arith.constant 304 : i32
      %add3A_95 = arith.addi %mul3A_93, %add3A_94 : i32
      "tpu.region"() ({
        %run_scoped3A = tpu.sem_alloc : memref<!tpu.dma_semaphore, #tpu.memory_space<semaphore_mem>>
        %dma_start3A = arith.constant 0 : i32
        %dma_start3A_194 = tpu.memref_slice %arg4[%add3A_95, %dma_start3A] : memref<10000x128xf32, #tpu.memory_space<vmem_shared>> -> memref<16x128xf32, #tpu.memory_space<vmem_shared>>
        %dma_start3A_195 = arith.constant 0 : i32
        %dma_start3A_196 = tpu.memref_slice %arg4[%add3A_95, %dma_start3A_195] : memref<10000x128xf32, #tpu.memory_space<vmem_shared>> -> memref<16x128xf32, #tpu.memory_space<vmem_shared>>
        tpu.enqueue_dma source(%arg6 : memref<16x128xf32, #tpu.memory_space<vmem>>) target(%dma_start3A_196 : memref<16x128xf32, #tpu.memory_space<vmem_shared>>) target_semaphore(%run_scoped3A : memref<!tpu.dma_semaphore, #tpu.memory_space<semaphore_mem>>)
        %dma_wait3A = arith.constant 0 : i32
        %dma_wait3A_197 = tpu.memref_slice %arg4[%add3A_95, %dma_wait3A] : memref<10000x128xf32, #tpu.memory_space<vmem_shared>> -> memref<16x128xf32, #tpu.memory_space<vmem_shared>>
        %dma_wait3A_198 = arith.constant 0 : i32
        %dma_wait3A_199 = tpu.memref_slice %arg4[%add3A_95, %dma_wait3A_198] : memref<10000x128xf32, #tpu.memory_space<vmem_shared>> -> memref<16x128xf32, #tpu.memory_space<vmem_shared>>
        tpu.wait_dma2 semaphore(%run_scoped3A : memref<!tpu.dma_semaphore, #tpu.memory_space<semaphore_mem>>) src(%arg6 : memref<16x128xf32, #tpu.memory_space<vmem>>) dst(%dma_wait3A_199 : memref<16x128xf32, #tpu.memory_space<vmem_shared>>)
        tpu.yield
      }) : () -> ()
      %mul3A_96 = arith.constant 624 : i32
      %mul3A_97 = arith.muli %arg1, %mul3A_96 : i32
      %add3A_98 = arith.constant 320 : i32
      %add3A_99 = arith.addi %mul3A_97, %add3A_98 : i32
      "tpu.region"() ({
        %run_scoped3A = tpu.sem_alloc : memref<!tpu.dma_semaphore, #tpu.memory_space<semaphore_mem>>
        %dma_start3A = arith.constant 0 : i32
        %dma_start3A_194 = tpu.memref_slice %arg4[%add3A_99, %dma_start3A] : memref<10000x128xf32, #tpu.memory_space<vmem_shared>> -> memref<16x128xf32, #tpu.memory_space<vmem_shared>>
        %dma_start3A_195 = arith.constant 0 : i32
        %dma_start3A_196 = tpu.memref_slice %arg4[%add3A_99, %dma_start3A_195] : memref<10000x128xf32, #tpu.memory_space<vmem_shared>> -> memref<16x128xf32, #tpu.memory_space<vmem_shared>>
        tpu.enqueue_dma source(%arg6 : memref<16x128xf32, #tpu.memory_space<vmem>>) target(%dma_start3A_196 : memref<16x128xf32, #tpu.memory_space<vmem_shared>>) target_semaphore(%run_scoped3A : memref<!tpu.dma_semaphore, #tpu.memory_space<semaphore_mem>>)
        %dma_wait3A = arith.constant 0 : i32
        %dma_wait3A_197 = tpu.memref_slice %arg4[%add3A_99, %dma_wait3A] : memref<10000x128xf32, #tpu.memory_space<vmem_shared>> -> memref<16x128xf32, #tpu.memory_space<vmem_shared>>
        %dma_wait3A_198 = arith.constant 0 : i32
        %dma_wait3A_199 = tpu.memref_slice %arg4[%add3A_99, %dma_wait3A_198] : memref<10000x128xf32, #tpu.memory_space<vmem_shared>> -> memref<16x128xf32, #tpu.memory_space<vmem_shared>>
        tpu.wait_dma2 semaphore(%run_scoped3A : memref<!tpu.dma_semaphore, #tpu.memory_space<semaphore_mem>>) src(%arg6 : memref<16x128xf32, #tpu.memory_space<vmem>>) dst(%dma_wait3A_199 : memref<16x128xf32, #tpu.memory_space<vmem_shared>>)
        tpu.yield
      }) : () -> ()
      %mul3A_100 = arith.constant 624 : i32
      %mul3A_101 = arith.muli %arg1, %mul3A_100 : i32
      %add3A_102 = arith.constant 336 : i32
      %add3A_103 = arith.addi %mul3A_101, %add3A_102 : i32
      "tpu.region"() ({
        %run_scoped3A = tpu.sem_alloc : memref<!tpu.dma_semaphore, #tpu.memory_space<semaphore_mem>>
        %dma_start3A = arith.constant 0 : i32
        %dma_start3A_194 = tpu.memref_slice %arg4[%add3A_103, %dma_start3A] : memref<10000x128xf32, #tpu.memory_space<vmem_shared>> -> memref<16x128xf32, #tpu.memory_space<vmem_shared>>
        %dma_start3A_195 = arith.constant 0 : i32
        %dma_start3A_196 = tpu.memref_slice %arg4[%add3A_103, %dma_start3A_195] : memref<10000x128xf32, #tpu.memory_space<vmem_shared>> -> memref<16x128xf32, #tpu.memory_space<vmem_shared>>
        tpu.enqueue_dma source(%arg6 : memref<16x128xf32, #tpu.memory_space<vmem>>) target(%dma_start3A_196 : memref<16x128xf32, #tpu.memory_space<vmem_shared>>) target_semaphore(%run_scoped3A : memref<!tpu.dma_semaphore, #tpu.memory_space<semaphore_mem>>)
        %dma_wait3A = arith.constant 0 : i32
        %dma_wait3A_197 = tpu.memref_slice %arg4[%add3A_103, %dma_wait3A] : memref<10000x128xf32, #tpu.memory_space<vmem_shared>> -> memref<16x128xf32, #tpu.memory_space<vmem_shared>>
        %dma_wait3A_198 = arith.constant 0 : i32
        %dma_wait3A_199 = tpu.memref_slice %arg4[%add3A_103, %dma_wait3A_198] : memref<10000x128xf32, #tpu.memory_space<vmem_shared>> -> memref<16x128xf32, #tpu.memory_space<vmem_shared>>
        tpu.wait_dma2 semaphore(%run_scoped3A : memref<!tpu.dma_semaphore, #tpu.memory_space<semaphore_mem>>) src(%arg6 : memref<16x128xf32, #tpu.memory_space<vmem>>) dst(%dma_wait3A_199 : memref<16x128xf32, #tpu.memory_space<vmem_shared>>)
        tpu.yield
      }) : () -> ()
      %mul3A_104 = arith.constant 624 : i32
      %mul3A_105 = arith.muli %arg1, %mul3A_104 : i32
      %add3A_106 = arith.constant 352 : i32
      %add3A_107 = arith.addi %mul3A_105, %add3A_106 : i32
      "tpu.region"() ({
        %run_scoped3A = tpu.sem_alloc : memref<!tpu.dma_semaphore, #tpu.memory_space<semaphore_mem>>
        %dma_start3A = arith.constant 0 : i32
        %dma_start3A_194 = tpu.memref_slice %arg4[%add3A_107, %dma_start3A] : memref<10000x128xf32, #tpu.memory_space<vmem_shared>> -> memref<16x128xf32, #tpu.memory_space<vmem_shared>>
        %dma_start3A_195 = arith.constant 0 : i32
        %dma_start3A_196 = tpu.memref_slice %arg4[%add3A_107, %dma_start3A_195] : memref<10000x128xf32, #tpu.memory_space<vmem_shared>> -> memref<16x128xf32, #tpu.memory_space<vmem_shared>>
        tpu.enqueue_dma source(%arg6 : memref<16x128xf32, #tpu.memory_space<vmem>>) target(%dma_start3A_196 : memref<16x128xf32, #tpu.memory_space<vmem_shared>>) target_semaphore(%run_scoped3A : memref<!tpu.dma_semaphore, #tpu.memory_space<semaphore_mem>>)
        %dma_wait3A = arith.constant 0 : i32
        %dma_wait3A_197 = tpu.memref_slice %arg4[%add3A_107, %dma_wait3A] : memref<10000x128xf32, #tpu.memory_space<vmem_shared>> -> memref<16x128xf32, #tpu.memory_space<vmem_shared>>
        %dma_wait3A_198 = arith.constant 0 : i32
        %dma_wait3A_199 = tpu.memref_slice %arg4[%add3A_107, %dma_wait3A_198] : memref<10000x128xf32, #tpu.memory_space<vmem_shared>> -> memref<16x128xf32, #tpu.memory_space<vmem_shared>>
        tpu.wait_dma2 semaphore(%run_scoped3A : memref<!tpu.dma_semaphore, #tpu.memory_space<semaphore_mem>>) src(%arg6 : memref<16x128xf32, #tpu.memory_space<vmem>>) dst(%dma_wait3A_199 : memref<16x128xf32, #tpu.memory_space<vmem_shared>>)
        tpu.yield
      }) : () -> ()
      %mul3A_108 = arith.constant 624 : i32
      %mul3A_109 = arith.muli %arg1, %mul3A_108 : i32
      %add3A_110 = arith.constant 368 : i32
      %add3A_111 = arith.addi %mul3A_109, %add3A_110 : i32
      "tpu.region"() ({
        %run_scoped3A = tpu.sem_alloc : memref<!tpu.dma_semaphore, #tpu.memory_space<semaphore_mem>>
        %dma_start3A = arith.constant 0 : i32
        %dma_start3A_194 = tpu.memref_slice %arg4[%add3A_111, %dma_start3A] : memref<10000x128xf32, #tpu.memory_space<vmem_shared>> -> memref<16x128xf32, #tpu.memory_space<vmem_shared>>
        %dma_start3A_195 = arith.constant 0 : i32
        %dma_start3A_196 = tpu.memref_slice %arg4[%add3A_111, %dma_start3A_195] : memref<10000x128xf32, #tpu.memory_space<vmem_shared>> -> memref<16x128xf32, #tpu.memory_space<vmem_shared>>
        tpu.enqueue_dma source(%arg6 : memref<16x128xf32, #tpu.memory_space<vmem>>) target(%dma_start3A_196 : memref<16x128xf32, #tpu.memory_space<vmem_shared>>) target_semaphore(%run_scoped3A : memref<!tpu.dma_semaphore, #tpu.memory_space<semaphore_mem>>)
        %dma_wait3A = arith.constant 0 : i32
        %dma_wait3A_197 = tpu.memref_slice %arg4[%add3A_111, %dma_wait3A] : memref<10000x128xf32, #tpu.memory_space<vmem_shared>> -> memref<16x128xf32, #tpu.memory_space<vmem_shared>>
        %dma_wait3A_198 = arith.constant 0 : i32
        %dma_wait3A_199 = tpu.memref_slice %arg4[%add3A_111, %dma_wait3A_198] : memref<10000x128xf32, #tpu.memory_space<vmem_shared>> -> memref<16x128xf32, #tpu.memory_space<vmem_shared>>
        tpu.wait_dma2 semaphore(%run_scoped3A : memref<!tpu.dma_semaphore, #tpu.memory_space<semaphore_mem>>) src(%arg6 : memref<16x128xf32, #tpu.memory_space<vmem>>) dst(%dma_wait3A_199 : memref<16x128xf32, #tpu.memory_space<vmem_shared>>)
        tpu.yield
      }) : () -> ()
      %mul3A_112 = arith.constant 624 : i32
      %mul3A_113 = arith.muli %arg1, %mul3A_112 : i32
      %add3A_114 = arith.constant 384 : i32
      %add3A_115 = arith.addi %mul3A_113, %add3A_114 : i32
      "tpu.region"() ({
        %run_scoped3A = tpu.sem_alloc : memref<!tpu.dma_semaphore, #tpu.memory_space<semaphore_mem>>
        %dma_start3A = arith.constant 0 : i32
        %dma_start3A_194 = tpu.memref_slice %arg4[%add3A_115, %dma_start3A] : memref<10000x128xf32, #tpu.memory_space<vmem_shared>> -> memref<16x128xf32, #tpu.memory_space<vmem_shared>>
        %dma_start3A_195 = arith.constant 0 : i32
        %dma_start3A_196 = tpu.memref_slice %arg4[%add3A_115, %dma_start3A_195] : memref<10000x128xf32, #tpu.memory_space<vmem_shared>> -> memref<16x128xf32, #tpu.memory_space<vmem_shared>>
        tpu.enqueue_dma source(%arg6 : memref<16x128xf32, #tpu.memory_space<vmem>>) target(%dma_start3A_196 : memref<16x128xf32, #tpu.memory_space<vmem_shared>>) target_semaphore(%run_scoped3A : memref<!tpu.dma_semaphore, #tpu.memory_space<semaphore_mem>>)
        %dma_wait3A = arith.constant 0 : i32
        %dma_wait3A_197 = tpu.memref_slice %arg4[%add3A_115, %dma_wait3A] : memref<10000x128xf32, #tpu.memory_space<vmem_shared>> -> memref<16x128xf32, #tpu.memory_space<vmem_shared>>
        %dma_wait3A_198 = arith.constant 0 : i32
        %dma_wait3A_199 = tpu.memref_slice %arg4[%add3A_115, %dma_wait3A_198] : memref<10000x128xf32, #tpu.memory_space<vmem_shared>> -> memref<16x128xf32, #tpu.memory_space<vmem_shared>>
        tpu.wait_dma2 semaphore(%run_scoped3A : memref<!tpu.dma_semaphore, #tpu.memory_space<semaphore_mem>>) src(%arg6 : memref<16x128xf32, #tpu.memory_space<vmem>>) dst(%dma_wait3A_199 : memref<16x128xf32, #tpu.memory_space<vmem_shared>>)
        tpu.yield
      }) : () -> ()
      %mul3A_116 = arith.constant 624 : i32
      %mul3A_117 = arith.muli %arg1, %mul3A_116 : i32
      %add3A_118 = arith.constant 400 : i32
      %add3A_119 = arith.addi %mul3A_117, %add3A_118 : i32
      "tpu.region"() ({
        %run_scoped3A = tpu.sem_alloc : memref<!tpu.dma_semaphore, #tpu.memory_space<semaphore_mem>>
        %dma_start3A = arith.constant 0 : i32
        %dma_start3A_194 = tpu.memref_slice %arg4[%add3A_119, %dma_start3A] : memref<10000x128xf32, #tpu.memory_space<vmem_shared>> -> memref<16x128xf32, #tpu.memory_space<vmem_shared>>
        %dma_start3A_195 = arith.constant 0 : i32
        %dma_start3A_196 = tpu.memref_slice %arg4[%add3A_119, %dma_start3A_195] : memref<10000x128xf32, #tpu.memory_space<vmem_shared>> -> memref<16x128xf32, #tpu.memory_space<vmem_shared>>
        tpu.enqueue_dma source(%arg6 : memref<16x128xf32, #tpu.memory_space<vmem>>) target(%dma_start3A_196 : memref<16x128xf32, #tpu.memory_space<vmem_shared>>) target_semaphore(%run_scoped3A : memref<!tpu.dma_semaphore, #tpu.memory_space<semaphore_mem>>)
        %dma_wait3A = arith.constant 0 : i32
        %dma_wait3A_197 = tpu.memref_slice %arg4[%add3A_119, %dma_wait3A] : memref<10000x128xf32, #tpu.memory_space<vmem_shared>> -> memref<16x128xf32, #tpu.memory_space<vmem_shared>>
        %dma_wait3A_198 = arith.constant 0 : i32
        %dma_wait3A_199 = tpu.memref_slice %arg4[%add3A_119, %dma_wait3A_198] : memref<10000x128xf32, #tpu.memory_space<vmem_shared>> -> memref<16x128xf32, #tpu.memory_space<vmem_shared>>
        tpu.wait_dma2 semaphore(%run_scoped3A : memref<!tpu.dma_semaphore, #tpu.memory_space<semaphore_mem>>) src(%arg6 : memref<16x128xf32, #tpu.memory_space<vmem>>) dst(%dma_wait3A_199 : memref<16x128xf32, #tpu.memory_space<vmem_shared>>)
        tpu.yield
      }) : () -> ()
      %mul3A_120 = arith.constant 624 : i32
      %mul3A_121 = arith.muli %arg1, %mul3A_120 : i32
      %add3A_122 = arith.constant 416 : i32
      %add3A_123 = arith.addi %mul3A_121, %add3A_122 : i32
      "tpu.region"() ({
        %run_scoped3A = tpu.sem_alloc : memref<!tpu.dma_semaphore, #tpu.memory_space<semaphore_mem>>
        %dma_start3A = arith.constant 0 : i32
        %dma_start3A_194 = tpu.memref_slice %arg4[%add3A_123, %dma_start3A] : memref<10000x128xf32, #tpu.memory_space<vmem_shared>> -> memref<16x128xf32, #tpu.memory_space<vmem_shared>>
        %dma_start3A_195 = arith.constant 0 : i32
        %dma_start3A_196 = tpu.memref_slice %arg4[%add3A_123, %dma_start3A_195] : memref<10000x128xf32, #tpu.memory_space<vmem_shared>> -> memref<16x128xf32, #tpu.memory_space<vmem_shared>>
        tpu.enqueue_dma source(%arg6 : memref<16x128xf32, #tpu.memory_space<vmem>>) target(%dma_start3A_196 : memref<16x128xf32, #tpu.memory_space<vmem_shared>>) target_semaphore(%run_scoped3A : memref<!tpu.dma_semaphore, #tpu.memory_space<semaphore_mem>>)
        %dma_wait3A = arith.constant 0 : i32
        %dma_wait3A_197 = tpu.memref_slice %arg4[%add3A_123, %dma_wait3A] : memref<10000x128xf32, #tpu.memory_space<vmem_shared>> -> memref<16x128xf32, #tpu.memory_space<vmem_shared>>
        %dma_wait3A_198 = arith.constant 0 : i32
        %dma_wait3A_199 = tpu.memref_slice %arg4[%add3A_123, %dma_wait3A_198] : memref<10000x128xf32, #tpu.memory_space<vmem_shared>> -> memref<16x128xf32, #tpu.memory_space<vmem_shared>>
        tpu.wait_dma2 semaphore(%run_scoped3A : memref<!tpu.dma_semaphore, #tpu.memory_space<semaphore_mem>>) src(%arg6 : memref<16x128xf32, #tpu.memory_space<vmem>>) dst(%dma_wait3A_199 : memref<16x128xf32, #tpu.memory_space<vmem_shared>>)
        tpu.yield
      }) : () -> ()
      %mul3A_124 = arith.constant 624 : i32
      %mul3A_125 = arith.muli %arg1, %mul3A_124 : i32
      %add3A_126 = arith.constant 432 : i32
      %add3A_127 = arith.addi %mul3A_125, %add3A_126 : i32
      "tpu.region"() ({
        %run_scoped3A = tpu.sem_alloc : memref<!tpu.dma_semaphore, #tpu.memory_space<semaphore_mem>>
        %dma_start3A = arith.constant 0 : i32
        %dma_start3A_194 = tpu.memref_slice %arg4[%add3A_127, %dma_start3A] : memref<10000x128xf32, #tpu.memory_space<vmem_shared>> -> memref<16x128xf32, #tpu.memory_space<vmem_shared>>
        %dma_start3A_195 = arith.constant 0 : i32
        %dma_start3A_196 = tpu.memref_slice %arg4[%add3A_127, %dma_start3A_195] : memref<10000x128xf32, #tpu.memory_space<vmem_shared>> -> memref<16x128xf32, #tpu.memory_space<vmem_shared>>
        tpu.enqueue_dma source(%arg6 : memref<16x128xf32, #tpu.memory_space<vmem>>) target(%dma_start3A_196 : memref<16x128xf32, #tpu.memory_space<vmem_shared>>) target_semaphore(%run_scoped3A : memref<!tpu.dma_semaphore, #tpu.memory_space<semaphore_mem>>)
        %dma_wait3A = arith.constant 0 : i32
        %dma_wait3A_197 = tpu.memref_slice %arg4[%add3A_127, %dma_wait3A] : memref<10000x128xf32, #tpu.memory_space<vmem_shared>> -> memref<16x128xf32, #tpu.memory_space<vmem_shared>>
        %dma_wait3A_198 = arith.constant 0 : i32
        %dma_wait3A_199 = tpu.memref_slice %arg4[%add3A_127, %dma_wait3A_198] : memref<10000x128xf32, #tpu.memory_space<vmem_shared>> -> memref<16x128xf32, #tpu.memory_space<vmem_shared>>
        tpu.wait_dma2 semaphore(%run_scoped3A : memref<!tpu.dma_semaphore, #tpu.memory_space<semaphore_mem>>) src(%arg6 : memref<16x128xf32, #tpu.memory_space<vmem>>) dst(%dma_wait3A_199 : memref<16x128xf32, #tpu.memory_space<vmem_shared>>)
        tpu.yield
      }) : () -> ()
      %mul3A_128 = arith.constant 624 : i32
      %mul3A_129 = arith.muli %arg1, %mul3A_128 : i32
      %add3A_130 = arith.constant 448 : i32
      %add3A_131 = arith.addi %mul3A_129, %add3A_130 : i32
      "tpu.region"() ({
        %run_scoped3A = tpu.sem_alloc : memref<!tpu.dma_semaphore, #tpu.memory_space<semaphore_mem>>
        %dma_start3A = arith.constant 0 : i32
        %dma_start3A_194 = tpu.memref_slice %arg4[%add3A_131, %dma_start3A] : memref<10000x128xf32, #tpu.memory_space<vmem_shared>> -> memref<16x128xf32, #tpu.memory_space<vmem_shared>>
        %dma_start3A_195 = arith.constant 0 : i32
        %dma_start3A_196 = tpu.memref_slice %arg4[%add3A_131, %dma_start3A_195] : memref<10000x128xf32, #tpu.memory_space<vmem_shared>> -> memref<16x128xf32, #tpu.memory_space<vmem_shared>>
        tpu.enqueue_dma source(%arg6 : memref<16x128xf32, #tpu.memory_space<vmem>>) target(%dma_start3A_196 : memref<16x128xf32, #tpu.memory_space<vmem_shared>>) target_semaphore(%run_scoped3A : memref<!tpu.dma_semaphore, #tpu.memory_space<semaphore_mem>>)
        %dma_wait3A = arith.constant 0 : i32
        %dma_wait3A_197 = tpu.memref_slice %arg4[%add3A_131, %dma_wait3A] : memref<10000x128xf32, #tpu.memory_space<vmem_shared>> -> memref<16x128xf32, #tpu.memory_space<vmem_shared>>
        %dma_wait3A_198 = arith.constant 0 : i32
        %dma_wait3A_199 = tpu.memref_slice %arg4[%add3A_131, %dma_wait3A_198] : memref<10000x128xf32, #tpu.memory_space<vmem_shared>> -> memref<16x128xf32, #tpu.memory_space<vmem_shared>>
        tpu.wait_dma2 semaphore(%run_scoped3A : memref<!tpu.dma_semaphore, #tpu.memory_space<semaphore_mem>>) src(%arg6 : memref<16x128xf32, #tpu.memory_space<vmem>>) dst(%dma_wait3A_199 : memref<16x128xf32, #tpu.memory_space<vmem_shared>>)
        tpu.yield
      }) : () -> ()
      %mul3A_132 = arith.constant 624 : i32
      %mul3A_133 = arith.muli %arg1, %mul3A_132 : i32
      %add3A_134 = arith.constant 464 : i32
      %add3A_135 = arith.addi %mul3A_133, %add3A_134 : i32
      "tpu.region"() ({
        %run_scoped3A = tpu.sem_alloc : memref<!tpu.dma_semaphore, #tpu.memory_space<semaphore_mem>>
        %dma_start3A = arith.constant 0 : i32
        %dma_start3A_194 = tpu.memref_slice %arg4[%add3A_135, %dma_start3A] : memref<10000x128xf32, #tpu.memory_space<vmem_shared>> -> memref<16x128xf32, #tpu.memory_space<vmem_shared>>
        %dma_start3A_195 = arith.constant 0 : i32
        %dma_start3A_196 = tpu.memref_slice %arg4[%add3A_135, %dma_start3A_195] : memref<10000x128xf32, #tpu.memory_space<vmem_shared>> -> memref<16x128xf32, #tpu.memory_space<vmem_shared>>
        tpu.enqueue_dma source(%arg6 : memref<16x128xf32, #tpu.memory_space<vmem>>) target(%dma_start3A_196 : memref<16x128xf32, #tpu.memory_space<vmem_shared>>) target_semaphore(%run_scoped3A : memref<!tpu.dma_semaphore, #tpu.memory_space<semaphore_mem>>)
        %dma_wait3A = arith.constant 0 : i32
        %dma_wait3A_197 = tpu.memref_slice %arg4[%add3A_135, %dma_wait3A] : memref<10000x128xf32, #tpu.memory_space<vmem_shared>> -> memref<16x128xf32, #tpu.memory_space<vmem_shared>>
        %dma_wait3A_198 = arith.constant 0 : i32
        %dma_wait3A_199 = tpu.memref_slice %arg4[%add3A_135, %dma_wait3A_198] : memref<10000x128xf32, #tpu.memory_space<vmem_shared>> -> memref<16x128xf32, #tpu.memory_space<vmem_shared>>
        tpu.wait_dma2 semaphore(%run_scoped3A : memref<!tpu.dma_semaphore, #tpu.memory_space<semaphore_mem>>) src(%arg6 : memref<16x128xf32, #tpu.memory_space<vmem>>) dst(%dma_wait3A_199 : memref<16x128xf32, #tpu.memory_space<vmem_shared>>)
        tpu.yield
      }) : () -> ()
      %mul3A_136 = arith.constant 624 : i32
      %mul3A_137 = arith.muli %arg1, %mul3A_136 : i32
      %add3A_138 = arith.constant 480 : i32
      %add3A_139 = arith.addi %mul3A_137, %add3A_138 : i32
      "tpu.region"() ({
        %run_scoped3A = tpu.sem_alloc : memref<!tpu.dma_semaphore, #tpu.memory_space<semaphore_mem>>
        %dma_start3A = arith.constant 0 : i32
        %dma_start3A_194 = tpu.memref_slice %arg4[%add3A_139, %dma_start3A] : memref<10000x128xf32, #tpu.memory_space<vmem_shared>> -> memref<16x128xf32, #tpu.memory_space<vmem_shared>>
        %dma_start3A_195 = arith.constant 0 : i32
        %dma_start3A_196 = tpu.memref_slice %arg4[%add3A_139, %dma_start3A_195] : memref<10000x128xf32, #tpu.memory_space<vmem_shared>> -> memref<16x128xf32, #tpu.memory_space<vmem_shared>>
        tpu.enqueue_dma source(%arg6 : memref<16x128xf32, #tpu.memory_space<vmem>>) target(%dma_start3A_196 : memref<16x128xf32, #tpu.memory_space<vmem_shared>>) target_semaphore(%run_scoped3A : memref<!tpu.dma_semaphore, #tpu.memory_space<semaphore_mem>>)
        %dma_wait3A = arith.constant 0 : i32
        %dma_wait3A_197 = tpu.memref_slice %arg4[%add3A_139, %dma_wait3A] : memref<10000x128xf32, #tpu.memory_space<vmem_shared>> -> memref<16x128xf32, #tpu.memory_space<vmem_shared>>
        %dma_wait3A_198 = arith.constant 0 : i32
        %dma_wait3A_199 = tpu.memref_slice %arg4[%add3A_139, %dma_wait3A_198] : memref<10000x128xf32, #tpu.memory_space<vmem_shared>> -> memref<16x128xf32, #tpu.memory_space<vmem_shared>>
        tpu.wait_dma2 semaphore(%run_scoped3A : memref<!tpu.dma_semaphore, #tpu.memory_space<semaphore_mem>>) src(%arg6 : memref<16x128xf32, #tpu.memory_space<vmem>>) dst(%dma_wait3A_199 : memref<16x128xf32, #tpu.memory_space<vmem_shared>>)
        tpu.yield
      }) : () -> ()
      %mul3A_140 = arith.constant 624 : i32
      %mul3A_141 = arith.muli %arg1, %mul3A_140 : i32
      %add3A_142 = arith.constant 496 : i32
      %add3A_143 = arith.addi %mul3A_141, %add3A_142 : i32
      "tpu.region"() ({
        %run_scoped3A = tpu.sem_alloc : memref<!tpu.dma_semaphore, #tpu.memory_space<semaphore_mem>>
        %dma_start3A = arith.constant 0 : i32
        %dma_start3A_194 = tpu.memref_slice %arg4[%add3A_143, %dma_start3A] : memref<10000x128xf32, #tpu.memory_space<vmem_shared>> -> memref<16x128xf32, #tpu.memory_space<vmem_shared>>
        %dma_start3A_195 = arith.constant 0 : i32
        %dma_start3A_196 = tpu.memref_slice %arg4[%add3A_143, %dma_start3A_195] : memref<10000x128xf32, #tpu.memory_space<vmem_shared>> -> memref<16x128xf32, #tpu.memory_space<vmem_shared>>
        tpu.enqueue_dma source(%arg6 : memref<16x128xf32, #tpu.memory_space<vmem>>) target(%dma_start3A_196 : memref<16x128xf32, #tpu.memory_space<vmem_shared>>) target_semaphore(%run_scoped3A : memref<!tpu.dma_semaphore, #tpu.memory_space<semaphore_mem>>)
        %dma_wait3A = arith.constant 0 : i32
        %dma_wait3A_197 = tpu.memref_slice %arg4[%add3A_143, %dma_wait3A] : memref<10000x128xf32, #tpu.memory_space<vmem_shared>> -> memref<16x128xf32, #tpu.memory_space<vmem_shared>>
        %dma_wait3A_198 = arith.constant 0 : i32
        %dma_wait3A_199 = tpu.memref_slice %arg4[%add3A_143, %dma_wait3A_198] : memref<10000x128xf32, #tpu.memory_space<vmem_shared>> -> memref<16x128xf32, #tpu.memory_space<vmem_shared>>
        tpu.wait_dma2 semaphore(%run_scoped3A : memref<!tpu.dma_semaphore, #tpu.memory_space<semaphore_mem>>) src(%arg6 : memref<16x128xf32, #tpu.memory_space<vmem>>) dst(%dma_wait3A_199 : memref<16x128xf32, #tpu.memory_space<vmem_shared>>)
        tpu.yield
      }) : () -> ()
      %mul3A_144 = arith.constant 624 : i32
      %mul3A_145 = arith.muli %arg1, %mul3A_144 : i32
      %add3A_146 = arith.constant 512 : i32
      %add3A_147 = arith.addi %mul3A_145, %add3A_146 : i32
      "tpu.region"() ({
        %run_scoped3A = tpu.sem_alloc : memref<!tpu.dma_semaphore, #tpu.memory_space<semaphore_mem>>
        %dma_start3A = arith.constant 0 : i32
        %dma_start3A_194 = tpu.memref_slice %arg4[%add3A_147, %dma_start3A] : memref<10000x128xf32, #tpu.memory_space<vmem_shared>> -> memref<16x128xf32, #tpu.memory_space<vmem_shared>>
        %dma_start3A_195 = arith.constant 0 : i32
        %dma_start3A_196 = tpu.memref_slice %arg4[%add3A_147, %dma_start3A_195] : memref<10000x128xf32, #tpu.memory_space<vmem_shared>> -> memref<16x128xf32, #tpu.memory_space<vmem_shared>>
        tpu.enqueue_dma source(%arg6 : memref<16x128xf32, #tpu.memory_space<vmem>>) target(%dma_start3A_196 : memref<16x128xf32, #tpu.memory_space<vmem_shared>>) target_semaphore(%run_scoped3A : memref<!tpu.dma_semaphore, #tpu.memory_space<semaphore_mem>>)
        %dma_wait3A = arith.constant 0 : i32
        %dma_wait3A_197 = tpu.memref_slice %arg4[%add3A_147, %dma_wait3A] : memref<10000x128xf32, #tpu.memory_space<vmem_shared>> -> memref<16x128xf32, #tpu.memory_space<vmem_shared>>
        %dma_wait3A_198 = arith.constant 0 : i32
        %dma_wait3A_199 = tpu.memref_slice %arg4[%add3A_147, %dma_wait3A_198] : memref<10000x128xf32, #tpu.memory_space<vmem_shared>> -> memref<16x128xf32, #tpu.memory_space<vmem_shared>>
        tpu.wait_dma2 semaphore(%run_scoped3A : memref<!tpu.dma_semaphore, #tpu.memory_space<semaphore_mem>>) src(%arg6 : memref<16x128xf32, #tpu.memory_space<vmem>>) dst(%dma_wait3A_199 : memref<16x128xf32, #tpu.memory_space<vmem_shared>>)
        tpu.yield
      }) : () -> ()
      %mul3A_148 = arith.constant 624 : i32
      %mul3A_149 = arith.muli %arg1, %mul3A_148 : i32
      %add3A_150 = arith.constant 528 : i32
      %add3A_151 = arith.addi %mul3A_149, %add3A_150 : i32
      "tpu.region"() ({
        %run_scoped3A = tpu.sem_alloc : memref<!tpu.dma_semaphore, #tpu.memory_space<semaphore_mem>>
        %dma_start3A = arith.constant 0 : i32
        %dma_start3A_194 = tpu.memref_slice %arg4[%add3A_151, %dma_start3A] : memref<10000x128xf32, #tpu.memory_space<vmem_shared>> -> memref<16x128xf32, #tpu.memory_space<vmem_shared>>
        %dma_start3A_195 = arith.constant 0 : i32
        %dma_start3A_196 = tpu.memref_slice %arg4[%add3A_151, %dma_start3A_195] : memref<10000x128xf32, #tpu.memory_space<vmem_shared>> -> memref<16x128xf32, #tpu.memory_space<vmem_shared>>
        tpu.enqueue_dma source(%arg6 : memref<16x128xf32, #tpu.memory_space<vmem>>) target(%dma_start3A_196 : memref<16x128xf32, #tpu.memory_space<vmem_shared>>) target_semaphore(%run_scoped3A : memref<!tpu.dma_semaphore, #tpu.memory_space<semaphore_mem>>)
        %dma_wait3A = arith.constant 0 : i32
        %dma_wait3A_197 = tpu.memref_slice %arg4[%add3A_151, %dma_wait3A] : memref<10000x128xf32, #tpu.memory_space<vmem_shared>> -> memref<16x128xf32, #tpu.memory_space<vmem_shared>>
        %dma_wait3A_198 = arith.constant 0 : i32
        %dma_wait3A_199 = tpu.memref_slice %arg4[%add3A_151, %dma_wait3A_198] : memref<10000x128xf32, #tpu.memory_space<vmem_shared>> -> memref<16x128xf32, #tpu.memory_space<vmem_shared>>
        tpu.wait_dma2 semaphore(%run_scoped3A : memref<!tpu.dma_semaphore, #tpu.memory_space<semaphore_mem>>) src(%arg6 : memref<16x128xf32, #tpu.memory_space<vmem>>) dst(%dma_wait3A_199 : memref<16x128xf32, #tpu.memory_space<vmem_shared>>)
        tpu.yield
      }) : () -> ()
      %mul3A_152 = arith.constant 624 : i32
      %mul3A_153 = arith.muli %arg1, %mul3A_152 : i32
      %add3A_154 = arith.constant 544 : i32
      %add3A_155 = arith.addi %mul3A_153, %add3A_154 : i32
      "tpu.region"() ({
        %run_scoped3A = tpu.sem_alloc : memref<!tpu.dma_semaphore, #tpu.memory_space<semaphore_mem>>
        %dma_start3A = arith.constant 0 : i32
        %dma_start3A_194 = tpu.memref_slice %arg4[%add3A_155, %dma_start3A] : memref<10000x128xf32, #tpu.memory_space<vmem_shared>> -> memref<16x128xf32, #tpu.memory_space<vmem_shared>>
        %dma_start3A_195 = arith.constant 0 : i32
        %dma_start3A_196 = tpu.memref_slice %arg4[%add3A_155, %dma_start3A_195] : memref<10000x128xf32, #tpu.memory_space<vmem_shared>> -> memref<16x128xf32, #tpu.memory_space<vmem_shared>>
        tpu.enqueue_dma source(%arg6 : memref<16x128xf32, #tpu.memory_space<vmem>>) target(%dma_start3A_196 : memref<16x128xf32, #tpu.memory_space<vmem_shared>>) target_semaphore(%run_scoped3A : memref<!tpu.dma_semaphore, #tpu.memory_space<semaphore_mem>>)
        %dma_wait3A = arith.constant 0 : i32
        %dma_wait3A_197 = tpu.memref_slice %arg4[%add3A_155, %dma_wait3A] : memref<10000x128xf32, #tpu.memory_space<vmem_shared>> -> memref<16x128xf32, #tpu.memory_space<vmem_shared>>
        %dma_wait3A_198 = arith.constant 0 : i32
        %dma_wait3A_199 = tpu.memref_slice %arg4[%add3A_155, %dma_wait3A_198] : memref<10000x128xf32, #tpu.memory_space<vmem_shared>> -> memref<16x128xf32, #tpu.memory_space<vmem_shared>>
        tpu.wait_dma2 semaphore(%run_scoped3A : memref<!tpu.dma_semaphore, #tpu.memory_space<semaphore_mem>>) src(%arg6 : memref<16x128xf32, #tpu.memory_space<vmem>>) dst(%dma_wait3A_199 : memref<16x128xf32, #tpu.memory_space<vmem_shared>>)
        tpu.yield
      }) : () -> ()
      %mul3A_156 = arith.constant 624 : i32
      %mul3A_157 = arith.muli %arg1, %mul3A_156 : i32
      %add3A_158 = arith.constant 560 : i32
      %add3A_159 = arith.addi %mul3A_157, %add3A_158 : i32
      "tpu.region"() ({
        %run_scoped3A = tpu.sem_alloc : memref<!tpu.dma_semaphore, #tpu.memory_space<semaphore_mem>>
        %dma_start3A = arith.constant 0 : i32
        %dma_start3A_194 = tpu.memref_slice %arg4[%add3A_159, %dma_start3A] : memref<10000x128xf32, #tpu.memory_space<vmem_shared>> -> memref<16x128xf32, #tpu.memory_space<vmem_shared>>
        %dma_start3A_195 = arith.constant 0 : i32
        %dma_start3A_196 = tpu.memref_slice %arg4[%add3A_159, %dma_start3A_195] : memref<10000x128xf32, #tpu.memory_space<vmem_shared>> -> memref<16x128xf32, #tpu.memory_space<vmem_shared>>
        tpu.enqueue_dma source(%arg6 : memref<16x128xf32, #tpu.memory_space<vmem>>) target(%dma_start3A_196 : memref<16x128xf32, #tpu.memory_space<vmem_shared>>) target_semaphore(%run_scoped3A : memref<!tpu.dma_semaphore, #tpu.memory_space<semaphore_mem>>)
        %dma_wait3A = arith.constant 0 : i32
        %dma_wait3A_197 = tpu.memref_slice %arg4[%add3A_159, %dma_wait3A] : memref<10000x128xf32, #tpu.memory_space<vmem_shared>> -> memref<16x128xf32, #tpu.memory_space<vmem_shared>>
        %dma_wait3A_198 = arith.constant 0 : i32
        %dma_wait3A_199 = tpu.memref_slice %arg4[%add3A_159, %dma_wait3A_198] : memref<10000x128xf32, #tpu.memory_space<vmem_shared>> -> memref<16x128xf32, #tpu.memory_space<vmem_shared>>
        tpu.wait_dma2 semaphore(%run_scoped3A : memref<!tpu.dma_semaphore, #tpu.memory_space<semaphore_mem>>) src(%arg6 : memref<16x128xf32, #tpu.memory_space<vmem>>) dst(%dma_wait3A_199 : memref<16x128xf32, #tpu.memory_space<vmem_shared>>)
        tpu.yield
      }) : () -> ()
      %mul3A_160 = arith.constant 624 : i32
      %mul3A_161 = arith.muli %arg1, %mul3A_160 : i32
      %add3A_162 = arith.constant 576 : i32
      %add3A_163 = arith.addi %mul3A_161, %add3A_162 : i32
      "tpu.region"() ({
        %run_scoped3A = tpu.sem_alloc : memref<!tpu.dma_semaphore, #tpu.memory_space<semaphore_mem>>
        %dma_start3A = arith.constant 0 : i32
        %dma_start3A_194 = tpu.memref_slice %arg4[%add3A_163, %dma_start3A] : memref<10000x128xf32, #tpu.memory_space<vmem_shared>> -> memref<16x128xf32, #tpu.memory_space<vmem_shared>>
        %dma_start3A_195 = arith.constant 0 : i32
        %dma_start3A_196 = tpu.memref_slice %arg4[%add3A_163, %dma_start3A_195] : memref<10000x128xf32, #tpu.memory_space<vmem_shared>> -> memref<16x128xf32, #tpu.memory_space<vmem_shared>>
        tpu.enqueue_dma source(%arg6 : memref<16x128xf32, #tpu.memory_space<vmem>>) target(%dma_start3A_196 : memref<16x128xf32, #tpu.memory_space<vmem_shared>>) target_semaphore(%run_scoped3A : memref<!tpu.dma_semaphore, #tpu.memory_space<semaphore_mem>>)
        %dma_wait3A = arith.constant 0 : i32
        %dma_wait3A_197 = tpu.memref_slice %arg4[%add3A_163, %dma_wait3A] : memref<10000x128xf32, #tpu.memory_space<vmem_shared>> -> memref<16x128xf32, #tpu.memory_space<vmem_shared>>
        %dma_wait3A_198 = arith.constant 0 : i32
        %dma_wait3A_199 = tpu.memref_slice %arg4[%add3A_163, %dma_wait3A_198] : memref<10000x128xf32, #tpu.memory_space<vmem_shared>> -> memref<16x128xf32, #tpu.memory_space<vmem_shared>>
        tpu.wait_dma2 semaphore(%run_scoped3A : memref<!tpu.dma_semaphore, #tpu.memory_space<semaphore_mem>>) src(%arg6 : memref<16x128xf32, #tpu.memory_space<vmem>>) dst(%dma_wait3A_199 : memref<16x128xf32, #tpu.memory_space<vmem_shared>>)
        tpu.yield
      }) : () -> ()
      %mul3A_164 = arith.constant 624 : i32
      %mul3A_165 = arith.muli %arg1, %mul3A_164 : i32
      %add3A_166 = arith.constant 592 : i32
      %add3A_167 = arith.addi %mul3A_165, %add3A_166 : i32
      "tpu.region"() ({
        %run_scoped3A = tpu.sem_alloc : memref<!tpu.dma_semaphore, #tpu.memory_space<semaphore_mem>>
        %dma_start3A = arith.constant 0 : i32
        %dma_start3A_194 = tpu.memref_slice %arg4[%add3A_167, %dma_start3A] : memref<10000x128xf32, #tpu.memory_space<vmem_shared>> -> memref<16x128xf32, #tpu.memory_space<vmem_shared>>
        %dma_start3A_195 = arith.constant 0 : i32
        %dma_start3A_196 = tpu.memref_slice %arg4[%add3A_167, %dma_start3A_195] : memref<10000x128xf32, #tpu.memory_space<vmem_shared>> -> memref<16x128xf32, #tpu.memory_space<vmem_shared>>
        tpu.enqueue_dma source(%arg6 : memref<16x128xf32, #tpu.memory_space<vmem>>) target(%dma_start3A_196 : memref<16x128xf32, #tpu.memory_space<vmem_shared>>) target_semaphore(%run_scoped3A : memref<!tpu.dma_semaphore, #tpu.memory_space<semaphore_mem>>)
        %dma_wait3A = arith.constant 0 : i32
        %dma_wait3A_197 = tpu.memref_slice %arg4[%add3A_167, %dma_wait3A] : memref<10000x128xf32, #tpu.memory_space<vmem_shared>> -> memref<16x128xf32, #tpu.memory_space<vmem_shared>>
        %dma_wait3A_198 = arith.constant 0 : i32
        %dma_wait3A_199 = tpu.memref_slice %arg4[%add3A_167, %dma_wait3A_198] : memref<10000x128xf32, #tpu.memory_space<vmem_shared>> -> memref<16x128xf32, #tpu.memory_space<vmem_shared>>
        tpu.wait_dma2 semaphore(%run_scoped3A : memref<!tpu.dma_semaphore, #tpu.memory_space<semaphore_mem>>) src(%arg6 : memref<16x128xf32, #tpu.memory_space<vmem>>) dst(%dma_wait3A_199 : memref<16x128xf32, #tpu.memory_space<vmem_shared>>)
        tpu.yield
      }) : () -> ()
      %mul3A_168 = arith.constant 624 : i32
      %mul3A_169 = arith.muli %arg1, %mul3A_168 : i32
      %add3A_170 = arith.constant 608 : i32
      %add3A_171 = arith.addi %mul3A_169, %add3A_170 : i32
      "tpu.region"() ({
        %run_scoped3A = tpu.sem_alloc : memref<!tpu.dma_semaphore, #tpu.memory_space<semaphore_mem>>
        %dma_start3A = arith.constant 0 : i32
        %dma_start3A_194 = tpu.memref_slice %arg4[%add3A_171, %dma_start3A] : memref<10000x128xf32, #tpu.memory_space<vmem_shared>> -> memref<16x128xf32, #tpu.memory_space<vmem_shared>>
        %dma_start3A_195 = arith.constant 0 : i32
        %dma_start3A_196 = tpu.memref_slice %arg4[%add3A_171, %dma_start3A_195] : memref<10000x128xf32, #tpu.memory_space<vmem_shared>> -> memref<16x128xf32, #tpu.memory_space<vmem_shared>>
        tpu.enqueue_dma source(%arg6 : memref<16x128xf32, #tpu.memory_space<vmem>>) target(%dma_start3A_196 : memref<16x128xf32, #tpu.memory_space<vmem_shared>>) target_semaphore(%run_scoped3A : memref<!tpu.dma_semaphore, #tpu.memory_space<semaphore_mem>>)
        %dma_wait3A = arith.constant 0 : i32
        %dma_wait3A_197 = tpu.memref_slice %arg4[%add3A_171, %dma_wait3A] : memref<10000x128xf32, #tpu.memory_space<vmem_shared>> -> memref<16x128xf32, #tpu.memory_space<vmem_shared>>
        %dma_wait3A_198 = arith.constant 0 : i32
        %dma_wait3A_199 = tpu.memref_slice %arg4[%add3A_171, %dma_wait3A_198] : memref<10000x128xf32, #tpu.memory_space<vmem_shared>> -> memref<16x128xf32, #tpu.memory_space<vmem_shared>>
        tpu.wait_dma2 semaphore(%run_scoped3A : memref<!tpu.dma_semaphore, #tpu.memory_space<semaphore_mem>>) src(%arg6 : memref<16x128xf32, #tpu.memory_space<vmem>>) dst(%dma_wait3A_199 : memref<16x128xf32, #tpu.memory_space<vmem_shared>>)
        tpu.yield
      }) : () -> ()
      %eq3A_172 = arith.constant 0 : i32
      %eq3A_173 = arith.cmpi eq, %arg1, %eq3A_172 : i32
      %convert_element_type3A_174 = arith.extui %eq3A_173 : i1 to i32
      %cond3A_175 = arith.constant 0 : i32
      %cond3A_176 = arith.cmpi ne, %convert_element_type3A_174, %cond3A_175 : i32
      scf.if %cond3A_176 {
        "tpu.region"() ({
          %run_scoped3A = tpu.sem_alloc : memref<!tpu.dma_semaphore, #tpu.memory_space<semaphore_mem>>
          %dma_start3A = arith.constant 0 : i32
          %dma_start3A_194 = arith.constant 0 : i32
          %dma_start3A_195 = tpu.memref_slice %arg6[%dma_start3A, %dma_start3A_194] : memref<16x128xf32, #tpu.memory_space<vmem>> -> memref<16x128xf32, #tpu.memory_space<vmem>>
          %dma_start3A_196 = arith.constant 9984 : i32
          %dma_start3A_197 = arith.constant 0 : i32
          %dma_start3A_198 = tpu.memref_slice %arg4[%dma_start3A_196, %dma_start3A_197] : memref<10000x128xf32, #tpu.memory_space<vmem_shared>> -> memref<16x128xf32, #tpu.memory_space<vmem_shared>>
          %dma_start3A_199 = arith.constant 9984 : i32
          %dma_start3A_200 = arith.constant 0 : i32
          %dma_start3A_201 = tpu.memref_slice %arg4[%dma_start3A_199, %dma_start3A_200] : memref<10000x128xf32, #tpu.memory_space<vmem_shared>> -> memref<16x128xf32, #tpu.memory_space<vmem_shared>>
          %dma_start3A_202 = arith.constant 0 : i32
          %dma_start3A_203 = arith.constant 0 : i32
          %dma_start3A_204 = tpu.memref_slice %arg6[%dma_start3A_202, %dma_start3A_203] : memref<16x128xf32, #tpu.memory_space<vmem>> -> memref<16x128xf32, #tpu.memory_space<vmem>>
          tpu.enqueue_dma source(%dma_start3A_204 : memref<16x128xf32, #tpu.memory_space<vmem>>) target(%dma_start3A_201 : memref<16x128xf32, #tpu.memory_space<vmem_shared>>) target_semaphore(%run_scoped3A : memref<!tpu.dma_semaphore, #tpu.memory_space<semaphore_mem>>)
          %dma_wait3A = arith.constant 0 : i32
          %dma_wait3A_205 = arith.constant 0 : i32
          %dma_wait3A_206 = tpu.memref_slice %arg6[%dma_wait3A, %dma_wait3A_205] : memref<16x128xf32, #tpu.memory_space<vmem>> -> memref<16x128xf32, #tpu.memory_space<vmem>>
          %dma_wait3A_207 = arith.constant 9984 : i32
          %dma_wait3A_208 = arith.constant 0 : i32
          %dma_wait3A_209 = tpu.memref_slice %arg4[%dma_wait3A_207, %dma_wait3A_208] : memref<10000x128xf32, #tpu.memory_space<vmem_shared>> -> memref<16x128xf32, #tpu.memory_space<vmem_shared>>
          %dma_wait3A_210 = arith.constant 9984 : i32
          %dma_wait3A_211 = arith.constant 0 : i32
          %dma_wait3A_212 = tpu.memref_slice %arg4[%dma_wait3A_210, %dma_wait3A_211] : memref<10000x128xf32, #tpu.memory_space<vmem_shared>> -> memref<16x128xf32, #tpu.memory_space<vmem_shared>>
          %dma_wait3A_213 = arith.constant 0 : i32
          %dma_wait3A_214 = arith.constant 0 : i32
          %dma_wait3A_215 = tpu.memref_slice %arg6[%dma_wait3A_213, %dma_wait3A_214] : memref<16x128xf32, #tpu.memory_space<vmem>> -> memref<16x128xf32, #tpu.memory_space<vmem>>
          tpu.wait_dma2 semaphore(%run_scoped3A : memref<!tpu.dma_semaphore, #tpu.memory_space<semaphore_mem>>) src(%dma_wait3A_215 : memref<16x128xf32, #tpu.memory_space<vmem>>) dst(%dma_wait3A_212 : memref<16x128xf32, #tpu.memory_space<vmem_shared>>)
          tpu.yield
        }) : () -> ()
      } else {
      }
      %barrier3A = arith.constant 0 : index
      tpu.barrier barrier_id(%barrier3A)
      "tpu.region"() ({
        %run_scoped3A = tpu.sem_alloc : memref<!tpu.dma_semaphore, #tpu.memory_space<semaphore_mem>>
        %dma_start3A = arith.constant 0 : i32
        %dma_start3A_194 = arith.constant 0 : i32
        %dma_start3A_195 = tpu.memref_slice %arg2[%arg1, %dma_start3A, %dma_start3A_194] : memref<16x125x80xi32, #tpu.memory_space<hbm>> -> memref<1x125x80xi32, #tpu.memory_space<hbm>>
        %dma_start3A_196 = tpu.memref_squeeze %dma_start3A_195 : memref<1x125x80xi32, #tpu.memory_space<hbm>> -> memref<125x80xi32, #tpu.memory_space<hbm>>
        %dma_start3A_197 = arith.constant 0 : i32
        %dma_start3A_198 = arith.constant 0 : i32
        %dma_start3A_199 = tpu.memref_slice %arg2[%arg1, %dma_start3A_197, %dma_start3A_198] : memref<16x125x80xi32, #tpu.memory_space<hbm>> -> memref<1x125x80xi32, #tpu.memory_space<hbm>>
        %dma_start3A_200 = tpu.memref_squeeze %dma_start3A_199 : memref<1x125x80xi32, #tpu.memory_space<hbm>> -> memref<125x80xi32, #tpu.memory_space<hbm>>
        tpu.enqueue_dma source(%dma_start3A_200 : memref<125x80xi32, #tpu.memory_space<hbm>>) target(%arg5 : memref<125x80xi32, #tpu.memory_space<vmem>>) target_semaphore(%run_scoped3A : memref<!tpu.dma_semaphore, #tpu.memory_space<semaphore_mem>>)
        %dma_wait3A = arith.constant 0 : i32
        %dma_wait3A_201 = arith.constant 0 : i32
        %dma_wait3A_202 = tpu.memref_slice %arg2[%arg1, %dma_wait3A, %dma_wait3A_201] : memref<16x125x80xi32, #tpu.memory_space<hbm>> -> memref<1x125x80xi32, #tpu.memory_space<hbm>>
        %dma_wait3A_203 = tpu.memref_squeeze %dma_wait3A_202 : memref<1x125x80xi32, #tpu.memory_space<hbm>> -> memref<125x80xi32, #tpu.memory_space<hbm>>
        %dma_wait3A_204 = arith.constant 0 : i32
        %dma_wait3A_205 = arith.constant 0 : i32
        %dma_wait3A_206 = tpu.memref_slice %arg2[%arg1, %dma_wait3A_204, %dma_wait3A_205] : memref<16x125x80xi32, #tpu.memory_space<hbm>> -> memref<1x125x80xi32, #tpu.memory_space<hbm>>
        %dma_wait3A_207 = tpu.memref_squeeze %dma_wait3A_206 : memref<1x125x80xi32, #tpu.memory_space<hbm>> -> memref<125x80xi32, #tpu.memory_space<hbm>>
        tpu.wait_dma2 semaphore(%run_scoped3A : memref<!tpu.dma_semaphore, #tpu.memory_space<semaphore_mem>>) src(%dma_wait3A_207 : memref<125x80xi32, #tpu.memory_space<hbm>>) dst(%arg5 : memref<125x80xi32, #tpu.memory_space<vmem>>)
        tpu.yield
      }) : () -> ()
      %scan3A_177 = arith.constant 0 : i32
      %scan3A_178 = arith.constant 0 : i32
      %scan3A_179 = arith.constant 125 : i32
      %scan3A_180 = arith.addi %scan3A_178, %scan3A_179 : i32
      %scan3A_181 = arith.constant 1 : i32
      %scan3A_182 = scf.for %scan3A_194 = %scan3A_178 to %scan3A_180 step %scan3A_181 iter_args(%scan3A_195 = %scan3A_177) -> (i32)  : i32 {
        "tpu.region"() ({
          %run_scoped3A = tpu.sem_alloc : memref<!tpu.dma_semaphore, #tpu.memory_space<semaphore_mem>>
          %dma_start3A = arith.constant 0 : i32
          %dma_start3A_197 = tpu.memref_slice %arg5[%scan3A_194, %dma_start3A] : memref<125x80xi32, #tpu.memory_space<vmem>> -> memref<1x80xi32, #tpu.memory_space<vmem>>
          %dma_start3A_198 = tpu.memref_squeeze %dma_start3A_197 : memref<1x80xi32, #tpu.memory_space<vmem>> -> memref<80xi32, #tpu.memory_space<vmem>>
          %dma_start3A_199 = arith.constant 0 : i32
          %dma_start3A_200 = arith.constant 0 : i32
          %dma_start3A_201 = tpu.memref_slice %arg4[%dma_start3A_199, %dma_start3A_200] : memref<10000x128xf32, #tpu.memory_space<vmem_shared>> -> memref<10000x128xf32, #tpu.memory_space<vmem_shared>>
          tpu.enqueue_indirect_dma source(%arg7 : memref<80x128xf32, #tpu.memory_space<vmem>>) target(%dma_start3A_201 : memref<10000x128xf32, #tpu.memory_space<vmem_shared>>) offsets(%dma_start3A_198 : memref<80xi32, #tpu.memory_space<vmem>>) semaphore(%run_scoped3A : memref<!tpu.dma_semaphore, #tpu.memory_space<semaphore_mem>>) {add = true}
          %dma_wait3A = arith.constant 0 : i32
          %dma_wait3A_202 = tpu.memref_slice %arg5[%scan3A_194, %dma_wait3A] : memref<125x80xi32, #tpu.memory_space<vmem>> -> memref<1x80xi32, #tpu.memory_space<vmem>>
          %dma_wait3A_203 = tpu.memref_squeeze %dma_wait3A_202 : memref<1x80xi32, #tpu.memory_space<vmem>> -> memref<80xi32, #tpu.memory_space<vmem>>
          %dma_wait3A_204 = arith.constant 0 : i32
          %dma_wait3A_205 = arith.constant 0 : i32
          %dma_wait3A_206 = tpu.memref_slice %arg4[%dma_wait3A_204, %dma_wait3A_205] : memref<10000x128xf32, #tpu.memory_space<vmem_shared>> -> memref<10000x128xf32, #tpu.memory_space<vmem_shared>>
          tpu.wait_indirect_dma semaphore(%run_scoped3A : memref<!tpu.dma_semaphore, #tpu.memory_space<semaphore_mem>>) src(%arg7 : memref<80x128xf32, #tpu.memory_space<vmem>>) dst(%dma_wait3A_206 : memref<10000x128xf32, #tpu.memory_space<vmem_shared>>)
          tpu.yield
        }) : () -> ()
        %scan3A_196 = arith.constant 0 : i32
        scf.yield %scan3A_196 : i32
      }
      %scan3A_183 = arith.constant 125 : i32
      %barrier3A_184 = arith.constant 0 : index
      tpu.barrier barrier_id(%barrier3A_184)
      %mul3A_185 = arith.constant 624 : i32
      %mul3A_186 = arith.muli %arg1, %mul3A_185 : i32
      %mul3A_187 = arith.constant 624 : i32
      %mul3A_188 = arith.muli %arg1, %mul3A_187 : i32
      "tpu.region"() ({
        %run_scoped3A = tpu.sem_alloc : memref<!tpu.dma_semaphore, #tpu.memory_space<semaphore_mem>>
        %dma_start3A = arith.constant 0 : i32
        %dma_start3A_194 = tpu.memref_slice %arg3[%mul3A_188, %dma_start3A] : memref<10000x128xf32, #tpu.memory_space<hbm>> -> memref<624x128xf32, #tpu.memory_space<hbm>>
        %dma_start3A_195 = arith.constant 0 : i32
        %dma_start3A_196 = tpu.memref_slice %arg4[%mul3A_186, %dma_start3A_195] : memref<10000x128xf32, #tpu.memory_space<vmem_shared>> -> memref<624x128xf32, #tpu.memory_space<vmem_shared>>
        tpu.enqueue_dma source(%dma_start3A_196 : memref<624x128xf32, #tpu.memory_space<vmem_shared>>) target(%dma_start3A_194 : memref<624x128xf32, #tpu.memory_space<hbm>>) target_semaphore(%run_scoped3A : memref<!tpu.dma_semaphore, #tpu.memory_space<semaphore_mem>>)
        %dma_wait3A = arith.constant 0 : i32
        %dma_wait3A_197 = tpu.memref_slice %arg3[%mul3A_188, %dma_wait3A] : memref<10000x128xf32, #tpu.memory_space<hbm>> -> memref<624x128xf32, #tpu.memory_space<hbm>>
        %dma_wait3A_198 = arith.constant 0 : i32
        %dma_wait3A_199 = tpu.memref_slice %arg4[%mul3A_186, %dma_wait3A_198] : memref<10000x128xf32, #tpu.memory_space<vmem_shared>> -> memref<624x128xf32, #tpu.memory_space<vmem_shared>>
        tpu.wait_dma2 semaphore(%run_scoped3A : memref<!tpu.dma_semaphore, #tpu.memory_space<semaphore_mem>>) src(%dma_wait3A_199 : memref<624x128xf32, #tpu.memory_space<vmem_shared>>) dst(%dma_wait3A_197 : memref<624x128xf32, #tpu.memory_space<hbm>>)
        tpu.yield
      }) : () -> ()
      %eq3A_189 = arith.constant 0 : i32
      %eq3A_190 = arith.cmpi eq, %arg1, %eq3A_189 : i32
      %convert_element_type3A_191 = arith.extui %eq3A_190 : i1 to i32
      %cond3A_192 = arith.constant 0 : i32
      %cond3A_193 = arith.cmpi ne, %convert_element_type3A_191, %cond3A_192 : i32
      scf.if %cond3A_193 {
        "tpu.region"() ({
          %run_scoped3A = tpu.sem_alloc : memref<!tpu.dma_semaphore, #tpu.memory_space<semaphore_mem>>
          %dma_start3A = arith.constant 9984 : i32
          %dma_start3A_194 = arith.constant 0 : i32
          %dma_start3A_195 = tpu.memref_slice %arg3[%dma_start3A, %dma_start3A_194] : memref<10000x128xf32, #tpu.memory_space<hbm>> -> memref<16x128xf32, #tpu.memory_space<hbm>>
          %dma_start3A_196 = arith.constant 9984 : i32
          %dma_start3A_197 = arith.constant 0 : i32
          %dma_start3A_198 = tpu.memref_slice %arg4[%dma_start3A_196, %dma_start3A_197] : memref<10000x128xf32, #tpu.memory_space<vmem_shared>> -> memref<16x128xf32, #tpu.memory_space<vmem_shared>>
          tpu.enqueue_dma source(%dma_start3A_198 : memref<16x128xf32, #tpu.memory_space<vmem_shared>>) target(%dma_start3A_195 : memref<16x128xf32, #tpu.memory_space<hbm>>) target_semaphore(%run_scoped3A : memref<!tpu.dma_semaphore, #tpu.memory_space<semaphore_mem>>)
          %dma_wait3A = arith.constant 9984 : i32
          %dma_wait3A_199 = arith.constant 0 : i32
          %dma_wait3A_200 = tpu.memref_slice %arg3[%dma_wait3A, %dma_wait3A_199] : memref<10000x128xf32, #tpu.memory_space<hbm>> -> memref<16x128xf32, #tpu.memory_space<hbm>>
          %dma_wait3A_201 = arith.constant 9984 : i32
          %dma_wait3A_202 = arith.constant 0 : i32
          %dma_wait3A_203 = tpu.memref_slice %arg4[%dma_wait3A_201, %dma_wait3A_202] : memref<10000x128xf32, #tpu.memory_space<vmem_shared>> -> memref<16x128xf32, #tpu.memory_space<vmem_shared>>
          tpu.wait_dma2 semaphore(%run_scoped3A : memref<!tpu.dma_semaphore, #tpu.memory_space<semaphore_mem>>) src(%dma_wait3A_203 : memref<16x128xf32, #tpu.memory_space<vmem_shared>>) dst(%dma_wait3A_200 : memref<16x128xf32, #tpu.memory_space<hbm>>)
          tpu.yield
        }) : () -> ()
      } else {
      }
    } else {
    }
    return
  }
}

#map = affine_map<(d0, d1) -> (0)>
#map1 = affine_map<(d0, d1) -> (0, 0, 0)>
#map2 = affine_map<(d0, d1) -> (0, 0)>
module attributes {stable_mosaic.version = 14 : i64} {
  func.func @body(%arg0: i32, %arg1: i32, %arg2: memref<160000xi32, #tpu.memory_space<hbm>>, %arg3: memref<16x125x80xi32, #tpu.memory_space<hbm>>, %arg4: memref<10000x128xf32, #tpu.memory_space<hbm>>, %arg5: memref<10000x128xf32, #tpu.memory_space<hbm>>, %arg6: memref<10000x128xf32, #tpu.memory_space<hbm>>, %arg7: memref<10000x128xf32, #tpu.memory_space<hbm>>, %arg8: memref<10000x128xf32, #tpu.memory_space<hbm>>, %arg9: memref<10000x128xf32, #tpu.memory_space<hbm>>, %arg10: memref<10000x128xf32, #tpu.memory_space<hbm>>, %arg11: memref<10000x128xf32, #tpu.memory_space<hbm>>, %arg12: memref<10000x128xf32, #tpu.memory_space<vmem_shared>>, %arg13: memref<10000xi32, #tpu.memory_space<vmem>>, %arg14: memref<125x80xi32, #tpu.memory_space<vmem>>, %arg15: memref<80x128xf32, #tpu.memory_space<vmem>>, %arg16: memref<80x128xf32, #tpu.memory_space<vmem>>, %arg17: memref<!tpu.dma_semaphore, #tpu.memory_space<semaphore_mem>>, %arg18: memref<!tpu.dma_semaphore, #tpu.memory_space<semaphore_mem>>) attributes {dimension_semantics = [#tpu.dimension_semantics<core_parallel>, #tpu.dimension_semantics<subcore_parallel>], iteration_bounds = array<i64: 2, 16>, scalar_prefetch = 0 : i64, scratch_operands = 7 : i64, tpu.core_type = #tpu.core_type<sc_vector_subcore>, window_params = [{transform_indices = #map}, {transform_indices = #map1}, {transform_indices = #map2}, {transform_indices = #map2}, {transform_indices = #map2}, {transform_indices = #map2}, {transform_indices = #map2}, {transform_indices = #map2}, {transform_indices = #map2}, {transform_indices = #map2}]} {
    %mul3A = arith.constant 10000 : i32
    %mul3A_0 = arith.muli %arg1, %mul3A : i32
    "tpu.region"() ({
      %run_scoped3A = tpu.sem_alloc : memref<!tpu.dma_semaphore, #tpu.memory_space<semaphore_mem>>
      %dma_start3A = tpu.memref_slice %arg2[%mul3A_0] : memref<160000xi32, #tpu.memory_space<hbm>> -> memref<10000xi32, #tpu.memory_space<hbm>>
      %dma_start3A_18 = tpu.memref_slice %arg2[%mul3A_0] : memref<160000xi32, #tpu.memory_space<hbm>> -> memref<10000xi32, #tpu.memory_space<hbm>>
      tpu.enqueue_dma source(%dma_start3A_18 : memref<10000xi32, #tpu.memory_space<hbm>>) target(%arg13 : memref<10000xi32, #tpu.memory_space<vmem>>) target_semaphore(%run_scoped3A : memref<!tpu.dma_semaphore, #tpu.memory_space<semaphore_mem>>)
      %dma_wait3A = tpu.memref_slice %arg2[%mul3A_0] : memref<160000xi32, #tpu.memory_space<hbm>> -> memref<10000xi32, #tpu.memory_space<hbm>>
      %dma_wait3A_19 = tpu.memref_slice %arg2[%mul3A_0] : memref<160000xi32, #tpu.memory_space<hbm>> -> memref<10000xi32, #tpu.memory_space<hbm>>
      tpu.wait_dma2 semaphore(%run_scoped3A : memref<!tpu.dma_semaphore, #tpu.memory_space<semaphore_mem>>) src(%dma_wait3A_19 : memref<10000xi32, #tpu.memory_space<hbm>>) dst(%arg13 : memref<10000xi32, #tpu.memory_space<vmem>>)
      tpu.yield
    }) : () -> ()
    "tpu.region"() ({
      %run_scoped3A = tpu.sem_alloc : memref<!tpu.dma_semaphore, #tpu.memory_space<semaphore_mem>>
      %dma_start3A = arith.constant 0 : i32
      %dma_start3A_18 = arith.constant 0 : i32
      %dma_start3A_19 = tpu.memref_slice %arg3[%arg1, %dma_start3A, %dma_start3A_18] : memref<16x125x80xi32, #tpu.memory_space<hbm>> -> memref<1x125x80xi32, #tpu.memory_space<hbm>>
      %dma_start3A_20 = tpu.memref_squeeze %dma_start3A_19 : memref<1x125x80xi32, #tpu.memory_space<hbm>> -> memref<125x80xi32, #tpu.memory_space<hbm>>
      %dma_start3A_21 = arith.constant 0 : i32
      %dma_start3A_22 = arith.constant 0 : i32
      %dma_start3A_23 = tpu.memref_slice %arg3[%arg1, %dma_start3A_21, %dma_start3A_22] : memref<16x125x80xi32, #tpu.memory_space<hbm>> -> memref<1x125x80xi32, #tpu.memory_space<hbm>>
      %dma_start3A_24 = tpu.memref_squeeze %dma_start3A_23 : memref<1x125x80xi32, #tpu.memory_space<hbm>> -> memref<125x80xi32, #tpu.memory_space<hbm>>
      tpu.enqueue_dma source(%dma_start3A_24 : memref<125x80xi32, #tpu.memory_space<hbm>>) target(%arg14 : memref<125x80xi32, #tpu.memory_space<vmem>>) target_semaphore(%run_scoped3A : memref<!tpu.dma_semaphore, #tpu.memory_space<semaphore_mem>>)
      %dma_wait3A = arith.constant 0 : i32
      %dma_wait3A_25 = arith.constant 0 : i32
      %dma_wait3A_26 = tpu.memref_slice %arg3[%arg1, %dma_wait3A, %dma_wait3A_25] : memref<16x125x80xi32, #tpu.memory_space<hbm>> -> memref<1x125x80xi32, #tpu.memory_space<hbm>>
      %dma_wait3A_27 = tpu.memref_squeeze %dma_wait3A_26 : memref<1x125x80xi32, #tpu.memory_space<hbm>> -> memref<125x80xi32, #tpu.memory_space<hbm>>
      %dma_wait3A_28 = arith.constant 0 : i32
      %dma_wait3A_29 = arith.constant 0 : i32
      %dma_wait3A_30 = tpu.memref_slice %arg3[%arg1, %dma_wait3A_28, %dma_wait3A_29] : memref<16x125x80xi32, #tpu.memory_space<hbm>> -> memref<1x125x80xi32, #tpu.memory_space<hbm>>
      %dma_wait3A_31 = tpu.memref_squeeze %dma_wait3A_30 : memref<1x125x80xi32, #tpu.memory_space<hbm>> -> memref<125x80xi32, #tpu.memory_space<hbm>>
      tpu.wait_dma2 semaphore(%run_scoped3A : memref<!tpu.dma_semaphore, #tpu.memory_space<semaphore_mem>>) src(%dma_wait3A_31 : memref<125x80xi32, #tpu.memory_space<hbm>>) dst(%arg14 : memref<125x80xi32, #tpu.memory_space<vmem>>)
      tpu.yield
    }) : () -> ()
    %eq3A = arith.constant 0 : i32
    %eq3A_1 = arith.cmpi eq, %arg0, %eq3A : i32
    %convert_element_type3A = arith.extui %eq3A_1 : i1 to i32
    %cond3A = arith.constant 0 : i32
    %cond3A_2 = arith.cmpi ne, %convert_element_type3A, %cond3A : i32
    scf.if %cond3A_2 {
      %broadcast_in_dim3A = arith.constant 0.000000e+00 : f32
      %broadcast_in_dim3A_18 = vector.broadcast %broadcast_in_dim3A : f32 to vector<16xf32>
      %scan3A = arith.constant 0 : i32
      %scan3A_19 = arith.constant 0 : i32
      %scan3A_20 = arith.constant 80 : i32
      %scan3A_21 = arith.addi %scan3A_19, %scan3A_20 : i32
      %scan3A_22 = arith.constant 1 : i32
      %scan3A_23 = scf.for %scan3A_86 = %scan3A_19 to %scan3A_21 step %scan3A_22 iter_args(%scan3A_87 = %scan3A) -> (i32)  : i32 {
        %swap3A = arith.index_cast %scan3A_86 : i32 to index
        %swap3A_88 = arith.constant 0 : index
        %swap3A_89 = tpu.vector_load %arg15[%swap3A, %swap3A_88] {strides = array<i32>} : memref<80x128xf32, #tpu.memory_space<vmem>>, vector<1x16xf32>,
        %swap3A_90 = vector.shape_cast %swap3A_89 : vector<1x16xf32> to vector<16xf32>
        %swap3A_91 = vector.shape_cast %broadcast_in_dim3A_18 : vector<16xf32> to vector<1x16xf32>
        tpu.vector_store %arg15[%swap3A, %swap3A_88], %swap3A_91 {strides = array<i32>} : memref<80x128xf32, #tpu.memory_space<vmem>>, vector<1x16xf32>,
        %swap3A_92 = arith.index_cast %scan3A_86 : i32 to index
        %swap3A_93 = arith.constant 16 : index
        %swap3A_94 = tpu.vector_load %arg15[%swap3A_92, %swap3A_93] {strides = array<i32>} : memref<80x128xf32, #tpu.memory_space<vmem>>, vector<1x16xf32>,
        %swap3A_95 = vector.shape_cast %swap3A_94 : vector<1x16xf32> to vector<16xf32>
        %swap3A_96 = vector.shape_cast %broadcast_in_dim3A_18 : vector<16xf32> to vector<1x16xf32>
        tpu.vector_store %arg15[%swap3A_92, %swap3A_93], %swap3A_96 {strides = array<i32>} : memref<80x128xf32, #tpu.memory_space<vmem>>, vector<1x16xf32>,
        %swap3A_97 = arith.index_cast %scan3A_86 : i32 to index
        %swap3A_98 = arith.constant 32 : index
        %swap3A_99 = tpu.vector_load %arg15[%swap3A_97, %swap3A_98] {strides = array<i32>} : memref<80x128xf32, #tpu.memory_space<vmem>>, vector<1x16xf32>,
        %swap3A_100 = vector.shape_cast %swap3A_99 : vector<1x16xf32> to vector<16xf32>
        %swap3A_101 = vector.shape_cast %broadcast_in_dim3A_18 : vector<16xf32> to vector<1x16xf32>
        tpu.vector_store %arg15[%swap3A_97, %swap3A_98], %swap3A_101 {strides = array<i32>} : memref<80x128xf32, #tpu.memory_space<vmem>>, vector<1x16xf32>,
        %swap3A_102 = arith.index_cast %scan3A_86 : i32 to index
        %swap3A_103 = arith.constant 48 : index
        %swap3A_104 = tpu.vector_load %arg15[%swap3A_102, %swap3A_103] {strides = array<i32>} : memref<80x128xf32, #tpu.memory_space<vmem>>, vector<1x16xf32>,
        %swap3A_105 = vector.shape_cast %swap3A_104 : vector<1x16xf32> to vector<16xf32>
        %swap3A_106 = vector.shape_cast %broadcast_in_dim3A_18 : vector<16xf32> to vector<1x16xf32>
        tpu.vector_store %arg15[%swap3A_102, %swap3A_103], %swap3A_106 {strides = array<i32>} : memref<80x128xf32, #tpu.memory_space<vmem>>, vector<1x16xf32>,
        %swap3A_107 = arith.index_cast %scan3A_86 : i32 to index
        %swap3A_108 = arith.constant 64 : index
        %swap3A_109 = tpu.vector_load %arg15[%swap3A_107, %swap3A_108] {strides = array<i32>} : memref<80x128xf32, #tpu.memory_space<vmem>>, vector<1x16xf32>,
        %swap3A_110 = vector.shape_cast %swap3A_109 : vector<1x16xf32> to vector<16xf32>
        %swap3A_111 = vector.shape_cast %broadcast_in_dim3A_18 : vector<16xf32> to vector<1x16xf32>
        tpu.vector_store %arg15[%swap3A_107, %swap3A_108], %swap3A_111 {strides = array<i32>} : memref<80x128xf32, #tpu.memory_space<vmem>>, vector<1x16xf32>,
        %swap3A_112 = arith.index_cast %scan3A_86 : i32 to index
        %swap3A_113 = arith.constant 80 : index
        %swap3A_114 = tpu.vector_load %arg15[%swap3A_112, %swap3A_113] {strides = array<i32>} : memref<80x128xf32, #tpu.memory_space<vmem>>, vector<1x16xf32>,
        %swap3A_115 = vector.shape_cast %swap3A_114 : vector<1x16xf32> to vector<16xf32>
        %swap3A_116 = vector.shape_cast %broadcast_in_dim3A_18 : vector<16xf32> to vector<1x16xf32>
        tpu.vector_store %arg15[%swap3A_112, %swap3A_113], %swap3A_116 {strides = array<i32>} : memref<80x128xf32, #tpu.memory_space<vmem>>, vector<1x16xf32>,
        %swap3A_117 = arith.index_cast %scan3A_86 : i32 to index
        %swap3A_118 = arith.constant 96 : index
        %swap3A_119 = tpu.vector_load %arg15[%swap3A_117, %swap3A_118] {strides = array<i32>} : memref<80x128xf32, #tpu.memory_space<vmem>>, vector<1x16xf32>,
        %swap3A_120 = vector.shape_cast %swap3A_119 : vector<1x16xf32> to vector<16xf32>
        %swap3A_121 = vector.shape_cast %broadcast_in_dim3A_18 : vector<16xf32> to vector<1x16xf32>
        tpu.vector_store %arg15[%swap3A_117, %swap3A_118], %swap3A_121 {strides = array<i32>} : memref<80x128xf32, #tpu.memory_space<vmem>>, vector<1x16xf32>,
        %swap3A_122 = arith.index_cast %scan3A_86 : i32 to index
        %swap3A_123 = arith.constant 112 : index
        %swap3A_124 = tpu.vector_load %arg15[%swap3A_122, %swap3A_123] {strides = array<i32>} : memref<80x128xf32, #tpu.memory_space<vmem>>, vector<1x16xf32>,
        %swap3A_125 = vector.shape_cast %swap3A_124 : vector<1x16xf32> to vector<16xf32>
        %swap3A_126 = vector.shape_cast %broadcast_in_dim3A_18 : vector<16xf32> to vector<1x16xf32>
        tpu.vector_store %arg15[%swap3A_122, %swap3A_123], %swap3A_126 {strides = array<i32>} : memref<80x128xf32, #tpu.memory_space<vmem>>, vector<1x16xf32>,
        %scan3A_127 = arith.constant 0 : i32
        scf.yield %scan3A_127 : i32
      }
      %scan3A_24 = arith.constant 80 : i32
      %mul3A_25 = arith.constant 624 : i32
      %mul3A_26 = arith.muli %arg1, %mul3A_25 : i32
      %add3A = arith.constant 0 : i32
      %add3A_27 = arith.addi %mul3A_26, %add3A : i32
      "tpu.region"() ({
        %run_scoped3A_86 = tpu.sem_alloc : memref<!tpu.dma_semaphore, #tpu.memory_space<semaphore_mem>>
        %dma_start3A_87 = arith.constant 0 : i32
        %dma_start3A_88 = tpu.memref_slice %arg12[%add3A_27, %dma_start3A_87] : memref<10000x128xf32, #tpu.memory_space<vmem_shared>> -> memref<80x128xf32, #tpu.memory_space<vmem_shared>>
        %dma_start3A_89 = arith.constant 0 : i32
        %dma_start3A_90 = tpu.memref_slice %arg12[%add3A_27, %dma_start3A_89] : memref<10000x128xf32, #tpu.memory_space<vmem_shared>> -> memref<80x128xf32, #tpu.memory_space<vmem_shared>>
        tpu.enqueue_dma source(%arg15 : memref<80x128xf32, #tpu.memory_space<vmem>>) target(%dma_start3A_90 : memref<80x128xf32, #tpu.memory_space<vmem_shared>>) target_semaphore(%run_scoped3A_86 : memref<!tpu.dma_semaphore, #tpu.memory_space<semaphore_mem>>)
        %dma_wait3A_91 = arith.constant 0 : i32
        %dma_wait3A_92 = tpu.memref_slice %arg12[%add3A_27, %dma_wait3A_91] : memref<10000x128xf32, #tpu.memory_space<vmem_shared>> -> memref<80x128xf32, #tpu.memory_space<vmem_shared>>
        %dma_wait3A_93 = arith.constant 0 : i32
        %dma_wait3A_94 = tpu.memref_slice %arg12[%add3A_27, %dma_wait3A_93] : memref<10000x128xf32, #tpu.memory_space<vmem_shared>> -> memref<80x128xf32, #tpu.memory_space<vmem_shared>>
        tpu.wait_dma2 semaphore(%run_scoped3A_86 : memref<!tpu.dma_semaphore, #tpu.memory_space<semaphore_mem>>) src(%arg15 : memref<80x128xf32, #tpu.memory_space<vmem>>) dst(%dma_wait3A_94 : memref<80x128xf32, #tpu.memory_space<vmem_shared>>)
        tpu.yield
      }) : () -> ()
      %mul3A_28 = arith.constant 624 : i32
      %mul3A_29 = arith.muli %arg1, %mul3A_28 : i32
      %add3A_30 = arith.constant 80 : i32
      %add3A_31 = arith.addi %mul3A_29, %add3A_30 : i32
      "tpu.region"() ({
        %run_scoped3A_86 = tpu.sem_alloc : memref<!tpu.dma_semaphore, #tpu.memory_space<semaphore_mem>>
        %dma_start3A_87 = arith.constant 0 : i32
        %dma_start3A_88 = tpu.memref_slice %arg12[%add3A_31, %dma_start3A_87] : memref<10000x128xf32, #tpu.memory_space<vmem_shared>> -> memref<80x128xf32, #tpu.memory_space<vmem_shared>>
        %dma_start3A_89 = arith.constant 0 : i32
        %dma_start3A_90 = tpu.memref_slice %arg12[%add3A_31, %dma_start3A_89] : memref<10000x128xf32, #tpu.memory_space<vmem_shared>> -> memref<80x128xf32, #tpu.memory_space<vmem_shared>>
        tpu.enqueue_dma source(%arg15 : memref<80x128xf32, #tpu.memory_space<vmem>>) target(%dma_start3A_90 : memref<80x128xf32, #tpu.memory_space<vmem_shared>>) target_semaphore(%run_scoped3A_86 : memref<!tpu.dma_semaphore, #tpu.memory_space<semaphore_mem>>)
        %dma_wait3A_91 = arith.constant 0 : i32
        %dma_wait3A_92 = tpu.memref_slice %arg12[%add3A_31, %dma_wait3A_91] : memref<10000x128xf32, #tpu.memory_space<vmem_shared>> -> memref<80x128xf32, #tpu.memory_space<vmem_shared>>
        %dma_wait3A_93 = arith.constant 0 : i32
        %dma_wait3A_94 = tpu.memref_slice %arg12[%add3A_31, %dma_wait3A_93] : memref<10000x128xf32, #tpu.memory_space<vmem_shared>> -> memref<80x128xf32, #tpu.memory_space<vmem_shared>>
        tpu.wait_dma2 semaphore(%run_scoped3A_86 : memref<!tpu.dma_semaphore, #tpu.memory_space<semaphore_mem>>) src(%arg15 : memref<80x128xf32, #tpu.memory_space<vmem>>) dst(%dma_wait3A_94 : memref<80x128xf32, #tpu.memory_space<vmem_shared>>)
        tpu.yield
      }) : () -> ()
      %mul3A_32 = arith.constant 624 : i32
      %mul3A_33 = arith.muli %arg1, %mul3A_32 : i32
      %add3A_34 = arith.constant 160 : i32
      %add3A_35 = arith.addi %mul3A_33, %add3A_34 : i32
      "tpu.region"() ({
        %run_scoped3A_86 = tpu.sem_alloc : memref<!tpu.dma_semaphore, #tpu.memory_space<semaphore_mem>>
        %dma_start3A_87 = arith.constant 0 : i32
        %dma_start3A_88 = tpu.memref_slice %arg12[%add3A_35, %dma_start3A_87] : memref<10000x128xf32, #tpu.memory_space<vmem_shared>> -> memref<80x128xf32, #tpu.memory_space<vmem_shared>>
        %dma_start3A_89 = arith.constant 0 : i32
        %dma_start3A_90 = tpu.memref_slice %arg12[%add3A_35, %dma_start3A_89] : memref<10000x128xf32, #tpu.memory_space<vmem_shared>> -> memref<80x128xf32, #tpu.memory_space<vmem_shared>>
        tpu.enqueue_dma source(%arg15 : memref<80x128xf32, #tpu.memory_space<vmem>>) target(%dma_start3A_90 : memref<80x128xf32, #tpu.memory_space<vmem_shared>>) target_semaphore(%run_scoped3A_86 : memref<!tpu.dma_semaphore, #tpu.memory_space<semaphore_mem>>)
        %dma_wait3A_91 = arith.constant 0 : i32
        %dma_wait3A_92 = tpu.memref_slice %arg12[%add3A_35, %dma_wait3A_91] : memref<10000x128xf32, #tpu.memory_space<vmem_shared>> -> memref<80x128xf32, #tpu.memory_space<vmem_shared>>
        %dma_wait3A_93 = arith.constant 0 : i32
        %dma_wait3A_94 = tpu.memref_slice %arg12[%add3A_35, %dma_wait3A_93] : memref<10000x128xf32, #tpu.memory_space<vmem_shared>> -> memref<80x128xf32, #tpu.memory_space<vmem_shared>>
        tpu.wait_dma2 semaphore(%run_scoped3A_86 : memref<!tpu.dma_semaphore, #tpu.memory_space<semaphore_mem>>) src(%arg15 : memref<80x128xf32, #tpu.memory_space<vmem>>) dst(%dma_wait3A_94 : memref<80x128xf32, #tpu.memory_space<vmem_shared>>)
        tpu.yield
      }) : () -> ()
      %mul3A_36 = arith.constant 624 : i32
      %mul3A_37 = arith.muli %arg1, %mul3A_36 : i32
      %add3A_38 = arith.constant 240 : i32
      %add3A_39 = arith.addi %mul3A_37, %add3A_38 : i32
      "tpu.region"() ({
        %run_scoped3A_86 = tpu.sem_alloc : memref<!tpu.dma_semaphore, #tpu.memory_space<semaphore_mem>>
        %dma_start3A_87 = arith.constant 0 : i32
        %dma_start3A_88 = tpu.memref_slice %arg12[%add3A_39, %dma_start3A_87] : memref<10000x128xf32, #tpu.memory_space<vmem_shared>> -> memref<80x128xf32, #tpu.memory_space<vmem_shared>>
        %dma_start3A_89 = arith.constant 0 : i32
        %dma_start3A_90 = tpu.memref_slice %arg12[%add3A_39, %dma_start3A_89] : memref<10000x128xf32, #tpu.memory_space<vmem_shared>> -> memref<80x128xf32, #tpu.memory_space<vmem_shared>>
        tpu.enqueue_dma source(%arg15 : memref<80x128xf32, #tpu.memory_space<vmem>>) target(%dma_start3A_90 : memref<80x128xf32, #tpu.memory_space<vmem_shared>>) target_semaphore(%run_scoped3A_86 : memref<!tpu.dma_semaphore, #tpu.memory_space<semaphore_mem>>)
        %dma_wait3A_91 = arith.constant 0 : i32
        %dma_wait3A_92 = tpu.memref_slice %arg12[%add3A_39, %dma_wait3A_91] : memref<10000x128xf32, #tpu.memory_space<vmem_shared>> -> memref<80x128xf32, #tpu.memory_space<vmem_shared>>
        %dma_wait3A_93 = arith.constant 0 : i32
        %dma_wait3A_94 = tpu.memref_slice %arg12[%add3A_39, %dma_wait3A_93] : memref<10000x128xf32, #tpu.memory_space<vmem_shared>> -> memref<80x128xf32, #tpu.memory_space<vmem_shared>>
        tpu.wait_dma2 semaphore(%run_scoped3A_86 : memref<!tpu.dma_semaphore, #tpu.memory_space<semaphore_mem>>) src(%arg15 : memref<80x128xf32, #tpu.memory_space<vmem>>) dst(%dma_wait3A_94 : memref<80x128xf32, #tpu.memory_space<vmem_shared>>)
        tpu.yield
      }) : () -> ()
      %mul3A_40 = arith.constant 624 : i32
      %mul3A_41 = arith.muli %arg1, %mul3A_40 : i32
      %add3A_42 = arith.constant 320 : i32
      %add3A_43 = arith.addi %mul3A_41, %add3A_42 : i32
      "tpu.region"() ({
        %run_scoped3A_86 = tpu.sem_alloc : memref<!tpu.dma_semaphore, #tpu.memory_space<semaphore_mem>>
        %dma_start3A_87 = arith.constant 0 : i32
        %dma_start3A_88 = tpu.memref_slice %arg12[%add3A_43, %dma_start3A_87] : memref<10000x128xf32, #tpu.memory_space<vmem_shared>> -> memref<80x128xf32, #tpu.memory_space<vmem_shared>>
        %dma_start3A_89 = arith.constant 0 : i32
        %dma_start3A_90 = tpu.memref_slice %arg12[%add3A_43, %dma_start3A_89] : memref<10000x128xf32, #tpu.memory_space<vmem_shared>> -> memref<80x128xf32, #tpu.memory_space<vmem_shared>>
        tpu.enqueue_dma source(%arg15 : memref<80x128xf32, #tpu.memory_space<vmem>>) target(%dma_start3A_90 : memref<80x128xf32, #tpu.memory_space<vmem_shared>>) target_semaphore(%run_scoped3A_86 : memref<!tpu.dma_semaphore, #tpu.memory_space<semaphore_mem>>)
        %dma_wait3A_91 = arith.constant 0 : i32
        %dma_wait3A_92 = tpu.memref_slice %arg12[%add3A_43, %dma_wait3A_91] : memref<10000x128xf32, #tpu.memory_space<vmem_shared>> -> memref<80x128xf32, #tpu.memory_space<vmem_shared>>
        %dma_wait3A_93 = arith.constant 0 : i32
        %dma_wait3A_94 = tpu.memref_slice %arg12[%add3A_43, %dma_wait3A_93] : memref<10000x128xf32, #tpu.memory_space<vmem_shared>> -> memref<80x128xf32, #tpu.memory_space<vmem_shared>>
        tpu.wait_dma2 semaphore(%run_scoped3A_86 : memref<!tpu.dma_semaphore, #tpu.memory_space<semaphore_mem>>) src(%arg15 : memref<80x128xf32, #tpu.memory_space<vmem>>) dst(%dma_wait3A_94 : memref<80x128xf32, #tpu.memory_space<vmem_shared>>)
        tpu.yield
      }) : () -> ()
      %mul3A_44 = arith.constant 624 : i32
      %mul3A_45 = arith.muli %arg1, %mul3A_44 : i32
      %add3A_46 = arith.constant 400 : i32
      %add3A_47 = arith.addi %mul3A_45, %add3A_46 : i32
      "tpu.region"() ({
        %run_scoped3A_86 = tpu.sem_alloc : memref<!tpu.dma_semaphore, #tpu.memory_space<semaphore_mem>>
        %dma_start3A_87 = arith.constant 0 : i32
        %dma_start3A_88 = tpu.memref_slice %arg12[%add3A_47, %dma_start3A_87] : memref<10000x128xf32, #tpu.memory_space<vmem_shared>> -> memref<80x128xf32, #tpu.memory_space<vmem_shared>>
        %dma_start3A_89 = arith.constant 0 : i32
        %dma_start3A_90 = tpu.memref_slice %arg12[%add3A_47, %dma_start3A_89] : memref<10000x128xf32, #tpu.memory_space<vmem_shared>> -> memref<80x128xf32, #tpu.memory_space<vmem_shared>>
        tpu.enqueue_dma source(%arg15 : memref<80x128xf32, #tpu.memory_space<vmem>>) target(%dma_start3A_90 : memref<80x128xf32, #tpu.memory_space<vmem_shared>>) target_semaphore(%run_scoped3A_86 : memref<!tpu.dma_semaphore, #tpu.memory_space<semaphore_mem>>)
        %dma_wait3A_91 = arith.constant 0 : i32
        %dma_wait3A_92 = tpu.memref_slice %arg12[%add3A_47, %dma_wait3A_91] : memref<10000x128xf32, #tpu.memory_space<vmem_shared>> -> memref<80x128xf32, #tpu.memory_space<vmem_shared>>
        %dma_wait3A_93 = arith.constant 0 : i32
        %dma_wait3A_94 = tpu.memref_slice %arg12[%add3A_47, %dma_wait3A_93] : memref<10000x128xf32, #tpu.memory_space<vmem_shared>> -> memref<80x128xf32, #tpu.memory_space<vmem_shared>>
        tpu.wait_dma2 semaphore(%run_scoped3A_86 : memref<!tpu.dma_semaphore, #tpu.memory_space<semaphore_mem>>) src(%arg15 : memref<80x128xf32, #tpu.memory_space<vmem>>) dst(%dma_wait3A_94 : memref<80x128xf32, #tpu.memory_space<vmem_shared>>)
        tpu.yield
      }) : () -> ()
      %mul3A_48 = arith.constant 624 : i32
      %mul3A_49 = arith.muli %arg1, %mul3A_48 : i32
      %add3A_50 = arith.constant 480 : i32
      %add3A_51 = arith.addi %mul3A_49, %add3A_50 : i32
      "tpu.region"() ({
        %run_scoped3A_86 = tpu.sem_alloc : memref<!tpu.dma_semaphore, #tpu.memory_space<semaphore_mem>>
        %dma_start3A_87 = arith.constant 0 : i32
        %dma_start3A_88 = tpu.memref_slice %arg12[%add3A_51, %dma_start3A_87] : memref<10000x128xf32, #tpu.memory_space<vmem_shared>> -> memref<80x128xf32, #tpu.memory_space<vmem_shared>>
        %dma_start3A_89 = arith.constant 0 : i32
        %dma_start3A_90 = tpu.memref_slice %arg12[%add3A_51, %dma_start3A_89] : memref<10000x128xf32, #tpu.memory_space<vmem_shared>> -> memref<80x128xf32, #tpu.memory_space<vmem_shared>>
        tpu.enqueue_dma source(%arg15 : memref<80x128xf32, #tpu.memory_space<vmem>>) target(%dma_start3A_90 : memref<80x128xf32, #tpu.memory_space<vmem_shared>>) target_semaphore(%run_scoped3A_86 : memref<!tpu.dma_semaphore, #tpu.memory_space<semaphore_mem>>)
        %dma_wait3A_91 = arith.constant 0 : i32
        %dma_wait3A_92 = tpu.memref_slice %arg12[%add3A_51, %dma_wait3A_91] : memref<10000x128xf32, #tpu.memory_space<vmem_shared>> -> memref<80x128xf32, #tpu.memory_space<vmem_shared>>
        %dma_wait3A_93 = arith.constant 0 : i32
        %dma_wait3A_94 = tpu.memref_slice %arg12[%add3A_51, %dma_wait3A_93] : memref<10000x128xf32, #tpu.memory_space<vmem_shared>> -> memref<80x128xf32, #tpu.memory_space<vmem_shared>>
        tpu.wait_dma2 semaphore(%run_scoped3A_86 : memref<!tpu.dma_semaphore, #tpu.memory_space<semaphore_mem>>) src(%arg15 : memref<80x128xf32, #tpu.memory_space<vmem>>) dst(%dma_wait3A_94 : memref<80x128xf32, #tpu.memory_space<vmem_shared>>)
        tpu.yield
      }) : () -> ()
      %mul3A_52 = arith.constant 624 : i32
      %mul3A_53 = arith.muli %arg1, %mul3A_52 : i32
      %add3A_54 = arith.constant 560 : i32
      %add3A_55 = arith.addi %mul3A_53, %add3A_54 : i32
      "tpu.region"() ({
        %run_scoped3A_86 = tpu.sem_alloc : memref<!tpu.dma_semaphore, #tpu.memory_space<semaphore_mem>>
        %dma_start3A_87 = arith.constant 0 : i32
        %dma_start3A_88 = arith.constant 0 : i32
        %dma_start3A_89 = tpu.memref_slice %arg15[%dma_start3A_87, %dma_start3A_88] : memref<80x128xf32, #tpu.memory_space<vmem>> -> memref<64x128xf32, #tpu.memory_space<vmem>>
        %dma_start3A_90 = arith.constant 0 : i32
        %dma_start3A_91 = tpu.memref_slice %arg12[%add3A_55, %dma_start3A_90] : memref<10000x128xf32, #tpu.memory_space<vmem_shared>> -> memref<64x128xf32, #tpu.memory_space<vmem_shared>>
        %dma_start3A_92 = arith.constant 0 : i32
        %dma_start3A_93 = tpu.memref_slice %arg12[%add3A_55, %dma_start3A_92] : memref<10000x128xf32, #tpu.memory_space<vmem_shared>> -> memref<64x128xf32, #tpu.memory_space<vmem_shared>>
        %dma_start3A_94 = arith.constant 0 : i32
        %dma_start3A_95 = arith.constant 0 : i32
        %dma_start3A_96 = tpu.memref_slice %arg15[%dma_start3A_94, %dma_start3A_95] : memref<80x128xf32, #tpu.memory_space<vmem>> -> memref<64x128xf32, #tpu.memory_space<vmem>>
        tpu.enqueue_dma source(%dma_start3A_96 : memref<64x128xf32, #tpu.memory_space<vmem>>) target(%dma_start3A_93 : memref<64x128xf32, #tpu.memory_space<vmem_shared>>) target_semaphore(%run_scoped3A_86 : memref<!tpu.dma_semaphore, #tpu.memory_space<semaphore_mem>>)
        %dma_wait3A_97 = arith.constant 0 : i32
        %dma_wait3A_98 = arith.constant 0 : i32
        %dma_wait3A_99 = tpu.memref_slice %arg15[%dma_wait3A_97, %dma_wait3A_98] : memref<80x128xf32, #tpu.memory_space<vmem>> -> memref<64x128xf32, #tpu.memory_space<vmem>>
        %dma_wait3A_100 = arith.constant 0 : i32
        %dma_wait3A_101 = tpu.memref_slice %arg12[%add3A_55, %dma_wait3A_100] : memref<10000x128xf32, #tpu.memory_space<vmem_shared>> -> memref<64x128xf32, #tpu.memory_space<vmem_shared>>
        %dma_wait3A_102 = arith.constant 0 : i32
        %dma_wait3A_103 = tpu.memref_slice %arg12[%add3A_55, %dma_wait3A_102] : memref<10000x128xf32, #tpu.memory_space<vmem_shared>> -> memref<64x128xf32, #tpu.memory_space<vmem_shared>>
        %dma_wait3A_104 = arith.constant 0 : i32
        %dma_wait3A_105 = arith.constant 0 : i32
        %dma_wait3A_106 = tpu.memref_slice %arg15[%dma_wait3A_104, %dma_wait3A_105] : memref<80x128xf32, #tpu.memory_space<vmem>> -> memref<64x128xf32, #tpu.memory_space<vmem>>
        tpu.wait_dma2 semaphore(%run_scoped3A_86 : memref<!tpu.dma_semaphore, #tpu.memory_space<semaphore_mem>>) src(%dma_wait3A_106 : memref<64x128xf32, #tpu.memory_space<vmem>>) dst(%dma_wait3A_103 : memref<64x128xf32, #tpu.memory_space<vmem_shared>>)
        tpu.yield
      }) : () -> ()
      %eq3A_56 = arith.constant 0 : i32
      %eq3A_57 = arith.cmpi eq, %arg1, %eq3A_56 : i32
      %convert_element_type3A_58 = arith.extui %eq3A_57 : i1 to i32
      %cond3A_59 = arith.constant 0 : i32
      %cond3A_60 = arith.cmpi ne, %convert_element_type3A_58, %cond3A_59 : i32
      scf.if %cond3A_60 {
        "tpu.region"() ({
          %run_scoped3A_86 = tpu.sem_alloc : memref<!tpu.dma_semaphore, #tpu.memory_space<semaphore_mem>>
          %dma_start3A_87 = arith.constant 0 : i32
          %dma_start3A_88 = arith.constant 0 : i32
          %dma_start3A_89 = tpu.memref_slice %arg15[%dma_start3A_87, %dma_start3A_88] : memref<80x128xf32, #tpu.memory_space<vmem>> -> memref<16x128xf32, #tpu.memory_space<vmem>>
          %dma_start3A_90 = arith.constant 9984 : i32
          %dma_start3A_91 = arith.constant 0 : i32
          %dma_start3A_92 = tpu.memref_slice %arg12[%dma_start3A_90, %dma_start3A_91] : memref<10000x128xf32, #tpu.memory_space<vmem_shared>> -> memref<16x128xf32, #tpu.memory_space<vmem_shared>>
          %dma_start3A_93 = arith.constant 9984 : i32
          %dma_start3A_94 = arith.constant 0 : i32
          %dma_start3A_95 = tpu.memref_slice %arg12[%dma_start3A_93, %dma_start3A_94] : memref<10000x128xf32, #tpu.memory_space<vmem_shared>> -> memref<16x128xf32, #tpu.memory_space<vmem_shared>>
          %dma_start3A_96 = arith.constant 0 : i32
          %dma_start3A_97 = arith.constant 0 : i32
          %dma_start3A_98 = tpu.memref_slice %arg15[%dma_start3A_96, %dma_start3A_97] : memref<80x128xf32, #tpu.memory_space<vmem>> -> memref<16x128xf32, #tpu.memory_space<vmem>>
          tpu.enqueue_dma source(%dma_start3A_98 : memref<16x128xf32, #tpu.memory_space<vmem>>) target(%dma_start3A_95 : memref<16x128xf32, #tpu.memory_space<vmem_shared>>) target_semaphore(%run_scoped3A_86 : memref<!tpu.dma_semaphore, #tpu.memory_space<semaphore_mem>>)
          %dma_wait3A_99 = arith.constant 0 : i32
          %dma_wait3A_100 = arith.constant 0 : i32
          %dma_wait3A_101 = tpu.memref_slice %arg15[%dma_wait3A_99, %dma_wait3A_100] : memref<80x128xf32, #tpu.memory_space<vmem>> -> memref<16x128xf32, #tpu.memory_space<vmem>>
          %dma_wait3A_102 = arith.constant 9984 : i32
          %dma_wait3A_103 = arith.constant 0 : i32
          %dma_wait3A_104 = tpu.memref_slice %arg12[%dma_wait3A_102, %dma_wait3A_103] : memref<10000x128xf32, #tpu.memory_space<vmem_shared>> -> memref<16x128xf32, #tpu.memory_space<vmem_shared>>
          %dma_wait3A_105 = arith.constant 9984 : i32
          %dma_wait3A_106 = arith.constant 0 : i32
          %dma_wait3A_107 = tpu.memref_slice %arg12[%dma_wait3A_105, %dma_wait3A_106] : memref<10000x128xf32, #tpu.memory_space<vmem_shared>> -> memref<16x128xf32, #tpu.memory_space<vmem_shared>>
          %dma_wait3A_108 = arith.constant 0 : i32
          %dma_wait3A_109 = arith.constant 0 : i32
          %dma_wait3A_110 = tpu.memref_slice %arg15[%dma_wait3A_108, %dma_wait3A_109] : memref<80x128xf32, #tpu.memory_space<vmem>> -> memref<16x128xf32, #tpu.memory_space<vmem>>
          tpu.wait_dma2 semaphore(%run_scoped3A_86 : memref<!tpu.dma_semaphore, #tpu.memory_space<semaphore_mem>>) src(%dma_wait3A_110 : memref<16x128xf32, #tpu.memory_space<vmem>>) dst(%dma_wait3A_107 : memref<16x128xf32, #tpu.memory_space<vmem_shared>>)
          tpu.yield
        }) : () -> ()
      } else {
      }
      %barrier3A = arith.constant 0 : index
      tpu.barrier barrier_id(%barrier3A)
      %dma_start3A = arith.constant 0 : i32
      %dma_start3A_61 = tpu.memref_slice %arg13[%dma_start3A] : memref<10000xi32, #tpu.memory_space<vmem>> -> memref<80xi32, #tpu.memory_space<vmem>>
      %dma_start3A_62 = arith.constant 0 : i32
      %dma_start3A_63 = arith.constant 0 : i32
      %dma_start3A_64 = tpu.memref_slice %arg4[%dma_start3A_62, %dma_start3A_63] : memref<10000x128xf32, #tpu.memory_space<hbm>> -> memref<10000x128xf32, #tpu.memory_space<hbm>>
      tpu.enqueue_indirect_dma source(%dma_start3A_64 : memref<10000x128xf32, #tpu.memory_space<hbm>>) target(%arg15 : memref<80x128xf32, #tpu.memory_space<vmem>>) offsets(%dma_start3A_61 : memref<80xi32, #tpu.memory_space<vmem>>) semaphore(%arg17 : memref<!tpu.dma_semaphore, #tpu.memory_space<semaphore_mem>>)
      %scan3A_65 = arith.constant 0 : i32
      %scan3A_66 = arith.constant 0 : i32
      %scan3A_67 = arith.constant 62 : i32
      %scan3A_68 = arith.addi %scan3A_66, %scan3A_67 : i32
      %scan3A_69 = arith.constant 1 : i32
      %scan3A_70 = scf.for %scan3A_86 = %scan3A_66 to %scan3A_68 step %scan3A_69 iter_args(%scan3A_87 = %scan3A_65) -> (i32)  : i32 {
        %mul3A_88 = arith.constant 2 : i32
        %mul3A_89 = arith.muli %scan3A_86, %mul3A_88 : i32
        %add3A_90 = arith.constant 1 : i32
        %add3A_91 = arith.addi %mul3A_89, %add3A_90 : i32
        %mul3A_92 = arith.constant 80 : i32
        %mul3A_93 = arith.muli %add3A_91, %mul3A_92 : i32
        %dma_start3A_94 = tpu.memref_slice %arg13[%mul3A_93] : memref<10000xi32, #tpu.memory_space<vmem>> -> memref<80xi32, #tpu.memory_space<vmem>>
        %dma_start3A_95 = arith.constant 0 : i32
        %dma_start3A_96 = arith.constant 0 : i32
        %dma_start3A_97 = tpu.memref_slice %arg4[%dma_start3A_95, %dma_start3A_96] : memref<10000x128xf32, #tpu.memory_space<hbm>> -> memref<10000x128xf32, #tpu.memory_space<hbm>>
        tpu.enqueue_indirect_dma source(%dma_start3A_97 : memref<10000x128xf32, #tpu.memory_space<hbm>>) target(%arg16 : memref<80x128xf32, #tpu.memory_space<vmem>>) offsets(%dma_start3A_94 : memref<80xi32, #tpu.memory_space<vmem>>) semaphore(%arg18 : memref<!tpu.dma_semaphore, #tpu.memory_space<semaphore_mem>>)
        %dma_wait3A_98 = arith.constant 0 : i32
        %dma_wait3A_99 = tpu.memref_slice %arg13[%dma_wait3A_98] : memref<10000xi32, #tpu.memory_space<vmem>> -> memref<80xi32, #tpu.memory_space<vmem>>
        %dma_wait3A_100 = arith.constant 0 : i32
        %dma_wait3A_101 = arith.constant 0 : i32
        %dma_wait3A_102 = tpu.memref_slice %arg4[%dma_wait3A_100, %dma_wait3A_101] : memref<10000x128xf32, #tpu.memory_space<hbm>> -> memref<10000x128xf32, #tpu.memory_space<hbm>>
        tpu.wait_indirect_dma semaphore(%arg17 : memref<!tpu.dma_semaphore, #tpu.memory_space<semaphore_mem>>) src(%dma_wait3A_102 : memref<10000x128xf32, #tpu.memory_space<hbm>>) dst(%arg15 : memref<80x128xf32, #tpu.memory_space<vmem>>)
        "tpu.region"() ({
          %run_scoped3A_119 = tpu.sem_alloc : memref<!tpu.dma_semaphore, #tpu.memory_space<semaphore_mem>>
          %dma_start3A_120 = arith.constant 0 : i32
          %dma_start3A_121 = tpu.memref_slice %arg14[%mul3A_89, %dma_start3A_120] : memref<125x80xi32, #tpu.memory_space<vmem>> -> memref<1x80xi32, #tpu.memory_space<vmem>>
          %dma_start3A_122 = tpu.memref_squeeze %dma_start3A_121 : memref<1x80xi32, #tpu.memory_space<vmem>> -> memref<80xi32, #tpu.memory_space<vmem>>
          %dma_start3A_123 = arith.constant 0 : i32
          %dma_start3A_124 = arith.constant 0 : i32
          %dma_start3A_125 = tpu.memref_slice %arg12[%dma_start3A_123, %dma_start3A_124] : memref<10000x128xf32, #tpu.memory_space<vmem_shared>> -> memref<10000x128xf32, #tpu.memory_space<vmem_shared>>
          tpu.enqueue_indirect_dma source(%arg15 : memref<80x128xf32, #tpu.memory_space<vmem>>) target(%dma_start3A_125 : memref<10000x128xf32, #tpu.memory_space<vmem_shared>>) offsets(%dma_start3A_122 : memref<80xi32, #tpu.memory_space<vmem>>) semaphore(%run_scoped3A_119 : memref<!tpu.dma_semaphore, #tpu.memory_space<semaphore_mem>>) {add = true}
          %dma_wait3A_126 = arith.constant 0 : i32
          %dma_wait3A_127 = tpu.memref_slice %arg14[%mul3A_89, %dma_wait3A_126] : memref<125x80xi32, #tpu.memory_space<vmem>> -> memref<1x80xi32, #tpu.memory_space<vmem>>
          %dma_wait3A_128 = tpu.memref_squeeze %dma_wait3A_127 : memref<1x80xi32, #tpu.memory_space<vmem>> -> memref<80xi32, #tpu.memory_space<vmem>>
          %dma_wait3A_129 = arith.constant 0 : i32
          %dma_wait3A_130 = arith.constant 0 : i32
          %dma_wait3A_131 = tpu.memref_slice %arg12[%dma_wait3A_129, %dma_wait3A_130] : memref<10000x128xf32, #tpu.memory_space<vmem_shared>> -> memref<10000x128xf32, #tpu.memory_space<vmem_shared>>
          tpu.wait_indirect_dma semaphore(%run_scoped3A_119 : memref<!tpu.dma_semaphore, #tpu.memory_space<semaphore_mem>>) src(%arg15 : memref<80x128xf32, #tpu.memory_space<vmem>>) dst(%dma_wait3A_131 : memref<10000x128xf32, #tpu.memory_space<vmem_shared>>)
          tpu.yield
        }) : () -> ()
        %add3A_103 = arith.constant 2 : i32
        %add3A_104 = arith.addi %mul3A_89, %add3A_103 : i32
        %mul3A_105 = arith.constant 80 : i32
        %mul3A_106 = arith.muli %add3A_104, %mul3A_105 : i32
        %dma_start3A_107 = tpu.memref_slice %arg13[%mul3A_106] : memref<10000xi32, #tpu.memory_space<vmem>> -> memref<80xi32, #tpu.memory_space<vmem>>
        %dma_start3A_108 = arith.constant 0 : i32
        %dma_start3A_109 = arith.constant 0 : i32
        %dma_start3A_110 = tpu.memref_slice %arg4[%dma_start3A_108, %dma_start3A_109] : memref<10000x128xf32, #tpu.memory_space<hbm>> -> memref<10000x128xf32, #tpu.memory_space<hbm>>
        tpu.enqueue_indirect_dma source(%dma_start3A_110 : memref<10000x128xf32, #tpu.memory_space<hbm>>) target(%arg15 : memref<80x128xf32, #tpu.memory_space<vmem>>) offsets(%dma_start3A_107 : memref<80xi32, #tpu.memory_space<vmem>>) semaphore(%arg17 : memref<!tpu.dma_semaphore, #tpu.memory_space<semaphore_mem>>)
        %dma_wait3A_111 = arith.constant 0 : i32
        %dma_wait3A_112 = tpu.memref_slice %arg13[%dma_wait3A_111] : memref<10000xi32, #tpu.memory_space<vmem>> -> memref<80xi32, #tpu.memory_space<vmem>>
        %dma_wait3A_113 = arith.constant 0 : i32
        %dma_wait3A_114 = arith.constant 0 : i32
        %dma_wait3A_115 = tpu.memref_slice %arg4[%dma_wait3A_113, %dma_wait3A_114] : memref<10000x128xf32, #tpu.memory_space<hbm>> -> memref<10000x128xf32, #tpu.memory_space<hbm>>
        tpu.wait_indirect_dma semaphore(%arg18 : memref<!tpu.dma_semaphore, #tpu.memory_space<semaphore_mem>>) src(%dma_wait3A_115 : memref<10000x128xf32, #tpu.memory_space<hbm>>) dst(%arg16 : memref<80x128xf32, #tpu.memory_space<vmem>>)
        %add3A_116 = arith.constant 1 : i32
        %add3A_117 = arith.addi %mul3A_89, %add3A_116 : i32
        "tpu.region"() ({
          %run_scoped3A_119 = tpu.sem_alloc : memref<!tpu.dma_semaphore, #tpu.memory_space<semaphore_mem>>
          %dma_start3A_120 = arith.constant 0 : i32
          %dma_start3A_121 = tpu.memref_slice %arg14[%add3A_117, %dma_start3A_120] : memref<125x80xi32, #tpu.memory_space<vmem>> -> memref<1x80xi32, #tpu.memory_space<vmem>>
          %dma_start3A_122 = tpu.memref_squeeze %dma_start3A_121 : memref<1x80xi32, #tpu.memory_space<vmem>> -> memref<80xi32, #tpu.memory_space<vmem>>
          %dma_start3A_123 = arith.constant 0 : i32
          %dma_start3A_124 = arith.constant 0 : i32
          %dma_start3A_125 = tpu.memref_slice %arg12[%dma_start3A_123, %dma_start3A_124] : memref<10000x128xf32, #tpu.memory_space<vmem_shared>> -> memref<10000x128xf32, #tpu.memory_space<vmem_shared>>
          tpu.enqueue_indirect_dma source(%arg16 : memref<80x128xf32, #tpu.memory_space<vmem>>) target(%dma_start3A_125 : memref<10000x128xf32, #tpu.memory_space<vmem_shared>>) offsets(%dma_start3A_122 : memref<80xi32, #tpu.memory_space<vmem>>) semaphore(%run_scoped3A_119 : memref<!tpu.dma_semaphore, #tpu.memory_space<semaphore_mem>>) {add = true}
          %dma_wait3A_126 = arith.constant 0 : i32
          %dma_wait3A_127 = tpu.memref_slice %arg14[%add3A_117, %dma_wait3A_126] : memref<125x80xi32, #tpu.memory_space<vmem>> -> memref<1x80xi32, #tpu.memory_space<vmem>>
          %dma_wait3A_128 = tpu.memref_squeeze %dma_wait3A_127 : memref<1x80xi32, #tpu.memory_space<vmem>> -> memref<80xi32, #tpu.memory_space<vmem>>
          %dma_wait3A_129 = arith.constant 0 : i32
          %dma_wait3A_130 = arith.constant 0 : i32
          %dma_wait3A_131 = tpu.memref_slice %arg12[%dma_wait3A_129, %dma_wait3A_130] : memref<10000x128xf32, #tpu.memory_space<vmem_shared>> -> memref<10000x128xf32, #tpu.memory_space<vmem_shared>>
          tpu.wait_indirect_dma semaphore(%run_scoped3A_119 : memref<!tpu.dma_semaphore, #tpu.memory_space<semaphore_mem>>) src(%arg16 : memref<80x128xf32, #tpu.memory_space<vmem>>) dst(%dma_wait3A_131 : memref<10000x128xf32, #tpu.memory_space<vmem_shared>>)
          tpu.yield
        }) : () -> ()
        %scan3A_118 = arith.constant 0 : i32
        scf.yield %scan3A_118 : i32
      }
      %scan3A_71 = arith.constant 62 : i32
      %dma_wait3A = arith.constant 0 : i32
      %dma_wait3A_72 = tpu.memref_slice %arg13[%dma_wait3A] : memref<10000xi32, #tpu.memory_space<vmem>> -> memref<80xi32, #tpu.memory_space<vmem>>
      %dma_wait3A_73 = arith.constant 0 : i32
      %dma_wait3A_74 = arith.constant 0 : i32
      %dma_wait3A_75 = tpu.memref_slice %arg4[%dma_wait3A_73, %dma_wait3A_74] : memref<10000x128xf32, #tpu.memory_space<hbm>> -> memref<10000x128xf32, #tpu.memory_space<hbm>>
      tpu.wait_indirect_dma semaphore(%arg17 : memref<!tpu.dma_semaphore, #tpu.memory_space<semaphore_mem>>) src(%dma_wait3A_75 : memref<10000x128xf32, #tpu.memory_space<hbm>>) dst(%arg15 : memref<80x128xf32, #tpu.memory_space<vmem>>)
      %run_scoped3A = arith.constant 124 : i32
      "tpu.region"() ({
        %run_scoped3A_86 = tpu.sem_alloc : memref<!tpu.dma_semaphore, #tpu.memory_space<semaphore_mem>>
        %dma_start3A_87 = arith.constant 0 : i32
        %dma_start3A_88 = tpu.memref_slice %arg14[%run_scoped3A, %dma_start3A_87] : memref<125x80xi32, #tpu.memory_space<vmem>> -> memref<1x80xi32, #tpu.memory_space<vmem>>
        %dma_start3A_89 = tpu.memref_squeeze %dma_start3A_88 : memref<1x80xi32, #tpu.memory_space<vmem>> -> memref<80xi32, #tpu.memory_space<vmem>>
        %dma_start3A_90 = arith.constant 0 : i32
        %dma_start3A_91 = arith.constant 0 : i32
        %dma_start3A_92 = tpu.memref_slice %arg12[%dma_start3A_90, %dma_start3A_91] : memref<10000x128xf32, #tpu.memory_space<vmem_shared>> -> memref<10000x128xf32, #tpu.memory_space<vmem_shared>>
        tpu.enqueue_indirect_dma source(%arg15 : memref<80x128xf32, #tpu.memory_space<vmem>>) target(%dma_start3A_92 : memref<10000x128xf32, #tpu.memory_space<vmem_shared>>) offsets(%dma_start3A_89 : memref<80xi32, #tpu.memory_space<vmem>>) semaphore(%run_scoped3A_86 : memref<!tpu.dma_semaphore, #tpu.memory_space<semaphore_mem>>) {add = true}
        %dma_wait3A_93 = arith.constant 0 : i32
        %dma_wait3A_94 = tpu.memref_slice %arg14[%run_scoped3A, %dma_wait3A_93] : memref<125x80xi32, #tpu.memory_space<vmem>> -> memref<1x80xi32, #tpu.memory_space<vmem>>
        %dma_wait3A_95 = tpu.memref_squeeze %dma_wait3A_94 : memref<1x80xi32, #tpu.memory_space<vmem>> -> memref<80xi32, #tpu.memory_space<vmem>>
        %dma_wait3A_96 = arith.constant 0 : i32
        %dma_wait3A_97 = arith.constant 0 : i32
        %dma_wait3A_98 = tpu.memref_slice %arg12[%dma_wait3A_96, %dma_wait3A_97] : memref<10000x128xf32, #tpu.memory_space<vmem_shared>> -> memref<10000x128xf32, #tpu.memory_space<vmem_shared>>
        tpu.wait_indirect_dma semaphore(%run_scoped3A_86 : memref<!tpu.dma_semaphore, #tpu.memory_space<semaphore_mem>>) src(%arg15 : memref<80x128xf32, #tpu.memory_space<vmem>>) dst(%dma_wait3A_98 : memref<10000x128xf32, #tpu.memory_space<vmem_shared>>)
        tpu.yield
      }) : () -> ()
      %barrier3A_76 = arith.constant 0 : index
      tpu.barrier barrier_id(%barrier3A_76)
      %mul3A_77 = arith.constant 624 : i32
      %mul3A_78 = arith.muli %arg1, %mul3A_77 : i32
      %mul3A_79 = arith.constant 624 : i32
      %mul3A_80 = arith.muli %arg1, %mul3A_79 : i32
      "tpu.region"() ({
        %run_scoped3A_86 = tpu.sem_alloc : memref<!tpu.dma_semaphore, #tpu.memory_space<semaphore_mem>>
        %dma_start3A_87 = arith.constant 0 : i32
        %dma_start3A_88 = tpu.memref_slice %arg8[%mul3A_80, %dma_start3A_87] : memref<10000x128xf32, #tpu.memory_space<hbm>> -> memref<624x128xf32, #tpu.memory_space<hbm>>
        %dma_start3A_89 = arith.constant 0 : i32
        %dma_start3A_90 = tpu.memref_slice %arg12[%mul3A_78, %dma_start3A_89] : memref<10000x128xf32, #tpu.memory_space<vmem_shared>> -> memref<624x128xf32, #tpu.memory_space<vmem_shared>>
        tpu.enqueue_dma source(%dma_start3A_90 : memref<624x128xf32, #tpu.memory_space<vmem_shared>>) target(%dma_start3A_88 : memref<624x128xf32, #tpu.memory_space<hbm>>) target_semaphore(%run_scoped3A_86 : memref<!tpu.dma_semaphore, #tpu.memory_space<semaphore_mem>>)
        %dma_wait3A_91 = arith.constant 0 : i32
        %dma_wait3A_92 = tpu.memref_slice %arg8[%mul3A_80, %dma_wait3A_91] : memref<10000x128xf32, #tpu.memory_space<hbm>> -> memref<624x128xf32, #tpu.memory_space<hbm>>
        %dma_wait3A_93 = arith.constant 0 : i32
        %dma_wait3A_94 = tpu.memref_slice %arg12[%mul3A_78, %dma_wait3A_93] : memref<10000x128xf32, #tpu.memory_space<vmem_shared>> -> memref<624x128xf32, #tpu.memory_space<vmem_shared>>
        tpu.wait_dma2 semaphore(%run_scoped3A_86 : memref<!tpu.dma_semaphore, #tpu.memory_space<semaphore_mem>>) src(%dma_wait3A_94 : memref<624x128xf32, #tpu.memory_space<vmem_shared>>) dst(%dma_wait3A_92 : memref<624x128xf32, #tpu.memory_space<hbm>>)
        tpu.yield
      }) : () -> ()
      %eq3A_81 = arith.constant 0 : i32
      %eq3A_82 = arith.cmpi eq, %arg1, %eq3A_81 : i32
      %convert_element_type3A_83 = arith.extui %eq3A_82 : i1 to i32
      %cond3A_84 = arith.constant 0 : i32
      %cond3A_85 = arith.cmpi ne, %convert_element_type3A_83, %cond3A_84 : i32
      scf.if %cond3A_85 {
        "tpu.region"() ({
          %run_scoped3A_86 = tpu.sem_alloc : memref<!tpu.dma_semaphore, #tpu.memory_space<semaphore_mem>>
          %dma_start3A_87 = arith.constant 9984 : i32
          %dma_start3A_88 = arith.constant 0 : i32
          %dma_start3A_89 = tpu.memref_slice %arg8[%dma_start3A_87, %dma_start3A_88] : memref<10000x128xf32, #tpu.memory_space<hbm>> -> memref<16x128xf32, #tpu.memory_space<hbm>>
          %dma_start3A_90 = arith.constant 9984 : i32
          %dma_start3A_91 = arith.constant 0 : i32
          %dma_start3A_92 = tpu.memref_slice %arg12[%dma_start3A_90, %dma_start3A_91] : memref<10000x128xf32, #tpu.memory_space<vmem_shared>> -> memref<16x128xf32, #tpu.memory_space<vmem_shared>>
          tpu.enqueue_dma source(%dma_start3A_92 : memref<16x128xf32, #tpu.memory_space<vmem_shared>>) target(%dma_start3A_89 : memref<16x128xf32, #tpu.memory_space<hbm>>) target_semaphore(%run_scoped3A_86 : memref<!tpu.dma_semaphore, #tpu.memory_space<semaphore_mem>>)
          %dma_wait3A_93 = arith.constant 9984 : i32
          %dma_wait3A_94 = arith.constant 0 : i32
          %dma_wait3A_95 = tpu.memref_slice %arg8[%dma_wait3A_93, %dma_wait3A_94] : memref<10000x128xf32, #tpu.memory_space<hbm>> -> memref<16x128xf32, #tpu.memory_space<hbm>>
          %dma_wait3A_96 = arith.constant 9984 : i32
          %dma_wait3A_97 = arith.constant 0 : i32
          %dma_wait3A_98 = tpu.memref_slice %arg12[%dma_wait3A_96, %dma_wait3A_97] : memref<10000x128xf32, #tpu.memory_space<vmem_shared>> -> memref<16x128xf32, #tpu.memory_space<vmem_shared>>
          tpu.wait_dma2 semaphore(%run_scoped3A_86 : memref<!tpu.dma_semaphore, #tpu.memory_space<semaphore_mem>>) src(%dma_wait3A_98 : memref<16x128xf32, #tpu.memory_space<vmem_shared>>) dst(%dma_wait3A_95 : memref<16x128xf32, #tpu.memory_space<hbm>>)
          tpu.yield
        }) : () -> ()
      } else {
      }
    } else {
    }
    %eq3A_3 = arith.constant 1 : i32
    %eq3A_4 = arith.cmpi eq, %arg0, %eq3A_3 : i32
    %convert_element_type3A_5 = arith.extui %eq3A_4 : i1 to i32
    %cond3A_6 = arith.constant 0 : i32
    %cond3A_7 = arith.cmpi ne, %convert_element_type3A_5, %cond3A_6 : i32
    scf.if %cond3A_7 {
      %broadcast_in_dim3A = arith.constant 0.000000e+00 : f32
      %broadcast_in_dim3A_18 = vector.broadcast %broadcast_in_dim3A : f32 to vector<16xf32>
      %scan3A = arith.constant 0 : i32
      %scan3A_19 = arith.constant 0 : i32
      %scan3A_20 = arith.constant 80 : i32
      %scan3A_21 = arith.addi %scan3A_19, %scan3A_20 : i32
      %scan3A_22 = arith.constant 1 : i32
      %scan3A_23 = scf.for %scan3A_86 = %scan3A_19 to %scan3A_21 step %scan3A_22 iter_args(%scan3A_87 = %scan3A) -> (i32)  : i32 {
        %swap3A = arith.index_cast %scan3A_86 : i32 to index
        %swap3A_88 = arith.constant 0 : index
        %swap3A_89 = tpu.vector_load %arg15[%swap3A, %swap3A_88] {strides = array<i32>} : memref<80x128xf32, #tpu.memory_space<vmem>>, vector<1x16xf32>,
        %swap3A_90 = vector.shape_cast %swap3A_89 : vector<1x16xf32> to vector<16xf32>
        %swap3A_91 = vector.shape_cast %broadcast_in_dim3A_18 : vector<16xf32> to vector<1x16xf32>
        tpu.vector_store %arg15[%swap3A, %swap3A_88], %swap3A_91 {strides = array<i32>} : memref<80x128xf32, #tpu.memory_space<vmem>>, vector<1x16xf32>,
        %swap3A_92 = arith.index_cast %scan3A_86 : i32 to index
        %swap3A_93 = arith.constant 16 : index
        %swap3A_94 = tpu.vector_load %arg15[%swap3A_92, %swap3A_93] {strides = array<i32>} : memref<80x128xf32, #tpu.memory_space<vmem>>, vector<1x16xf32>,
        %swap3A_95 = vector.shape_cast %swap3A_94 : vector<1x16xf32> to vector<16xf32>
        %swap3A_96 = vector.shape_cast %broadcast_in_dim3A_18 : vector<16xf32> to vector<1x16xf32>
        tpu.vector_store %arg15[%swap3A_92, %swap3A_93], %swap3A_96 {strides = array<i32>} : memref<80x128xf32, #tpu.memory_space<vmem>>, vector<1x16xf32>,
        %swap3A_97 = arith.index_cast %scan3A_86 : i32 to index
        %swap3A_98 = arith.constant 32 : index
        %swap3A_99 = tpu.vector_load %arg15[%swap3A_97, %swap3A_98] {strides = array<i32>} : memref<80x128xf32, #tpu.memory_space<vmem>>, vector<1x16xf32>,
        %swap3A_100 = vector.shape_cast %swap3A_99 : vector<1x16xf32> to vector<16xf32>
        %swap3A_101 = vector.shape_cast %broadcast_in_dim3A_18 : vector<16xf32> to vector<1x16xf32>
        tpu.vector_store %arg15[%swap3A_97, %swap3A_98], %swap3A_101 {strides = array<i32>} : memref<80x128xf32, #tpu.memory_space<vmem>>, vector<1x16xf32>,
        %swap3A_102 = arith.index_cast %scan3A_86 : i32 to index
        %swap3A_103 = arith.constant 48 : index
        %swap3A_104 = tpu.vector_load %arg15[%swap3A_102, %swap3A_103] {strides = array<i32>} : memref<80x128xf32, #tpu.memory_space<vmem>>, vector<1x16xf32>,
        %swap3A_105 = vector.shape_cast %swap3A_104 : vector<1x16xf32> to vector<16xf32>
        %swap3A_106 = vector.shape_cast %broadcast_in_dim3A_18 : vector<16xf32> to vector<1x16xf32>
        tpu.vector_store %arg15[%swap3A_102, %swap3A_103], %swap3A_106 {strides = array<i32>} : memref<80x128xf32, #tpu.memory_space<vmem>>, vector<1x16xf32>,
        %swap3A_107 = arith.index_cast %scan3A_86 : i32 to index
        %swap3A_108 = arith.constant 64 : index
        %swap3A_109 = tpu.vector_load %arg15[%swap3A_107, %swap3A_108] {strides = array<i32>} : memref<80x128xf32, #tpu.memory_space<vmem>>, vector<1x16xf32>,
        %swap3A_110 = vector.shape_cast %swap3A_109 : vector<1x16xf32> to vector<16xf32>
        %swap3A_111 = vector.shape_cast %broadcast_in_dim3A_18 : vector<16xf32> to vector<1x16xf32>
        tpu.vector_store %arg15[%swap3A_107, %swap3A_108], %swap3A_111 {strides = array<i32>} : memref<80x128xf32, #tpu.memory_space<vmem>>, vector<1x16xf32>,
        %swap3A_112 = arith.index_cast %scan3A_86 : i32 to index
        %swap3A_113 = arith.constant 80 : index
        %swap3A_114 = tpu.vector_load %arg15[%swap3A_112, %swap3A_113] {strides = array<i32>} : memref<80x128xf32, #tpu.memory_space<vmem>>, vector<1x16xf32>,
        %swap3A_115 = vector.shape_cast %swap3A_114 : vector<1x16xf32> to vector<16xf32>
        %swap3A_116 = vector.shape_cast %broadcast_in_dim3A_18 : vector<16xf32> to vector<1x16xf32>
        tpu.vector_store %arg15[%swap3A_112, %swap3A_113], %swap3A_116 {strides = array<i32>} : memref<80x128xf32, #tpu.memory_space<vmem>>, vector<1x16xf32>,
        %swap3A_117 = arith.index_cast %scan3A_86 : i32 to index
        %swap3A_118 = arith.constant 96 : index
        %swap3A_119 = tpu.vector_load %arg15[%swap3A_117, %swap3A_118] {strides = array<i32>} : memref<80x128xf32, #tpu.memory_space<vmem>>, vector<1x16xf32>,
        %swap3A_120 = vector.shape_cast %swap3A_119 : vector<1x16xf32> to vector<16xf32>
        %swap3A_121 = vector.shape_cast %broadcast_in_dim3A_18 : vector<16xf32> to vector<1x16xf32>
        tpu.vector_store %arg15[%swap3A_117, %swap3A_118], %swap3A_121 {strides = array<i32>} : memref<80x128xf32, #tpu.memory_space<vmem>>, vector<1x16xf32>,
        %swap3A_122 = arith.index_cast %scan3A_86 : i32 to index
        %swap3A_123 = arith.constant 112 : index
        %swap3A_124 = tpu.vector_load %arg15[%swap3A_122, %swap3A_123] {strides = array<i32>} : memref<80x128xf32, #tpu.memory_space<vmem>>, vector<1x16xf32>,
        %swap3A_125 = vector.shape_cast %swap3A_124 : vector<1x16xf32> to vector<16xf32>
        %swap3A_126 = vector.shape_cast %broadcast_in_dim3A_18 : vector<16xf32> to vector<1x16xf32>
        tpu.vector_store %arg15[%swap3A_122, %swap3A_123], %swap3A_126 {strides = array<i32>} : memref<80x128xf32, #tpu.memory_space<vmem>>, vector<1x16xf32>,
        %scan3A_127 = arith.constant 0 : i32
        scf.yield %scan3A_127 : i32
      }
      %scan3A_24 = arith.constant 80 : i32
      %mul3A_25 = arith.constant 624 : i32
      %mul3A_26 = arith.muli %arg1, %mul3A_25 : i32
      %add3A = arith.constant 0 : i32
      %add3A_27 = arith.addi %mul3A_26, %add3A : i32
      "tpu.region"() ({
        %run_scoped3A_86 = tpu.sem_alloc : memref<!tpu.dma_semaphore, #tpu.memory_space<semaphore_mem>>
        %dma_start3A_87 = arith.constant 0 : i32
        %dma_start3A_88 = tpu.memref_slice %arg12[%add3A_27, %dma_start3A_87] : memref<10000x128xf32, #tpu.memory_space<vmem_shared>> -> memref<80x128xf32, #tpu.memory_space<vmem_shared>>
        %dma_start3A_89 = arith.constant 0 : i32
        %dma_start3A_90 = tpu.memref_slice %arg12[%add3A_27, %dma_start3A_89] : memref<10000x128xf32, #tpu.memory_space<vmem_shared>> -> memref<80x128xf32, #tpu.memory_space<vmem_shared>>
        tpu.enqueue_dma source(%arg15 : memref<80x128xf32, #tpu.memory_space<vmem>>) target(%dma_start3A_90 : memref<80x128xf32, #tpu.memory_space<vmem_shared>>) target_semaphore(%run_scoped3A_86 : memref<!tpu.dma_semaphore, #tpu.memory_space<semaphore_mem>>)
        %dma_wait3A_91 = arith.constant 0 : i32
        %dma_wait3A_92 = tpu.memref_slice %arg12[%add3A_27, %dma_wait3A_91] : memref<10000x128xf32, #tpu.memory_space<vmem_shared>> -> memref<80x128xf32, #tpu.memory_space<vmem_shared>>
        %dma_wait3A_93 = arith.constant 0 : i32
        %dma_wait3A_94 = tpu.memref_slice %arg12[%add3A_27, %dma_wait3A_93] : memref<10000x128xf32, #tpu.memory_space<vmem_shared>> -> memref<80x128xf32, #tpu.memory_space<vmem_shared>>
        tpu.wait_dma2 semaphore(%run_scoped3A_86 : memref<!tpu.dma_semaphore, #tpu.memory_space<semaphore_mem>>) src(%arg15 : memref<80x128xf32, #tpu.memory_space<vmem>>) dst(%dma_wait3A_94 : memref<80x128xf32, #tpu.memory_space<vmem_shared>>)
        tpu.yield
      }) : () -> ()
      %mul3A_28 = arith.constant 624 : i32
      %mul3A_29 = arith.muli %arg1, %mul3A_28 : i32
      %add3A_30 = arith.constant 80 : i32
      %add3A_31 = arith.addi %mul3A_29, %add3A_30 : i32
      "tpu.region"() ({
        %run_scoped3A_86 = tpu.sem_alloc : memref<!tpu.dma_semaphore, #tpu.memory_space<semaphore_mem>>
        %dma_start3A_87 = arith.constant 0 : i32
        %dma_start3A_88 = tpu.memref_slice %arg12[%add3A_31, %dma_start3A_87] : memref<10000x128xf32, #tpu.memory_space<vmem_shared>> -> memref<80x128xf32, #tpu.memory_space<vmem_shared>>
        %dma_start3A_89 = arith.constant 0 : i32
        %dma_start3A_90 = tpu.memref_slice %arg12[%add3A_31, %dma_start3A_89] : memref<10000x128xf32, #tpu.memory_space<vmem_shared>> -> memref<80x128xf32, #tpu.memory_space<vmem_shared>>
        tpu.enqueue_dma source(%arg15 : memref<80x128xf32, #tpu.memory_space<vmem>>) target(%dma_start3A_90 : memref<80x128xf32, #tpu.memory_space<vmem_shared>>) target_semaphore(%run_scoped3A_86 : memref<!tpu.dma_semaphore, #tpu.memory_space<semaphore_mem>>)
        %dma_wait3A_91 = arith.constant 0 : i32
        %dma_wait3A_92 = tpu.memref_slice %arg12[%add3A_31, %dma_wait3A_91] : memref<10000x128xf32, #tpu.memory_space<vmem_shared>> -> memref<80x128xf32, #tpu.memory_space<vmem_shared>>
        %dma_wait3A_93 = arith.constant 0 : i32
        %dma_wait3A_94 = tpu.memref_slice %arg12[%add3A_31, %dma_wait3A_93] : memref<10000x128xf32, #tpu.memory_space<vmem_shared>> -> memref<80x128xf32, #tpu.memory_space<vmem_shared>>
        tpu.wait_dma2 semaphore(%run_scoped3A_86 : memref<!tpu.dma_semaphore, #tpu.memory_space<semaphore_mem>>) src(%arg15 : memref<80x128xf32, #tpu.memory_space<vmem>>) dst(%dma_wait3A_94 : memref<80x128xf32, #tpu.memory_space<vmem_shared>>)
        tpu.yield
      }) : () -> ()
      %mul3A_32 = arith.constant 624 : i32
      %mul3A_33 = arith.muli %arg1, %mul3A_32 : i32
      %add3A_34 = arith.constant 160 : i32
      %add3A_35 = arith.addi %mul3A_33, %add3A_34 : i32
      "tpu.region"() ({
        %run_scoped3A_86 = tpu.sem_alloc : memref<!tpu.dma_semaphore, #tpu.memory_space<semaphore_mem>>
        %dma_start3A_87 = arith.constant 0 : i32
        %dma_start3A_88 = tpu.memref_slice %arg12[%add3A_35, %dma_start3A_87] : memref<10000x128xf32, #tpu.memory_space<vmem_shared>> -> memref<80x128xf32, #tpu.memory_space<vmem_shared>>
        %dma_start3A_89 = arith.constant 0 : i32
        %dma_start3A_90 = tpu.memref_slice %arg12[%add3A_35, %dma_start3A_89] : memref<10000x128xf32, #tpu.memory_space<vmem_shared>> -> memref<80x128xf32, #tpu.memory_space<vmem_shared>>
        tpu.enqueue_dma source(%arg15 : memref<80x128xf32, #tpu.memory_space<vmem>>) target(%dma_start3A_90 : memref<80x128xf32, #tpu.memory_space<vmem_shared>>) target_semaphore(%run_scoped3A_86 : memref<!tpu.dma_semaphore, #tpu.memory_space<semaphore_mem>>)
        %dma_wait3A_91 = arith.constant 0 : i32
        %dma_wait3A_92 = tpu.memref_slice %arg12[%add3A_35, %dma_wait3A_91] : memref<10000x128xf32, #tpu.memory_space<vmem_shared>> -> memref<80x128xf32, #tpu.memory_space<vmem_shared>>
        %dma_wait3A_93 = arith.constant 0 : i32
        %dma_wait3A_94 = tpu.memref_slice %arg12[%add3A_35, %dma_wait3A_93] : memref<10000x128xf32, #tpu.memory_space<vmem_shared>> -> memref<80x128xf32, #tpu.memory_space<vmem_shared>>
        tpu.wait_dma2 semaphore(%run_scoped3A_86 : memref<!tpu.dma_semaphore, #tpu.memory_space<semaphore_mem>>) src(%arg15 : memref<80x128xf32, #tpu.memory_space<vmem>>) dst(%dma_wait3A_94 : memref<80x128xf32, #tpu.memory_space<vmem_shared>>)
        tpu.yield
      }) : () -> ()
      %mul3A_36 = arith.constant 624 : i32
      %mul3A_37 = arith.muli %arg1, %mul3A_36 : i32
      %add3A_38 = arith.constant 240 : i32
      %add3A_39 = arith.addi %mul3A_37, %add3A_38 : i32
      "tpu.region"() ({
        %run_scoped3A_86 = tpu.sem_alloc : memref<!tpu.dma_semaphore, #tpu.memory_space<semaphore_mem>>
        %dma_start3A_87 = arith.constant 0 : i32
        %dma_start3A_88 = tpu.memref_slice %arg12[%add3A_39, %dma_start3A_87] : memref<10000x128xf32, #tpu.memory_space<vmem_shared>> -> memref<80x128xf32, #tpu.memory_space<vmem_shared>>
        %dma_start3A_89 = arith.constant 0 : i32
        %dma_start3A_90 = tpu.memref_slice %arg12[%add3A_39, %dma_start3A_89] : memref<10000x128xf32, #tpu.memory_space<vmem_shared>> -> memref<80x128xf32, #tpu.memory_space<vmem_shared>>
        tpu.enqueue_dma source(%arg15 : memref<80x128xf32, #tpu.memory_space<vmem>>) target(%dma_start3A_90 : memref<80x128xf32, #tpu.memory_space<vmem_shared>>) target_semaphore(%run_scoped3A_86 : memref<!tpu.dma_semaphore, #tpu.memory_space<semaphore_mem>>)
        %dma_wait3A_91 = arith.constant 0 : i32
        %dma_wait3A_92 = tpu.memref_slice %arg12[%add3A_39, %dma_wait3A_91] : memref<10000x128xf32, #tpu.memory_space<vmem_shared>> -> memref<80x128xf32, #tpu.memory_space<vmem_shared>>
        %dma_wait3A_93 = arith.constant 0 : i32
        %dma_wait3A_94 = tpu.memref_slice %arg12[%add3A_39, %dma_wait3A_93] : memref<10000x128xf32, #tpu.memory_space<vmem_shared>> -> memref<80x128xf32, #tpu.memory_space<vmem_shared>>
        tpu.wait_dma2 semaphore(%run_scoped3A_86 : memref<!tpu.dma_semaphore, #tpu.memory_space<semaphore_mem>>) src(%arg15 : memref<80x128xf32, #tpu.memory_space<vmem>>) dst(%dma_wait3A_94 : memref<80x128xf32, #tpu.memory_space<vmem_shared>>)
        tpu.yield
      }) : () -> ()
      %mul3A_40 = arith.constant 624 : i32
      %mul3A_41 = arith.muli %arg1, %mul3A_40 : i32
      %add3A_42 = arith.constant 320 : i32
      %add3A_43 = arith.addi %mul3A_41, %add3A_42 : i32
      "tpu.region"() ({
        %run_scoped3A_86 = tpu.sem_alloc : memref<!tpu.dma_semaphore, #tpu.memory_space<semaphore_mem>>
        %dma_start3A_87 = arith.constant 0 : i32
        %dma_start3A_88 = tpu.memref_slice %arg12[%add3A_43, %dma_start3A_87] : memref<10000x128xf32, #tpu.memory_space<vmem_shared>> -> memref<80x128xf32, #tpu.memory_space<vmem_shared>>
        %dma_start3A_89 = arith.constant 0 : i32
        %dma_start3A_90 = tpu.memref_slice %arg12[%add3A_43, %dma_start3A_89] : memref<10000x128xf32, #tpu.memory_space<vmem_shared>> -> memref<80x128xf32, #tpu.memory_space<vmem_shared>>
        tpu.enqueue_dma source(%arg15 : memref<80x128xf32, #tpu.memory_space<vmem>>) target(%dma_start3A_90 : memref<80x128xf32, #tpu.memory_space<vmem_shared>>) target_semaphore(%run_scoped3A_86 : memref<!tpu.dma_semaphore, #tpu.memory_space<semaphore_mem>>)
        %dma_wait3A_91 = arith.constant 0 : i32
        %dma_wait3A_92 = tpu.memref_slice %arg12[%add3A_43, %dma_wait3A_91] : memref<10000x128xf32, #tpu.memory_space<vmem_shared>> -> memref<80x128xf32, #tpu.memory_space<vmem_shared>>
        %dma_wait3A_93 = arith.constant 0 : i32
        %dma_wait3A_94 = tpu.memref_slice %arg12[%add3A_43, %dma_wait3A_93] : memref<10000x128xf32, #tpu.memory_space<vmem_shared>> -> memref<80x128xf32, #tpu.memory_space<vmem_shared>>
        tpu.wait_dma2 semaphore(%run_scoped3A_86 : memref<!tpu.dma_semaphore, #tpu.memory_space<semaphore_mem>>) src(%arg15 : memref<80x128xf32, #tpu.memory_space<vmem>>) dst(%dma_wait3A_94 : memref<80x128xf32, #tpu.memory_space<vmem_shared>>)
        tpu.yield
      }) : () -> ()
      %mul3A_44 = arith.constant 624 : i32
      %mul3A_45 = arith.muli %arg1, %mul3A_44 : i32
      %add3A_46 = arith.constant 400 : i32
      %add3A_47 = arith.addi %mul3A_45, %add3A_46 : i32
      "tpu.region"() ({
        %run_scoped3A_86 = tpu.sem_alloc : memref<!tpu.dma_semaphore, #tpu.memory_space<semaphore_mem>>
        %dma_start3A_87 = arith.constant 0 : i32
        %dma_start3A_88 = tpu.memref_slice %arg12[%add3A_47, %dma_start3A_87] : memref<10000x128xf32, #tpu.memory_space<vmem_shared>> -> memref<80x128xf32, #tpu.memory_space<vmem_shared>>
        %dma_start3A_89 = arith.constant 0 : i32
        %dma_start3A_90 = tpu.memref_slice %arg12[%add3A_47, %dma_start3A_89] : memref<10000x128xf32, #tpu.memory_space<vmem_shared>> -> memref<80x128xf32, #tpu.memory_space<vmem_shared>>
        tpu.enqueue_dma source(%arg15 : memref<80x128xf32, #tpu.memory_space<vmem>>) target(%dma_start3A_90 : memref<80x128xf32, #tpu.memory_space<vmem_shared>>) target_semaphore(%run_scoped3A_86 : memref<!tpu.dma_semaphore, #tpu.memory_space<semaphore_mem>>)
        %dma_wait3A_91 = arith.constant 0 : i32
        %dma_wait3A_92 = tpu.memref_slice %arg12[%add3A_47, %dma_wait3A_91] : memref<10000x128xf32, #tpu.memory_space<vmem_shared>> -> memref<80x128xf32, #tpu.memory_space<vmem_shared>>
        %dma_wait3A_93 = arith.constant 0 : i32
        %dma_wait3A_94 = tpu.memref_slice %arg12[%add3A_47, %dma_wait3A_93] : memref<10000x128xf32, #tpu.memory_space<vmem_shared>> -> memref<80x128xf32, #tpu.memory_space<vmem_shared>>
        tpu.wait_dma2 semaphore(%run_scoped3A_86 : memref<!tpu.dma_semaphore, #tpu.memory_space<semaphore_mem>>) src(%arg15 : memref<80x128xf32, #tpu.memory_space<vmem>>) dst(%dma_wait3A_94 : memref<80x128xf32, #tpu.memory_space<vmem_shared>>)
        tpu.yield
      }) : () -> ()
      %mul3A_48 = arith.constant 624 : i32
      %mul3A_49 = arith.muli %arg1, %mul3A_48 : i32
      %add3A_50 = arith.constant 480 : i32
      %add3A_51 = arith.addi %mul3A_49, %add3A_50 : i32
      "tpu.region"() ({
        %run_scoped3A_86 = tpu.sem_alloc : memref<!tpu.dma_semaphore, #tpu.memory_space<semaphore_mem>>
        %dma_start3A_87 = arith.constant 0 : i32
        %dma_start3A_88 = tpu.memref_slice %arg12[%add3A_51, %dma_start3A_87] : memref<10000x128xf32, #tpu.memory_space<vmem_shared>> -> memref<80x128xf32, #tpu.memory_space<vmem_shared>>
        %dma_start3A_89 = arith.constant 0 : i32
        %dma_start3A_90 = tpu.memref_slice %arg12[%add3A_51, %dma_start3A_89] : memref<10000x128xf32, #tpu.memory_space<vmem_shared>> -> memref<80x128xf32, #tpu.memory_space<vmem_shared>>
        tpu.enqueue_dma source(%arg15 : memref<80x128xf32, #tpu.memory_space<vmem>>) target(%dma_start3A_90 : memref<80x128xf32, #tpu.memory_space<vmem_shared>>) target_semaphore(%run_scoped3A_86 : memref<!tpu.dma_semaphore, #tpu.memory_space<semaphore_mem>>)
        %dma_wait3A_91 = arith.constant 0 : i32
        %dma_wait3A_92 = tpu.memref_slice %arg12[%add3A_51, %dma_wait3A_91] : memref<10000x128xf32, #tpu.memory_space<vmem_shared>> -> memref<80x128xf32, #tpu.memory_space<vmem_shared>>
        %dma_wait3A_93 = arith.constant 0 : i32
        %dma_wait3A_94 = tpu.memref_slice %arg12[%add3A_51, %dma_wait3A_93] : memref<10000x128xf32, #tpu.memory_space<vmem_shared>> -> memref<80x128xf32, #tpu.memory_space<vmem_shared>>
        tpu.wait_dma2 semaphore(%run_scoped3A_86 : memref<!tpu.dma_semaphore, #tpu.memory_space<semaphore_mem>>) src(%arg15 : memref<80x128xf32, #tpu.memory_space<vmem>>) dst(%dma_wait3A_94 : memref<80x128xf32, #tpu.memory_space<vmem_shared>>)
        tpu.yield
      }) : () -> ()
      %mul3A_52 = arith.constant 624 : i32
      %mul3A_53 = arith.muli %arg1, %mul3A_52 : i32
      %add3A_54 = arith.constant 560 : i32
      %add3A_55 = arith.addi %mul3A_53, %add3A_54 : i32
      "tpu.region"() ({
        %run_scoped3A_86 = tpu.sem_alloc : memref<!tpu.dma_semaphore, #tpu.memory_space<semaphore_mem>>
        %dma_start3A_87 = arith.constant 0 : i32
        %dma_start3A_88 = arith.constant 0 : i32
        %dma_start3A_89 = tpu.memref_slice %arg15[%dma_start3A_87, %dma_start3A_88] : memref<80x128xf32, #tpu.memory_space<vmem>> -> memref<64x128xf32, #tpu.memory_space<vmem>>
        %dma_start3A_90 = arith.constant 0 : i32
        %dma_start3A_91 = tpu.memref_slice %arg12[%add3A_55, %dma_start3A_90] : memref<10000x128xf32, #tpu.memory_space<vmem_shared>> -> memref<64x128xf32, #tpu.memory_space<vmem_shared>>
        %dma_start3A_92 = arith.constant 0 : i32
        %dma_start3A_93 = tpu.memref_slice %arg12[%add3A_55, %dma_start3A_92] : memref<10000x128xf32, #tpu.memory_space<vmem_shared>> -> memref<64x128xf32, #tpu.memory_space<vmem_shared>>
        %dma_start3A_94 = arith.constant 0 : i32
        %dma_start3A_95 = arith.constant 0 : i32
        %dma_start3A_96 = tpu.memref_slice %arg15[%dma_start3A_94, %dma_start3A_95] : memref<80x128xf32, #tpu.memory_space<vmem>> -> memref<64x128xf32, #tpu.memory_space<vmem>>
        tpu.enqueue_dma source(%dma_start3A_96 : memref<64x128xf32, #tpu.memory_space<vmem>>) target(%dma_start3A_93 : memref<64x128xf32, #tpu.memory_space<vmem_shared>>) target_semaphore(%run_scoped3A_86 : memref<!tpu.dma_semaphore, #tpu.memory_space<semaphore_mem>>)
        %dma_wait3A_97 = arith.constant 0 : i32
        %dma_wait3A_98 = arith.constant 0 : i32
        %dma_wait3A_99 = tpu.memref_slice %arg15[%dma_wait3A_97, %dma_wait3A_98] : memref<80x128xf32, #tpu.memory_space<vmem>> -> memref<64x128xf32, #tpu.memory_space<vmem>>
        %dma_wait3A_100 = arith.constant 0 : i32
        %dma_wait3A_101 = tpu.memref_slice %arg12[%add3A_55, %dma_wait3A_100] : memref<10000x128xf32, #tpu.memory_space<vmem_shared>> -> memref<64x128xf32, #tpu.memory_space<vmem_shared>>
        %dma_wait3A_102 = arith.constant 0 : i32
        %dma_wait3A_103 = tpu.memref_slice %arg12[%add3A_55, %dma_wait3A_102] : memref<10000x128xf32, #tpu.memory_space<vmem_shared>> -> memref<64x128xf32, #tpu.memory_space<vmem_shared>>
        %dma_wait3A_104 = arith.constant 0 : i32
        %dma_wait3A_105 = arith.constant 0 : i32
        %dma_wait3A_106 = tpu.memref_slice %arg15[%dma_wait3A_104, %dma_wait3A_105] : memref<80x128xf32, #tpu.memory_space<vmem>> -> memref<64x128xf32, #tpu.memory_space<vmem>>
        tpu.wait_dma2 semaphore(%run_scoped3A_86 : memref<!tpu.dma_semaphore, #tpu.memory_space<semaphore_mem>>) src(%dma_wait3A_106 : memref<64x128xf32, #tpu.memory_space<vmem>>) dst(%dma_wait3A_103 : memref<64x128xf32, #tpu.memory_space<vmem_shared>>)
        tpu.yield
      }) : () -> ()
      %eq3A_56 = arith.constant 0 : i32
      %eq3A_57 = arith.cmpi eq, %arg1, %eq3A_56 : i32
      %convert_element_type3A_58 = arith.extui %eq3A_57 : i1 to i32
      %cond3A_59 = arith.constant 0 : i32
      %cond3A_60 = arith.cmpi ne, %convert_element_type3A_58, %cond3A_59 : i32
      scf.if %cond3A_60 {
        "tpu.region"() ({
          %run_scoped3A_86 = tpu.sem_alloc : memref<!tpu.dma_semaphore, #tpu.memory_space<semaphore_mem>>
          %dma_start3A_87 = arith.constant 0 : i32
          %dma_start3A_88 = arith.constant 0 : i32
          %dma_start3A_89 = tpu.memref_slice %arg15[%dma_start3A_87, %dma_start3A_88] : memref<80x128xf32, #tpu.memory_space<vmem>> -> memref<16x128xf32, #tpu.memory_space<vmem>>
          %dma_start3A_90 = arith.constant 9984 : i32
          %dma_start3A_91 = arith.constant 0 : i32
          %dma_start3A_92 = tpu.memref_slice %arg12[%dma_start3A_90, %dma_start3A_91] : memref<10000x128xf32, #tpu.memory_space<vmem_shared>> -> memref<16x128xf32, #tpu.memory_space<vmem_shared>>
          %dma_start3A_93 = arith.constant 9984 : i32
          %dma_start3A_94 = arith.constant 0 : i32
          %dma_start3A_95 = tpu.memref_slice %arg12[%dma_start3A_93, %dma_start3A_94] : memref<10000x128xf32, #tpu.memory_space<vmem_shared>> -> memref<16x128xf32, #tpu.memory_space<vmem_shared>>
          %dma_start3A_96 = arith.constant 0 : i32
          %dma_start3A_97 = arith.constant 0 : i32
          %dma_start3A_98 = tpu.memref_slice %arg15[%dma_start3A_96, %dma_start3A_97] : memref<80x128xf32, #tpu.memory_space<vmem>> -> memref<16x128xf32, #tpu.memory_space<vmem>>
          tpu.enqueue_dma source(%dma_start3A_98 : memref<16x128xf32, #tpu.memory_space<vmem>>) target(%dma_start3A_95 : memref<16x128xf32, #tpu.memory_space<vmem_shared>>) target_semaphore(%run_scoped3A_86 : memref<!tpu.dma_semaphore, #tpu.memory_space<semaphore_mem>>)
          %dma_wait3A_99 = arith.constant 0 : i32
          %dma_wait3A_100 = arith.constant 0 : i32
          %dma_wait3A_101 = tpu.memref_slice %arg15[%dma_wait3A_99, %dma_wait3A_100] : memref<80x128xf32, #tpu.memory_space<vmem>> -> memref<16x128xf32, #tpu.memory_space<vmem>>
          %dma_wait3A_102 = arith.constant 9984 : i32
          %dma_wait3A_103 = arith.constant 0 : i32
          %dma_wait3A_104 = tpu.memref_slice %arg12[%dma_wait3A_102, %dma_wait3A_103] : memref<10000x128xf32, #tpu.memory_space<vmem_shared>> -> memref<16x128xf32, #tpu.memory_space<vmem_shared>>
          %dma_wait3A_105 = arith.constant 9984 : i32
          %dma_wait3A_106 = arith.constant 0 : i32
          %dma_wait3A_107 = tpu.memref_slice %arg12[%dma_wait3A_105, %dma_wait3A_106] : memref<10000x128xf32, #tpu.memory_space<vmem_shared>> -> memref<16x128xf32, #tpu.memory_space<vmem_shared>>
          %dma_wait3A_108 = arith.constant 0 : i32
          %dma_wait3A_109 = arith.constant 0 : i32
          %dma_wait3A_110 = tpu.memref_slice %arg15[%dma_wait3A_108, %dma_wait3A_109] : memref<80x128xf32, #tpu.memory_space<vmem>> -> memref<16x128xf32, #tpu.memory_space<vmem>>
          tpu.wait_dma2 semaphore(%run_scoped3A_86 : memref<!tpu.dma_semaphore, #tpu.memory_space<semaphore_mem>>) src(%dma_wait3A_110 : memref<16x128xf32, #tpu.memory_space<vmem>>) dst(%dma_wait3A_107 : memref<16x128xf32, #tpu.memory_space<vmem_shared>>)
          tpu.yield
        }) : () -> ()
      } else {
      }
      %barrier3A = arith.constant 0 : index
      tpu.barrier barrier_id(%barrier3A)
      %dma_start3A = arith.constant 0 : i32
      %dma_start3A_61 = tpu.memref_slice %arg13[%dma_start3A] : memref<10000xi32, #tpu.memory_space<vmem>> -> memref<80xi32, #tpu.memory_space<vmem>>
      %dma_start3A_62 = arith.constant 0 : i32
      %dma_start3A_63 = arith.constant 0 : i32
      %dma_start3A_64 = tpu.memref_slice %arg5[%dma_start3A_62, %dma_start3A_63] : memref<10000x128xf32, #tpu.memory_space<hbm>> -> memref<10000x128xf32, #tpu.memory_space<hbm>>
      tpu.enqueue_indirect_dma source(%dma_start3A_64 : memref<10000x128xf32, #tpu.memory_space<hbm>>) target(%arg15 : memref<80x128xf32, #tpu.memory_space<vmem>>) offsets(%dma_start3A_61 : memref<80xi32, #tpu.memory_space<vmem>>) semaphore(%arg17 : memref<!tpu.dma_semaphore, #tpu.memory_space<semaphore_mem>>)
      %scan3A_65 = arith.constant 0 : i32
      %scan3A_66 = arith.constant 0 : i32
      %scan3A_67 = arith.constant 62 : i32
      %scan3A_68 = arith.addi %scan3A_66, %scan3A_67 : i32
      %scan3A_69 = arith.constant 1 : i32
      %scan3A_70 = scf.for %scan3A_86 = %scan3A_66 to %scan3A_68 step %scan3A_69 iter_args(%scan3A_87 = %scan3A_65) -> (i32)  : i32 {
        %mul3A_88 = arith.constant 2 : i32
        %mul3A_89 = arith.muli %scan3A_86, %mul3A_88 : i32
        %add3A_90 = arith.constant 1 : i32
        %add3A_91 = arith.addi %mul3A_89, %add3A_90 : i32
        %mul3A_92 = arith.constant 80 : i32
        %mul3A_93 = arith.muli %add3A_91, %mul3A_92 : i32
        %dma_start3A_94 = tpu.memref_slice %arg13[%mul3A_93] : memref<10000xi32, #tpu.memory_space<vmem>> -> memref<80xi32, #tpu.memory_space<vmem>>
        %dma_start3A_95 = arith.constant 0 : i32
        %dma_start3A_96 = arith.constant 0 : i32
        %dma_start3A_97 = tpu.memref_slice %arg5[%dma_start3A_95, %dma_start3A_96] : memref<10000x128xf32, #tpu.memory_space<hbm>> -> memref<10000x128xf32, #tpu.memory_space<hbm>>
        tpu.enqueue_indirect_dma source(%dma_start3A_97 : memref<10000x128xf32, #tpu.memory_space<hbm>>) target(%arg16 : memref<80x128xf32, #tpu.memory_space<vmem>>) offsets(%dma_start3A_94 : memref<80xi32, #tpu.memory_space<vmem>>) semaphore(%arg18 : memref<!tpu.dma_semaphore, #tpu.memory_space<semaphore_mem>>)
        %dma_wait3A_98 = arith.constant 0 : i32
        %dma_wait3A_99 = tpu.memref_slice %arg13[%dma_wait3A_98] : memref<10000xi32, #tpu.memory_space<vmem>> -> memref<80xi32, #tpu.memory_space<vmem>>
        %dma_wait3A_100 = arith.constant 0 : i32
        %dma_wait3A_101 = arith.constant 0 : i32
        %dma_wait3A_102 = tpu.memref_slice %arg5[%dma_wait3A_100, %dma_wait3A_101] : memref<10000x128xf32, #tpu.memory_space<hbm>> -> memref<10000x128xf32, #tpu.memory_space<hbm>>
        tpu.wait_indirect_dma semaphore(%arg17 : memref<!tpu.dma_semaphore, #tpu.memory_space<semaphore_mem>>) src(%dma_wait3A_102 : memref<10000x128xf32, #tpu.memory_space<hbm>>) dst(%arg15 : memref<80x128xf32, #tpu.memory_space<vmem>>)
        "tpu.region"() ({
          %run_scoped3A_119 = tpu.sem_alloc : memref<!tpu.dma_semaphore, #tpu.memory_space<semaphore_mem>>
          %dma_start3A_120 = arith.constant 0 : i32
          %dma_start3A_121 = tpu.memref_slice %arg14[%mul3A_89, %dma_start3A_120] : memref<125x80xi32, #tpu.memory_space<vmem>> -> memref<1x80xi32, #tpu.memory_space<vmem>>
          %dma_start3A_122 = tpu.memref_squeeze %dma_start3A_121 : memref<1x80xi32, #tpu.memory_space<vmem>> -> memref<80xi32, #tpu.memory_space<vmem>>
          %dma_start3A_123 = arith.constant 0 : i32
          %dma_start3A_124 = arith.constant 0 : i32
          %dma_start3A_125 = tpu.memref_slice %arg12[%dma_start3A_123, %dma_start3A_124] : memref<10000x128xf32, #tpu.memory_space<vmem_shared>> -> memref<10000x128xf32, #tpu.memory_space<vmem_shared>>
          tpu.enqueue_indirect_dma source(%arg15 : memref<80x128xf32, #tpu.memory_space<vmem>>) target(%dma_start3A_125 : memref<10000x128xf32, #tpu.memory_space<vmem_shared>>) offsets(%dma_start3A_122 : memref<80xi32, #tpu.memory_space<vmem>>) semaphore(%run_scoped3A_119 : memref<!tpu.dma_semaphore, #tpu.memory_space<semaphore_mem>>) {add = true}
          %dma_wait3A_126 = arith.constant 0 : i32
          %dma_wait3A_127 = tpu.memref_slice %arg14[%mul3A_89, %dma_wait3A_126] : memref<125x80xi32, #tpu.memory_space<vmem>> -> memref<1x80xi32, #tpu.memory_space<vmem>>
          %dma_wait3A_128 = tpu.memref_squeeze %dma_wait3A_127 : memref<1x80xi32, #tpu.memory_space<vmem>> -> memref<80xi32, #tpu.memory_space<vmem>>
          %dma_wait3A_129 = arith.constant 0 : i32
          %dma_wait3A_130 = arith.constant 0 : i32
          %dma_wait3A_131 = tpu.memref_slice %arg12[%dma_wait3A_129, %dma_wait3A_130] : memref<10000x128xf32, #tpu.memory_space<vmem_shared>> -> memref<10000x128xf32, #tpu.memory_space<vmem_shared>>
          tpu.wait_indirect_dma semaphore(%run_scoped3A_119 : memref<!tpu.dma_semaphore, #tpu.memory_space<semaphore_mem>>) src(%arg15 : memref<80x128xf32, #tpu.memory_space<vmem>>) dst(%dma_wait3A_131 : memref<10000x128xf32, #tpu.memory_space<vmem_shared>>)
          tpu.yield
        }) : () -> ()
        %add3A_103 = arith.constant 2 : i32
        %add3A_104 = arith.addi %mul3A_89, %add3A_103 : i32
        %mul3A_105 = arith.constant 80 : i32
        %mul3A_106 = arith.muli %add3A_104, %mul3A_105 : i32
        %dma_start3A_107 = tpu.memref_slice %arg13[%mul3A_106] : memref<10000xi32, #tpu.memory_space<vmem>> -> memref<80xi32, #tpu.memory_space<vmem>>
        %dma_start3A_108 = arith.constant 0 : i32
        %dma_start3A_109 = arith.constant 0 : i32
        %dma_start3A_110 = tpu.memref_slice %arg5[%dma_start3A_108, %dma_start3A_109] : memref<10000x128xf32, #tpu.memory_space<hbm>> -> memref<10000x128xf32, #tpu.memory_space<hbm>>
        tpu.enqueue_indirect_dma source(%dma_start3A_110 : memref<10000x128xf32, #tpu.memory_space<hbm>>) target(%arg15 : memref<80x128xf32, #tpu.memory_space<vmem>>) offsets(%dma_start3A_107 : memref<80xi32, #tpu.memory_space<vmem>>) semaphore(%arg17 : memref<!tpu.dma_semaphore, #tpu.memory_space<semaphore_mem>>)
        %dma_wait3A_111 = arith.constant 0 : i32
        %dma_wait3A_112 = tpu.memref_slice %arg13[%dma_wait3A_111] : memref<10000xi32, #tpu.memory_space<vmem>> -> memref<80xi32, #tpu.memory_space<vmem>>
        %dma_wait3A_113 = arith.constant 0 : i32
        %dma_wait3A_114 = arith.constant 0 : i32
        %dma_wait3A_115 = tpu.memref_slice %arg5[%dma_wait3A_113, %dma_wait3A_114] : memref<10000x128xf32, #tpu.memory_space<hbm>> -> memref<10000x128xf32, #tpu.memory_space<hbm>>
        tpu.wait_indirect_dma semaphore(%arg18 : memref<!tpu.dma_semaphore, #tpu.memory_space<semaphore_mem>>) src(%dma_wait3A_115 : memref<10000x128xf32, #tpu.memory_space<hbm>>) dst(%arg16 : memref<80x128xf32, #tpu.memory_space<vmem>>)
        %add3A_116 = arith.constant 1 : i32
        %add3A_117 = arith.addi %mul3A_89, %add3A_116 : i32
        "tpu.region"() ({
          %run_scoped3A_119 = tpu.sem_alloc : memref<!tpu.dma_semaphore, #tpu.memory_space<semaphore_mem>>
          %dma_start3A_120 = arith.constant 0 : i32
          %dma_start3A_121 = tpu.memref_slice %arg14[%add3A_117, %dma_start3A_120] : memref<125x80xi32, #tpu.memory_space<vmem>> -> memref<1x80xi32, #tpu.memory_space<vmem>>
          %dma_start3A_122 = tpu.memref_squeeze %dma_start3A_121 : memref<1x80xi32, #tpu.memory_space<vmem>> -> memref<80xi32, #tpu.memory_space<vmem>>
          %dma_start3A_123 = arith.constant 0 : i32
          %dma_start3A_124 = arith.constant 0 : i32
          %dma_start3A_125 = tpu.memref_slice %arg12[%dma_start3A_123, %dma_start3A_124] : memref<10000x128xf32, #tpu.memory_space<vmem_shared>> -> memref<10000x128xf32, #tpu.memory_space<vmem_shared>>
          tpu.enqueue_indirect_dma source(%arg16 : memref<80x128xf32, #tpu.memory_space<vmem>>) target(%dma_start3A_125 : memref<10000x128xf32, #tpu.memory_space<vmem_shared>>) offsets(%dma_start3A_122 : memref<80xi32, #tpu.memory_space<vmem>>) semaphore(%run_scoped3A_119 : memref<!tpu.dma_semaphore, #tpu.memory_space<semaphore_mem>>) {add = true}
          %dma_wait3A_126 = arith.constant 0 : i32
          %dma_wait3A_127 = tpu.memref_slice %arg14[%add3A_117, %dma_wait3A_126] : memref<125x80xi32, #tpu.memory_space<vmem>> -> memref<1x80xi32, #tpu.memory_space<vmem>>
          %dma_wait3A_128 = tpu.memref_squeeze %dma_wait3A_127 : memref<1x80xi32, #tpu.memory_space<vmem>> -> memref<80xi32, #tpu.memory_space<vmem>>
          %dma_wait3A_129 = arith.constant 0 : i32
          %dma_wait3A_130 = arith.constant 0 : i32
          %dma_wait3A_131 = tpu.memref_slice %arg12[%dma_wait3A_129, %dma_wait3A_130] : memref<10000x128xf32, #tpu.memory_space<vmem_shared>> -> memref<10000x128xf32, #tpu.memory_space<vmem_shared>>
          tpu.wait_indirect_dma semaphore(%run_scoped3A_119 : memref<!tpu.dma_semaphore, #tpu.memory_space<semaphore_mem>>) src(%arg16 : memref<80x128xf32, #tpu.memory_space<vmem>>) dst(%dma_wait3A_131 : memref<10000x128xf32, #tpu.memory_space<vmem_shared>>)
          tpu.yield
        }) : () -> ()
        %scan3A_118 = arith.constant 0 : i32
        scf.yield %scan3A_118 : i32
      }
      %scan3A_71 = arith.constant 62 : i32
      %dma_wait3A = arith.constant 0 : i32
      %dma_wait3A_72 = tpu.memref_slice %arg13[%dma_wait3A] : memref<10000xi32, #tpu.memory_space<vmem>> -> memref<80xi32, #tpu.memory_space<vmem>>
      %dma_wait3A_73 = arith.constant 0 : i32
      %dma_wait3A_74 = arith.constant 0 : i32
      %dma_wait3A_75 = tpu.memref_slice %arg5[%dma_wait3A_73, %dma_wait3A_74] : memref<10000x128xf32, #tpu.memory_space<hbm>> -> memref<10000x128xf32, #tpu.memory_space<hbm>>
      tpu.wait_indirect_dma semaphore(%arg17 : memref<!tpu.dma_semaphore, #tpu.memory_space<semaphore_mem>>) src(%dma_wait3A_75 : memref<10000x128xf32, #tpu.memory_space<hbm>>) dst(%arg15 : memref<80x128xf32, #tpu.memory_space<vmem>>)
      %run_scoped3A = arith.constant 124 : i32
      "tpu.region"() ({
        %run_scoped3A_86 = tpu.sem_alloc : memref<!tpu.dma_semaphore, #tpu.memory_space<semaphore_mem>>
        %dma_start3A_87 = arith.constant 0 : i32
        %dma_start3A_88 = tpu.memref_slice %arg14[%run_scoped3A, %dma_start3A_87] : memref<125x80xi32, #tpu.memory_space<vmem>> -> memref<1x80xi32, #tpu.memory_space<vmem>>
        %dma_start3A_89 = tpu.memref_squeeze %dma_start3A_88 : memref<1x80xi32, #tpu.memory_space<vmem>> -> memref<80xi32, #tpu.memory_space<vmem>>
        %dma_start3A_90 = arith.constant 0 : i32
        %dma_start3A_91 = arith.constant 0 : i32
        %dma_start3A_92 = tpu.memref_slice %arg12[%dma_start3A_90, %dma_start3A_91] : memref<10000x128xf32, #tpu.memory_space<vmem_shared>> -> memref<10000x128xf32, #tpu.memory_space<vmem_shared>>
        tpu.enqueue_indirect_dma source(%arg15 : memref<80x128xf32, #tpu.memory_space<vmem>>) target(%dma_start3A_92 : memref<10000x128xf32, #tpu.memory_space<vmem_shared>>) offsets(%dma_start3A_89 : memref<80xi32, #tpu.memory_space<vmem>>) semaphore(%run_scoped3A_86 : memref<!tpu.dma_semaphore, #tpu.memory_space<semaphore_mem>>) {add = true}
        %dma_wait3A_93 = arith.constant 0 : i32
        %dma_wait3A_94 = tpu.memref_slice %arg14[%run_scoped3A, %dma_wait3A_93] : memref<125x80xi32, #tpu.memory_space<vmem>> -> memref<1x80xi32, #tpu.memory_space<vmem>>
        %dma_wait3A_95 = tpu.memref_squeeze %dma_wait3A_94 : memref<1x80xi32, #tpu.memory_space<vmem>> -> memref<80xi32, #tpu.memory_space<vmem>>
        %dma_wait3A_96 = arith.constant 0 : i32
        %dma_wait3A_97 = arith.constant 0 : i32
        %dma_wait3A_98 = tpu.memref_slice %arg12[%dma_wait3A_96, %dma_wait3A_97] : memref<10000x128xf32, #tpu.memory_space<vmem_shared>> -> memref<10000x128xf32, #tpu.memory_space<vmem_shared>>
        tpu.wait_indirect_dma semaphore(%run_scoped3A_86 : memref<!tpu.dma_semaphore, #tpu.memory_space<semaphore_mem>>) src(%arg15 : memref<80x128xf32, #tpu.memory_space<vmem>>) dst(%dma_wait3A_98 : memref<10000x128xf32, #tpu.memory_space<vmem_shared>>)
        tpu.yield
      }) : () -> ()
      %barrier3A_76 = arith.constant 0 : index
      tpu.barrier barrier_id(%barrier3A_76)
      %mul3A_77 = arith.constant 624 : i32
      %mul3A_78 = arith.muli %arg1, %mul3A_77 : i32
      %mul3A_79 = arith.constant 624 : i32
      %mul3A_80 = arith.muli %arg1, %mul3A_79 : i32
      "tpu.region"() ({
        %run_scoped3A_86 = tpu.sem_alloc : memref<!tpu.dma_semaphore, #tpu.memory_space<semaphore_mem>>
        %dma_start3A_87 = arith.constant 0 : i32
        %dma_start3A_88 = tpu.memref_slice %arg9[%mul3A_80, %dma_start3A_87] : memref<10000x128xf32, #tpu.memory_space<hbm>> -> memref<624x128xf32, #tpu.memory_space<hbm>>
        %dma_start3A_89 = arith.constant 0 : i32
        %dma_start3A_90 = tpu.memref_slice %arg12[%mul3A_78, %dma_start3A_89] : memref<10000x128xf32, #tpu.memory_space<vmem_shared>> -> memref<624x128xf32, #tpu.memory_space<vmem_shared>>
        tpu.enqueue_dma source(%dma_start3A_90 : memref<624x128xf32, #tpu.memory_space<vmem_shared>>) target(%dma_start3A_88 : memref<624x128xf32, #tpu.memory_space<hbm>>) target_semaphore(%run_scoped3A_86 : memref<!tpu.dma_semaphore, #tpu.memory_space<semaphore_mem>>)
        %dma_wait3A_91 = arith.constant 0 : i32
        %dma_wait3A_92 = tpu.memref_slice %arg9[%mul3A_80, %dma_wait3A_91] : memref<10000x128xf32, #tpu.memory_space<hbm>> -> memref<624x128xf32, #tpu.memory_space<hbm>>
        %dma_wait3A_93 = arith.constant 0 : i32
        %dma_wait3A_94 = tpu.memref_slice %arg12[%mul3A_78, %dma_wait3A_93] : memref<10000x128xf32, #tpu.memory_space<vmem_shared>> -> memref<624x128xf32, #tpu.memory_space<vmem_shared>>
        tpu.wait_dma2 semaphore(%run_scoped3A_86 : memref<!tpu.dma_semaphore, #tpu.memory_space<semaphore_mem>>) src(%dma_wait3A_94 : memref<624x128xf32, #tpu.memory_space<vmem_shared>>) dst(%dma_wait3A_92 : memref<624x128xf32, #tpu.memory_space<hbm>>)
        tpu.yield
      }) : () -> ()
      %eq3A_81 = arith.constant 0 : i32
      %eq3A_82 = arith.cmpi eq, %arg1, %eq3A_81 : i32
      %convert_element_type3A_83 = arith.extui %eq3A_82 : i1 to i32
      %cond3A_84 = arith.constant 0 : i32
      %cond3A_85 = arith.cmpi ne, %convert_element_type3A_83, %cond3A_84 : i32
      scf.if %cond3A_85 {
        "tpu.region"() ({
          %run_scoped3A_86 = tpu.sem_alloc : memref<!tpu.dma_semaphore, #tpu.memory_space<semaphore_mem>>
          %dma_start3A_87 = arith.constant 9984 : i32
          %dma_start3A_88 = arith.constant 0 : i32
          %dma_start3A_89 = tpu.memref_slice %arg9[%dma_start3A_87, %dma_start3A_88] : memref<10000x128xf32, #tpu.memory_space<hbm>> -> memref<16x128xf32, #tpu.memory_space<hbm>>
          %dma_start3A_90 = arith.constant 9984 : i32
          %dma_start3A_91 = arith.constant 0 : i32
          %dma_start3A_92 = tpu.memref_slice %arg12[%dma_start3A_90, %dma_start3A_91] : memref<10000x128xf32, #tpu.memory_space<vmem_shared>> -> memref<16x128xf32, #tpu.memory_space<vmem_shared>>
          tpu.enqueue_dma source(%dma_start3A_92 : memref<16x128xf32, #tpu.memory_space<vmem_shared>>) target(%dma_start3A_89 : memref<16x128xf32, #tpu.memory_space<hbm>>) target_semaphore(%run_scoped3A_86 : memref<!tpu.dma_semaphore, #tpu.memory_space<semaphore_mem>>)
          %dma_wait3A_93 = arith.constant 9984 : i32
          %dma_wait3A_94 = arith.constant 0 : i32
          %dma_wait3A_95 = tpu.memref_slice %arg9[%dma_wait3A_93, %dma_wait3A_94] : memref<10000x128xf32, #tpu.memory_space<hbm>> -> memref<16x128xf32, #tpu.memory_space<hbm>>
          %dma_wait3A_96 = arith.constant 9984 : i32
          %dma_wait3A_97 = arith.constant 0 : i32
          %dma_wait3A_98 = tpu.memref_slice %arg12[%dma_wait3A_96, %dma_wait3A_97] : memref<10000x128xf32, #tpu.memory_space<vmem_shared>> -> memref<16x128xf32, #tpu.memory_space<vmem_shared>>
          tpu.wait_dma2 semaphore(%run_scoped3A_86 : memref<!tpu.dma_semaphore, #tpu.memory_space<semaphore_mem>>) src(%dma_wait3A_98 : memref<16x128xf32, #tpu.memory_space<vmem_shared>>) dst(%dma_wait3A_95 : memref<16x128xf32, #tpu.memory_space<hbm>>)
          tpu.yield
        }) : () -> ()
      } else {
      }
    } else {
    }
    %eq3A_8 = arith.constant 0 : i32
    %eq3A_9 = arith.cmpi eq, %arg0, %eq3A_8 : i32
    %convert_element_type3A_10 = arith.extui %eq3A_9 : i1 to i32
    %cond3A_11 = arith.constant 0 : i32
    %cond3A_12 = arith.cmpi ne, %convert_element_type3A_10, %cond3A_11 : i32
    scf.if %cond3A_12 {
      %broadcast_in_dim3A = arith.constant 0.000000e+00 : f32
      %broadcast_in_dim3A_18 = vector.broadcast %broadcast_in_dim3A : f32 to vector<16xf32>
      %scan3A = arith.constant 0 : i32
      %scan3A_19 = arith.constant 0 : i32
      %scan3A_20 = arith.constant 80 : i32
      %scan3A_21 = arith.addi %scan3A_19, %scan3A_20 : i32
      %scan3A_22 = arith.constant 1 : i32
      %scan3A_23 = scf.for %scan3A_86 = %scan3A_19 to %scan3A_21 step %scan3A_22 iter_args(%scan3A_87 = %scan3A) -> (i32)  : i32 {
        %swap3A = arith.index_cast %scan3A_86 : i32 to index
        %swap3A_88 = arith.constant 0 : index
        %swap3A_89 = tpu.vector_load %arg15[%swap3A, %swap3A_88] {strides = array<i32>} : memref<80x128xf32, #tpu.memory_space<vmem>>, vector<1x16xf32>,
        %swap3A_90 = vector.shape_cast %swap3A_89 : vector<1x16xf32> to vector<16xf32>
        %swap3A_91 = vector.shape_cast %broadcast_in_dim3A_18 : vector<16xf32> to vector<1x16xf32>
        tpu.vector_store %arg15[%swap3A, %swap3A_88], %swap3A_91 {strides = array<i32>} : memref<80x128xf32, #tpu.memory_space<vmem>>, vector<1x16xf32>,
        %swap3A_92 = arith.index_cast %scan3A_86 : i32 to index
        %swap3A_93 = arith.constant 16 : index
        %swap3A_94 = tpu.vector_load %arg15[%swap3A_92, %swap3A_93] {strides = array<i32>} : memref<80x128xf32, #tpu.memory_space<vmem>>, vector<1x16xf32>,
        %swap3A_95 = vector.shape_cast %swap3A_94 : vector<1x16xf32> to vector<16xf32>
        %swap3A_96 = vector.shape_cast %broadcast_in_dim3A_18 : vector<16xf32> to vector<1x16xf32>
        tpu.vector_store %arg15[%swap3A_92, %swap3A_93], %swap3A_96 {strides = array<i32>} : memref<80x128xf32, #tpu.memory_space<vmem>>, vector<1x16xf32>,
        %swap3A_97 = arith.index_cast %scan3A_86 : i32 to index
        %swap3A_98 = arith.constant 32 : index
        %swap3A_99 = tpu.vector_load %arg15[%swap3A_97, %swap3A_98] {strides = array<i32>} : memref<80x128xf32, #tpu.memory_space<vmem>>, vector<1x16xf32>,
        %swap3A_100 = vector.shape_cast %swap3A_99 : vector<1x16xf32> to vector<16xf32>
        %swap3A_101 = vector.shape_cast %broadcast_in_dim3A_18 : vector<16xf32> to vector<1x16xf32>
        tpu.vector_store %arg15[%swap3A_97, %swap3A_98], %swap3A_101 {strides = array<i32>} : memref<80x128xf32, #tpu.memory_space<vmem>>, vector<1x16xf32>,
        %swap3A_102 = arith.index_cast %scan3A_86 : i32 to index
        %swap3A_103 = arith.constant 48 : index
        %swap3A_104 = tpu.vector_load %arg15[%swap3A_102, %swap3A_103] {strides = array<i32>} : memref<80x128xf32, #tpu.memory_space<vmem>>, vector<1x16xf32>,
        %swap3A_105 = vector.shape_cast %swap3A_104 : vector<1x16xf32> to vector<16xf32>
        %swap3A_106 = vector.shape_cast %broadcast_in_dim3A_18 : vector<16xf32> to vector<1x16xf32>
        tpu.vector_store %arg15[%swap3A_102, %swap3A_103], %swap3A_106 {strides = array<i32>} : memref<80x128xf32, #tpu.memory_space<vmem>>, vector<1x16xf32>,
        %swap3A_107 = arith.index_cast %scan3A_86 : i32 to index
        %swap3A_108 = arith.constant 64 : index
        %swap3A_109 = tpu.vector_load %arg15[%swap3A_107, %swap3A_108] {strides = array<i32>} : memref<80x128xf32, #tpu.memory_space<vmem>>, vector<1x16xf32>,
        %swap3A_110 = vector.shape_cast %swap3A_109 : vector<1x16xf32> to vector<16xf32>
        %swap3A_111 = vector.shape_cast %broadcast_in_dim3A_18 : vector<16xf32> to vector<1x16xf32>
        tpu.vector_store %arg15[%swap3A_107, %swap3A_108], %swap3A_111 {strides = array<i32>} : memref<80x128xf32, #tpu.memory_space<vmem>>, vector<1x16xf32>,
        %swap3A_112 = arith.index_cast %scan3A_86 : i32 to index
        %swap3A_113 = arith.constant 80 : index
        %swap3A_114 = tpu.vector_load %arg15[%swap3A_112, %swap3A_113] {strides = array<i32>} : memref<80x128xf32, #tpu.memory_space<vmem>>, vector<1x16xf32>,
        %swap3A_115 = vector.shape_cast %swap3A_114 : vector<1x16xf32> to vector<16xf32>
        %swap3A_116 = vector.shape_cast %broadcast_in_dim3A_18 : vector<16xf32> to vector<1x16xf32>
        tpu.vector_store %arg15[%swap3A_112, %swap3A_113], %swap3A_116 {strides = array<i32>} : memref<80x128xf32, #tpu.memory_space<vmem>>, vector<1x16xf32>,
        %swap3A_117 = arith.index_cast %scan3A_86 : i32 to index
        %swap3A_118 = arith.constant 96 : index
        %swap3A_119 = tpu.vector_load %arg15[%swap3A_117, %swap3A_118] {strides = array<i32>} : memref<80x128xf32, #tpu.memory_space<vmem>>, vector<1x16xf32>,
        %swap3A_120 = vector.shape_cast %swap3A_119 : vector<1x16xf32> to vector<16xf32>
        %swap3A_121 = vector.shape_cast %broadcast_in_dim3A_18 : vector<16xf32> to vector<1x16xf32>
        tpu.vector_store %arg15[%swap3A_117, %swap3A_118], %swap3A_121 {strides = array<i32>} : memref<80x128xf32, #tpu.memory_space<vmem>>, vector<1x16xf32>,
        %swap3A_122 = arith.index_cast %scan3A_86 : i32 to index
        %swap3A_123 = arith.constant 112 : index
        %swap3A_124 = tpu.vector_load %arg15[%swap3A_122, %swap3A_123] {strides = array<i32>} : memref<80x128xf32, #tpu.memory_space<vmem>>, vector<1x16xf32>,
        %swap3A_125 = vector.shape_cast %swap3A_124 : vector<1x16xf32> to vector<16xf32>
        %swap3A_126 = vector.shape_cast %broadcast_in_dim3A_18 : vector<16xf32> to vector<1x16xf32>
        tpu.vector_store %arg15[%swap3A_122, %swap3A_123], %swap3A_126 {strides = array<i32>} : memref<80x128xf32, #tpu.memory_space<vmem>>, vector<1x16xf32>,
        %scan3A_127 = arith.constant 0 : i32
        scf.yield %scan3A_127 : i32
      }
      %scan3A_24 = arith.constant 80 : i32
      %mul3A_25 = arith.constant 624 : i32
      %mul3A_26 = arith.muli %arg1, %mul3A_25 : i32
      %add3A = arith.constant 0 : i32
      %add3A_27 = arith.addi %mul3A_26, %add3A : i32
      "tpu.region"() ({
        %run_scoped3A_86 = tpu.sem_alloc : memref<!tpu.dma_semaphore, #tpu.memory_space<semaphore_mem>>
        %dma_start3A_87 = arith.constant 0 : i32
        %dma_start3A_88 = tpu.memref_slice %arg12[%add3A_27, %dma_start3A_87] : memref<10000x128xf32, #tpu.memory_space<vmem_shared>> -> memref<80x128xf32, #tpu.memory_space<vmem_shared>>
        %dma_start3A_89 = arith.constant 0 : i32
        %dma_start3A_90 = tpu.memref_slice %arg12[%add3A_27, %dma_start3A_89] : memref<10000x128xf32, #tpu.memory_space<vmem_shared>> -> memref<80x128xf32, #tpu.memory_space<vmem_shared>>
        tpu.enqueue_dma source(%arg15 : memref<80x128xf32, #tpu.memory_space<vmem>>) target(%dma_start3A_90 : memref<80x128xf32, #tpu.memory_space<vmem_shared>>) target_semaphore(%run_scoped3A_86 : memref<!tpu.dma_semaphore, #tpu.memory_space<semaphore_mem>>)
        %dma_wait3A_91 = arith.constant 0 : i32
        %dma_wait3A_92 = tpu.memref_slice %arg12[%add3A_27, %dma_wait3A_91] : memref<10000x128xf32, #tpu.memory_space<vmem_shared>> -> memref<80x128xf32, #tpu.memory_space<vmem_shared>>
        %dma_wait3A_93 = arith.constant 0 : i32
        %dma_wait3A_94 = tpu.memref_slice %arg12[%add3A_27, %dma_wait3A_93] : memref<10000x128xf32, #tpu.memory_space<vmem_shared>> -> memref<80x128xf32, #tpu.memory_space<vmem_shared>>
        tpu.wait_dma2 semaphore(%run_scoped3A_86 : memref<!tpu.dma_semaphore, #tpu.memory_space<semaphore_mem>>) src(%arg15 : memref<80x128xf32, #tpu.memory_space<vmem>>) dst(%dma_wait3A_94 : memref<80x128xf32, #tpu.memory_space<vmem_shared>>)
        tpu.yield
      }) : () -> ()
      %mul3A_28 = arith.constant 624 : i32
      %mul3A_29 = arith.muli %arg1, %mul3A_28 : i32
      %add3A_30 = arith.constant 80 : i32
      %add3A_31 = arith.addi %mul3A_29, %add3A_30 : i32
      "tpu.region"() ({
        %run_scoped3A_86 = tpu.sem_alloc : memref<!tpu.dma_semaphore, #tpu.memory_space<semaphore_mem>>
        %dma_start3A_87 = arith.constant 0 : i32
        %dma_start3A_88 = tpu.memref_slice %arg12[%add3A_31, %dma_start3A_87] : memref<10000x128xf32, #tpu.memory_space<vmem_shared>> -> memref<80x128xf32, #tpu.memory_space<vmem_shared>>
        %dma_start3A_89 = arith.constant 0 : i32
        %dma_start3A_90 = tpu.memref_slice %arg12[%add3A_31, %dma_start3A_89] : memref<10000x128xf32, #tpu.memory_space<vmem_shared>> -> memref<80x128xf32, #tpu.memory_space<vmem_shared>>
        tpu.enqueue_dma source(%arg15 : memref<80x128xf32, #tpu.memory_space<vmem>>) target(%dma_start3A_90 : memref<80x128xf32, #tpu.memory_space<vmem_shared>>) target_semaphore(%run_scoped3A_86 : memref<!tpu.dma_semaphore, #tpu.memory_space<semaphore_mem>>)
        %dma_wait3A_91 = arith.constant 0 : i32
        %dma_wait3A_92 = tpu.memref_slice %arg12[%add3A_31, %dma_wait3A_91] : memref<10000x128xf32, #tpu.memory_space<vmem_shared>> -> memref<80x128xf32, #tpu.memory_space<vmem_shared>>
        %dma_wait3A_93 = arith.constant 0 : i32
        %dma_wait3A_94 = tpu.memref_slice %arg12[%add3A_31, %dma_wait3A_93] : memref<10000x128xf32, #tpu.memory_space<vmem_shared>> -> memref<80x128xf32, #tpu.memory_space<vmem_shared>>
        tpu.wait_dma2 semaphore(%run_scoped3A_86 : memref<!tpu.dma_semaphore, #tpu.memory_space<semaphore_mem>>) src(%arg15 : memref<80x128xf32, #tpu.memory_space<vmem>>) dst(%dma_wait3A_94 : memref<80x128xf32, #tpu.memory_space<vmem_shared>>)
        tpu.yield
      }) : () -> ()
      %mul3A_32 = arith.constant 624 : i32
      %mul3A_33 = arith.muli %arg1, %mul3A_32 : i32
      %add3A_34 = arith.constant 160 : i32
      %add3A_35 = arith.addi %mul3A_33, %add3A_34 : i32
      "tpu.region"() ({
        %run_scoped3A_86 = tpu.sem_alloc : memref<!tpu.dma_semaphore, #tpu.memory_space<semaphore_mem>>
        %dma_start3A_87 = arith.constant 0 : i32
        %dma_start3A_88 = tpu.memref_slice %arg12[%add3A_35, %dma_start3A_87] : memref<10000x128xf32, #tpu.memory_space<vmem_shared>> -> memref<80x128xf32, #tpu.memory_space<vmem_shared>>
        %dma_start3A_89 = arith.constant 0 : i32
        %dma_start3A_90 = tpu.memref_slice %arg12[%add3A_35, %dma_start3A_89] : memref<10000x128xf32, #tpu.memory_space<vmem_shared>> -> memref<80x128xf32, #tpu.memory_space<vmem_shared>>
        tpu.enqueue_dma source(%arg15 : memref<80x128xf32, #tpu.memory_space<vmem>>) target(%dma_start3A_90 : memref<80x128xf32, #tpu.memory_space<vmem_shared>>) target_semaphore(%run_scoped3A_86 : memref<!tpu.dma_semaphore, #tpu.memory_space<semaphore_mem>>)
        %dma_wait3A_91 = arith.constant 0 : i32
        %dma_wait3A_92 = tpu.memref_slice %arg12[%add3A_35, %dma_wait3A_91] : memref<10000x128xf32, #tpu.memory_space<vmem_shared>> -> memref<80x128xf32, #tpu.memory_space<vmem_shared>>
        %dma_wait3A_93 = arith.constant 0 : i32
        %dma_wait3A_94 = tpu.memref_slice %arg12[%add3A_35, %dma_wait3A_93] : memref<10000x128xf32, #tpu.memory_space<vmem_shared>> -> memref<80x128xf32, #tpu.memory_space<vmem_shared>>
        tpu.wait_dma2 semaphore(%run_scoped3A_86 : memref<!tpu.dma_semaphore, #tpu.memory_space<semaphore_mem>>) src(%arg15 : memref<80x128xf32, #tpu.memory_space<vmem>>) dst(%dma_wait3A_94 : memref<80x128xf32, #tpu.memory_space<vmem_shared>>)
        tpu.yield
      }) : () -> ()
      %mul3A_36 = arith.constant 624 : i32
      %mul3A_37 = arith.muli %arg1, %mul3A_36 : i32
      %add3A_38 = arith.constant 240 : i32
      %add3A_39 = arith.addi %mul3A_37, %add3A_38 : i32
      "tpu.region"() ({
        %run_scoped3A_86 = tpu.sem_alloc : memref<!tpu.dma_semaphore, #tpu.memory_space<semaphore_mem>>
        %dma_start3A_87 = arith.constant 0 : i32
        %dma_start3A_88 = tpu.memref_slice %arg12[%add3A_39, %dma_start3A_87] : memref<10000x128xf32, #tpu.memory_space<vmem_shared>> -> memref<80x128xf32, #tpu.memory_space<vmem_shared>>
        %dma_start3A_89 = arith.constant 0 : i32
        %dma_start3A_90 = tpu.memref_slice %arg12[%add3A_39, %dma_start3A_89] : memref<10000x128xf32, #tpu.memory_space<vmem_shared>> -> memref<80x128xf32, #tpu.memory_space<vmem_shared>>
        tpu.enqueue_dma source(%arg15 : memref<80x128xf32, #tpu.memory_space<vmem>>) target(%dma_start3A_90 : memref<80x128xf32, #tpu.memory_space<vmem_shared>>) target_semaphore(%run_scoped3A_86 : memref<!tpu.dma_semaphore, #tpu.memory_space<semaphore_mem>>)
        %dma_wait3A_91 = arith.constant 0 : i32
        %dma_wait3A_92 = tpu.memref_slice %arg12[%add3A_39, %dma_wait3A_91] : memref<10000x128xf32, #tpu.memory_space<vmem_shared>> -> memref<80x128xf32, #tpu.memory_space<vmem_shared>>
        %dma_wait3A_93 = arith.constant 0 : i32
        %dma_wait3A_94 = tpu.memref_slice %arg12[%add3A_39, %dma_wait3A_93] : memref<10000x128xf32, #tpu.memory_space<vmem_shared>> -> memref<80x128xf32, #tpu.memory_space<vmem_shared>>
        tpu.wait_dma2 semaphore(%run_scoped3A_86 : memref<!tpu.dma_semaphore, #tpu.memory_space<semaphore_mem>>) src(%arg15 : memref<80x128xf32, #tpu.memory_space<vmem>>) dst(%dma_wait3A_94 : memref<80x128xf32, #tpu.memory_space<vmem_shared>>)
        tpu.yield
      }) : () -> ()
      %mul3A_40 = arith.constant 624 : i32
      %mul3A_41 = arith.muli %arg1, %mul3A_40 : i32
      %add3A_42 = arith.constant 320 : i32
      %add3A_43 = arith.addi %mul3A_41, %add3A_42 : i32
      "tpu.region"() ({
        %run_scoped3A_86 = tpu.sem_alloc : memref<!tpu.dma_semaphore, #tpu.memory_space<semaphore_mem>>
        %dma_start3A_87 = arith.constant 0 : i32
        %dma_start3A_88 = tpu.memref_slice %arg12[%add3A_43, %dma_start3A_87] : memref<10000x128xf32, #tpu.memory_space<vmem_shared>> -> memref<80x128xf32, #tpu.memory_space<vmem_shared>>
        %dma_start3A_89 = arith.constant 0 : i32
        %dma_start3A_90 = tpu.memref_slice %arg12[%add3A_43, %dma_start3A_89] : memref<10000x128xf32, #tpu.memory_space<vmem_shared>> -> memref<80x128xf32, #tpu.memory_space<vmem_shared>>
        tpu.enqueue_dma source(%arg15 : memref<80x128xf32, #tpu.memory_space<vmem>>) target(%dma_start3A_90 : memref<80x128xf32, #tpu.memory_space<vmem_shared>>) target_semaphore(%run_scoped3A_86 : memref<!tpu.dma_semaphore, #tpu.memory_space<semaphore_mem>>)
        %dma_wait3A_91 = arith.constant 0 : i32
        %dma_wait3A_92 = tpu.memref_slice %arg12[%add3A_43, %dma_wait3A_91] : memref<10000x128xf32, #tpu.memory_space<vmem_shared>> -> memref<80x128xf32, #tpu.memory_space<vmem_shared>>
        %dma_wait3A_93 = arith.constant 0 : i32
        %dma_wait3A_94 = tpu.memref_slice %arg12[%add3A_43, %dma_wait3A_93] : memref<10000x128xf32, #tpu.memory_space<vmem_shared>> -> memref<80x128xf32, #tpu.memory_space<vmem_shared>>
        tpu.wait_dma2 semaphore(%run_scoped3A_86 : memref<!tpu.dma_semaphore, #tpu.memory_space<semaphore_mem>>) src(%arg15 : memref<80x128xf32, #tpu.memory_space<vmem>>) dst(%dma_wait3A_94 : memref<80x128xf32, #tpu.memory_space<vmem_shared>>)
        tpu.yield
      }) : () -> ()
      %mul3A_44 = arith.constant 624 : i32
      %mul3A_45 = arith.muli %arg1, %mul3A_44 : i32
      %add3A_46 = arith.constant 400 : i32
      %add3A_47 = arith.addi %mul3A_45, %add3A_46 : i32
      "tpu.region"() ({
        %run_scoped3A_86 = tpu.sem_alloc : memref<!tpu.dma_semaphore, #tpu.memory_space<semaphore_mem>>
        %dma_start3A_87 = arith.constant 0 : i32
        %dma_start3A_88 = tpu.memref_slice %arg12[%add3A_47, %dma_start3A_87] : memref<10000x128xf32, #tpu.memory_space<vmem_shared>> -> memref<80x128xf32, #tpu.memory_space<vmem_shared>>
        %dma_start3A_89 = arith.constant 0 : i32
        %dma_start3A_90 = tpu.memref_slice %arg12[%add3A_47, %dma_start3A_89] : memref<10000x128xf32, #tpu.memory_space<vmem_shared>> -> memref<80x128xf32, #tpu.memory_space<vmem_shared>>
        tpu.enqueue_dma source(%arg15 : memref<80x128xf32, #tpu.memory_space<vmem>>) target(%dma_start3A_90 : memref<80x128xf32, #tpu.memory_space<vmem_shared>>) target_semaphore(%run_scoped3A_86 : memref<!tpu.dma_semaphore, #tpu.memory_space<semaphore_mem>>)
        %dma_wait3A_91 = arith.constant 0 : i32
        %dma_wait3A_92 = tpu.memref_slice %arg12[%add3A_47, %dma_wait3A_91] : memref<10000x128xf32, #tpu.memory_space<vmem_shared>> -> memref<80x128xf32, #tpu.memory_space<vmem_shared>>
        %dma_wait3A_93 = arith.constant 0 : i32
        %dma_wait3A_94 = tpu.memref_slice %arg12[%add3A_47, %dma_wait3A_93] : memref<10000x128xf32, #tpu.memory_space<vmem_shared>> -> memref<80x128xf32, #tpu.memory_space<vmem_shared>>
        tpu.wait_dma2 semaphore(%run_scoped3A_86 : memref<!tpu.dma_semaphore, #tpu.memory_space<semaphore_mem>>) src(%arg15 : memref<80x128xf32, #tpu.memory_space<vmem>>) dst(%dma_wait3A_94 : memref<80x128xf32, #tpu.memory_space<vmem_shared>>)
        tpu.yield
      }) : () -> ()
      %mul3A_48 = arith.constant 624 : i32
      %mul3A_49 = arith.muli %arg1, %mul3A_48 : i32
      %add3A_50 = arith.constant 480 : i32
      %add3A_51 = arith.addi %mul3A_49, %add3A_50 : i32
      "tpu.region"() ({
        %run_scoped3A_86 = tpu.sem_alloc : memref<!tpu.dma_semaphore, #tpu.memory_space<semaphore_mem>>
        %dma_start3A_87 = arith.constant 0 : i32
        %dma_start3A_88 = tpu.memref_slice %arg12[%add3A_51, %dma_start3A_87] : memref<10000x128xf32, #tpu.memory_space<vmem_shared>> -> memref<80x128xf32, #tpu.memory_space<vmem_shared>>
        %dma_start3A_89 = arith.constant 0 : i32
        %dma_start3A_90 = tpu.memref_slice %arg12[%add3A_51, %dma_start3A_89] : memref<10000x128xf32, #tpu.memory_space<vmem_shared>> -> memref<80x128xf32, #tpu.memory_space<vmem_shared>>
        tpu.enqueue_dma source(%arg15 : memref<80x128xf32, #tpu.memory_space<vmem>>) target(%dma_start3A_90 : memref<80x128xf32, #tpu.memory_space<vmem_shared>>) target_semaphore(%run_scoped3A_86 : memref<!tpu.dma_semaphore, #tpu.memory_space<semaphore_mem>>)
        %dma_wait3A_91 = arith.constant 0 : i32
        %dma_wait3A_92 = tpu.memref_slice %arg12[%add3A_51, %dma_wait3A_91] : memref<10000x128xf32, #tpu.memory_space<vmem_shared>> -> memref<80x128xf32, #tpu.memory_space<vmem_shared>>
        %dma_wait3A_93 = arith.constant 0 : i32
        %dma_wait3A_94 = tpu.memref_slice %arg12[%add3A_51, %dma_wait3A_93] : memref<10000x128xf32, #tpu.memory_space<vmem_shared>> -> memref<80x128xf32, #tpu.memory_space<vmem_shared>>
        tpu.wait_dma2 semaphore(%run_scoped3A_86 : memref<!tpu.dma_semaphore, #tpu.memory_space<semaphore_mem>>) src(%arg15 : memref<80x128xf32, #tpu.memory_space<vmem>>) dst(%dma_wait3A_94 : memref<80x128xf32, #tpu.memory_space<vmem_shared>>)
        tpu.yield
      }) : () -> ()
      %mul3A_52 = arith.constant 624 : i32
      %mul3A_53 = arith.muli %arg1, %mul3A_52 : i32
      %add3A_54 = arith.constant 560 : i32
      %add3A_55 = arith.addi %mul3A_53, %add3A_54 : i32
      "tpu.region"() ({
        %run_scoped3A_86 = tpu.sem_alloc : memref<!tpu.dma_semaphore, #tpu.memory_space<semaphore_mem>>
        %dma_start3A_87 = arith.constant 0 : i32
        %dma_start3A_88 = arith.constant 0 : i32
        %dma_start3A_89 = tpu.memref_slice %arg15[%dma_start3A_87, %dma_start3A_88] : memref<80x128xf32, #tpu.memory_space<vmem>> -> memref<64x128xf32, #tpu.memory_space<vmem>>
        %dma_start3A_90 = arith.constant 0 : i32
        %dma_start3A_91 = tpu.memref_slice %arg12[%add3A_55, %dma_start3A_90] : memref<10000x128xf32, #tpu.memory_space<vmem_shared>> -> memref<64x128xf32, #tpu.memory_space<vmem_shared>>
        %dma_start3A_92 = arith.constant 0 : i32
        %dma_start3A_93 = tpu.memref_slice %arg12[%add3A_55, %dma_start3A_92] : memref<10000x128xf32, #tpu.memory_space<vmem_shared>> -> memref<64x128xf32, #tpu.memory_space<vmem_shared>>
        %dma_start3A_94 = arith.constant 0 : i32
        %dma_start3A_95 = arith.constant 0 : i32
        %dma_start3A_96 = tpu.memref_slice %arg15[%dma_start3A_94, %dma_start3A_95] : memref<80x128xf32, #tpu.memory_space<vmem>> -> memref<64x128xf32, #tpu.memory_space<vmem>>
        tpu.enqueue_dma source(%dma_start3A_96 : memref<64x128xf32, #tpu.memory_space<vmem>>) target(%dma_start3A_93 : memref<64x128xf32, #tpu.memory_space<vmem_shared>>) target_semaphore(%run_scoped3A_86 : memref<!tpu.dma_semaphore, #tpu.memory_space<semaphore_mem>>)
        %dma_wait3A_97 = arith.constant 0 : i32
        %dma_wait3A_98 = arith.constant 0 : i32
        %dma_wait3A_99 = tpu.memref_slice %arg15[%dma_wait3A_97, %dma_wait3A_98] : memref<80x128xf32, #tpu.memory_space<vmem>> -> memref<64x128xf32, #tpu.memory_space<vmem>>
        %dma_wait3A_100 = arith.constant 0 : i32
        %dma_wait3A_101 = tpu.memref_slice %arg12[%add3A_55, %dma_wait3A_100] : memref<10000x128xf32, #tpu.memory_space<vmem_shared>> -> memref<64x128xf32, #tpu.memory_space<vmem_shared>>
        %dma_wait3A_102 = arith.constant 0 : i32
        %dma_wait3A_103 = tpu.memref_slice %arg12[%add3A_55, %dma_wait3A_102] : memref<10000x128xf32, #tpu.memory_space<vmem_shared>> -> memref<64x128xf32, #tpu.memory_space<vmem_shared>>
        %dma_wait3A_104 = arith.constant 0 : i32
        %dma_wait3A_105 = arith.constant 0 : i32
        %dma_wait3A_106 = tpu.memref_slice %arg15[%dma_wait3A_104, %dma_wait3A_105] : memref<80x128xf32, #tpu.memory_space<vmem>> -> memref<64x128xf32, #tpu.memory_space<vmem>>
        tpu.wait_dma2 semaphore(%run_scoped3A_86 : memref<!tpu.dma_semaphore, #tpu.memory_space<semaphore_mem>>) src(%dma_wait3A_106 : memref<64x128xf32, #tpu.memory_space<vmem>>) dst(%dma_wait3A_103 : memref<64x128xf32, #tpu.memory_space<vmem_shared>>)
        tpu.yield
      }) : () -> ()
      %eq3A_56 = arith.constant 0 : i32
      %eq3A_57 = arith.cmpi eq, %arg1, %eq3A_56 : i32
      %convert_element_type3A_58 = arith.extui %eq3A_57 : i1 to i32
      %cond3A_59 = arith.constant 0 : i32
      %cond3A_60 = arith.cmpi ne, %convert_element_type3A_58, %cond3A_59 : i32
      scf.if %cond3A_60 {
        "tpu.region"() ({
          %run_scoped3A_86 = tpu.sem_alloc : memref<!tpu.dma_semaphore, #tpu.memory_space<semaphore_mem>>
          %dma_start3A_87 = arith.constant 0 : i32
          %dma_start3A_88 = arith.constant 0 : i32
          %dma_start3A_89 = tpu.memref_slice %arg15[%dma_start3A_87, %dma_start3A_88] : memref<80x128xf32, #tpu.memory_space<vmem>> -> memref<16x128xf32, #tpu.memory_space<vmem>>
          %dma_start3A_90 = arith.constant 9984 : i32
          %dma_start3A_91 = arith.constant 0 : i32
          %dma_start3A_92 = tpu.memref_slice %arg12[%dma_start3A_90, %dma_start3A_91] : memref<10000x128xf32, #tpu.memory_space<vmem_shared>> -> memref<16x128xf32, #tpu.memory_space<vmem_shared>>
          %dma_start3A_93 = arith.constant 9984 : i32
          %dma_start3A_94 = arith.constant 0 : i32
          %dma_start3A_95 = tpu.memref_slice %arg12[%dma_start3A_93, %dma_start3A_94] : memref<10000x128xf32, #tpu.memory_space<vmem_shared>> -> memref<16x128xf32, #tpu.memory_space<vmem_shared>>
          %dma_start3A_96 = arith.constant 0 : i32
          %dma_start3A_97 = arith.constant 0 : i32
          %dma_start3A_98 = tpu.memref_slice %arg15[%dma_start3A_96, %dma_start3A_97] : memref<80x128xf32, #tpu.memory_space<vmem>> -> memref<16x128xf32, #tpu.memory_space<vmem>>
          tpu.enqueue_dma source(%dma_start3A_98 : memref<16x128xf32, #tpu.memory_space<vmem>>) target(%dma_start3A_95 : memref<16x128xf32, #tpu.memory_space<vmem_shared>>) target_semaphore(%run_scoped3A_86 : memref<!tpu.dma_semaphore, #tpu.memory_space<semaphore_mem>>)
          %dma_wait3A_99 = arith.constant 0 : i32
          %dma_wait3A_100 = arith.constant 0 : i32
          %dma_wait3A_101 = tpu.memref_slice %arg15[%dma_wait3A_99, %dma_wait3A_100] : memref<80x128xf32, #tpu.memory_space<vmem>> -> memref<16x128xf32, #tpu.memory_space<vmem>>
          %dma_wait3A_102 = arith.constant 9984 : i32
          %dma_wait3A_103 = arith.constant 0 : i32
          %dma_wait3A_104 = tpu.memref_slice %arg12[%dma_wait3A_102, %dma_wait3A_103] : memref<10000x128xf32, #tpu.memory_space<vmem_shared>> -> memref<16x128xf32, #tpu.memory_space<vmem_shared>>
          %dma_wait3A_105 = arith.constant 9984 : i32
          %dma_wait3A_106 = arith.constant 0 : i32
          %dma_wait3A_107 = tpu.memref_slice %arg12[%dma_wait3A_105, %dma_wait3A_106] : memref<10000x128xf32, #tpu.memory_space<vmem_shared>> -> memref<16x128xf32, #tpu.memory_space<vmem_shared>>
          %dma_wait3A_108 = arith.constant 0 : i32
          %dma_wait3A_109 = arith.constant 0 : i32
          %dma_wait3A_110 = tpu.memref_slice %arg15[%dma_wait3A_108, %dma_wait3A_109] : memref<80x128xf32, #tpu.memory_space<vmem>> -> memref<16x128xf32, #tpu.memory_space<vmem>>
          tpu.wait_dma2 semaphore(%run_scoped3A_86 : memref<!tpu.dma_semaphore, #tpu.memory_space<semaphore_mem>>) src(%dma_wait3A_110 : memref<16x128xf32, #tpu.memory_space<vmem>>) dst(%dma_wait3A_107 : memref<16x128xf32, #tpu.memory_space<vmem_shared>>)
          tpu.yield
        }) : () -> ()
      } else {
      }
      %barrier3A = arith.constant 0 : index
      tpu.barrier barrier_id(%barrier3A)
      %dma_start3A = arith.constant 0 : i32
      %dma_start3A_61 = tpu.memref_slice %arg13[%dma_start3A] : memref<10000xi32, #tpu.memory_space<vmem>> -> memref<80xi32, #tpu.memory_space<vmem>>
      %dma_start3A_62 = arith.constant 0 : i32
      %dma_start3A_63 = arith.constant 0 : i32
      %dma_start3A_64 = tpu.memref_slice %arg6[%dma_start3A_62, %dma_start3A_63] : memref<10000x128xf32, #tpu.memory_space<hbm>> -> memref<10000x128xf32, #tpu.memory_space<hbm>>
      tpu.enqueue_indirect_dma source(%dma_start3A_64 : memref<10000x128xf32, #tpu.memory_space<hbm>>) target(%arg15 : memref<80x128xf32, #tpu.memory_space<vmem>>) offsets(%dma_start3A_61 : memref<80xi32, #tpu.memory_space<vmem>>) semaphore(%arg17 : memref<!tpu.dma_semaphore, #tpu.memory_space<semaphore_mem>>)
      %scan3A_65 = arith.constant 0 : i32
      %scan3A_66 = arith.constant 0 : i32
      %scan3A_67 = arith.constant 62 : i32
      %scan3A_68 = arith.addi %scan3A_66, %scan3A_67 : i32
      %scan3A_69 = arith.constant 1 : i32
      %scan3A_70 = scf.for %scan3A_86 = %scan3A_66 to %scan3A_68 step %scan3A_69 iter_args(%scan3A_87 = %scan3A_65) -> (i32)  : i32 {
        %mul3A_88 = arith.constant 2 : i32
        %mul3A_89 = arith.muli %scan3A_86, %mul3A_88 : i32
        %add3A_90 = arith.constant 1 : i32
        %add3A_91 = arith.addi %mul3A_89, %add3A_90 : i32
        %mul3A_92 = arith.constant 80 : i32
        %mul3A_93 = arith.muli %add3A_91, %mul3A_92 : i32
        %dma_start3A_94 = tpu.memref_slice %arg13[%mul3A_93] : memref<10000xi32, #tpu.memory_space<vmem>> -> memref<80xi32, #tpu.memory_space<vmem>>
        %dma_start3A_95 = arith.constant 0 : i32
        %dma_start3A_96 = arith.constant 0 : i32
        %dma_start3A_97 = tpu.memref_slice %arg6[%dma_start3A_95, %dma_start3A_96] : memref<10000x128xf32, #tpu.memory_space<hbm>> -> memref<10000x128xf32, #tpu.memory_space<hbm>>
        tpu.enqueue_indirect_dma source(%dma_start3A_97 : memref<10000x128xf32, #tpu.memory_space<hbm>>) target(%arg16 : memref<80x128xf32, #tpu.memory_space<vmem>>) offsets(%dma_start3A_94 : memref<80xi32, #tpu.memory_space<vmem>>) semaphore(%arg18 : memref<!tpu.dma_semaphore, #tpu.memory_space<semaphore_mem>>)
        %dma_wait3A_98 = arith.constant 0 : i32
        %dma_wait3A_99 = tpu.memref_slice %arg13[%dma_wait3A_98] : memref<10000xi32, #tpu.memory_space<vmem>> -> memref<80xi32, #tpu.memory_space<vmem>>
        %dma_wait3A_100 = arith.constant 0 : i32
        %dma_wait3A_101 = arith.constant 0 : i32
        %dma_wait3A_102 = tpu.memref_slice %arg6[%dma_wait3A_100, %dma_wait3A_101] : memref<10000x128xf32, #tpu.memory_space<hbm>> -> memref<10000x128xf32, #tpu.memory_space<hbm>>
        tpu.wait_indirect_dma semaphore(%arg17 : memref<!tpu.dma_semaphore, #tpu.memory_space<semaphore_mem>>) src(%dma_wait3A_102 : memref<10000x128xf32, #tpu.memory_space<hbm>>) dst(%arg15 : memref<80x128xf32, #tpu.memory_space<vmem>>)
        "tpu.region"() ({
          %run_scoped3A_119 = tpu.sem_alloc : memref<!tpu.dma_semaphore, #tpu.memory_space<semaphore_mem>>
          %dma_start3A_120 = arith.constant 0 : i32
          %dma_start3A_121 = tpu.memref_slice %arg14[%mul3A_89, %dma_start3A_120] : memref<125x80xi32, #tpu.memory_space<vmem>> -> memref<1x80xi32, #tpu.memory_space<vmem>>
          %dma_start3A_122 = tpu.memref_squeeze %dma_start3A_121 : memref<1x80xi32, #tpu.memory_space<vmem>> -> memref<80xi32, #tpu.memory_space<vmem>>
          %dma_start3A_123 = arith.constant 0 : i32
          %dma_start3A_124 = arith.constant 0 : i32
          %dma_start3A_125 = tpu.memref_slice %arg12[%dma_start3A_123, %dma_start3A_124] : memref<10000x128xf32, #tpu.memory_space<vmem_shared>> -> memref<10000x128xf32, #tpu.memory_space<vmem_shared>>
          tpu.enqueue_indirect_dma source(%arg15 : memref<80x128xf32, #tpu.memory_space<vmem>>) target(%dma_start3A_125 : memref<10000x128xf32, #tpu.memory_space<vmem_shared>>) offsets(%dma_start3A_122 : memref<80xi32, #tpu.memory_space<vmem>>) semaphore(%run_scoped3A_119 : memref<!tpu.dma_semaphore, #tpu.memory_space<semaphore_mem>>) {add = true}
          %dma_wait3A_126 = arith.constant 0 : i32
          %dma_wait3A_127 = tpu.memref_slice %arg14[%mul3A_89, %dma_wait3A_126] : memref<125x80xi32, #tpu.memory_space<vmem>> -> memref<1x80xi32, #tpu.memory_space<vmem>>
          %dma_wait3A_128 = tpu.memref_squeeze %dma_wait3A_127 : memref<1x80xi32, #tpu.memory_space<vmem>> -> memref<80xi32, #tpu.memory_space<vmem>>
          %dma_wait3A_129 = arith.constant 0 : i32
          %dma_wait3A_130 = arith.constant 0 : i32
          %dma_wait3A_131 = tpu.memref_slice %arg12[%dma_wait3A_129, %dma_wait3A_130] : memref<10000x128xf32, #tpu.memory_space<vmem_shared>> -> memref<10000x128xf32, #tpu.memory_space<vmem_shared>>
          tpu.wait_indirect_dma semaphore(%run_scoped3A_119 : memref<!tpu.dma_semaphore, #tpu.memory_space<semaphore_mem>>) src(%arg15 : memref<80x128xf32, #tpu.memory_space<vmem>>) dst(%dma_wait3A_131 : memref<10000x128xf32, #tpu.memory_space<vmem_shared>>)
          tpu.yield
        }) : () -> ()
        %add3A_103 = arith.constant 2 : i32
        %add3A_104 = arith.addi %mul3A_89, %add3A_103 : i32
        %mul3A_105 = arith.constant 80 : i32
        %mul3A_106 = arith.muli %add3A_104, %mul3A_105 : i32
        %dma_start3A_107 = tpu.memref_slice %arg13[%mul3A_106] : memref<10000xi32, #tpu.memory_space<vmem>> -> memref<80xi32, #tpu.memory_space<vmem>>
        %dma_start3A_108 = arith.constant 0 : i32
        %dma_start3A_109 = arith.constant 0 : i32
        %dma_start3A_110 = tpu.memref_slice %arg6[%dma_start3A_108, %dma_start3A_109] : memref<10000x128xf32, #tpu.memory_space<hbm>> -> memref<10000x128xf32, #tpu.memory_space<hbm>>
        tpu.enqueue_indirect_dma source(%dma_start3A_110 : memref<10000x128xf32, #tpu.memory_space<hbm>>) target(%arg15 : memref<80x128xf32, #tpu.memory_space<vmem>>) offsets(%dma_start3A_107 : memref<80xi32, #tpu.memory_space<vmem>>) semaphore(%arg17 : memref<!tpu.dma_semaphore, #tpu.memory_space<semaphore_mem>>)
        %dma_wait3A_111 = arith.constant 0 : i32
        %dma_wait3A_112 = tpu.memref_slice %arg13[%dma_wait3A_111] : memref<10000xi32, #tpu.memory_space<vmem>> -> memref<80xi32, #tpu.memory_space<vmem>>
        %dma_wait3A_113 = arith.constant 0 : i32
        %dma_wait3A_114 = arith.constant 0 : i32
        %dma_wait3A_115 = tpu.memref_slice %arg6[%dma_wait3A_113, %dma_wait3A_114] : memref<10000x128xf32, #tpu.memory_space<hbm>> -> memref<10000x128xf32, #tpu.memory_space<hbm>>
        tpu.wait_indirect_dma semaphore(%arg18 : memref<!tpu.dma_semaphore, #tpu.memory_space<semaphore_mem>>) src(%dma_wait3A_115 : memref<10000x128xf32, #tpu.memory_space<hbm>>) dst(%arg16 : memref<80x128xf32, #tpu.memory_space<vmem>>)
        %add3A_116 = arith.constant 1 : i32
        %add3A_117 = arith.addi %mul3A_89, %add3A_116 : i32
        "tpu.region"() ({
          %run_scoped3A_119 = tpu.sem_alloc : memref<!tpu.dma_semaphore, #tpu.memory_space<semaphore_mem>>
          %dma_start3A_120 = arith.constant 0 : i32
          %dma_start3A_121 = tpu.memref_slice %arg14[%add3A_117, %dma_start3A_120] : memref<125x80xi32, #tpu.memory_space<vmem>> -> memref<1x80xi32, #tpu.memory_space<vmem>>
          %dma_start3A_122 = tpu.memref_squeeze %dma_start3A_121 : memref<1x80xi32, #tpu.memory_space<vmem>> -> memref<80xi32, #tpu.memory_space<vmem>>
          %dma_start3A_123 = arith.constant 0 : i32
          %dma_start3A_124 = arith.constant 0 : i32
          %dma_start3A_125 = tpu.memref_slice %arg12[%dma_start3A_123, %dma_start3A_124] : memref<10000x128xf32, #tpu.memory_space<vmem_shared>> -> memref<10000x128xf32, #tpu.memory_space<vmem_shared>>
          tpu.enqueue_indirect_dma source(%arg16 : memref<80x128xf32, #tpu.memory_space<vmem>>) target(%dma_start3A_125 : memref<10000x128xf32, #tpu.memory_space<vmem_shared>>) offsets(%dma_start3A_122 : memref<80xi32, #tpu.memory_space<vmem>>) semaphore(%run_scoped3A_119 : memref<!tpu.dma_semaphore, #tpu.memory_space<semaphore_mem>>) {add = true}
          %dma_wait3A_126 = arith.constant 0 : i32
          %dma_wait3A_127 = tpu.memref_slice %arg14[%add3A_117, %dma_wait3A_126] : memref<125x80xi32, #tpu.memory_space<vmem>> -> memref<1x80xi32, #tpu.memory_space<vmem>>
          %dma_wait3A_128 = tpu.memref_squeeze %dma_wait3A_127 : memref<1x80xi32, #tpu.memory_space<vmem>> -> memref<80xi32, #tpu.memory_space<vmem>>
          %dma_wait3A_129 = arith.constant 0 : i32
          %dma_wait3A_130 = arith.constant 0 : i32
          %dma_wait3A_131 = tpu.memref_slice %arg12[%dma_wait3A_129, %dma_wait3A_130] : memref<10000x128xf32, #tpu.memory_space<vmem_shared>> -> memref<10000x128xf32, #tpu.memory_space<vmem_shared>>
          tpu.wait_indirect_dma semaphore(%run_scoped3A_119 : memref<!tpu.dma_semaphore, #tpu.memory_space<semaphore_mem>>) src(%arg16 : memref<80x128xf32, #tpu.memory_space<vmem>>) dst(%dma_wait3A_131 : memref<10000x128xf32, #tpu.memory_space<vmem_shared>>)
          tpu.yield
        }) : () -> ()
        %scan3A_118 = arith.constant 0 : i32
        scf.yield %scan3A_118 : i32
      }
      %scan3A_71 = arith.constant 62 : i32
      %dma_wait3A = arith.constant 0 : i32
      %dma_wait3A_72 = tpu.memref_slice %arg13[%dma_wait3A] : memref<10000xi32, #tpu.memory_space<vmem>> -> memref<80xi32, #tpu.memory_space<vmem>>
      %dma_wait3A_73 = arith.constant 0 : i32
      %dma_wait3A_74 = arith.constant 0 : i32
      %dma_wait3A_75 = tpu.memref_slice %arg6[%dma_wait3A_73, %dma_wait3A_74] : memref<10000x128xf32, #tpu.memory_space<hbm>> -> memref<10000x128xf32, #tpu.memory_space<hbm>>
      tpu.wait_indirect_dma semaphore(%arg17 : memref<!tpu.dma_semaphore, #tpu.memory_space<semaphore_mem>>) src(%dma_wait3A_75 : memref<10000x128xf32, #tpu.memory_space<hbm>>) dst(%arg15 : memref<80x128xf32, #tpu.memory_space<vmem>>)
      %run_scoped3A = arith.constant 124 : i32
      "tpu.region"() ({
        %run_scoped3A_86 = tpu.sem_alloc : memref<!tpu.dma_semaphore, #tpu.memory_space<semaphore_mem>>
        %dma_start3A_87 = arith.constant 0 : i32
        %dma_start3A_88 = tpu.memref_slice %arg14[%run_scoped3A, %dma_start3A_87] : memref<125x80xi32, #tpu.memory_space<vmem>> -> memref<1x80xi32, #tpu.memory_space<vmem>>
        %dma_start3A_89 = tpu.memref_squeeze %dma_start3A_88 : memref<1x80xi32, #tpu.memory_space<vmem>> -> memref<80xi32, #tpu.memory_space<vmem>>
        %dma_start3A_90 = arith.constant 0 : i32
        %dma_start3A_91 = arith.constant 0 : i32
        %dma_start3A_92 = tpu.memref_slice %arg12[%dma_start3A_90, %dma_start3A_91] : memref<10000x128xf32, #tpu.memory_space<vmem_shared>> -> memref<10000x128xf32, #tpu.memory_space<vmem_shared>>
        tpu.enqueue_indirect_dma source(%arg15 : memref<80x128xf32, #tpu.memory_space<vmem>>) target(%dma_start3A_92 : memref<10000x128xf32, #tpu.memory_space<vmem_shared>>) offsets(%dma_start3A_89 : memref<80xi32, #tpu.memory_space<vmem>>) semaphore(%run_scoped3A_86 : memref<!tpu.dma_semaphore, #tpu.memory_space<semaphore_mem>>) {add = true}
        %dma_wait3A_93 = arith.constant 0 : i32
        %dma_wait3A_94 = tpu.memref_slice %arg14[%run_scoped3A, %dma_wait3A_93] : memref<125x80xi32, #tpu.memory_space<vmem>> -> memref<1x80xi32, #tpu.memory_space<vmem>>
        %dma_wait3A_95 = tpu.memref_squeeze %dma_wait3A_94 : memref<1x80xi32, #tpu.memory_space<vmem>> -> memref<80xi32, #tpu.memory_space<vmem>>
        %dma_wait3A_96 = arith.constant 0 : i32
        %dma_wait3A_97 = arith.constant 0 : i32
        %dma_wait3A_98 = tpu.memref_slice %arg12[%dma_wait3A_96, %dma_wait3A_97] : memref<10000x128xf32, #tpu.memory_space<vmem_shared>> -> memref<10000x128xf32, #tpu.memory_space<vmem_shared>>
        tpu.wait_indirect_dma semaphore(%run_scoped3A_86 : memref<!tpu.dma_semaphore, #tpu.memory_space<semaphore_mem>>) src(%arg15 : memref<80x128xf32, #tpu.memory_space<vmem>>) dst(%dma_wait3A_98 : memref<10000x128xf32, #tpu.memory_space<vmem_shared>>)
        tpu.yield
      }) : () -> ()
      %barrier3A_76 = arith.constant 0 : index
      tpu.barrier barrier_id(%barrier3A_76)
      %mul3A_77 = arith.constant 624 : i32
      %mul3A_78 = arith.muli %arg1, %mul3A_77 : i32
      %mul3A_79 = arith.constant 624 : i32
      %mul3A_80 = arith.muli %arg1, %mul3A_79 : i32
      "tpu.region"() ({
        %run_scoped3A_86 = tpu.sem_alloc : memref<!tpu.dma_semaphore, #tpu.memory_space<semaphore_mem>>
        %dma_start3A_87 = arith.constant 0 : i32
        %dma_start3A_88 = tpu.memref_slice %arg10[%mul3A_80, %dma_start3A_87] : memref<10000x128xf32, #tpu.memory_space<hbm>> -> memref<624x128xf32, #tpu.memory_space<hbm>>
        %dma_start3A_89 = arith.constant 0 : i32
        %dma_start3A_90 = tpu.memref_slice %arg12[%mul3A_78, %dma_start3A_89] : memref<10000x128xf32, #tpu.memory_space<vmem_shared>> -> memref<624x128xf32, #tpu.memory_space<vmem_shared>>
        tpu.enqueue_dma source(%dma_start3A_90 : memref<624x128xf32, #tpu.memory_space<vmem_shared>>) target(%dma_start3A_88 : memref<624x128xf32, #tpu.memory_space<hbm>>) target_semaphore(%run_scoped3A_86 : memref<!tpu.dma_semaphore, #tpu.memory_space<semaphore_mem>>)
        %dma_wait3A_91 = arith.constant 0 : i32
        %dma_wait3A_92 = tpu.memref_slice %arg10[%mul3A_80, %dma_wait3A_91] : memref<10000x128xf32, #tpu.memory_space<hbm>> -> memref<624x128xf32, #tpu.memory_space<hbm>>
        %dma_wait3A_93 = arith.constant 0 : i32
        %dma_wait3A_94 = tpu.memref_slice %arg12[%mul3A_78, %dma_wait3A_93] : memref<10000x128xf32, #tpu.memory_space<vmem_shared>> -> memref<624x128xf32, #tpu.memory_space<vmem_shared>>
        tpu.wait_dma2 semaphore(%run_scoped3A_86 : memref<!tpu.dma_semaphore, #tpu.memory_space<semaphore_mem>>) src(%dma_wait3A_94 : memref<624x128xf32, #tpu.memory_space<vmem_shared>>) dst(%dma_wait3A_92 : memref<624x128xf32, #tpu.memory_space<hbm>>)
        tpu.yield
      }) : () -> ()
      %eq3A_81 = arith.constant 0 : i32
      %eq3A_82 = arith.cmpi eq, %arg1, %eq3A_81 : i32
      %convert_element_type3A_83 = arith.extui %eq3A_82 : i1 to i32
      %cond3A_84 = arith.constant 0 : i32
      %cond3A_85 = arith.cmpi ne, %convert_element_type3A_83, %cond3A_84 : i32
      scf.if %cond3A_85 {
        "tpu.region"() ({
          %run_scoped3A_86 = tpu.sem_alloc : memref<!tpu.dma_semaphore, #tpu.memory_space<semaphore_mem>>
          %dma_start3A_87 = arith.constant 9984 : i32
          %dma_start3A_88 = arith.constant 0 : i32
          %dma_start3A_89 = tpu.memref_slice %arg10[%dma_start3A_87, %dma_start3A_88] : memref<10000x128xf32, #tpu.memory_space<hbm>> -> memref<16x128xf32, #tpu.memory_space<hbm>>
          %dma_start3A_90 = arith.constant 9984 : i32
          %dma_start3A_91 = arith.constant 0 : i32
          %dma_start3A_92 = tpu.memref_slice %arg12[%dma_start3A_90, %dma_start3A_91] : memref<10000x128xf32, #tpu.memory_space<vmem_shared>> -> memref<16x128xf32, #tpu.memory_space<vmem_shared>>
          tpu.enqueue_dma source(%dma_start3A_92 : memref<16x128xf32, #tpu.memory_space<vmem_shared>>) target(%dma_start3A_89 : memref<16x128xf32, #tpu.memory_space<hbm>>) target_semaphore(%run_scoped3A_86 : memref<!tpu.dma_semaphore, #tpu.memory_space<semaphore_mem>>)
          %dma_wait3A_93 = arith.constant 9984 : i32
          %dma_wait3A_94 = arith.constant 0 : i32
          %dma_wait3A_95 = tpu.memref_slice %arg10[%dma_wait3A_93, %dma_wait3A_94] : memref<10000x128xf32, #tpu.memory_space<hbm>> -> memref<16x128xf32, #tpu.memory_space<hbm>>
          %dma_wait3A_96 = arith.constant 9984 : i32
          %dma_wait3A_97 = arith.constant 0 : i32
          %dma_wait3A_98 = tpu.memref_slice %arg12[%dma_wait3A_96, %dma_wait3A_97] : memref<10000x128xf32, #tpu.memory_space<vmem_shared>> -> memref<16x128xf32, #tpu.memory_space<vmem_shared>>
          tpu.wait_dma2 semaphore(%run_scoped3A_86 : memref<!tpu.dma_semaphore, #tpu.memory_space<semaphore_mem>>) src(%dma_wait3A_98 : memref<16x128xf32, #tpu.memory_space<vmem_shared>>) dst(%dma_wait3A_95 : memref<16x128xf32, #tpu.memory_space<hbm>>)
          tpu.yield
        }) : () -> ()
      } else {
      }
    } else {
    }
    %eq3A_13 = arith.constant 1 : i32
    %eq3A_14 = arith.cmpi eq, %arg0, %eq3A_13 : i32
    %convert_element_type3A_15 = arith.extui %eq3A_14 : i1 to i32
    %cond3A_16 = arith.constant 0 : i32
    %cond3A_17 = arith.cmpi ne, %convert_element_type3A_15, %cond3A_16 : i32
    scf.if %cond3A_17 {
      %broadcast_in_dim3A = arith.constant 0.000000e+00 : f32
      %broadcast_in_dim3A_18 = vector.broadcast %broadcast_in_dim3A : f32 to vector<16xf32>
      %scan3A = arith.constant 0 : i32
      %scan3A_19 = arith.constant 0 : i32
      %scan3A_20 = arith.constant 80 : i32
      %scan3A_21 = arith.addi %scan3A_19, %scan3A_20 : i32
      %scan3A_22 = arith.constant 1 : i32
      %scan3A_23 = scf.for %scan3A_86 = %scan3A_19 to %scan3A_21 step %scan3A_22 iter_args(%scan3A_87 = %scan3A) -> (i32)  : i32 {
        %swap3A = arith.index_cast %scan3A_86 : i32 to index
        %swap3A_88 = arith.constant 0 : index
        %swap3A_89 = tpu.vector_load %arg15[%swap3A, %swap3A_88] {strides = array<i32>} : memref<80x128xf32, #tpu.memory_space<vmem>>, vector<1x16xf32>,
        %swap3A_90 = vector.shape_cast %swap3A_89 : vector<1x16xf32> to vector<16xf32>
        %swap3A_91 = vector.shape_cast %broadcast_in_dim3A_18 : vector<16xf32> to vector<1x16xf32>
        tpu.vector_store %arg15[%swap3A, %swap3A_88], %swap3A_91 {strides = array<i32>} : memref<80x128xf32, #tpu.memory_space<vmem>>, vector<1x16xf32>,
        %swap3A_92 = arith.index_cast %scan3A_86 : i32 to index
        %swap3A_93 = arith.constant 16 : index
        %swap3A_94 = tpu.vector_load %arg15[%swap3A_92, %swap3A_93] {strides = array<i32>} : memref<80x128xf32, #tpu.memory_space<vmem>>, vector<1x16xf32>,
        %swap3A_95 = vector.shape_cast %swap3A_94 : vector<1x16xf32> to vector<16xf32>
        %swap3A_96 = vector.shape_cast %broadcast_in_dim3A_18 : vector<16xf32> to vector<1x16xf32>
        tpu.vector_store %arg15[%swap3A_92, %swap3A_93], %swap3A_96 {strides = array<i32>} : memref<80x128xf32, #tpu.memory_space<vmem>>, vector<1x16xf32>,
        %swap3A_97 = arith.index_cast %scan3A_86 : i32 to index
        %swap3A_98 = arith.constant 32 : index
        %swap3A_99 = tpu.vector_load %arg15[%swap3A_97, %swap3A_98] {strides = array<i32>} : memref<80x128xf32, #tpu.memory_space<vmem>>, vector<1x16xf32>,
        %swap3A_100 = vector.shape_cast %swap3A_99 : vector<1x16xf32> to vector<16xf32>
        %swap3A_101 = vector.shape_cast %broadcast_in_dim3A_18 : vector<16xf32> to vector<1x16xf32>
        tpu.vector_store %arg15[%swap3A_97, %swap3A_98], %swap3A_101 {strides = array<i32>} : memref<80x128xf32, #tpu.memory_space<vmem>>, vector<1x16xf32>,
        %swap3A_102 = arith.index_cast %scan3A_86 : i32 to index
        %swap3A_103 = arith.constant 48 : index
        %swap3A_104 = tpu.vector_load %arg15[%swap3A_102, %swap3A_103] {strides = array<i32>} : memref<80x128xf32, #tpu.memory_space<vmem>>, vector<1x16xf32>,
        %swap3A_105 = vector.shape_cast %swap3A_104 : vector<1x16xf32> to vector<16xf32>
        %swap3A_106 = vector.shape_cast %broadcast_in_dim3A_18 : vector<16xf32> to vector<1x16xf32>
        tpu.vector_store %arg15[%swap3A_102, %swap3A_103], %swap3A_106 {strides = array<i32>} : memref<80x128xf32, #tpu.memory_space<vmem>>, vector<1x16xf32>,
        %swap3A_107 = arith.index_cast %scan3A_86 : i32 to index
        %swap3A_108 = arith.constant 64 : index
        %swap3A_109 = tpu.vector_load %arg15[%swap3A_107, %swap3A_108] {strides = array<i32>} : memref<80x128xf32, #tpu.memory_space<vmem>>, vector<1x16xf32>,
        %swap3A_110 = vector.shape_cast %swap3A_109 : vector<1x16xf32> to vector<16xf32>
        %swap3A_111 = vector.shape_cast %broadcast_in_dim3A_18 : vector<16xf32> to vector<1x16xf32>
        tpu.vector_store %arg15[%swap3A_107, %swap3A_108], %swap3A_111 {strides = array<i32>} : memref<80x128xf32, #tpu.memory_space<vmem>>, vector<1x16xf32>,
        %swap3A_112 = arith.index_cast %scan3A_86 : i32 to index
        %swap3A_113 = arith.constant 80 : index
        %swap3A_114 = tpu.vector_load %arg15[%swap3A_112, %swap3A_113] {strides = array<i32>} : memref<80x128xf32, #tpu.memory_space<vmem>>, vector<1x16xf32>,
        %swap3A_115 = vector.shape_cast %swap3A_114 : vector<1x16xf32> to vector<16xf32>
        %swap3A_116 = vector.shape_cast %broadcast_in_dim3A_18 : vector<16xf32> to vector<1x16xf32>
        tpu.vector_store %arg15[%swap3A_112, %swap3A_113], %swap3A_116 {strides = array<i32>} : memref<80x128xf32, #tpu.memory_space<vmem>>, vector<1x16xf32>,
        %swap3A_117 = arith.index_cast %scan3A_86 : i32 to index
        %swap3A_118 = arith.constant 96 : index
        %swap3A_119 = tpu.vector_load %arg15[%swap3A_117, %swap3A_118] {strides = array<i32>} : memref<80x128xf32, #tpu.memory_space<vmem>>, vector<1x16xf32>,
        %swap3A_120 = vector.shape_cast %swap3A_119 : vector<1x16xf32> to vector<16xf32>
        %swap3A_121 = vector.shape_cast %broadcast_in_dim3A_18 : vector<16xf32> to vector<1x16xf32>
        tpu.vector_store %arg15[%swap3A_117, %swap3A_118], %swap3A_121 {strides = array<i32>} : memref<80x128xf32, #tpu.memory_space<vmem>>, vector<1x16xf32>,
        %swap3A_122 = arith.index_cast %scan3A_86 : i32 to index
        %swap3A_123 = arith.constant 112 : index
        %swap3A_124 = tpu.vector_load %arg15[%swap3A_122, %swap3A_123] {strides = array<i32>} : memref<80x128xf32, #tpu.memory_space<vmem>>, vector<1x16xf32>,
        %swap3A_125 = vector.shape_cast %swap3A_124 : vector<1x16xf32> to vector<16xf32>
        %swap3A_126 = vector.shape_cast %broadcast_in_dim3A_18 : vector<16xf32> to vector<1x16xf32>
        tpu.vector_store %arg15[%swap3A_122, %swap3A_123], %swap3A_126 {strides = array<i32>} : memref<80x128xf32, #tpu.memory_space<vmem>>, vector<1x16xf32>,
        %scan3A_127 = arith.constant 0 : i32
        scf.yield %scan3A_127 : i32
      }
      %scan3A_24 = arith.constant 80 : i32
      %mul3A_25 = arith.constant 624 : i32
      %mul3A_26 = arith.muli %arg1, %mul3A_25 : i32
      %add3A = arith.constant 0 : i32
      %add3A_27 = arith.addi %mul3A_26, %add3A : i32
      "tpu.region"() ({
        %run_scoped3A_86 = tpu.sem_alloc : memref<!tpu.dma_semaphore, #tpu.memory_space<semaphore_mem>>
        %dma_start3A_87 = arith.constant 0 : i32
        %dma_start3A_88 = tpu.memref_slice %arg12[%add3A_27, %dma_start3A_87] : memref<10000x128xf32, #tpu.memory_space<vmem_shared>> -> memref<80x128xf32, #tpu.memory_space<vmem_shared>>
        %dma_start3A_89 = arith.constant 0 : i32
        %dma_start3A_90 = tpu.memref_slice %arg12[%add3A_27, %dma_start3A_89] : memref<10000x128xf32, #tpu.memory_space<vmem_shared>> -> memref<80x128xf32, #tpu.memory_space<vmem_shared>>
        tpu.enqueue_dma source(%arg15 : memref<80x128xf32, #tpu.memory_space<vmem>>) target(%dma_start3A_90 : memref<80x128xf32, #tpu.memory_space<vmem_shared>>) target_semaphore(%run_scoped3A_86 : memref<!tpu.dma_semaphore, #tpu.memory_space<semaphore_mem>>)
        %dma_wait3A_91 = arith.constant 0 : i32
        %dma_wait3A_92 = tpu.memref_slice %arg12[%add3A_27, %dma_wait3A_91] : memref<10000x128xf32, #tpu.memory_space<vmem_shared>> -> memref<80x128xf32, #tpu.memory_space<vmem_shared>>
        %dma_wait3A_93 = arith.constant 0 : i32
        %dma_wait3A_94 = tpu.memref_slice %arg12[%add3A_27, %dma_wait3A_93] : memref<10000x128xf32, #tpu.memory_space<vmem_shared>> -> memref<80x128xf32, #tpu.memory_space<vmem_shared>>
        tpu.wait_dma2 semaphore(%run_scoped3A_86 : memref<!tpu.dma_semaphore, #tpu.memory_space<semaphore_mem>>) src(%arg15 : memref<80x128xf32, #tpu.memory_space<vmem>>) dst(%dma_wait3A_94 : memref<80x128xf32, #tpu.memory_space<vmem_shared>>)
        tpu.yield
      }) : () -> ()
      %mul3A_28 = arith.constant 624 : i32
      %mul3A_29 = arith.muli %arg1, %mul3A_28 : i32
      %add3A_30 = arith.constant 80 : i32
      %add3A_31 = arith.addi %mul3A_29, %add3A_30 : i32
      "tpu.region"() ({
        %run_scoped3A_86 = tpu.sem_alloc : memref<!tpu.dma_semaphore, #tpu.memory_space<semaphore_mem>>
        %dma_start3A_87 = arith.constant 0 : i32
        %dma_start3A_88 = tpu.memref_slice %arg12[%add3A_31, %dma_start3A_87] : memref<10000x128xf32, #tpu.memory_space<vmem_shared>> -> memref<80x128xf32, #tpu.memory_space<vmem_shared>>
        %dma_start3A_89 = arith.constant 0 : i32
        %dma_start3A_90 = tpu.memref_slice %arg12[%add3A_31, %dma_start3A_89] : memref<10000x128xf32, #tpu.memory_space<vmem_shared>> -> memref<80x128xf32, #tpu.memory_space<vmem_shared>>
        tpu.enqueue_dma source(%arg15 : memref<80x128xf32, #tpu.memory_space<vmem>>) target(%dma_start3A_90 : memref<80x128xf32, #tpu.memory_space<vmem_shared>>) target_semaphore(%run_scoped3A_86 : memref<!tpu.dma_semaphore, #tpu.memory_space<semaphore_mem>>)
        %dma_wait3A_91 = arith.constant 0 : i32
        %dma_wait3A_92 = tpu.memref_slice %arg12[%add3A_31, %dma_wait3A_91] : memref<10000x128xf32, #tpu.memory_space<vmem_shared>> -> memref<80x128xf32, #tpu.memory_space<vmem_shared>>
        %dma_wait3A_93 = arith.constant 0 : i32
        %dma_wait3A_94 = tpu.memref_slice %arg12[%add3A_31, %dma_wait3A_93] : memref<10000x128xf32, #tpu.memory_space<vmem_shared>> -> memref<80x128xf32, #tpu.memory_space<vmem_shared>>
        tpu.wait_dma2 semaphore(%run_scoped3A_86 : memref<!tpu.dma_semaphore, #tpu.memory_space<semaphore_mem>>) src(%arg15 : memref<80x128xf32, #tpu.memory_space<vmem>>) dst(%dma_wait3A_94 : memref<80x128xf32, #tpu.memory_space<vmem_shared>>)
        tpu.yield
      }) : () -> ()
      %mul3A_32 = arith.constant 624 : i32
      %mul3A_33 = arith.muli %arg1, %mul3A_32 : i32
      %add3A_34 = arith.constant 160 : i32
      %add3A_35 = arith.addi %mul3A_33, %add3A_34 : i32
      "tpu.region"() ({
        %run_scoped3A_86 = tpu.sem_alloc : memref<!tpu.dma_semaphore, #tpu.memory_space<semaphore_mem>>
        %dma_start3A_87 = arith.constant 0 : i32
        %dma_start3A_88 = tpu.memref_slice %arg12[%add3A_35, %dma_start3A_87] : memref<10000x128xf32, #tpu.memory_space<vmem_shared>> -> memref<80x128xf32, #tpu.memory_space<vmem_shared>>
        %dma_start3A_89 = arith.constant 0 : i32
        %dma_start3A_90 = tpu.memref_slice %arg12[%add3A_35, %dma_start3A_89] : memref<10000x128xf32, #tpu.memory_space<vmem_shared>> -> memref<80x128xf32, #tpu.memory_space<vmem_shared>>
        tpu.enqueue_dma source(%arg15 : memref<80x128xf32, #tpu.memory_space<vmem>>) target(%dma_start3A_90 : memref<80x128xf32, #tpu.memory_space<vmem_shared>>) target_semaphore(%run_scoped3A_86 : memref<!tpu.dma_semaphore, #tpu.memory_space<semaphore_mem>>)
        %dma_wait3A_91 = arith.constant 0 : i32
        %dma_wait3A_92 = tpu.memref_slice %arg12[%add3A_35, %dma_wait3A_91] : memref<10000x128xf32, #tpu.memory_space<vmem_shared>> -> memref<80x128xf32, #tpu.memory_space<vmem_shared>>
        %dma_wait3A_93 = arith.constant 0 : i32
        %dma_wait3A_94 = tpu.memref_slice %arg12[%add3A_35, %dma_wait3A_93] : memref<10000x128xf32, #tpu.memory_space<vmem_shared>> -> memref<80x128xf32, #tpu.memory_space<vmem_shared>>
        tpu.wait_dma2 semaphore(%run_scoped3A_86 : memref<!tpu.dma_semaphore, #tpu.memory_space<semaphore_mem>>) src(%arg15 : memref<80x128xf32, #tpu.memory_space<vmem>>) dst(%dma_wait3A_94 : memref<80x128xf32, #tpu.memory_space<vmem_shared>>)
        tpu.yield
      }) : () -> ()
      %mul3A_36 = arith.constant 624 : i32
      %mul3A_37 = arith.muli %arg1, %mul3A_36 : i32
      %add3A_38 = arith.constant 240 : i32
      %add3A_39 = arith.addi %mul3A_37, %add3A_38 : i32
      "tpu.region"() ({
        %run_scoped3A_86 = tpu.sem_alloc : memref<!tpu.dma_semaphore, #tpu.memory_space<semaphore_mem>>
        %dma_start3A_87 = arith.constant 0 : i32
        %dma_start3A_88 = tpu.memref_slice %arg12[%add3A_39, %dma_start3A_87] : memref<10000x128xf32, #tpu.memory_space<vmem_shared>> -> memref<80x128xf32, #tpu.memory_space<vmem_shared>>
        %dma_start3A_89 = arith.constant 0 : i32
        %dma_start3A_90 = tpu.memref_slice %arg12[%add3A_39, %dma_start3A_89] : memref<10000x128xf32, #tpu.memory_space<vmem_shared>> -> memref<80x128xf32, #tpu.memory_space<vmem_shared>>
        tpu.enqueue_dma source(%arg15 : memref<80x128xf32, #tpu.memory_space<vmem>>) target(%dma_start3A_90 : memref<80x128xf32, #tpu.memory_space<vmem_shared>>) target_semaphore(%run_scoped3A_86 : memref<!tpu.dma_semaphore, #tpu.memory_space<semaphore_mem>>)
        %dma_wait3A_91 = arith.constant 0 : i32
        %dma_wait3A_92 = tpu.memref_slice %arg12[%add3A_39, %dma_wait3A_91] : memref<10000x128xf32, #tpu.memory_space<vmem_shared>> -> memref<80x128xf32, #tpu.memory_space<vmem_shared>>
        %dma_wait3A_93 = arith.constant 0 : i32
        %dma_wait3A_94 = tpu.memref_slice %arg12[%add3A_39, %dma_wait3A_93] : memref<10000x128xf32, #tpu.memory_space<vmem_shared>> -> memref<80x128xf32, #tpu.memory_space<vmem_shared>>
        tpu.wait_dma2 semaphore(%run_scoped3A_86 : memref<!tpu.dma_semaphore, #tpu.memory_space<semaphore_mem>>) src(%arg15 : memref<80x128xf32, #tpu.memory_space<vmem>>) dst(%dma_wait3A_94 : memref<80x128xf32, #tpu.memory_space<vmem_shared>>)
        tpu.yield
      }) : () -> ()
      %mul3A_40 = arith.constant 624 : i32
      %mul3A_41 = arith.muli %arg1, %mul3A_40 : i32
      %add3A_42 = arith.constant 320 : i32
      %add3A_43 = arith.addi %mul3A_41, %add3A_42 : i32
      "tpu.region"() ({
        %run_scoped3A_86 = tpu.sem_alloc : memref<!tpu.dma_semaphore, #tpu.memory_space<semaphore_mem>>
        %dma_start3A_87 = arith.constant 0 : i32
        %dma_start3A_88 = tpu.memref_slice %arg12[%add3A_43, %dma_start3A_87] : memref<10000x128xf32, #tpu.memory_space<vmem_shared>> -> memref<80x128xf32, #tpu.memory_space<vmem_shared>>
        %dma_start3A_89 = arith.constant 0 : i32
        %dma_start3A_90 = tpu.memref_slice %arg12[%add3A_43, %dma_start3A_89] : memref<10000x128xf32, #tpu.memory_space<vmem_shared>> -> memref<80x128xf32, #tpu.memory_space<vmem_shared>>
        tpu.enqueue_dma source(%arg15 : memref<80x128xf32, #tpu.memory_space<vmem>>) target(%dma_start3A_90 : memref<80x128xf32, #tpu.memory_space<vmem_shared>>) target_semaphore(%run_scoped3A_86 : memref<!tpu.dma_semaphore, #tpu.memory_space<semaphore_mem>>)
        %dma_wait3A_91 = arith.constant 0 : i32
        %dma_wait3A_92 = tpu.memref_slice %arg12[%add3A_43, %dma_wait3A_91] : memref<10000x128xf32, #tpu.memory_space<vmem_shared>> -> memref<80x128xf32, #tpu.memory_space<vmem_shared>>
        %dma_wait3A_93 = arith.constant 0 : i32
        %dma_wait3A_94 = tpu.memref_slice %arg12[%add3A_43, %dma_wait3A_93] : memref<10000x128xf32, #tpu.memory_space<vmem_shared>> -> memref<80x128xf32, #tpu.memory_space<vmem_shared>>
        tpu.wait_dma2 semaphore(%run_scoped3A_86 : memref<!tpu.dma_semaphore, #tpu.memory_space<semaphore_mem>>) src(%arg15 : memref<80x128xf32, #tpu.memory_space<vmem>>) dst(%dma_wait3A_94 : memref<80x128xf32, #tpu.memory_space<vmem_shared>>)
        tpu.yield
      }) : () -> ()
      %mul3A_44 = arith.constant 624 : i32
      %mul3A_45 = arith.muli %arg1, %mul3A_44 : i32
      %add3A_46 = arith.constant 400 : i32
      %add3A_47 = arith.addi %mul3A_45, %add3A_46 : i32
      "tpu.region"() ({
        %run_scoped3A_86 = tpu.sem_alloc : memref<!tpu.dma_semaphore, #tpu.memory_space<semaphore_mem>>
        %dma_start3A_87 = arith.constant 0 : i32
        %dma_start3A_88 = tpu.memref_slice %arg12[%add3A_47, %dma_start3A_87] : memref<10000x128xf32, #tpu.memory_space<vmem_shared>> -> memref<80x128xf32, #tpu.memory_space<vmem_shared>>
        %dma_start3A_89 = arith.constant 0 : i32
        %dma_start3A_90 = tpu.memref_slice %arg12[%add3A_47, %dma_start3A_89] : memref<10000x128xf32, #tpu.memory_space<vmem_shared>> -> memref<80x128xf32, #tpu.memory_space<vmem_shared>>
        tpu.enqueue_dma source(%arg15 : memref<80x128xf32, #tpu.memory_space<vmem>>) target(%dma_start3A_90 : memref<80x128xf32, #tpu.memory_space<vmem_shared>>) target_semaphore(%run_scoped3A_86 : memref<!tpu.dma_semaphore, #tpu.memory_space<semaphore_mem>>)
        %dma_wait3A_91 = arith.constant 0 : i32
        %dma_wait3A_92 = tpu.memref_slice %arg12[%add3A_47, %dma_wait3A_91] : memref<10000x128xf32, #tpu.memory_space<vmem_shared>> -> memref<80x128xf32, #tpu.memory_space<vmem_shared>>
        %dma_wait3A_93 = arith.constant 0 : i32
        %dma_wait3A_94 = tpu.memref_slice %arg12[%add3A_47, %dma_wait3A_93] : memref<10000x128xf32, #tpu.memory_space<vmem_shared>> -> memref<80x128xf32, #tpu.memory_space<vmem_shared>>
        tpu.wait_dma2 semaphore(%run_scoped3A_86 : memref<!tpu.dma_semaphore, #tpu.memory_space<semaphore_mem>>) src(%arg15 : memref<80x128xf32, #tpu.memory_space<vmem>>) dst(%dma_wait3A_94 : memref<80x128xf32, #tpu.memory_space<vmem_shared>>)
        tpu.yield
      }) : () -> ()
      %mul3A_48 = arith.constant 624 : i32
      %mul3A_49 = arith.muli %arg1, %mul3A_48 : i32
      %add3A_50 = arith.constant 480 : i32
      %add3A_51 = arith.addi %mul3A_49, %add3A_50 : i32
      "tpu.region"() ({
        %run_scoped3A_86 = tpu.sem_alloc : memref<!tpu.dma_semaphore, #tpu.memory_space<semaphore_mem>>
        %dma_start3A_87 = arith.constant 0 : i32
        %dma_start3A_88 = tpu.memref_slice %arg12[%add3A_51, %dma_start3A_87] : memref<10000x128xf32, #tpu.memory_space<vmem_shared>> -> memref<80x128xf32, #tpu.memory_space<vmem_shared>>
        %dma_start3A_89 = arith.constant 0 : i32
        %dma_start3A_90 = tpu.memref_slice %arg12[%add3A_51, %dma_start3A_89] : memref<10000x128xf32, #tpu.memory_space<vmem_shared>> -> memref<80x128xf32, #tpu.memory_space<vmem_shared>>
        tpu.enqueue_dma source(%arg15 : memref<80x128xf32, #tpu.memory_space<vmem>>) target(%dma_start3A_90 : memref<80x128xf32, #tpu.memory_space<vmem_shared>>) target_semaphore(%run_scoped3A_86 : memref<!tpu.dma_semaphore, #tpu.memory_space<semaphore_mem>>)
        %dma_wait3A_91 = arith.constant 0 : i32
        %dma_wait3A_92 = tpu.memref_slice %arg12[%add3A_51, %dma_wait3A_91] : memref<10000x128xf32, #tpu.memory_space<vmem_shared>> -> memref<80x128xf32, #tpu.memory_space<vmem_shared>>
        %dma_wait3A_93 = arith.constant 0 : i32
        %dma_wait3A_94 = tpu.memref_slice %arg12[%add3A_51, %dma_wait3A_93] : memref<10000x128xf32, #tpu.memory_space<vmem_shared>> -> memref<80x128xf32, #tpu.memory_space<vmem_shared>>
        tpu.wait_dma2 semaphore(%run_scoped3A_86 : memref<!tpu.dma_semaphore, #tpu.memory_space<semaphore_mem>>) src(%arg15 : memref<80x128xf32, #tpu.memory_space<vmem>>) dst(%dma_wait3A_94 : memref<80x128xf32, #tpu.memory_space<vmem_shared>>)
        tpu.yield
      }) : () -> ()
      %mul3A_52 = arith.constant 624 : i32
      %mul3A_53 = arith.muli %arg1, %mul3A_52 : i32
      %add3A_54 = arith.constant 560 : i32
      %add3A_55 = arith.addi %mul3A_53, %add3A_54 : i32
      "tpu.region"() ({
        %run_scoped3A_86 = tpu.sem_alloc : memref<!tpu.dma_semaphore, #tpu.memory_space<semaphore_mem>>
        %dma_start3A_87 = arith.constant 0 : i32
        %dma_start3A_88 = arith.constant 0 : i32
        %dma_start3A_89 = tpu.memref_slice %arg15[%dma_start3A_87, %dma_start3A_88] : memref<80x128xf32, #tpu.memory_space<vmem>> -> memref<64x128xf32, #tpu.memory_space<vmem>>
        %dma_start3A_90 = arith.constant 0 : i32
        %dma_start3A_91 = tpu.memref_slice %arg12[%add3A_55, %dma_start3A_90] : memref<10000x128xf32, #tpu.memory_space<vmem_shared>> -> memref<64x128xf32, #tpu.memory_space<vmem_shared>>
        %dma_start3A_92 = arith.constant 0 : i32
        %dma_start3A_93 = tpu.memref_slice %arg12[%add3A_55, %dma_start3A_92] : memref<10000x128xf32, #tpu.memory_space<vmem_shared>> -> memref<64x128xf32, #tpu.memory_space<vmem_shared>>
        %dma_start3A_94 = arith.constant 0 : i32
        %dma_start3A_95 = arith.constant 0 : i32
        %dma_start3A_96 = tpu.memref_slice %arg15[%dma_start3A_94, %dma_start3A_95] : memref<80x128xf32, #tpu.memory_space<vmem>> -> memref<64x128xf32, #tpu.memory_space<vmem>>
        tpu.enqueue_dma source(%dma_start3A_96 : memref<64x128xf32, #tpu.memory_space<vmem>>) target(%dma_start3A_93 : memref<64x128xf32, #tpu.memory_space<vmem_shared>>) target_semaphore(%run_scoped3A_86 : memref<!tpu.dma_semaphore, #tpu.memory_space<semaphore_mem>>)
        %dma_wait3A_97 = arith.constant 0 : i32
        %dma_wait3A_98 = arith.constant 0 : i32
        %dma_wait3A_99 = tpu.memref_slice %arg15[%dma_wait3A_97, %dma_wait3A_98] : memref<80x128xf32, #tpu.memory_space<vmem>> -> memref<64x128xf32, #tpu.memory_space<vmem>>
        %dma_wait3A_100 = arith.constant 0 : i32
        %dma_wait3A_101 = tpu.memref_slice %arg12[%add3A_55, %dma_wait3A_100] : memref<10000x128xf32, #tpu.memory_space<vmem_shared>> -> memref<64x128xf32, #tpu.memory_space<vmem_shared>>
        %dma_wait3A_102 = arith.constant 0 : i32
        %dma_wait3A_103 = tpu.memref_slice %arg12[%add3A_55, %dma_wait3A_102] : memref<10000x128xf32, #tpu.memory_space<vmem_shared>> -> memref<64x128xf32, #tpu.memory_space<vmem_shared>>
        %dma_wait3A_104 = arith.constant 0 : i32
        %dma_wait3A_105 = arith.constant 0 : i32
        %dma_wait3A_106 = tpu.memref_slice %arg15[%dma_wait3A_104, %dma_wait3A_105] : memref<80x128xf32, #tpu.memory_space<vmem>> -> memref<64x128xf32, #tpu.memory_space<vmem>>
        tpu.wait_dma2 semaphore(%run_scoped3A_86 : memref<!tpu.dma_semaphore, #tpu.memory_space<semaphore_mem>>) src(%dma_wait3A_106 : memref<64x128xf32, #tpu.memory_space<vmem>>) dst(%dma_wait3A_103 : memref<64x128xf32, #tpu.memory_space<vmem_shared>>)
        tpu.yield
      }) : () -> ()
      %eq3A_56 = arith.constant 0 : i32
      %eq3A_57 = arith.cmpi eq, %arg1, %eq3A_56 : i32
      %convert_element_type3A_58 = arith.extui %eq3A_57 : i1 to i32
      %cond3A_59 = arith.constant 0 : i32
      %cond3A_60 = arith.cmpi ne, %convert_element_type3A_58, %cond3A_59 : i32
      scf.if %cond3A_60 {
        "tpu.region"() ({
          %run_scoped3A_86 = tpu.sem_alloc : memref<!tpu.dma_semaphore, #tpu.memory_space<semaphore_mem>>
          %dma_start3A_87 = arith.constant 0 : i32
          %dma_start3A_88 = arith.constant 0 : i32
          %dma_start3A_89 = tpu.memref_slice %arg15[%dma_start3A_87, %dma_start3A_88] : memref<80x128xf32, #tpu.memory_space<vmem>> -> memref<16x128xf32, #tpu.memory_space<vmem>>
          %dma_start3A_90 = arith.constant 9984 : i32
          %dma_start3A_91 = arith.constant 0 : i32
          %dma_start3A_92 = tpu.memref_slice %arg12[%dma_start3A_90, %dma_start3A_91] : memref<10000x128xf32, #tpu.memory_space<vmem_shared>> -> memref<16x128xf32, #tpu.memory_space<vmem_shared>>
          %dma_start3A_93 = arith.constant 9984 : i32
          %dma_start3A_94 = arith.constant 0 : i32
          %dma_start3A_95 = tpu.memref_slice %arg12[%dma_start3A_93, %dma_start3A_94] : memref<10000x128xf32, #tpu.memory_space<vmem_shared>> -> memref<16x128xf32, #tpu.memory_space<vmem_shared>>
          %dma_start3A_96 = arith.constant 0 : i32
          %dma_start3A_97 = arith.constant 0 : i32
          %dma_start3A_98 = tpu.memref_slice %arg15[%dma_start3A_96, %dma_start3A_97] : memref<80x128xf32, #tpu.memory_space<vmem>> -> memref<16x128xf32, #tpu.memory_space<vmem>>
          tpu.enqueue_dma source(%dma_start3A_98 : memref<16x128xf32, #tpu.memory_space<vmem>>) target(%dma_start3A_95 : memref<16x128xf32, #tpu.memory_space<vmem_shared>>) target_semaphore(%run_scoped3A_86 : memref<!tpu.dma_semaphore, #tpu.memory_space<semaphore_mem>>)
          %dma_wait3A_99 = arith.constant 0 : i32
          %dma_wait3A_100 = arith.constant 0 : i32
          %dma_wait3A_101 = tpu.memref_slice %arg15[%dma_wait3A_99, %dma_wait3A_100] : memref<80x128xf32, #tpu.memory_space<vmem>> -> memref<16x128xf32, #tpu.memory_space<vmem>>
          %dma_wait3A_102 = arith.constant 9984 : i32
          %dma_wait3A_103 = arith.constant 0 : i32
          %dma_wait3A_104 = tpu.memref_slice %arg12[%dma_wait3A_102, %dma_wait3A_103] : memref<10000x128xf32, #tpu.memory_space<vmem_shared>> -> memref<16x128xf32, #tpu.memory_space<vmem_shared>>
          %dma_wait3A_105 = arith.constant 9984 : i32
          %dma_wait3A_106 = arith.constant 0 : i32
          %dma_wait3A_107 = tpu.memref_slice %arg12[%dma_wait3A_105, %dma_wait3A_106] : memref<10000x128xf32, #tpu.memory_space<vmem_shared>> -> memref<16x128xf32, #tpu.memory_space<vmem_shared>>
          %dma_wait3A_108 = arith.constant 0 : i32
          %dma_wait3A_109 = arith.constant 0 : i32
          %dma_wait3A_110 = tpu.memref_slice %arg15[%dma_wait3A_108, %dma_wait3A_109] : memref<80x128xf32, #tpu.memory_space<vmem>> -> memref<16x128xf32, #tpu.memory_space<vmem>>
          tpu.wait_dma2 semaphore(%run_scoped3A_86 : memref<!tpu.dma_semaphore, #tpu.memory_space<semaphore_mem>>) src(%dma_wait3A_110 : memref<16x128xf32, #tpu.memory_space<vmem>>) dst(%dma_wait3A_107 : memref<16x128xf32, #tpu.memory_space<vmem_shared>>)
          tpu.yield
        }) : () -> ()
      } else {
      }
      %barrier3A = arith.constant 0 : index
      tpu.barrier barrier_id(%barrier3A)
      %dma_start3A = arith.constant 0 : i32
      %dma_start3A_61 = tpu.memref_slice %arg13[%dma_start3A] : memref<10000xi32, #tpu.memory_space<vmem>> -> memref<80xi32, #tpu.memory_space<vmem>>
      %dma_start3A_62 = arith.constant 0 : i32
      %dma_start3A_63 = arith.constant 0 : i32
      %dma_start3A_64 = tpu.memref_slice %arg7[%dma_start3A_62, %dma_start3A_63] : memref<10000x128xf32, #tpu.memory_space<hbm>> -> memref<10000x128xf32, #tpu.memory_space<hbm>>
      tpu.enqueue_indirect_dma source(%dma_start3A_64 : memref<10000x128xf32, #tpu.memory_space<hbm>>) target(%arg15 : memref<80x128xf32, #tpu.memory_space<vmem>>) offsets(%dma_start3A_61 : memref<80xi32, #tpu.memory_space<vmem>>) semaphore(%arg17 : memref<!tpu.dma_semaphore, #tpu.memory_space<semaphore_mem>>)
      %scan3A_65 = arith.constant 0 : i32
      %scan3A_66 = arith.constant 0 : i32
      %scan3A_67 = arith.constant 62 : i32
      %scan3A_68 = arith.addi %scan3A_66, %scan3A_67 : i32
      %scan3A_69 = arith.constant 1 : i32
      %scan3A_70 = scf.for %scan3A_86 = %scan3A_66 to %scan3A_68 step %scan3A_69 iter_args(%scan3A_87 = %scan3A_65) -> (i32)  : i32 {
        %mul3A_88 = arith.constant 2 : i32
        %mul3A_89 = arith.muli %scan3A_86, %mul3A_88 : i32
        %add3A_90 = arith.constant 1 : i32
        %add3A_91 = arith.addi %mul3A_89, %add3A_90 : i32
        %mul3A_92 = arith.constant 80 : i32
        %mul3A_93 = arith.muli %add3A_91, %mul3A_92 : i32
        %dma_start3A_94 = tpu.memref_slice %arg13[%mul3A_93] : memref<10000xi32, #tpu.memory_space<vmem>> -> memref<80xi32, #tpu.memory_space<vmem>>
        %dma_start3A_95 = arith.constant 0 : i32
        %dma_start3A_96 = arith.constant 0 : i32
        %dma_start3A_97 = tpu.memref_slice %arg7[%dma_start3A_95, %dma_start3A_96] : memref<10000x128xf32, #tpu.memory_space<hbm>> -> memref<10000x128xf32, #tpu.memory_space<hbm>>
        tpu.enqueue_indirect_dma source(%dma_start3A_97 : memref<10000x128xf32, #tpu.memory_space<hbm>>) target(%arg16 : memref<80x128xf32, #tpu.memory_space<vmem>>) offsets(%dma_start3A_94 : memref<80xi32, #tpu.memory_space<vmem>>) semaphore(%arg18 : memref<!tpu.dma_semaphore, #tpu.memory_space<semaphore_mem>>)
        %dma_wait3A_98 = arith.constant 0 : i32
        %dma_wait3A_99 = tpu.memref_slice %arg13[%dma_wait3A_98] : memref<10000xi32, #tpu.memory_space<vmem>> -> memref<80xi32, #tpu.memory_space<vmem>>
        %dma_wait3A_100 = arith.constant 0 : i32
        %dma_wait3A_101 = arith.constant 0 : i32
        %dma_wait3A_102 = tpu.memref_slice %arg7[%dma_wait3A_100, %dma_wait3A_101] : memref<10000x128xf32, #tpu.memory_space<hbm>> -> memref<10000x128xf32, #tpu.memory_space<hbm>>
        tpu.wait_indirect_dma semaphore(%arg17 : memref<!tpu.dma_semaphore, #tpu.memory_space<semaphore_mem>>) src(%dma_wait3A_102 : memref<10000x128xf32, #tpu.memory_space<hbm>>) dst(%arg15 : memref<80x128xf32, #tpu.memory_space<vmem>>)
        "tpu.region"() ({
          %run_scoped3A_119 = tpu.sem_alloc : memref<!tpu.dma_semaphore, #tpu.memory_space<semaphore_mem>>
          %dma_start3A_120 = arith.constant 0 : i32
          %dma_start3A_121 = tpu.memref_slice %arg14[%mul3A_89, %dma_start3A_120] : memref<125x80xi32, #tpu.memory_space<vmem>> -> memref<1x80xi32, #tpu.memory_space<vmem>>
          %dma_start3A_122 = tpu.memref_squeeze %dma_start3A_121 : memref<1x80xi32, #tpu.memory_space<vmem>> -> memref<80xi32, #tpu.memory_space<vmem>>
          %dma_start3A_123 = arith.constant 0 : i32
          %dma_start3A_124 = arith.constant 0 : i32
          %dma_start3A_125 = tpu.memref_slice %arg12[%dma_start3A_123, %dma_start3A_124] : memref<10000x128xf32, #tpu.memory_space<vmem_shared>> -> memref<10000x128xf32, #tpu.memory_space<vmem_shared>>
          tpu.enqueue_indirect_dma source(%arg15 : memref<80x128xf32, #tpu.memory_space<vmem>>) target(%dma_start3A_125 : memref<10000x128xf32, #tpu.memory_space<vmem_shared>>) offsets(%dma_start3A_122 : memref<80xi32, #tpu.memory_space<vmem>>) semaphore(%run_scoped3A_119 : memref<!tpu.dma_semaphore, #tpu.memory_space<semaphore_mem>>) {add = true}
          %dma_wait3A_126 = arith.constant 0 : i32
          %dma_wait3A_127 = tpu.memref_slice %arg14[%mul3A_89, %dma_wait3A_126] : memref<125x80xi32, #tpu.memory_space<vmem>> -> memref<1x80xi32, #tpu.memory_space<vmem>>
          %dma_wait3A_128 = tpu.memref_squeeze %dma_wait3A_127 : memref<1x80xi32, #tpu.memory_space<vmem>> -> memref<80xi32, #tpu.memory_space<vmem>>
          %dma_wait3A_129 = arith.constant 0 : i32
          %dma_wait3A_130 = arith.constant 0 : i32
          %dma_wait3A_131 = tpu.memref_slice %arg12[%dma_wait3A_129, %dma_wait3A_130] : memref<10000x128xf32, #tpu.memory_space<vmem_shared>> -> memref<10000x128xf32, #tpu.memory_space<vmem_shared>>
          tpu.wait_indirect_dma semaphore(%run_scoped3A_119 : memref<!tpu.dma_semaphore, #tpu.memory_space<semaphore_mem>>) src(%arg15 : memref<80x128xf32, #tpu.memory_space<vmem>>) dst(%dma_wait3A_131 : memref<10000x128xf32, #tpu.memory_space<vmem_shared>>)
          tpu.yield
        }) : () -> ()
        %add3A_103 = arith.constant 2 : i32
        %add3A_104 = arith.addi %mul3A_89, %add3A_103 : i32
        %mul3A_105 = arith.constant 80 : i32
        %mul3A_106 = arith.muli %add3A_104, %mul3A_105 : i32
        %dma_start3A_107 = tpu.memref_slice %arg13[%mul3A_106] : memref<10000xi32, #tpu.memory_space<vmem>> -> memref<80xi32, #tpu.memory_space<vmem>>
        %dma_start3A_108 = arith.constant 0 : i32
        %dma_start3A_109 = arith.constant 0 : i32
        %dma_start3A_110 = tpu.memref_slice %arg7[%dma_start3A_108, %dma_start3A_109] : memref<10000x128xf32, #tpu.memory_space<hbm>> -> memref<10000x128xf32, #tpu.memory_space<hbm>>
        tpu.enqueue_indirect_dma source(%dma_start3A_110 : memref<10000x128xf32, #tpu.memory_space<hbm>>) target(%arg15 : memref<80x128xf32, #tpu.memory_space<vmem>>) offsets(%dma_start3A_107 : memref<80xi32, #tpu.memory_space<vmem>>) semaphore(%arg17 : memref<!tpu.dma_semaphore, #tpu.memory_space<semaphore_mem>>)
        %dma_wait3A_111 = arith.constant 0 : i32
        %dma_wait3A_112 = tpu.memref_slice %arg13[%dma_wait3A_111] : memref<10000xi32, #tpu.memory_space<vmem>> -> memref<80xi32, #tpu.memory_space<vmem>>
        %dma_wait3A_113 = arith.constant 0 : i32
        %dma_wait3A_114 = arith.constant 0 : i32
        %dma_wait3A_115 = tpu.memref_slice %arg7[%dma_wait3A_113, %dma_wait3A_114] : memref<10000x128xf32, #tpu.memory_space<hbm>> -> memref<10000x128xf32, #tpu.memory_space<hbm>>
        tpu.wait_indirect_dma semaphore(%arg18 : memref<!tpu.dma_semaphore, #tpu.memory_space<semaphore_mem>>) src(%dma_wait3A_115 : memref<10000x128xf32, #tpu.memory_space<hbm>>) dst(%arg16 : memref<80x128xf32, #tpu.memory_space<vmem>>)
        %add3A_116 = arith.constant 1 : i32
        %add3A_117 = arith.addi %mul3A_89, %add3A_116 : i32
        "tpu.region"() ({
          %run_scoped3A_119 = tpu.sem_alloc : memref<!tpu.dma_semaphore, #tpu.memory_space<semaphore_mem>>
          %dma_start3A_120 = arith.constant 0 : i32
          %dma_start3A_121 = tpu.memref_slice %arg14[%add3A_117, %dma_start3A_120] : memref<125x80xi32, #tpu.memory_space<vmem>> -> memref<1x80xi32, #tpu.memory_space<vmem>>
          %dma_start3A_122 = tpu.memref_squeeze %dma_start3A_121 : memref<1x80xi32, #tpu.memory_space<vmem>> -> memref<80xi32, #tpu.memory_space<vmem>>
          %dma_start3A_123 = arith.constant 0 : i32
          %dma_start3A_124 = arith.constant 0 : i32
          %dma_start3A_125 = tpu.memref_slice %arg12[%dma_start3A_123, %dma_start3A_124] : memref<10000x128xf32, #tpu.memory_space<vmem_shared>> -> memref<10000x128xf32, #tpu.memory_space<vmem_shared>>
          tpu.enqueue_indirect_dma source(%arg16 : memref<80x128xf32, #tpu.memory_space<vmem>>) target(%dma_start3A_125 : memref<10000x128xf32, #tpu.memory_space<vmem_shared>>) offsets(%dma_start3A_122 : memref<80xi32, #tpu.memory_space<vmem>>) semaphore(%run_scoped3A_119 : memref<!tpu.dma_semaphore, #tpu.memory_space<semaphore_mem>>) {add = true}
          %dma_wait3A_126 = arith.constant 0 : i32
          %dma_wait3A_127 = tpu.memref_slice %arg14[%add3A_117, %dma_wait3A_126] : memref<125x80xi32, #tpu.memory_space<vmem>> -> memref<1x80xi32, #tpu.memory_space<vmem>>
          %dma_wait3A_128 = tpu.memref_squeeze %dma_wait3A_127 : memref<1x80xi32, #tpu.memory_space<vmem>> -> memref<80xi32, #tpu.memory_space<vmem>>
          %dma_wait3A_129 = arith.constant 0 : i32
          %dma_wait3A_130 = arith.constant 0 : i32
          %dma_wait3A_131 = tpu.memref_slice %arg12[%dma_wait3A_129, %dma_wait3A_130] : memref<10000x128xf32, #tpu.memory_space<vmem_shared>> -> memref<10000x128xf32, #tpu.memory_space<vmem_shared>>
          tpu.wait_indirect_dma semaphore(%run_scoped3A_119 : memref<!tpu.dma_semaphore, #tpu.memory_space<semaphore_mem>>) src(%arg16 : memref<80x128xf32, #tpu.memory_space<vmem>>) dst(%dma_wait3A_131 : memref<10000x128xf32, #tpu.memory_space<vmem_shared>>)
          tpu.yield
        }) : () -> ()
        %scan3A_118 = arith.constant 0 : i32
        scf.yield %scan3A_118 : i32
      }
      %scan3A_71 = arith.constant 62 : i32
      %dma_wait3A = arith.constant 0 : i32
      %dma_wait3A_72 = tpu.memref_slice %arg13[%dma_wait3A] : memref<10000xi32, #tpu.memory_space<vmem>> -> memref<80xi32, #tpu.memory_space<vmem>>
      %dma_wait3A_73 = arith.constant 0 : i32
      %dma_wait3A_74 = arith.constant 0 : i32
      %dma_wait3A_75 = tpu.memref_slice %arg7[%dma_wait3A_73, %dma_wait3A_74] : memref<10000x128xf32, #tpu.memory_space<hbm>> -> memref<10000x128xf32, #tpu.memory_space<hbm>>
      tpu.wait_indirect_dma semaphore(%arg17 : memref<!tpu.dma_semaphore, #tpu.memory_space<semaphore_mem>>) src(%dma_wait3A_75 : memref<10000x128xf32, #tpu.memory_space<hbm>>) dst(%arg15 : memref<80x128xf32, #tpu.memory_space<vmem>>)
      %run_scoped3A = arith.constant 124 : i32
      "tpu.region"() ({
        %run_scoped3A_86 = tpu.sem_alloc : memref<!tpu.dma_semaphore, #tpu.memory_space<semaphore_mem>>
        %dma_start3A_87 = arith.constant 0 : i32
        %dma_start3A_88 = tpu.memref_slice %arg14[%run_scoped3A, %dma_start3A_87] : memref<125x80xi32, #tpu.memory_space<vmem>> -> memref<1x80xi32, #tpu.memory_space<vmem>>
        %dma_start3A_89 = tpu.memref_squeeze %dma_start3A_88 : memref<1x80xi32, #tpu.memory_space<vmem>> -> memref<80xi32, #tpu.memory_space<vmem>>
        %dma_start3A_90 = arith.constant 0 : i32
        %dma_start3A_91 = arith.constant 0 : i32
        %dma_start3A_92 = tpu.memref_slice %arg12[%dma_start3A_90, %dma_start3A_91] : memref<10000x128xf32, #tpu.memory_space<vmem_shared>> -> memref<10000x128xf32, #tpu.memory_space<vmem_shared>>
        tpu.enqueue_indirect_dma source(%arg15 : memref<80x128xf32, #tpu.memory_space<vmem>>) target(%dma_start3A_92 : memref<10000x128xf32, #tpu.memory_space<vmem_shared>>) offsets(%dma_start3A_89 : memref<80xi32, #tpu.memory_space<vmem>>) semaphore(%run_scoped3A_86 : memref<!tpu.dma_semaphore, #tpu.memory_space<semaphore_mem>>) {add = true}
        %dma_wait3A_93 = arith.constant 0 : i32
        %dma_wait3A_94 = tpu.memref_slice %arg14[%run_scoped3A, %dma_wait3A_93] : memref<125x80xi32, #tpu.memory_space<vmem>> -> memref<1x80xi32, #tpu.memory_space<vmem>>
        %dma_wait3A_95 = tpu.memref_squeeze %dma_wait3A_94 : memref<1x80xi32, #tpu.memory_space<vmem>> -> memref<80xi32, #tpu.memory_space<vmem>>
        %dma_wait3A_96 = arith.constant 0 : i32
        %dma_wait3A_97 = arith.constant 0 : i32
        %dma_wait3A_98 = tpu.memref_slice %arg12[%dma_wait3A_96, %dma_wait3A_97] : memref<10000x128xf32, #tpu.memory_space<vmem_shared>> -> memref<10000x128xf32, #tpu.memory_space<vmem_shared>>
        tpu.wait_indirect_dma semaphore(%run_scoped3A_86 : memref<!tpu.dma_semaphore, #tpu.memory_space<semaphore_mem>>) src(%arg15 : memref<80x128xf32, #tpu.memory_space<vmem>>) dst(%dma_wait3A_98 : memref<10000x128xf32, #tpu.memory_space<vmem_shared>>)
        tpu.yield
      }) : () -> ()
      %barrier3A_76 = arith.constant 0 : index
      tpu.barrier barrier_id(%barrier3A_76)
      %mul3A_77 = arith.constant 624 : i32
      %mul3A_78 = arith.muli %arg1, %mul3A_77 : i32
      %mul3A_79 = arith.constant 624 : i32
      %mul3A_80 = arith.muli %arg1, %mul3A_79 : i32
      "tpu.region"() ({
        %run_scoped3A_86 = tpu.sem_alloc : memref<!tpu.dma_semaphore, #tpu.memory_space<semaphore_mem>>
        %dma_start3A_87 = arith.constant 0 : i32
        %dma_start3A_88 = tpu.memref_slice %arg11[%mul3A_80, %dma_start3A_87] : memref<10000x128xf32, #tpu.memory_space<hbm>> -> memref<624x128xf32, #tpu.memory_space<hbm>>
        %dma_start3A_89 = arith.constant 0 : i32
        %dma_start3A_90 = tpu.memref_slice %arg12[%mul3A_78, %dma_start3A_89] : memref<10000x128xf32, #tpu.memory_space<vmem_shared>> -> memref<624x128xf32, #tpu.memory_space<vmem_shared>>
        tpu.enqueue_dma source(%dma_start3A_90 : memref<624x128xf32, #tpu.memory_space<vmem_shared>>) target(%dma_start3A_88 : memref<624x128xf32, #tpu.memory_space<hbm>>) target_semaphore(%run_scoped3A_86 : memref<!tpu.dma_semaphore, #tpu.memory_space<semaphore_mem>>)
        %dma_wait3A_91 = arith.constant 0 : i32
        %dma_wait3A_92 = tpu.memref_slice %arg11[%mul3A_80, %dma_wait3A_91] : memref<10000x128xf32, #tpu.memory_space<hbm>> -> memref<624x128xf32, #tpu.memory_space<hbm>>
        %dma_wait3A_93 = arith.constant 0 : i32
        %dma_wait3A_94 = tpu.memref_slice %arg12[%mul3A_78, %dma_wait3A_93] : memref<10000x128xf32, #tpu.memory_space<vmem_shared>> -> memref<624x128xf32, #tpu.memory_space<vmem_shared>>
        tpu.wait_dma2 semaphore(%run_scoped3A_86 : memref<!tpu.dma_semaphore, #tpu.memory_space<semaphore_mem>>) src(%dma_wait3A_94 : memref<624x128xf32, #tpu.memory_space<vmem_shared>>) dst(%dma_wait3A_92 : memref<624x128xf32, #tpu.memory_space<hbm>>)
        tpu.yield
      }) : () -> ()
      %eq3A_81 = arith.constant 0 : i32
      %eq3A_82 = arith.cmpi eq, %arg1, %eq3A_81 : i32
      %convert_element_type3A_83 = arith.extui %eq3A_82 : i1 to i32
      %cond3A_84 = arith.constant 0 : i32
      %cond3A_85 = arith.cmpi ne, %convert_element_type3A_83, %cond3A_84 : i32
      scf.if %cond3A_85 {
        "tpu.region"() ({
          %run_scoped3A_86 = tpu.sem_alloc : memref<!tpu.dma_semaphore, #tpu.memory_space<semaphore_mem>>
          %dma_start3A_87 = arith.constant 9984 : i32
          %dma_start3A_88 = arith.constant 0 : i32
          %dma_start3A_89 = tpu.memref_slice %arg11[%dma_start3A_87, %dma_start3A_88] : memref<10000x128xf32, #tpu.memory_space<hbm>> -> memref<16x128xf32, #tpu.memory_space<hbm>>
          %dma_start3A_90 = arith.constant 9984 : i32
          %dma_start3A_91 = arith.constant 0 : i32
          %dma_start3A_92 = tpu.memref_slice %arg12[%dma_start3A_90, %dma_start3A_91] : memref<10000x128xf32, #tpu.memory_space<vmem_shared>> -> memref<16x128xf32, #tpu.memory_space<vmem_shared>>
          tpu.enqueue_dma source(%dma_start3A_92 : memref<16x128xf32, #tpu.memory_space<vmem_shared>>) target(%dma_start3A_89 : memref<16x128xf32, #tpu.memory_space<hbm>>) target_semaphore(%run_scoped3A_86 : memref<!tpu.dma_semaphore, #tpu.memory_space<semaphore_mem>>)
          %dma_wait3A_93 = arith.constant 9984 : i32
          %dma_wait3A_94 = arith.constant 0 : i32
          %dma_wait3A_95 = tpu.memref_slice %arg11[%dma_wait3A_93, %dma_wait3A_94] : memref<10000x128xf32, #tpu.memory_space<hbm>> -> memref<16x128xf32, #tpu.memory_space<hbm>>
          %dma_wait3A_96 = arith.constant 9984 : i32
          %dma_wait3A_97 = arith.constant 0 : i32
          %dma_wait3A_98 = tpu.memref_slice %arg12[%dma_wait3A_96, %dma_wait3A_97] : memref<10000x128xf32, #tpu.memory_space<vmem_shared>> -> memref<16x128xf32, #tpu.memory_space<vmem_shared>>
          tpu.wait_dma2 semaphore(%run_scoped3A_86 : memref<!tpu.dma_semaphore, #tpu.memory_space<semaphore_mem>>) src(%dma_wait3A_98 : memref<16x128xf32, #tpu.memory_space<vmem_shared>>) dst(%dma_wait3A_95 : memref<16x128xf32, #tpu.memory_space<hbm>>)
          tpu.yield
        }) : () -> ()
      } else {
      }
    } else {
    }
    return
  }
}

module attributes {stable_mosaic.version = 14 : i64} {
  func.func @_layer1_body(%arg0: i32, %arg1: memref<2000x128xf32, #tpu.memory_space<vmem>>, %arg2: memref<2000x128xf32, #tpu.memory_space<vmem>>, %arg3: memref<2000x128xf32, #tpu.memory_space<vmem>>, %arg4: memref<2000x128xf32, #tpu.memory_space<vmem>>, %arg5: memref<2000x1xf32, #tpu.memory_space<vmem>>, %arg6: memref<256x512xf32, #tpu.memory_space<vmem>>, %arg7: memref<1x512xf32, #tpu.memory_space<vmem>>, %arg8: memref<2000x128xf32, #tpu.memory_space<vmem>>, %arg9: memref<2000x128xf32, #tpu.memory_space<vmem>>, %arg10: memref<2000x128xf32, #tpu.memory_space<vmem>>, %arg11: memref<2000x128xf32, #tpu.memory_space<vmem>>) attributes {dimension_semantics = [#tpu.dimension_semantics<arbitrary>], iteration_bounds = array<i64: 5>, scalar_prefetch = 0 : i64, scratch_operands = 0 : i64, tpu.core_type = #tpu.core_type<tc>, window_params = [{transform_indices = @transform_0, window_bounds = array<i64: 2000, 128>}, {transform_indices = @transform_1, window_bounds = array<i64: 2000, 128>}, {transform_indices = @transform_2, window_bounds = array<i64: 2000, 128>}, {transform_indices = @transform_3, window_bounds = array<i64: 2000, 128>}, {transform_indices = @transform_4, window_bounds = array<i64: 2000, 1>}, {pipeline_mode = #tpu.pipeline_mode<synchronous>, transform_indices = @transform_5, window_bounds = array<i64: 256, 512>}, {pipeline_mode = #tpu.pipeline_mode<synchronous>, transform_indices = @transform_6, window_bounds = array<i64: 1, 512>}, {transform_indices = @transform_7, window_bounds = array<i64: 2000, 128>}, {transform_indices = @transform_8, window_bounds = array<i64: 2000, 128>}, {transform_indices = @transform_9, window_bounds = array<i64: 2000, 128>}, {transform_indices = @transform_10, window_bounds = array<i64: 2000, 128>}]} {
    %get3A = arith.constant 0 : index
    %get3A_0 = arith.constant 0 : index
    %get3A_1 = vector.load %arg5[%get3A, %get3A_0] : memref<2000x1xf32, #tpu.memory_space<vmem>>, vector<2000x1xf32>
    %get3A_2 = arith.constant 0 : index
    %get3A_3 = arith.constant 0 : index
    %get3A_4 = vector.load %arg1[%get3A_2, %get3A_3] : memref<2000x128xf32, #tpu.memory_space<vmem>>, vector<2000x128xf32>
    %get3A_5 = arith.constant 0 : index
    %get3A_6 = arith.constant 0 : index
    %get3A_7 = vector.load %arg3[%get3A_5, %get3A_6] : memref<2000x128xf32, #tpu.memory_space<vmem>>, vector<2000x128xf32>
    %add3A = arith.addf %get3A_4, %get3A_7 : vector<2000x128xf32>
    %mul3A = vector.broadcast %get3A_1 : vector<2000x1xf32> to vector<2000x128xf32>
    %mul3A_8 = arith.mulf %mul3A, %add3A : vector<2000x128xf32>
    %get3A_9 = arith.constant 0 : index
    %get3A_10 = arith.constant 0 : index
    %get3A_11 = vector.load %arg2[%get3A_9, %get3A_10] : memref<2000x128xf32, #tpu.memory_space<vmem>>, vector<2000x128xf32>
    %get3A_12 = arith.constant 0 : index
    %get3A_13 = arith.constant 0 : index
    %get3A_14 = vector.load %arg4[%get3A_12, %get3A_13] : memref<2000x128xf32, #tpu.memory_space<vmem>>, vector<2000x128xf32>
    %add3A_15 = arith.addf %get3A_11, %get3A_14 : vector<2000x128xf32>
    %mul3A_16 = vector.broadcast %get3A_1 : vector<2000x1xf32> to vector<2000x128xf32>
    %mul3A_17 = arith.mulf %mul3A_16, %add3A_15 : vector<2000x128xf32>
    %concatenate3A = tpu.concatenate %mul3A_8, %mul3A_17 in 1 : vector<2000x128xf32>, vector<2000x128xf32> -> vector<2000x256xf32>
    %get3A_18 = arith.constant 0 : index
    %get3A_19 = arith.constant 0 : index
    %get3A_20 = vector.load %arg6[%get3A_18, %get3A_19] : memref<256x512xf32, #tpu.memory_space<vmem>>, vector<256x512xf32>
    %dot_general3A = arith.constant dense<0.000000e+00> : vector<2000x512xf32>
    %dot_general3A_21 = tpu.matmul %concatenate3A, %get3A_20, %dot_general3A {dimension_numbers = #tpu.dot_dimension_numbers<[1], [0], [0], [1], [0, 0, 1, 1], [], []>, transpose_lhs_hint = false} : vector<2000x256xf32>, vector<256x512xf32>, vector<2000x512xf32> -> vector<2000x512xf32>
    %get3A_22 = arith.constant 0 : index
    %get3A_23 = arith.constant 0 : index
    %get3A_24 = vector.load %arg7[%get3A_22, %get3A_23] : memref<1x512xf32, #tpu.memory_space<vmem>>, vector<1x512xf32>
    %add3A_25 = vector.broadcast %get3A_24 : vector<1x512xf32> to vector<2000x512xf32>
    %add3A_26 = arith.addf %dot_general3A_21, %add3A_25 : vector<2000x512xf32>
    %max3A = arith.constant 0.000000e+00 : f32
    %max3A_27 = vector.broadcast %max3A : f32 to vector<2000x512xf32>
    %max3A_28 = arith.maximumf %add3A_26, %max3A_27 : vector<2000x512xf32>
    %mul3A_29 = vector.broadcast %get3A_1 : vector<2000x1xf32> to vector<2000x512xf32>
    %mul3A_30 = arith.mulf %max3A_28, %mul3A_29 : vector<2000x512xf32>
    %slice3A = vector.extract_strided_slice %mul3A_30 {offsets = [0, 0], sizes = [2000, 128], strides = [1, 1]} : vector<2000x512xf32> to vector<2000x128xf32>
    %swap3A = arith.constant 0 : index
    %swap3A_31 = arith.constant 0 : index
    %swap3A_32 = vector.load %arg8[%swap3A, %swap3A_31] : memref<2000x128xf32, #tpu.memory_space<vmem>>, vector<2000x128xf32>
    tpu.vector_store %arg8[%swap3A, %swap3A_31], %slice3A {strides = array<i32>} : memref<2000x128xf32, #tpu.memory_space<vmem>>, vector<2000x128xf32>,
    %slice3A_33 = vector.extract_strided_slice %mul3A_30 {offsets = [0, 128], sizes = [2000, 128], strides = [1, 1]} : vector<2000x512xf32> to vector<2000x128xf32>
    %swap3A_34 = arith.constant 0 : index
    %swap3A_35 = arith.constant 0 : index
    %swap3A_36 = vector.load %arg9[%swap3A_34, %swap3A_35] : memref<2000x128xf32, #tpu.memory_space<vmem>>, vector<2000x128xf32>
    tpu.vector_store %arg9[%swap3A_34, %swap3A_35], %slice3A_33 {strides = array<i32>} : memref<2000x128xf32, #tpu.memory_space<vmem>>, vector<2000x128xf32>,
    %slice3A_37 = vector.extract_strided_slice %mul3A_30 {offsets = [0, 256], sizes = [2000, 128], strides = [1, 1]} : vector<2000x512xf32> to vector<2000x128xf32>
    %swap3A_38 = arith.constant 0 : index
    %swap3A_39 = arith.constant 0 : index
    %swap3A_40 = vector.load %arg10[%swap3A_38, %swap3A_39] : memref<2000x128xf32, #tpu.memory_space<vmem>>, vector<2000x128xf32>
    tpu.vector_store %arg10[%swap3A_38, %swap3A_39], %slice3A_37 {strides = array<i32>} : memref<2000x128xf32, #tpu.memory_space<vmem>>, vector<2000x128xf32>,
    %slice3A_41 = vector.extract_strided_slice %mul3A_30 {offsets = [0, 384], sizes = [2000, 128], strides = [1, 1]} : vector<2000x512xf32> to vector<2000x128xf32>
    %swap3A_42 = arith.constant 0 : index
    %swap3A_43 = arith.constant 0 : index
    %swap3A_44 = vector.load %arg11[%swap3A_42, %swap3A_43] : memref<2000x128xf32, #tpu.memory_space<vmem>>, vector<2000x128xf32>
    tpu.vector_store %arg11[%swap3A_42, %swap3A_43], %slice3A_41 {strides = array<i32>} : memref<2000x128xf32, #tpu.memory_space<vmem>>, vector<2000x128xf32>,
    return
  }
  func.func @transform_0(%arg0: i32) -> (i32, i32) {
    %c0_i32 = arith.constant 0 : i32
    %c0_i32_0 = arith.constant 0 : i32
    return %arg0, %c0_i32 : i32, i32
  }
  func.func @transform_1(%arg0: i32) -> (i32, i32) {
    %c0_i32 = arith.constant 0 : i32
    %c0_i32_0 = arith.constant 0 : i32
    return %arg0, %c0_i32 : i32, i32
  }
  func.func @transform_2(%arg0: i32) -> (i32, i32) {
    %c0_i32 = arith.constant 0 : i32
    %c0_i32_0 = arith.constant 0 : i32
    return %arg0, %c0_i32 : i32, i32
  }
  func.func @transform_3(%arg0: i32) -> (i32, i32) {
    %c0_i32 = arith.constant 0 : i32
    %c0_i32_0 = arith.constant 0 : i32
    return %arg0, %c0_i32 : i32, i32
  }
  func.func @transform_4(%arg0: i32) -> (i32, i32) {
    %c0_i32 = arith.constant 0 : i32
    %c0_i32_0 = arith.constant 0 : i32
    return %arg0, %c0_i32 : i32, i32
  }
  func.func @transform_5(%arg0: i32) -> (i32, i32) {
    %c0_i32 = arith.constant 0 : i32
    %c0_i32_0 = arith.constant 0 : i32
    %c0_i32_1 = arith.constant 0 : i32
    return %c0_i32, %c0_i32_0 : i32, i32
  }
  func.func @transform_6(%arg0: i32) -> (i32, i32) {
    %c0_i32 = arith.constant 0 : i32
    %c0_i32_0 = arith.constant 0 : i32
    %c0_i32_1 = arith.constant 0 : i32
    return %c0_i32, %c0_i32_0 : i32, i32
  }
  func.func @transform_7(%arg0: i32) -> (i32, i32) {
    %c0_i32 = arith.constant 0 : i32
    %c0_i32_0 = arith.constant 0 : i32
    return %arg0, %c0_i32 : i32, i32
  }
  func.func @transform_8(%arg0: i32) -> (i32, i32) {
    %c0_i32 = arith.constant 0 : i32
    %c0_i32_0 = arith.constant 0 : i32
    return %arg0, %c0_i32 : i32, i32
  }
  func.func @transform_9(%arg0: i32) -> (i32, i32) {
    %c0_i32 = arith.constant 0 : i32
    %c0_i32_0 = arith.constant 0 : i32
    return %arg0, %c0_i32 : i32, i32
  }
  func.func @transform_10(%arg0: i32) -> (i32, i32) {
    %c0_i32 = arith.constant 0 : i32
    %c0_i32_0 = arith.constant 0 : i32
    return %arg0, %c0_i32 : i32, i32
  }
}

module attributes {stable_mosaic.version = 14 : i64} {
  func.func @_prescale_body(%arg0: i32, %arg1: memref<2000x128xf32, #tpu.memory_space<vmem>>, %arg2: memref<2000x256xf32, #tpu.memory_space<vmem>>, %arg3: memref<2000x128xf32, #tpu.memory_space<vmem>>, %arg4: memref<2000x128xf32, #tpu.memory_space<vmem>>, %arg5: memref<2000x1xf32, #tpu.memory_space<vmem>>) attributes {dimension_semantics = [#tpu.dimension_semantics<arbitrary>], iteration_bounds = array<i64: 5>, scalar_prefetch = 0 : i64, scratch_operands = 0 : i64, tpu.core_type = #tpu.core_type<tc>, window_params = [{transform_indices = @transform_0, window_bounds = array<i64: 2000, 128>}, {transform_indices = @transform_1, window_bounds = array<i64: 2000, 256>}, {transform_indices = @transform_2, window_bounds = array<i64: 2000, 128>}, {transform_indices = @transform_3, window_bounds = array<i64: 2000, 128>}, {transform_indices = @transform_4, window_bounds = array<i64: 2000, 1>}]} {
    %get3A = arith.constant 0 : index
    %get3A_0 = arith.constant 0 : index
    %get3A_1 = vector.load %arg1[%get3A, %get3A_0] : memref<2000x128xf32, #tpu.memory_space<vmem>>, vector<2000x1xf32>
    %add3A = arith.constant 1.000000e+00 : f32
    %add3A_2 = vector.broadcast %add3A : f32 to vector<2000x1xf32>
    %add3A_3 = arith.addf %get3A_1, %add3A_2 : vector<2000x1xf32>
    %rsqrt3A = math.rsqrt %add3A_3 : vector<2000x1xf32>
    %swap3A = arith.constant 0 : index
    %swap3A_4 = arith.constant 0 : index
    %swap3A_5 = vector.load %arg5[%swap3A, %swap3A_4] : memref<2000x1xf32, #tpu.memory_space<vmem>>, vector<2000x1xf32>
    tpu.vector_store %arg5[%swap3A, %swap3A_4], %rsqrt3A {strides = array<i32>} : memref<2000x1xf32, #tpu.memory_space<vmem>>, vector<2000x1xf32>,
    %get3A_6 = arith.constant 0 : index
    %get3A_7 = arith.constant 0 : index
    %get3A_8 = vector.load %arg2[%get3A_6, %get3A_7] : memref<2000x256xf32, #tpu.memory_space<vmem>>, vector<2000x256xf32>
    %mul3A = vector.broadcast %rsqrt3A : vector<2000x1xf32> to vector<2000x256xf32>
    %mul3A_9 = arith.mulf %get3A_8, %mul3A : vector<2000x256xf32>
    %slice3A = vector.extract_strided_slice %mul3A_9 {offsets = [0, 0], sizes = [2000, 128], strides = [1, 1]} : vector<2000x256xf32> to vector<2000x128xf32>
    %swap3A_10 = arith.constant 0 : index
    %swap3A_11 = arith.constant 0 : index
    %swap3A_12 = vector.load %arg3[%swap3A_10, %swap3A_11] : memref<2000x128xf32, #tpu.memory_space<vmem>>, vector<2000x128xf32>
    tpu.vector_store %arg3[%swap3A_10, %swap3A_11], %slice3A {strides = array<i32>} : memref<2000x128xf32, #tpu.memory_space<vmem>>, vector<2000x128xf32>,
    %slice3A_13 = vector.extract_strided_slice %mul3A_9 {offsets = [0, 128], sizes = [2000, 128], strides = [1, 1]} : vector<2000x256xf32> to vector<2000x128xf32>
    %swap3A_14 = arith.constant 0 : index
    %swap3A_15 = arith.constant 0 : index
    %swap3A_16 = vector.load %arg4[%swap3A_14, %swap3A_15] : memref<2000x128xf32, #tpu.memory_space<vmem>>, vector<2000x128xf32>
    tpu.vector_store %arg4[%swap3A_14, %swap3A_15], %slice3A_13 {strides = array<i32>} : memref<2000x128xf32, #tpu.memory_space<vmem>>, vector<2000x128xf32>,
    return
  }
  func.func @transform_0(%arg0: i32) -> (i32, i32) {
    %c0_i32 = arith.constant 0 : i32
    %c0_i32_0 = arith.constant 0 : i32
    return %arg0, %c0_i32 : i32, i32
  }
  func.func @transform_1(%arg0: i32) -> (i32, i32) {
    %c0_i32 = arith.constant 0 : i32
    %c0_i32_0 = arith.constant 0 : i32
    return %arg0, %c0_i32 : i32, i32
  }
  func.func @transform_2(%arg0: i32) -> (i32, i32) {
    %c0_i32 = arith.constant 0 : i32
    %c0_i32_0 = arith.constant 0 : i32
    return %arg0, %c0_i32 : i32, i32
  }
  func.func @transform_3(%arg0: i32) -> (i32, i32) {
    %c0_i32 = arith.constant 0 : i32
    %c0_i32_0 = arith.constant 0 : i32
    return %arg0, %c0_i32 : i32, i32
  }
  func.func @transform_4(%arg0: i32) -> (i32, i32) {
    %c0_i32 = arith.constant 0 : i32
    %c0_i32_0 = arith.constant 0 : i32
    return %arg0, %c0_i32 : i32, i32
  }
}

module attributes {stable_mosaic.version = 14 : i64} {
  func.func @_layer2_body(%arg0: i32, %arg1: memref<2000x128xf32, #tpu.memory_space<vmem>>, %arg2: memref<2000x128xf32, #tpu.memory_space<vmem>>, %arg3: memref<2000x128xf32, #tpu.memory_space<vmem>>, %arg4: memref<2000x128xf32, #tpu.memory_space<vmem>>, %arg5: memref<2000x128xf32, #tpu.memory_space<vmem>>, %arg6: memref<2000x128xf32, #tpu.memory_space<vmem>>, %arg7: memref<2000x128xf32, #tpu.memory_space<vmem>>, %arg8: memref<2000x128xf32, #tpu.memory_space<vmem>>, %arg9: memref<2000x1xf32, #tpu.memory_space<vmem>>, %arg10: memref<512x512xf32, #tpu.memory_space<vmem>>, %arg11: memref<1x512xf32, #tpu.memory_space<vmem>>, %arg12: memref<2000x1xi32, #tpu.memory_space<vmem>>, %arg13: memref<512x10xf32, #tpu.memory_space<vmem>>, %arg14: memref<1x10xf32, #tpu.memory_space<vmem>>, %arg15: memref<64x10xf32, #tpu.memory_space<vmem>>, %arg16: memref<64x512xf32, #tpu.memory_space<vmem>>, %arg17: memref<64x128xf32, #tpu.memory_space<vmem>>) attributes {dimension_semantics = [#tpu.dimension_semantics<arbitrary>], iteration_bounds = array<i64: 5>, scalar_prefetch = 0 : i64, scratch_operands = 2 : i64, tpu.core_type = #tpu.core_type<tc>, window_params = [{transform_indices = @transform_0, window_bounds = array<i64: 2000, 128>}, {transform_indices = @transform_1, window_bounds = array<i64: 2000, 128>}, {transform_indices = @transform_2, window_bounds = array<i64: 2000, 128>}, {transform_indices = @transform_3, window_bounds = array<i64: 2000, 128>}, {transform_indices = @transform_4, window_bounds = array<i64: 2000, 128>}, {transform_indices = @transform_5, window_bounds = array<i64: 2000, 128>}, {transform_indices = @transform_6, window_bounds = array<i64: 2000, 128>}, {transform_indices = @transform_7, window_bounds = array<i64: 2000, 128>}, {transform_indices = @transform_8, window_bounds = array<i64: 2000, 1>}, {pipeline_mode = #tpu.pipeline_mode<synchronous>, transform_indices = @transform_9, window_bounds = array<i64: 512, 512>}, {pipeline_mode = #tpu.pipeline_mode<synchronous>, transform_indices = @transform_10, window_bounds = array<i64: 1, 512>}, {transform_indices = @transform_11, window_bounds = array<i64: 2000, 1>}, {pipeline_mode = #tpu.pipeline_mode<synchronous>, transform_indices = @transform_12, window_bounds = array<i64: 512, 10>}, {pipeline_mode = #tpu.pipeline_mode<synchronous>, transform_indices = @transform_13, window_bounds = array<i64: 1, 10>}, {pipeline_mode = #tpu.pipeline_mode<synchronous>, transform_indices = @transform_14, window_bounds = array<i64: 64, 10>}]} {
    %eq3A = arith.constant 0 : i32
    %eq3A_0 = arith.cmpi eq, %arg0, %eq3A : i32
    %convert_element_type3A = arith.extui %eq3A_0 : i1 to i32
    %cond3A = arith.constant 0 : i32
    %cond3A_1 = arith.cmpi ne, %convert_element_type3A, %cond3A : i32
    scf.if %cond3A_1 {
      %broadcast_in_dim3A_79 = arith.constant 0.000000e+00 : f32
      %broadcast_in_dim3A_80 = vector.broadcast %broadcast_in_dim3A_79 : f32 to vector<64x512xf32>
      %swap3A_81 = arith.constant 0 : index
      %swap3A_82 = arith.constant 0 : index
      %swap3A_83 = vector.load %arg16[%swap3A_81, %swap3A_82] : memref<64x512xf32, #tpu.memory_space<vmem>>, vector<64x512xf32>
      tpu.vector_store %arg16[%swap3A_81, %swap3A_82], %broadcast_in_dim3A_80 {strides = array<i32>} : memref<64x512xf32, #tpu.memory_space<vmem>>, vector<64x512xf32>,
      %broadcast_in_dim3A_84 = arith.constant 0.000000e+00 : f32
      %broadcast_in_dim3A_85 = vector.broadcast %broadcast_in_dim3A_84 : f32 to vector<64x128xf32>
      %swap3A_86 = arith.constant 0 : index
      %swap3A_87 = arith.constant 0 : index
      %swap3A_88 = vector.load %arg17[%swap3A_86, %swap3A_87] : memref<64x128xf32, #tpu.memory_space<vmem>>, vector<64x128xf32>
      tpu.vector_store %arg17[%swap3A_86, %swap3A_87], %broadcast_in_dim3A_85 {strides = array<i32>} : memref<64x128xf32, #tpu.memory_space<vmem>>, vector<64x128xf32>,
    } else {
    }
    %get3A = arith.constant 0 : index
    %get3A_2 = arith.constant 0 : index
    %get3A_3 = vector.load %arg9[%get3A, %get3A_2] : memref<2000x1xf32, #tpu.memory_space<vmem>>, vector<2000x1xf32>
    %get3A_4 = arith.constant 0 : index
    %get3A_5 = arith.constant 0 : index
    %get3A_6 = vector.load %arg1[%get3A_4, %get3A_5] : memref<2000x128xf32, #tpu.memory_space<vmem>>, vector<2000x128xf32>
    %get3A_7 = arith.constant 0 : index
    %get3A_8 = arith.constant 0 : index
    %get3A_9 = vector.load %arg5[%get3A_7, %get3A_8] : memref<2000x128xf32, #tpu.memory_space<vmem>>, vector<2000x128xf32>
    %add3A = arith.addf %get3A_6, %get3A_9 : vector<2000x128xf32>
    %mul3A = vector.broadcast %get3A_3 : vector<2000x1xf32> to vector<2000x128xf32>
    %mul3A_10 = arith.mulf %mul3A, %add3A : vector<2000x128xf32>
    %get3A_11 = arith.constant 0 : index
    %get3A_12 = arith.constant 0 : index
    %get3A_13 = vector.load %arg2[%get3A_11, %get3A_12] : memref<2000x128xf32, #tpu.memory_space<vmem>>, vector<2000x128xf32>
    %get3A_14 = arith.constant 0 : index
    %get3A_15 = arith.constant 0 : index
    %get3A_16 = vector.load %arg6[%get3A_14, %get3A_15] : memref<2000x128xf32, #tpu.memory_space<vmem>>, vector<2000x128xf32>
    %add3A_17 = arith.addf %get3A_13, %get3A_16 : vector<2000x128xf32>
    %mul3A_18 = vector.broadcast %get3A_3 : vector<2000x1xf32> to vector<2000x128xf32>
    %mul3A_19 = arith.mulf %mul3A_18, %add3A_17 : vector<2000x128xf32>
    %get3A_20 = arith.constant 0 : index
    %get3A_21 = arith.constant 0 : index
    %get3A_22 = vector.load %arg3[%get3A_20, %get3A_21] : memref<2000x128xf32, #tpu.memory_space<vmem>>, vector<2000x128xf32>
    %get3A_23 = arith.constant 0 : index
    %get3A_24 = arith.constant 0 : index
    %get3A_25 = vector.load %arg7[%get3A_23, %get3A_24] : memref<2000x128xf32, #tpu.memory_space<vmem>>, vector<2000x128xf32>
    %add3A_26 = arith.addf %get3A_22, %get3A_25 : vector<2000x128xf32>
    %mul3A_27 = vector.broadcast %get3A_3 : vector<2000x1xf32> to vector<2000x128xf32>
    %mul3A_28 = arith.mulf %mul3A_27, %add3A_26 : vector<2000x128xf32>
    %get3A_29 = arith.constant 0 : index
    %get3A_30 = arith.constant 0 : index
    %get3A_31 = vector.load %arg4[%get3A_29, %get3A_30] : memref<2000x128xf32, #tpu.memory_space<vmem>>, vector<2000x128xf32>
    %get3A_32 = arith.constant 0 : index
    %get3A_33 = arith.constant 0 : index
    %get3A_34 = vector.load %arg8[%get3A_32, %get3A_33] : memref<2000x128xf32, #tpu.memory_space<vmem>>, vector<2000x128xf32>
    %add3A_35 = arith.addf %get3A_31, %get3A_34 : vector<2000x128xf32>
    %mul3A_36 = vector.broadcast %get3A_3 : vector<2000x1xf32> to vector<2000x128xf32>
    %mul3A_37 = arith.mulf %mul3A_36, %add3A_35 : vector<2000x128xf32>
    %concatenate3A = tpu.concatenate %mul3A_10, %mul3A_19, %mul3A_28, %mul3A_37 in 1 : vector<2000x128xf32>, vector<2000x128xf32>, vector<2000x128xf32>, vector<2000x128xf32> -> vector<2000x512xf32>
    %get3A_38 = arith.constant 0 : index
    %get3A_39 = arith.constant 0 : index
    %get3A_40 = vector.load %arg10[%get3A_38, %get3A_39] : memref<512x512xf32, #tpu.memory_space<vmem>>, vector<512x512xf32>
    %dot_general3A = arith.constant dense<0.000000e+00> : vector<2000x512xf32>
    %dot_general3A_41 = tpu.matmul %concatenate3A, %get3A_40, %dot_general3A {dimension_numbers = #tpu.dot_dimension_numbers<[1], [0], [0], [1], [0, 0, 1, 1], [], []>, transpose_lhs_hint = false} : vector<2000x512xf32>, vector<512x512xf32>, vector<2000x512xf32> -> vector<2000x512xf32>
    %get3A_42 = arith.constant 0 : index
    %get3A_43 = arith.constant 0 : index
    %get3A_44 = vector.load %arg11[%get3A_42, %get3A_43] : memref<1x512xf32, #tpu.memory_space<vmem>>, vector<1x512xf32>
    %add3A_45 = vector.broadcast %get3A_44 : vector<1x512xf32> to vector<2000x512xf32>
    %add3A_46 = arith.addf %dot_general3A_41, %add3A_45 : vector<2000x512xf32>
    %max3A = arith.constant 0.000000e+00 : f32
    %max3A_47 = vector.broadcast %max3A : f32 to vector<2000x512xf32>
    %max3A_48 = arith.maximumf %add3A_46, %max3A_47 : vector<2000x512xf32>
    %iota3A = tpu.iota {dimensions = array<i32: 1>} : vector<2000x64xi32>
    %get3A_49 = arith.constant 0 : index
    %get3A_50 = arith.constant 0 : index
    %get3A_51 = vector.load %arg12[%get3A_49, %get3A_50] : memref<2000x1xi32, #tpu.memory_space<vmem>>, vector<2000x1xi32>
    %eq3A_52 = vector.broadcast %get3A_51 : vector<2000x1xi32> to vector<2000x64xi32>
    %eq3A_53 = arith.cmpi eq, %eq3A_52, %iota3A : vector<2000x64xi32>
    %convert_element_type3A_54 = arith.extui %eq3A_53 : vector<2000x64xi1> to vector<2000x64xi32>
    %convert_element_type3A_55 = arith.sitofp %convert_element_type3A_54 : vector<2000x64xi32> to vector<2000x64xf32>
    %get3A_56 = arith.constant 0 : index
    %get3A_57 = arith.constant 0 : index
    %get3A_58 = vector.load %arg16[%get3A_56, %get3A_57] : memref<64x512xf32, #tpu.memory_space<vmem>>, vector<64x512xf32>
    %dot_general3A_59 = arith.constant dense<0.000000e+00> : vector<64x512xf32>
    %dot_general3A_60 = tpu.matmul %convert_element_type3A_55, %max3A_48, %dot_general3A_59 {dimension_numbers = #tpu.dot_dimension_numbers<[0], [0], [1], [1], [0, 1, 1, 1], [], []>, transpose_lhs_hint = false} : vector<2000x64xf32>, vector<2000x512xf32>, vector<64x512xf32> -> vector<64x512xf32>
    %add3A_61 = arith.addf %get3A_58, %dot_general3A_60 : vector<64x512xf32>
    %swap3A = arith.constant 0 : index
    %swap3A_62 = arith.constant 0 : index
    %swap3A_63 = vector.load %arg16[%swap3A, %swap3A_62] : memref<64x512xf32, #tpu.memory_space<vmem>>, vector<64x512xf32>
    tpu.vector_store %arg16[%swap3A, %swap3A_62], %add3A_61 {strides = array<i32>} : memref<64x512xf32, #tpu.memory_space<vmem>>, vector<64x512xf32>,
    %broadcast_in_dim3A = arith.constant 1.000000e+00 : f32
    %broadcast_in_dim3A_64 = vector.broadcast %broadcast_in_dim3A : f32 to vector<2000x1xf32>
    %get3A_65 = arith.constant 0 : index
    %get3A_66 = arith.constant 0 : index
    %get3A_67 = vector.load %arg17[%get3A_65, %get3A_66] : memref<64x128xf32, #tpu.memory_space<vmem>>, vector<64x1xf32>
    %dot_general3A_68 = arith.constant dense<0.000000e+00> : vector<64x1xf32>
    %dot_general3A_69 = tpu.matmul %convert_element_type3A_55, %broadcast_in_dim3A_64, %dot_general3A_68 {dimension_numbers = #tpu.dot_dimension_numbers<[0], [0], [1], [1], [0, 1, 1, 1], [], []>, transpose_lhs_hint = false} : vector<2000x64xf32>, vector<2000x1xf32>, vector<64x1xf32> -> vector<64x1xf32>
    %add3A_70 = arith.addf %get3A_67, %dot_general3A_69 : vector<64x1xf32>
    %swap3A_71 = arith.constant 0 : index
    %swap3A_72 = arith.constant 0 : index
    %swap3A_73 = vector.load %arg17[%swap3A_71, %swap3A_72] : memref<64x128xf32, #tpu.memory_space<vmem>>, vector<64x1xf32>
    tpu.vector_store %arg17[%swap3A_71, %swap3A_72], %add3A_70 {strides = array<i32>} : memref<64x128xf32, #tpu.memory_space<vmem>>, vector<64x1xf32>,
    %eq3A_74 = arith.constant 4 : i32
    %eq3A_75 = arith.cmpi eq, %arg0, %eq3A_74 : i32
    %convert_element_type3A_76 = arith.extui %eq3A_75 : i1 to i32
    %cond3A_77 = arith.constant 0 : i32
    %cond3A_78 = arith.cmpi ne, %convert_element_type3A_76, %cond3A_77 : i32
    scf.if %cond3A_78 {
      %get3A_79 = arith.constant 0 : index
      %get3A_80 = arith.constant 0 : index
      %get3A_81 = vector.load %arg16[%get3A_79, %get3A_80] : memref<64x512xf32, #tpu.memory_space<vmem>>, vector<64x512xf32>
      %get3A_82 = arith.constant 0 : index
      %get3A_83 = arith.constant 0 : index
      %get3A_84 = vector.load %arg17[%get3A_82, %get3A_83] : memref<64x128xf32, #tpu.memory_space<vmem>>, vector<64x1xf32>
      %max3A_85 = arith.constant 1.000000e+00 : f32
      %max3A_86 = vector.broadcast %max3A_85 : f32 to vector<64x1xf32>
      %max3A_87 = arith.maximumf %get3A_84, %max3A_86 : vector<64x1xf32>
      %div3A = vector.broadcast %max3A_87 : vector<64x1xf32> to vector<64x512xf32>
      %div3A_88 = arith.divf %get3A_81, %div3A : vector<64x512xf32>
      %get3A_89 = arith.constant 0 : index
      %get3A_90 = arith.constant 0 : index
      %get3A_91 = vector.load %arg13[%get3A_89, %get3A_90] : memref<512x10xf32, #tpu.memory_space<vmem>>, vector<512x10xf32>
      %dot_general3A_92 = arith.constant dense<0.000000e+00> : vector<64x10xf32>
      %dot_general3A_93 = tpu.matmul %div3A_88, %get3A_91, %dot_general3A_92 {dimension_numbers = #tpu.dot_dimension_numbers<[1], [0], [0], [1], [0, 0, 1, 1], [], []>, transpose_lhs_hint = false} : vector<64x512xf32>, vector<512x10xf32>, vector<64x10xf32> -> vector<64x10xf32>
      %get3A_94 = arith.constant 0 : index
      %get3A_95 = arith.constant 0 : index
      %get3A_96 = vector.load %arg14[%get3A_94, %get3A_95] : memref<1x10xf32, #tpu.memory_space<vmem>>, vector<1x10xf32>
      %add3A_97 = vector.broadcast %get3A_96 : vector<1x10xf32> to vector<64x10xf32>
      %add3A_98 = arith.addf %dot_general3A_93, %add3A_97 : vector<64x10xf32>
      %swap3A_99 = arith.constant 0 : index
      %swap3A_100 = arith.constant 0 : index
      %swap3A_101 = vector.load %arg15[%swap3A_99, %swap3A_100] : memref<64x10xf32, #tpu.memory_space<vmem>>, vector<64x10xf32>
      tpu.vector_store %arg15[%swap3A_99, %swap3A_100], %add3A_98 {strides = array<i32>} : memref<64x10xf32, #tpu.memory_space<vmem>>, vector<64x10xf32>,
    } else {
    }
    return
  }
  func.func @transform_0(%arg0: i32) -> (i32, i32) {
    %c0_i32 = arith.constant 0 : i32
    %c0_i32_0 = arith.constant 0 : i32
    return %arg0, %c0_i32 : i32, i32
  }
  func.func @transform_1(%arg0: i32) -> (i32, i32) {
    %c0_i32 = arith.constant 0 : i32
    %c0_i32_0 = arith.constant 0 : i32
    return %arg0, %c0_i32 : i32, i32
  }
  func.func @transform_2(%arg0: i32) -> (i32, i32) {
    %c0_i32 = arith.constant 0 : i32
    %c0_i32_0 = arith.constant 0 : i32
    return %arg0, %c0_i32 : i32, i32
  }
  func.func @transform_3(%arg0: i32) -> (i32, i32) {
    %c0_i32 = arith.constant 0 : i32
    %c0_i32_0 = arith.constant 0 : i32
    return %arg0, %c0_i32 : i32, i32
  }
  func.func @transform_4(%arg0: i32) -> (i32, i32) {
    %c0_i32 = arith.constant 0 : i32
    %c0_i32_0 = arith.constant 0 : i32
    return %arg0, %c0_i32 : i32, i32
  }
  func.func @transform_5(%arg0: i32) -> (i32, i32) {
    %c0_i32 = arith.constant 0 : i32
    %c0_i32_0 = arith.constant 0 : i32
    return %arg0, %c0_i32 : i32, i32
  }
  func.func @transform_6(%arg0: i32) -> (i32, i32) {
    %c0_i32 = arith.constant 0 : i32
    %c0_i32_0 = arith.constant 0 : i32
    return %arg0, %c0_i32 : i32, i32
  }
  func.func @transform_7(%arg0: i32) -> (i32, i32) {
    %c0_i32 = arith.constant 0 : i32
    %c0_i32_0 = arith.constant 0 : i32
    return %arg0, %c0_i32 : i32, i32
  }
  func.func @transform_8(%arg0: i32) -> (i32, i32) {
    %c0_i32 = arith.constant 0 : i32
    %c0_i32_0 = arith.constant 0 : i32
    return %arg0, %c0_i32 : i32, i32
  }
  func.func @transform_9(%arg0: i32) -> (i32, i32) {
    %c0_i32 = arith.constant 0 : i32
    %c0_i32_0 = arith.constant 0 : i32
    %c0_i32_1 = arith.constant 0 : i32
    return %c0_i32, %c0_i32_0 : i32, i32
  }
  func.func @transform_10(%arg0: i32) -> (i32, i32) {
    %c0_i32 = arith.constant 0 : i32
    %c0_i32_0 = arith.constant 0 : i32
    %c0_i32_1 = arith.constant 0 : i32
    return %c0_i32, %c0_i32_0 : i32, i32
  }
  func.func @transform_11(%arg0: i32) -> (i32, i32) {
    %c0_i32 = arith.constant 0 : i32
    %c0_i32_0 = arith.constant 0 : i32
    return %arg0, %c0_i32 : i32, i32
  }
  func.func @transform_12(%arg0: i32) -> (i32, i32) {
    %c0_i32 = arith.constant 0 : i32
    %c0_i32_0 = arith.constant 0 : i32
    %c0_i32_1 = arith.constant 0 : i32
    return %c0_i32, %c0_i32_0 : i32, i32
  }
  func.func @transform_13(%arg0: i32) -> (i32, i32) {
    %c0_i32 = arith.constant 0 : i32
    %c0_i32_0 = arith.constant 0 : i32
    %c0_i32_1 = arith.constant 0 : i32
    return %c0_i32, %c0_i32_0 : i32, i32
  }
  func.func @transform_14(%arg0: i32) -> (i32, i32) {
    %c0_i32 = arith.constant 0 : i32
    %c0_i32_0 = arith.constant 0 : i32
    %c0_i32_1 = arith.constant 0 : i32
    return %c0_i32, %c0_i32_0 : i32, i32
  }
}

</mosaic_0001>

<sc_bundles>
// kernel: kernel.11.cloned.1.call-start
scs
__scs_entry_jumppad:
0x0: {  	(pc) =	sbr.rel $0x88, $3  }
0x1: {  	(tag) =	ssettag $0x0;
	lr =	simm.s32 $0x1  }
0x2: {  	[smem:$0x3F98] =	sst lr;
	_ =	strace $0xD0000000  }
0x3: {  	_ = 	snop  }
0x4: {  	_ = 	snop  }
0x5: {  	_ = 	snop  }
0x6: {  	_ = 	snop  }
0x7: {  	_ = 	snop  }
__scs_overlays_trampoline_lowered:
0x8: {  	[smem:$0x3FA7] =	sst s0  }
0x9: {  	[smem:$0x3FA8] =	sst s1  }
0xa: {  	[smem:$0x3FA9] =	sst s2  }
0xb: {  	[smem:$0x3FAA] =	sst s3  }
0xc: {  	[smem:$0x3FAB] =	sst s4  }
0xd: {  	[smem:$0x3FAC] =	sst s5  }
0xe: {  	[smem:$0x3FAD] =	sst s6  }
0xf: {  	[smem:$0x3FAE] =	sst s7  }
0x10: {  	[smem:$0x3FAF] =	sst s8  }
0x11: {  	[smem:$0x3FB0] =	sst s9;
	s0 =	simm.s32 @!p0 $0x0  }
0x12: {  	s1 =	sld [smem:$0x3F96];
	s0 =	simm.s32 @p0 $0x1  }
0x13: {  	[smem:$0x3FB1] =	sst s0;
	s0 =	simm.s32 @!p1 $0x0  }
0x14: {  	s2 =	sld [smem:$0x3F95];
	s0 =	simm.s32 @p1 $0x1  }
0x15: {  	[smem:$0x3FB2] =	sst s0;
	s0 =	simm.s32 @!p2 $0x0  }
0x16: {  	s3 =	sld [smem:$0x3FDB];
	s0 =	simm.s32 @p2 $0x1  }
0x17: {  	s4 =	simm.s32 $0x1BF5;
	[smem:$0x3FB4] =	sst s0  }
0x18: {  	s0 =	sld [smem:$0x3F97];
	_ =	swait.ge [sflag:s4], $0x0  }
0x19: {  	s7 =	sld [smem:$0x3F98]  }
0x1a: {  	s8 =	sadd.s32 $0xFFFFE003, lr  }
0x1b: {  	s9 =	sadd.s32 $0xFFFFFEF7, lr;
	s5 =	simm.s32 $0xFFFFFFFF;
	p2 =	slt.u32 s8, $0xFFFFF086  }
0x1c: {  	p1 =	slt.u32 s9, $0xF7A;
	s5 =	simm.s32 @!p2 $0x0  }
0x1d: {  	s5 =	simm.s32 @p1 $0x1;
	p0 =	seq.s32 s7, s2  }
0x1e: {  	s7 =	smul.u32 @!p0 $0xF7A, s2;
	p2 =	seq.s32 @!p0 s5, $0x0  }
0x1f: {  	s9 =	smul.u32 $0xF7A, s1;
	s8 =	simm.s32 @!p0 $0x1BF5;
	p2 =	por !p2, p0  }
0x20: {  	[sflag:s8] =	ssyncset.s32 @!p0 $0xFFFFF086;
	s6 =	sadd.s32 @!p0 s3, s7;
	s7 =	simm.s32 @!p0 $0x108  }
0x21: {  	s3 =	sadd.s32 s3, s9;
	s6 =	sadd.s32 @!p0 $0x88, s6;
	s7 =	simm.s32 @p2 $0x1082  }
0x22: {  	[simem:s7], [sflag:s8] =	dma.local @!p0 [hbm:s6], $0xF7A  }
0x23: {  	s9 =	sor.u32 $0xD0000000, s2;
	s6 =	simm.s32 $0x108;
	_ =	swait.ge @!p0 [sflag:s8], $0x0  }
0x24: {  	s3 =	sadd.s32 $0x88, s3;
	s6 =	simm.s32 @!p1 $0x1082;
	[sflag:s4] =	ssyncset.s32 $0xFFFFF086  }
0x25: {  	[simem:s6], [sflag:s4] =	dma.local [hbm:s3], $0xF7A  }
0x26: {  	[smem:$0x3F98] =	sst s1;
	(tag) =	ssettag s2;
	_ =	strace s9  }
0x27: {  	s1 =	sld [smem:$0x3FA8]  }
0x28: {  	s2 =	sld [smem:$0x3FA9]  }
0x29: {  	s4 =	sld [smem:$0x3FAB]  }
0x2a: {  	p0 =	seq.s32 s5, $0x0;
	s5 =	sld [smem:$0x3FAC]  }
0x2b: {  	s6 =	sld [smem:$0x3FAD]  }
0x2c: {  	s7 =	sld [smem:$0x3FAE]  }
0x2d: {  	s3 =	simm.s32 $0x108;
	s8 =	sld [smem:$0x3FAF]  }
0x2e: {  	s3 =	simm.s32 @!p0 $0x1082;
	s9 =	sld [smem:$0x3FB0]  }
0x2f: {  	lr =	sadd.s32 s0, s3;
	s0 =	sld [smem:$0x3FA7]  }
0x30: {  	s3 =	sld [smem:$0x3FAA]  }
0x31: {  	[smem:$0x3FB3] =	sst s10  }
0x32: {  	s10 =	sld [smem:$0x3FB1];
	_ =	sdelay $0x3  }
0x33: {  	p0 =	seq.s32 s10, $0x1;
	s10 =	sld [smem:$0x3FB3];
	_ =	sdelay $0x3  }
0x34: {  	[smem:$0x3FB3] =	sst s10  }
0x35: {  	s10 =	sld [smem:$0x3FB2];
	_ =	sdelay $0x3  }
0x36: {  	p1 =	seq.s32 s10, $0x1;
	s10 =	sld [smem:$0x3FB3];
	_ =	sdelay $0x3  }
0x37: {  	[smem:$0x3FB3] =	sst s10  }
0x38: {  	s10 =	sld [smem:$0x3FB4]  }
0x39: {  	_ = 	snop;
	(pc) =	sbr.ind lr, $3  }
0x3a: {  	_ = 	snop  }
0x3b: {  	_ = 	snop  }
0x3c: {  	p2 =	seq.s32 s10, $0x1;
	s10 =	sld [smem:$0x3FB3]  }
0x3d: {  	_ =	shalt  }
0x3e: {  	_ =	shalt  }
0x3f: {  	_ =	shalt  }
0x40: {  	_ =	shalt  }
0x41: {  	_ =	shalt  }
0x42: {  	_ =	shalt  }
0x43: {  	_ =	shalt  }
0x44: {  	_ =	shalt  }
0x45: {  	_ =	shalt  }
0x46: {  	_ =	shalt  }
0x47: {  	_ =	shalt  }
0x48: {  	_ =	shalt  }
0x49: {  	_ =	shalt  }
0x4a: {  	_ =	shalt  }
0x4b: {  	_ =	shalt  }
0x4c: {  	_ =	shalt  }
0x4d: {  	_ =	shalt  }
0x4e: {  	_ =	shalt  }
0x4f: {  	_ =	shalt  }
0x50: {  	_ =	shalt  }
0x51: {  	_ =	shalt  }
0x52: {  	_ =	shalt  }
0x53: {  	_ =	shalt  }
0x54: {  	_ =	shalt  }
0x55: {  	_ =	shalt  }
0x56: {  	_ =	shalt  }
0x57: {  	_ =	shalt  }
0x58: {  	_ =	shalt  }
0x59: {  	_ =	shalt  }
0x5a: {  	_ =	shalt  }
0x5b: {  	_ =	shalt  }
0x5c: {  	_ =	shalt  }
0x5d: {  	_ =	shalt  }
0x5e: {  	_ =	shalt  }
0x5f: {  	_ =	shalt  }
0x60: {  	_ =	shalt  }
0x61: {  	_ =	shalt  }
0x62: {  	_ =	shalt  }
0x63: {  	_ =	shalt  }
0x64: {  	_ =	shalt  }
0x65: {  	_ =	shalt  }
0x66: {  	_ =	shalt  }
0x67: {  	_ =	shalt  }
0x68: {  	_ =	shalt  }
0x69: {  	_ =	shalt  }
0x6a: {  	_ =	shalt  }
0x6b: {  	_ =	shalt  }
0x6c: {  	_ =	shalt  }
0x6d: {  	_ =	shalt  }
0x6e: {  	_ =	shalt  }
0x6f: {  	_ =	shalt  }
0x70: {  	_ =	shalt  }
0x71: {  	_ =	shalt  }
0x72: {  	_ =	shalt  }
0x73: {  	_ =	shalt  }
0x74: {  	_ =	shalt  }
0x75: {  	_ =	shalt  }
0x76: {  	_ =	shalt  }
0x77: {  	_ =	shalt  }
0x78: {  	_ =	shalt  }
0x79: {  	_ =	shalt  }
0x7a: {  	_ =	shalt  }
0x7b: {  	_ =	shalt  }
0x7c: {  	_ =	shalt  }
0x7d: {  	_ =	shalt  }
0x7e: {  	_ =	shalt  }
0x7f: {  	_ =	shalt  }
0x80: {  	_ =	shalt  }
0x81: {  	_ =	shalt  }
0x82: {  	_ =	shalt  }
0x83: {  	_ =	shalt  }
0x84: {  	_ =	shalt  }
0x85: {  	_ =	shalt  }
0x86: {  	_ =	shalt  }
0x87: {  	_ =	shalt  }
.Lfunc_end0:
.L_simem_size_0:
called_computation.1_lowered:
.L_overlay_start_0:
0x88: {  	s2 =	sld [smem:$0x3FD9]  }
0x89: {  	s3 =	sld [smem:$0x3FFE];
	_ =	sdelay $0x1  }
0x8a: {  	s1 =	srdreg.scid  }
0x8b: {  	s0 =	sand.u32 $0x1, s1  }
0x8c: {  	s16 =	sshll.u32 s0, $0xA;
	s2 =	sadd.s32 s3, s2  }
0x8d: {  	s2 =	sadd.s32 s2, s16  }
0x8e: {  	[smem:$0x3FBF] =	sst s2  }
0x8f: {  	_ = 	snop  }
0x90: {  	(tm) =	ssettm $0x1  }
0x91: {  	s17 =	sld [smem:$0x3FFB];
	_ =	sdelay $0x3  }
0x92: {  	_ =	strace s17  }
0x93: {  	s2 =	sld [smem:$0x3FFC];
	_ =	sdelay $0x3  }
0x94: {  	_ =	strace s2  }
0x95: {  	s2 =	sld [smem:$0x3FFD];
	_ =	sdelay $0x3  }
0x96: {  	_ =	strace s2  }
0x97: {  	_ =	strace $0x8FFFFFFF  }
0x98: {  	s18 =	sld [smem:$0x3FDB];
	_ =	sdelay $0x1  }
0x99: {  	s19 =	simm.s32 $_scs_section_size  }
0x9a: {  	s4 =	simm.s32 $_size__tile_overlayer_lowered;
	s5 =	simm.s32 $_tile_overlayer_lowered  }
0x9b: {  	s22 =	simm.s32 $0x1BFF;
	s21 =	sshll.u32 s5, $0x1;
	s2 =	sadd.s32 s19, s18  }
0x9c: {  	s6 =	simm.s32 $0x0;
	s20 =	sshll.u32 s4, $0x1;
	s4 =	sadd.s32 s21, s2  }
0x9d: {  	[timem:s6], [sflag:s22] =	dma.local [hbm:s4], s20  }
0x9e: {  	_ =	swait.ge [sflag:s22], s20  }
0x9f: {  	s3 =	ssub.s32 $0x0, s20;
	[sflag:s22] =	ssyncset.done $0x0  }
0xa0: {  	[sflag:s22] =	ssyncadd.s32 s3;
	_ =	sdelay $0x1  }
0xa1: {  	s23 =	simm.s32 $0x1B8B  }
0xa2: {  	_ =	swait.ge [sflag:s23], $0x1  }
0xa3: {  	[sflag:s23] =	ssyncset.done $0x0  }
0xa4: {  	s25 =	simm.s32 $0x1B8E;
	s24 =	sld [smem:$0x3FFE];
	[sflag:s23] =	ssyncadd.s32 $0xFFFFFFFF  }
0xa5: {  	s26 =	simm.s32 $execute0_lowered;
	[smem:$0x3FD2] =	sst s25  }
0xa6: {  	s4 =	sshll.u32 s26, $0x1;
	_ =	strace $0x80000049;
	[dreg:$0x1] =	wrdreg $0xFFFFFFFF  }
0xa7: {  	s28 =	simm.s32 $_size_execute0_lowered;
	s2 =	sadd.s32 s2, s4;
	[dreg:$0x0] =	wrdreg $0x0  }
0xa8: {  	s4 =	sshll.u32 s28, $0x1;
	[dreg:$0x2] =	wrdreg s2  }
0xa9: {  	[dreg:$0x3] =	wrdreg s4  }
0xaa: {  	[dreg:$0x4] =	wrdreg $0xC0  }
0xab: {  	_ =	task [dreg:s6], $0x5FFFF  }
0xac: {  	[dreg:$0x1] =	wrdreg $0xFFFFFFFF  }
0xad: {  	[dreg:$0x0] =	wrdreg $0x60  }
0xae: {  	[dreg:$0x2] =	wrdreg s24  }
0xaf: {  	[dreg:$0x3] =	wrdreg $0x0  }
0xb0: {  	[dreg:$0x4] =	wrdreg $0x9  }
0xb1: {  	_ =	task.clear_ibuf [dreg:s6], $0x5FFFF;
	_ =	strace $0x90000049  }
0xb2: {  	s29 =	simm.s32 $0x9;
	_ =	strace $0x8000004B  }
0xb3: {  	_ =	swait.ge [sflag:s29], $0x1  }
0xb4: {  	[sflag:s29] =	ssyncadd.s32 $0xFFFFFFFF  }
0xb5: {  	_ =	strace $0x9000004B  }
0xb6: {  	_ =	sfence  }
0xb7: {  	s30 =	sld [smem:$0x0];
	_ =	sdelay $0x2  }
0xb8: {  	s31 =	sshll.u32 s1, $0xD;
	s1 =	sshrl.u32 s1, $0x2  }
0xb9: {  	s3 =	sand.u32 $0x4000, s31;
	s1 =	sadd.s32 s1, s30  }
0xba: {  	s0 =	sor.u32 s3, s0;
	s1 =	sshll.u32 s1, $0x11  }
0xbb: {  	s0 =	sor.u32 s1, s0  }
0xbc: {  	s0 =	sadd.s32 $0x8F2B, s0  }
0xbd: {  	[sflag:s0] =	ssyncadd.remote.s32 $0x1  }
0xbe: {  	_ =	sfence.sel $0xFFFF  }
0xbf: {  	[dreg:$0x0] =	wrdreg $0xFFFFFFFF;
	(pc) =	sbr.abs _section_cstart, $3  }
0xc0: {  	[dreg:$0x1] =	wrdreg $0xFFFFFFFF  }
0xc1: {  	_ =	task.clear_ibuf [dreg:s6], $0x2FFFF;
	_ =	strace $0x9FFFFFFF  }
0xc2: {  	(tm) =	ssettm $0x7FFFFFFF  }
0xc3: {  	_ =	shalt  }
tec
execute0_lowered:
.L_overlay_start_1:
0x0: {  	(tag) =	ssettag $0x1  }
0x1: {  	s0 =	rddreg [dreg:$0x0]  }
0x2: {  	s1 =	rddreg [dreg:$0x1];
	s2 =	simm.s32 $0x0  }
0x3: {  	s3 =	stileid.u32;
	s5 =	srdreg.scid;
	s22 =	simm.s32 $0x13880  }
0x4: {  	s23 =	simm.s32 $0x3;
	s28 =	simm.s32 $0x1C800;
	s29 =	simm.s32 $0x1  }
0x5: {  	s30 =	simm.s32 $0x2;
	[smem:$0x7FF] =	sst s2;
	s4 =	smul.u32 $0x4E2, s3  }
0x6: {  	s24 =	sshll.u32 s3, $0xB;
	s10 =	sand.u32 $0x1, s5;
	s5 =	sadd.s32 $0x37800, s0  }
0x7: {  	s12 =	smul.u32 $0x4E000, s3;
	s6 =	sadd.s32 $0x85C00, s0;
	s7 =	sadd.s32 $0xACE00, s0  }
0x8: {  	s19 =	smul.u32 $0x2700, s3;
	s18 =	sadd.s32 $0x138000, s1;
	p1 =	sne.s32 s3, $0x0  }
0x9: {  	p2 =	seq.s32 s3, $0x0;
	_ =	strace $0x8000004A;
	s9 =	sadd.s32 s24, s0  }
0xa: {  	s11 =	ssub.s32 $0x2, s10;
	p0 =	seq.s32 s10, $0x1;
	[dreg:$0x3] =	wrdreg s6  }
0xb: {  	s8 =	sadd.s32 s4, s0;
	s4 =	sadd.s32 $0x10600, s0;
	s25 =	sshrl.u32 s11, $0x1  }
0xc: {  	s26 =	sshrl.u32 s12, $0x2;
	s9 =	sadd.s32 $0x8600, s9;
	s6 =	sadd.s32 s6, s19  }
0xd: {  	s31 =	sadd.s32 s7, s19;
	s0 =	ssub.s32 s11, s25;
	s8 =	sadd.s32 $0x3600, s8  }
.Ltmp0:
0xe: {  	s10 =	sadd.s32 s26, s1;
	[dreg:$0x4] =	wrdreg s6;
	(pc) =	sbr.rel .LBB2_1-.Ltmp0, $4  }
0xf: {  	[dreg:$0x5] =	wrdreg s31;
	s25 =	simm.s32 $0x1A000;
	s26 =	simm.s32 $0x50  }
0x10: {  	s11 =	sadd.s32 $0x2800, s10;
	s12 =	sadd.s32 $0x5000, s10;
	s13 =	sadd.s32 $0x7800, s10  }
0x11: {  	s14 =	sadd.s32 $0xA000, s10;
	s15 =	sadd.s32 $0xC800, s10;
	s16 =	sadd.s32 $0xF000, s10  }
0x12: {  	v0 =	vimm.f32 $0.0e+00;
	s17 =	sadd.s32 $0x11800, s10;
	s21 =	smax.u32 s0, $0x1;
	s0 =	simm.s32 $0x0  }
.LBB2_10:
0x13: {  	s6 =	sadd.s32 $0x27000, s20;
	s31 =	sshrl.u32 s18, $0x3  }
0x14: {  	[hbm:s6], [sflag:s19] =	dma.local [spmem:s31], $0x100  }
0x15: {  	_ =	swait.ge [sflag:s23], $0x100  }
0x16: {  	[sflag:s23] =	ssyncset.done $0x0  }
0x17: {  	[sflag:s23] =	ssyncadd.s32 $0xFFFFFF00  }
.LBB2_11:
0x18: {  	s0 =	sadd.s32 $0x1, s0  }
0x19: {  	p3 =	sne.s32 s0, s21  }
.Ltmp1:
0x1a: {  	_ = 	snop;
	(pc) =	sbr.rel @!p3 .LBB2_12-.Ltmp1, $1  }
0x1b: {  	_ =	sdelay $0x3  }
.LBB2_1:
0x1c: {  	[tilespmem:s22], [sflag:$0x3] =	stream.linear.gather [hbm4b:s8+s2], $0x2710, $0x38;
	[tilespmem:$0x1F000] =	vst v63  }
0x1d: {  	_ =	swait.ge [sflag:s23], $0x2710  }
0x1e: {  	[sflag:s23] =	ssyncset.done $0x0  }
.Ltmp2:
0x1f: {  	s6 =	simm.s32 $0x16000;
	[sflag:s23] =	ssyncadd.s32 $0xFFFFD8F0;
	(pc) =	sbr.rel @!p0 .LBB2_2-.Ltmp2, $4  }
0x20: {  	[tilespmem:s6], [sflag:$0x3] =	stream.linear.gather [hbm4b:s9+s2], $0x3E80, $0x38;
	[tilespmem:$0x1F000] =	vst v63  }
0x21: {  	_ =	swait.ge [sflag:s23], $0x3E80  }
0x22: {  	[sflag:s23] =	ssyncset.done $0x0  }
0x23: {  	s19 =	sshra.s32 s2, $0x2;
	s20 =	sadd.s32 $0x200, s2;
	[sflag:s23] =	ssyncadd.s32 $0xFFFFC180  }
.LBB2_6:
0x24: {  	p3 =	sne.s32 s20, $0x9E00;
	[tilespmem:s19+$0x1A070] =	vst v0  }
0x25: {  	[tilespmem:s19+$0x1A000] =	vst v0  }
0x26: {  	[tilespmem:s19+$0x1A010] =	vst v0  }
.Ltmp3:
0x27: {  	[tilespmem:s19+$0x1A020] =	vst v0;
	(pc) =	sbr.rel @p3 .LBB2_6-.Ltmp3, $4  }
0x28: {  	[tilespmem:s19+$0x1A030] =	vst v0  }
0x29: {  	[tilespmem:s19+$0x1A040] =	vst v0  }
0x2a: {  	[tilespmem:s19+$0x1A050] =	vst v0  }
0x2b: {  	[tilespmem:s19+$0x1A060] =	vst v0;
	s19 =	sshra.s32 s20, $0x2;
	s20 =	sadd.s32 $0x200, s20  }
0x2c: {  	[tilespmem:s19+$0x1A070] =	vst v0  }
0x2d: {  	[tilespmem:s19+$0x1A000] =	vst v0  }
0x2e: {  	[tilespmem:s19+$0x1A010] =	vst v0  }
0x2f: {  	[tilespmem:s19+$0x1A020] =	vst v0  }
0x30: {  	[tilespmem:s19+$0x1A030] =	vst v0  }
0x31: {  	[tilespmem:s19+$0x1A040] =	vst v0  }
0x32: {  	[tilespmem:s19+$0x1A050] =	vst v0  }
0x33: {  	[tilespmem:s19+$0x1A060] =	vst v0  }
0x34: {  	[spmem:s10] =	stream.linear.scatter [tilespmem:s25], [sflag:$0x3], $0x2800, $0x38;
	[tilespmem:$0x1F000] =	vst v63  }
0x35: {  	_ =	swait.ge [sflag:s23], $0x2800  }
0x36: {  	[sflag:s23] =	ssyncset.done $0x0  }
0x37: {  	[sflag:s23] =	ssyncadd.s32 $0xFFFFD800  }
0x38: {  	[spmem:s11] =	stream.linear.scatter [tilespmem:s25], [sflag:$0x3], $0x2800, $0x38;
	[tilespmem:$0x1F000] =	vst v63  }
0x39: {  	_ =	swait.ge [sflag:s23], $0x2800  }
0x3a: {  	[sflag:s23] =	ssyncset.done $0x0  }
0x3b: {  	[sflag:s23] =	ssyncadd.s32 $0xFFFFD800  }
0x3c: {  	[spmem:s12] =	stream.linear.scatter [tilespmem:s25], [sflag:$0x3], $0x2800, $0x38;
	[tilespmem:$0x1F000] =	vst v63  }
0x3d: {  	_ =	swait.ge [sflag:s23], $0x2800  }
0x3e: {  	[sflag:s23] =	ssyncset.done $0x0  }
0x3f: {  	[sflag:s23] =	ssyncadd.s32 $0xFFFFD800  }
0x40: {  	[spmem:s13] =	stream.linear.scatter [tilespmem:s25], [sflag:$0x3], $0x2800, $0x38;
	[tilespmem:$0x1F000] =	vst v63  }
0x41: {  	_ =	swait.ge [sflag:s23], $0x2800  }
0x42: {  	[sflag:s23] =	ssyncset.done $0x0  }
0x43: {  	[sflag:s23] =	ssyncadd.s32 $0xFFFFD800  }
0x44: {  	[spmem:s14] =	stream.linear.scatter [tilespmem:s25], [sflag:$0x3], $0x2800, $0x38;
	[tilespmem:$0x1F000] =	vst v63  }
0x45: {  	_ =	swait.ge [sflag:s23], $0x2800  }
0x46: {  	[sflag:s23] =	ssyncset.done $0x0  }
0x47: {  	[sflag:s23] =	ssyncadd.s32 $0xFFFFD800  }
0x48: {  	[spmem:s15] =	stream.linear.scatter [tilespmem:s25], [sflag:$0x3], $0x2800, $0x38;
	[tilespmem:$0x1F000] =	vst v63  }
0x49: {  	_ =	swait.ge [sflag:s23], $0x2800  }
0x4a: {  	[sflag:s23] =	ssyncset.done $0x0  }
0x4b: {  	[sflag:s23] =	ssyncadd.s32 $0xFFFFD800  }
0x4c: {  	[spmem:s16] =	stream.linear.scatter [tilespmem:s25], [sflag:$0x3], $0x2800, $0x38;
	[tilespmem:$0x1F000] =	vst v63  }
0x4d: {  	_ =	swait.ge [sflag:s23], $0x2800  }
0x4e: {  	[sflag:s23] =	ssyncset.done $0x0  }
0x4f: {  	[sflag:s23] =	ssyncadd.s32 $0xFFFFD800  }
0x50: {  	[spmem:s17] =	stream.linear.scatter [tilespmem:s25], [sflag:$0x3], $0x2000, $0x38;
	[tilespmem:$0x1F000] =	vst v63  }
0x51: {  	_ =	swait.ge [sflag:s23], $0x2000  }
0x52: {  	[sflag:s23] =	ssyncset.done $0x0  }
0x53: {  	s6 =	simm.s32 @!p1 $0x1A000;
	[sflag:s23] =	ssyncadd.s32 $0xFFFFE000  }
0x54: {  	[spmem:s18] =	stream.linear.scatter @!p1 [tilespmem:s6], [sflag:$0x3], $0x800, $0x38;
	[tilespmem:$0x1F000] =	vst v63  }
0x55: {  	s6 =	simm.s32 @!p1 $0x3  }
0x56: {  	_ =	swait.ge @!p1 [sflag:s6], $0x800  }
0x57: {  	[sflag:s6] =	ssyncset.done @!p1 $0x0  }
0x58: {  	[sflag:s6] =	ssyncadd.s32 @!p1 $0xFFFFF800  }
0x59: {  	[bflag:$0x0] =	sbarrier.arrive $0xFFFF  }
0x5a: {  	[tilespmem:s25], [sflag:$0x1] =	stream.indirect.gather [hbm4b:s5+s26], $0x80, s22, s26, $0xb8;
	[tilespmem:$0x1F000] =	vst v63  }
0x5b: {  	s19 =	simm.s32 $0x138D0  }
0x5c: {  	[tilespmem:s28], [sflag:$0x2] =	stream.indirect.gather [hbm4b:s5+s26], $0x80, s19, s26, $0xb8;
	[tilespmem:$0x1F000] =	vst v63  }
0x5d: {  	_ =	swait.ge [sflag:s29], $0x2800  }
0x5e: {  	[sflag:s29] =	ssyncset.done $0x0  }
0x5f: {  	s20 =	simm.s32 $0x16000;
	[sflag:s29] =	ssyncadd.s32 $0xFFFFD800  }
0x60: {  	[spmem:s1] =	stream.indirect.scatter.add.f32 [tilespmem:s25], [sflag:$0x3], $0x80, s20, s26, $0xb8;
	[tilespmem:$0x1F000] =	vst v63  }
0x61: {  	_ =	swait.ge [sflag:s23], $0x2800  }
0x62: {  	[sflag:s23] =	ssyncset.done $0x0  }
0x63: {  	s24 =	simm.s32 $0x13920;
	[sflag:s23] =	ssyncadd.s32 $0xFFFFD800  }
0x64: {  	[tilespmem:s25], [sflag:$0x1] =	stream.indirect.gather [hbm4b:s5+s26], $0x80, s24, s26, $0xb8;
	[tilespmem:$0x1F000] =	vst v63  }
0x65: {  	_ =	swait.ge [sflag:s30], $0x2800  }
0x66: {  	[sflag:s30] =	ssyncset.done $0x0  }
0x67: {  	s31 =	simm.s32 $0x16080;
	[sflag:s30] =	ssyncadd.s32 $0xFFFFD800  }
0x68: {  	[spmem:s1] =	stream.indirect.scatter.add.f32 [tilespmem:s28], [sflag:$0x3], $0x80, s31, s26, $0xb8;
	[tilespmem:$0x1F000] =	vst v63  }
0x69: {  	s19 =	simm.s32 $0x400;
	_ =	swait.ge [sflag:s23], $0x2800  }
0x6a: {  	s20 =	simm.s32 $0x800;
	s24 =	simm.s32 $0x139C0;
	[sflag:s23] =	ssyncset.done $0x0  }
.LBB2_8:
0x6b: {  	p3 =	sne.s32 s20, $0xF400;
	s6 =	sadd.s32 $0xFFFFFFB0, s24;
	[sflag:s23] =	ssyncadd.s32 $0xFFFFD800  }
0x6c: {  	[tilespmem:s28], [sflag:$0x2] =	stream.indirect.gather [hbm4b:s5+s26], $0x80, s6, s26, $0xb8;
	[tilespmem:$0x1F000] =	vst v63  }
0x6d: {  	s6 =	smov.u32 s20;
	s20 =	sadd.s32 $0x400, s20;
	_ =	swait.ge [sflag:s29], $0x2800  }
0x6e: {  	s31 =	sshra.s32 s19, $0x2;
	s19 =	smov.u32 s6;
	[sflag:s29] =	ssyncset.done $0x0  }
0x6f: {  	s6 =	sadd.s32 $0x16000, s31;
	[sflag:s29] =	ssyncadd.s32 $0xFFFFD800  }
0x70: {  	[spmem:s1] =	stream.indirect.scatter.add.f32 [tilespmem:s25], [sflag:$0x3], $0x80, s6, s26, $0xb8;
	[tilespmem:$0x1F000] =	vst v63  }
0x71: {  	_ =	swait.ge [sflag:s23], $0x2800  }
0x72: {  	[sflag:s23] =	ssyncset.done $0x0  }
0x73: {  	[sflag:s23] =	ssyncadd.s32 $0xFFFFD800  }
0x74: {  	[tilespmem:s25], [sflag:$0x1] =	stream.indirect.gather [hbm4b:s5+s26], $0x80, s24, s26, $0xb8;
	[tilespmem:$0x1F000] =	vst v63  }
0x75: {  	_ =	swait.ge [sflag:s30], $0x2800  }
.Ltmp4:
0x76: {  	[sflag:s30] =	ssyncset.done $0x0;
	(pc) =	sbr.rel @p3 .LBB2_8-.Ltmp4, $4  }
0x77: {  	s6 =	sadd.s32 $0x16080, s31;
	[sflag:s30] =	ssyncadd.s32 $0xFFFFD800  }
0x78: {  	[spmem:s1] =	stream.indirect.scatter.add.f32 [tilespmem:s28], [sflag:$0x3], $0x80, s6, s26, $0xb8;
	[tilespmem:$0x1F000] =	vst v63  }
0x79: {  	_ =	swait.ge [sflag:s23], $0x2800  }
0x7a: {  	s24 =	sadd.s32 $0xA0, s24;
	[sflag:s23] =	ssyncset.done $0x0  }
0x7b: {  	s6 =	sadd.s32 $0xFFFFFFB0, s24;
	[sflag:s23] =	ssyncadd.s32 $0xFFFFD800  }
0x7c: {  	[tilespmem:s28], [sflag:$0x2] =	stream.indirect.gather [hbm4b:s5+s26], $0x80, s6, s26, $0xb8;
	[tilespmem:$0x1F000] =	vst v63  }
0x7d: {  	_ =	swait.ge [sflag:s29], $0x2800  }
0x7e: {  	s31 =	sshra.s32 s19, $0x2;
	[sflag:s29] =	ssyncset.done $0x0  }
0x7f: {  	s19 =	sadd.s32 $0x16000, s31;
	[sflag:s29] =	ssyncadd.s32 $0xFFFFD800  }
0x80: {  	[spmem:s1] =	stream.indirect.scatter.add.f32 [tilespmem:s25], [sflag:$0x3], $0x80, s19, s26, $0xb8;
	[tilespmem:$0x1F000] =	vst v63  }
0x81: {  	_ =	swait.ge [sflag:s23], $0x2800  }
0x82: {  	[sflag:s23] =	ssyncset.done $0x0  }
0x83: {  	[sflag:s23] =	ssyncadd.s32 $0xFFFFD800  }
0x84: {  	[tilespmem:s25], [sflag:$0x1] =	stream.indirect.gather [hbm4b:s5+s26], $0x80, s24, s26, $0xb8;
	[tilespmem:$0x1F000] =	vst v63  }
0x85: {  	_ =	swait.ge [sflag:s30], $0x2800  }
0x86: {  	[sflag:s30] =	ssyncset.done $0x0  }
0x87: {  	s6 =	sadd.s32 $0x16080, s31;
	[sflag:s30] =	ssyncadd.s32 $0xFFFFD800  }
0x88: {  	[spmem:s1] =	stream.indirect.scatter.add.f32 [tilespmem:s28], [sflag:$0x3], $0x80, s6, s26, $0xb8;
	[tilespmem:$0x1F000] =	vst v63  }
0x89: {  	_ =	swait.ge [sflag:s23], $0x2800  }
0x8a: {  	[sflag:s23] =	ssyncset.done $0x0  }
0x8b: {  	[sflag:s23] =	ssyncadd.s32 $0xFFFFD800  }
0x8c: {  	_ =	swait.ge [sflag:s29], $0x2800  }
0x8d: {  	[sflag:s29] =	ssyncset.done $0x0  }
0x8e: {  	s20 =	simm.s32 $0x19E00;
	[sflag:s29] =	ssyncadd.s32 $0xFFFFD800  }
0x8f: {  	[spmem:s1] =	stream.indirect.scatter.add.f32 [tilespmem:s25], [sflag:$0x3], $0x80, s20, s26, $0xb8;
	[tilespmem:$0x1F000] =	vst v63  }
0x90: {  	_ =	swait.ge [sflag:s23], $0x2800  }
0x91: {  	[sflag:s23] =	ssyncset.done $0x0  }
0x92: {  	[sflag:s23] =	ssyncadd.s32 $0xFFFFD800  }
0x93: {  	s24 =	sshll.u32 s3, $0x6;
	[bflag:$0x0] =	sbarrier.arrive $0xFFFF  }
0x94: {  	s31 =	sshrl.u32 s10, $0x3;
	s19 =	sor.u32 $0x1C03, s24;
	s20 =	rddreg [dreg:$0x5]  }
0x95: {  	[hbm:s20], [sflag:s19] =	dma.local [spmem:s31], $0x2700  }
.Ltmp5:
0x96: {  	_ = 	snop;
	(pc) =	sbr.rel @p1 .LBB2_11-.Ltmp5, $4  }
.Ltmp6:
0x97: {  	_ = 	snop;
	(pc) =	sbr.rel @!p1 .LBB2_10-.Ltmp6, $4  }
0x98: {  	_ =	swait.ge [sflag:s23], $0x2700  }
0x99: {  	[sflag:s23] =	ssyncset.done $0x0  }
0x9a: {  	s20 =	smov.u32 s7;
	[sflag:s23] =	ssyncadd.s32 $0xFFFFD900  }
0x9b: {  	_ = 	snop  }
.LBB2_2:
0x9c: {  	p3 =	sne.s32 s20, $0x9E00;
	[tilespmem:s19+$0x1A070] =	vst v0  }
0x9d: {  	[tilespmem:s19+$0x1A000] =	vst v0  }
0x9e: {  	[tilespmem:s19+$0x1A010] =	vst v0  }
.Ltmp7:
0x9f: {  	[tilespmem:s19+$0x1A020] =	vst v0;
	(pc) =	sbr.rel @p3 .LBB2_2-.Ltmp7, $4  }
0xa0: {  	[tilespmem:s19+$0x1A030] =	vst v0  }
0xa1: {  	[tilespmem:s19+$0x1A040] =	vst v0  }
0xa2: {  	[tilespmem:s19+$0x1A050] =	vst v0  }
0xa3: {  	[tilespmem:s19+$0x1A060] =	vst v0;
	s19 =	sshra.s32 s20, $0x2;
	s20 =	sadd.s32 $0x200, s20  }
0xa4: {  	[tilespmem:s19+$0x1A070] =	vst v0  }
0xa5: {  	[tilespmem:s19+$0x1A000] =	vst v0  }
0xa6: {  	[tilespmem:s19+$0x1A010] =	vst v0  }
0xa7: {  	[tilespmem:s19+$0x1A020] =	vst v0  }
0xa8: {  	[tilespmem:s19+$0x1A030] =	vst v0  }
0xa9: {  	[tilespmem:s19+$0x1A040] =	vst v0  }
0xaa: {  	[tilespmem:s19+$0x1A050] =	vst v0  }
0xab: {  	[tilespmem:s19+$0x1A060] =	vst v0  }
0xac: {  	[spmem:s10] =	stream.linear.scatter [tilespmem:s25], [sflag:$0x3], $0x2800, $0x38;
	[tilespmem:$0x1F000] =	vst v63  }
0xad: {  	_ =	swait.ge [sflag:s23], $0x2800  }
0xae: {  	[sflag:s23] =	ssyncset.done $0x0  }
0xaf: {  	[sflag:s23] =	ssyncadd.s32 $0xFFFFD800  }
0xb0: {  	[spmem:s11] =	stream.linear.scatter [tilespmem:s25], [sflag:$0x3], $0x2800, $0x38;
	[tilespmem:$0x1F000] =	vst v63  }
0xb1: {  	_ =	swait.ge [sflag:s23], $0x2800  }
0xb2: {  	[sflag:s23] =	ssyncset.done $0x0  }
0xb3: {  	[sflag:s23] =	ssyncadd.s32 $0xFFFFD800  }
0xb4: {  	[spmem:s12] =	stream.linear.scatter [tilespmem:s25], [sflag:$0x3], $0x2800, $0x38;
	[tilespmem:$0x1F000] =	vst v63  }
0xb5: {  	_ =	swait.ge [sflag:s23], $0x2800  }
0xb6: {  	[sflag:s23] =	ssyncset.done $0x0  }
0xb7: {  	[sflag:s23] =	ssyncadd.s32 $0xFFFFD800  }
0xb8: {  	[spmem:s13] =	stream.linear.scatter [tilespmem:s25], [sflag:$0x3], $0x2800, $0x38;
	[tilespmem:$0x1F000] =	vst v63  }
0xb9: {  	_ =	swait.ge [sflag:s23], $0x2800  }
0xba: {  	[sflag:s23] =	ssyncset.done $0x0  }
0xbb: {  	[sflag:s23] =	ssyncadd.s32 $0xFFFFD800  }
0xbc: {  	[spmem:s14] =	stream.linear.scatter [tilespmem:s25], [sflag:$0x3], $0x2800, $0x38;
	[tilespmem:$0x1F000] =	vst v63  }
0xbd: {  	_ =	swait.ge [sflag:s23], $0x2800  }
0xbe: {  	[sflag:s23] =	ssyncset.done $0x0  }
0xbf: {  	[sflag:s23] =	ssyncadd.s32 $0xFFFFD800  }
0xc0: {  	[spmem:s15] =	stream.linear.scatter [tilespmem:s25], [sflag:$0x3], $0x2800, $0x38;
	[tilespmem:$0x1F000] =	vst v63  }
0xc1: {  	_ =	swait.ge [sflag:s23], $0x2800  }
0xc2: {  	[sflag:s23] =	ssyncset.done $0x0  }
0xc3: {  	[sflag:s23] =	ssyncadd.s32 $0xFFFFD800  }
0xc4: {  	[spmem:s16] =	stream.linear.scatter [tilespmem:s25], [sflag:$0x3], $0x2800, $0x38;
	[tilespmem:$0x1F000] =	vst v63  }
0xc5: {  	_ =	swait.ge [sflag:s23], $0x2800  }
0xc6: {  	[sflag:s23] =	ssyncset.done $0x0  }
0xc7: {  	[sflag:s23] =	ssyncadd.s32 $0xFFFFD800  }
0xc8: {  	[spmem:s17] =	stream.linear.scatter [tilespmem:s25], [sflag:$0x3], $0x2000, $0x38;
	[tilespmem:$0x1F000] =	vst v63  }
0xc9: {  	_ =	swait.ge [sflag:s23], $0x2000  }
0xca: {  	[sflag:s23] =	ssyncset.done $0x0  }
0xcb: {  	s19 =	simm.s32 @!p1 $0x1A000;
	[sflag:s23] =	ssyncadd.s32 $0xFFFFE000  }
0xcc: {  	[spmem:s18] =	stream.linear.scatter @!p1 [tilespmem:s19], [sflag:$0x3], $0x800, $0x38;
	[tilespmem:$0x1F000] =	vst v63  }
0xcd: {  	s19 =	simm.s32 @!p1 $0x3  }
0xce: {  	_ =	swait.ge @!p1 [sflag:s19], $0x800  }
0xcf: {  	[sflag:s19] =	ssyncset.done @!p1 $0x0  }
0xd0: {  	[sflag:s19] =	ssyncadd.s32 @!p1 $0xFFFFF800  }
0xd1: {  	[bflag:$0x0] =	sbarrier.arrive $0xFFFF  }
0xd2: {  	[tilespmem:s25], [sflag:$0x1] =	stream.indirect.gather [hbm4b:s4+s26], $0x80, s22, s26, $0xb8;
	[tilespmem:$0x1F000] =	vst v63  }
0xd3: {  	s6 =	simm.s32 $0x138D0  }
0xd4: {  	[tilespmem:s28], [sflag:$0x2] =	stream.indirect.gather [hbm4b:s4+s26], $0x80, s6, s26, $0xb8;
	[tilespmem:$0x1F000] =	vst v63  }
0xd5: {  	_ =	swait.ge [sflag:s29], $0x2800  }
0xd6: {  	[sflag:s29] =	ssyncset.done $0x0  }
0xd7: {  	s20 =	simm.s32 $0x16000;
	[sflag:s29] =	ssyncadd.s32 $0xFFFFD800  }
0xd8: {  	[spmem:s1] =	stream.indirect.scatter.add.f32 [tilespmem:s25], [sflag:$0x3], $0x80, s20, s26, $0xb8;
	[tilespmem:$0x1F000] =	vst v63  }
0xd9: {  	_ =	swait.ge [sflag:s23], $0x2800  }
0xda: {  	[sflag:s23] =	ssyncset.done $0x0  }
0xdb: {  	s24 =	simm.s32 $0x13920;
	[sflag:s23] =	ssyncadd.s32 $0xFFFFD800  }
0xdc: {  	[tilespmem:s25], [sflag:$0x1] =	stream.indirect.gather [hbm4b:s4+s26], $0x80, s24, s26, $0xb8;
	[tilespmem:$0x1F000] =	vst v63  }
0xdd: {  	_ =	swait.ge [sflag:s30], $0x2800  }
0xde: {  	[sflag:s30] =	ssyncset.done $0x0  }
0xdf: {  	s31 =	simm.s32 $0x16080;
	[sflag:s30] =	ssyncadd.s32 $0xFFFFD800  }
0xe0: {  	[spmem:s1] =	stream.indirect.scatter.add.f32 [tilespmem:s28], [sflag:$0x3], $0x80, s31, s26, $0xb8;
	[tilespmem:$0x1F000] =	vst v63  }
0xe1: {  	s19 =	simm.s32 $0x400;
	_ =	swait.ge [sflag:s23], $0x2800  }
0xe2: {  	s20 =	simm.s32 $0x800;
	s24 =	simm.s32 $0x139C0;
	[sflag:s23] =	ssyncset.done $0x0  }
.LBB2_4:
0xe3: {  	p3 =	sne.s32 s20, $0xF400;
	s31 =	sadd.s32 $0xFFFFFFB0, s24;
	[sflag:s23] =	ssyncadd.s32 $0xFFFFD800  }
0xe4: {  	[tilespmem:s28], [sflag:$0x2] =	stream.indirect.gather [hbm4b:s4+s26], $0x80, s31, s26, $0xb8;
	[tilespmem:$0x1F000] =	vst v63  }
0xe5: {  	s31 =	smov.u32 s20;
	s20 =	sadd.s32 $0x400, s20;
	_ =	swait.ge [sflag:s29], $0x2800  }
0xe6: {  	s6 =	sshra.s32 s19, $0x2;
	s19 =	smov.u32 s31;
	[sflag:s29] =	ssyncset.done $0x0  }
0xe7: {  	s31 =	sadd.s32 $0x16000, s6;
	[sflag:s29] =	ssyncadd.s32 $0xFFFFD800  }
0xe8: {  	[spmem:s1] =	stream.indirect.scatter.add.f32 [tilespmem:s25], [sflag:$0x3], $0x80, s31, s26, $0xb8;
	[tilespmem:$0x1F000] =	vst v63  }
0xe9: {  	_ =	swait.ge [sflag:s23], $0x2800  }
0xea: {  	[sflag:s23] =	ssyncset.done $0x0  }
0xeb: {  	[sflag:s23] =	ssyncadd.s32 $0xFFFFD800  }
0xec: {  	[tilespmem:s25], [sflag:$0x1] =	stream.indirect.gather [hbm4b:s4+s26], $0x80, s24, s26, $0xb8;
	[tilespmem:$0x1F000] =	vst v63  }
0xed: {  	_ =	swait.ge [sflag:s30], $0x2800  }
.Ltmp8:
0xee: {  	[sflag:s30] =	ssyncset.done $0x0;
	(pc) =	sbr.rel @p3 .LBB2_4-.Ltmp8, $4  }
0xef: {  	s6 =	sadd.s32 $0x16080, s6;
	[sflag:s30] =	ssyncadd.s32 $0xFFFFD800  }
0xf0: {  	[spmem:s1] =	stream.indirect.scatter.add.f32 [tilespmem:s28], [sflag:$0x3], $0x80, s6, s26, $0xb8;
	[tilespmem:$0x1F000] =	vst v63  }
0xf1: {  	_ =	swait.ge [sflag:s23], $0x2800  }
0xf2: {  	s24 =	sadd.s32 $0xA0, s24;
	[sflag:s23] =	ssyncset.done $0x0  }
0xf3: {  	s6 =	sadd.s32 $0xFFFFFFB0, s24;
	[sflag:s23] =	ssyncadd.s32 $0xFFFFD800  }
0xf4: {  	[tilespmem:s28], [sflag:$0x2] =	stream.indirect.gather [hbm4b:s4+s26], $0x80, s6, s26, $0xb8;
	[tilespmem:$0x1F000] =	vst v63  }
0xf5: {  	_ =	swait.ge [sflag:s29], $0x2800  }
0xf6: {  	s31 =	sshra.s32 s19, $0x2;
	[sflag:s29] =	ssyncset.done $0x0  }
0xf7: {  	s19 =	sadd.s32 $0x16000, s31;
	[sflag:s29] =	ssyncadd.s32 $0xFFFFD800  }
0xf8: {  	[spmem:s1] =	stream.indirect.scatter.add.f32 [tilespmem:s25], [sflag:$0x3], $0x80, s19, s26, $0xb8;
	[tilespmem:$0x1F000] =	vst v63  }
0xf9: {  	_ =	swait.ge [sflag:s23], $0x2800  }
0xfa: {  	[sflag:s23] =	ssyncset.done $0x0  }
0xfb: {  	[sflag:s23] =	ssyncadd.s32 $0xFFFFD800  }
0xfc: {  	[tilespmem:s25], [sflag:$0x1] =	stream.indirect.gather [hbm4b:s4+s26], $0x80, s24, s26, $0xb8;
	[tilespmem:$0x1F000] =	vst v63  }
0xfd: {  	_ =	swait.ge [sflag:s30], $0x2800  }
0xfe: {  	[sflag:s30] =	ssyncset.done $0x0  }
0xff: {  	s6 =	sadd.s32 $0x16080, s31;
	[sflag:s30] =	ssyncadd.s32 $0xFFFFD800  }
0x100: {  	[spmem:s1] =	stream.indirect.scatter.add.f32 [tilespmem:s28], [sflag:$0x3], $0x80, s6, s26, $0xb8;
	[tilespmem:$0x1F000] =	vst v63  }
0x101: {  	_ =	swait.ge [sflag:s23], $0x2800  }
0x102: {  	[sflag:s23] =	ssyncset.done $0x0  }
0x103: {  	[sflag:s23] =	ssyncadd.s32 $0xFFFFD800  }
0x104: {  	_ =	swait.ge [sflag:s29], $0x2800  }
0x105: {  	[sflag:s29] =	ssyncset.done $0x0  }
0x106: {  	s20 =	simm.s32 $0x19E00;
	[sflag:s29] =	ssyncadd.s32 $0xFFFFD800  }
0x107: {  	[spmem:s1] =	stream.indirect.scatter.add.f32 [tilespmem:s25], [sflag:$0x3], $0x80, s20, s26, $0xb8;
	[tilespmem:$0x1F000] =	vst v63  }
0x108: {  	_ =	swait.ge [sflag:s23], $0x2800  }
0x109: {  	[sflag:s23] =	ssyncset.done $0x0  }
0x10a: {  	[sflag:s23] =	ssyncadd.s32 $0xFFFFD800  }
0x10b: {  	s24 =	sshll.u32 s3, $0x6;
	[bflag:$0x0] =	sbarrier.arrive $0xFFFF  }
0x10c: {  	s31 =	sshrl.u32 s10, $0x3;
	s19 =	sor.u32 $0x1C03, s24;
	s20 =	rddreg [dreg:$0x4]  }
0x10d: {  	[hbm:s20], [sflag:s19] =	dma.local [spmem:s31], $0x2700  }
.Ltmp9:
0x10e: {  	_ = 	snop;
	(pc) =	sbr.rel @!p2 .LBB2_11-.Ltmp9, $4  }
.Ltmp10:
0x10f: {  	_ = 	snop;
	(pc) =	sbr.rel @p2 .LBB2_10-.Ltmp10, $4  }
0x110: {  	_ =	swait.ge [sflag:s23], $0x2700  }
0x111: {  	[sflag:s23] =	ssyncset.done $0x0  }
0x112: {  	s20 =	rddreg [dreg:$0x3];
	[sflag:s23] =	ssyncadd.s32 $0xFFFFD900  }
0x113: {  	_ = 	snop  }
.LBB2_12:
0x114: {  	_ =	sfence.sel $0x180000  }
0x115: {  	[bflag:$0x0] =	sbarrier.arrive $0xFFFF  }
0x116: {  	_ =	strace $0x9000004A  }
0x117: {  	[bflag:$0x2] =	sbarrier.arrive $0xFFFF  }
0x118: {  	s0 =	rddreg [dreg:$0x2]  }
0x119: {  	s0 =	sadd.s32 @!p1 $0x100000, s0  }
0x11a: {  	[sflag:s0] =	ssyncadd.tile.s32 @!p1 $0x1;
	_ =	shalt  }
.Lfunc_end2:
_tile_overlayer_lowered:
.L_overlay_start_2:
0x11b: {  	(tag) =	ssettag $0x2  }
0x11c: {  	s0 =	rddreg [dreg:$0x0];
	s2 =	stileid.u32  }
0x11d: {  	s1 =	rddreg [dreg:$0x1];
	p0 =	sne.s32 s2, $0x0  }
0x11e: {  	s3 =	rddreg [dreg:$0x2];
	[bflag:$0x3] =	sbarrier.arrive $0xFFFF;
	s2 =	simm.s32 @!p0 $0x1C03  }
0x11f: {  	[timem:s3], [sflag:s2] =	dma.local @!p0 [hbm:s0], s1  }
0x120: {  	s0 =	simm.s32 @!p0 $0x3  }
0x121: {  	_ =	swait.ge @!p0 [sflag:s0], s1  }
0x122: {  	s1 =	ssub.s32 @!p0 $0x0, s1;
	[sflag:s0] =	ssyncset.done @!p0 $0x0  }
0x123: {  	[sflag:s0] =	ssyncadd.s32 @!p0 s1  }
0x124: {  	[bflag:$0x3] =	sbarrier.arrive $0xFFFF  }
0x125: {  	_ =	shalt  }

// kernel: kernel.14.cloned.1.call-start
scs
__scs_entry_jumppad:
0x0: {  	(pc) =	sbr.rel $0x88, $3  }
0x1: {  	(tag) =	ssettag $0x0;
	lr =	simm.s32 $0x1  }
0x2: {  	[smem:$0x3F98] =	sst lr;
	_ =	strace $0xD0000000  }
0x3: {  	_ = 	snop  }
0x4: {  	_ = 	snop  }
0x5: {  	_ = 	snop  }
0x6: {  	_ = 	snop  }
0x7: {  	_ = 	snop  }
__scs_overlays_trampoline_lowered:
0x8: {  	[smem:$0x3FA7] =	sst s0  }
0x9: {  	[smem:$0x3FA8] =	sst s1  }
0xa: {  	[smem:$0x3FA9] =	sst s2  }
0xb: {  	[smem:$0x3FAA] =	sst s3  }
0xc: {  	[smem:$0x3FAB] =	sst s4  }
0xd: {  	[smem:$0x3FAC] =	sst s5  }
0xe: {  	[smem:$0x3FAD] =	sst s6  }
0xf: {  	[smem:$0x3FAE] =	sst s7  }
0x10: {  	[smem:$0x3FAF] =	sst s8  }
0x11: {  	[smem:$0x3FB0] =	sst s9;
	s0 =	simm.s32 @!p0 $0x0  }
0x12: {  	s1 =	sld [smem:$0x3F96];
	s0 =	simm.s32 @p0 $0x1  }
0x13: {  	[smem:$0x3FB1] =	sst s0;
	s0 =	simm.s32 @!p1 $0x0  }
0x14: {  	s2 =	sld [smem:$0x3F95];
	s0 =	simm.s32 @p1 $0x1  }
0x15: {  	[smem:$0x3FB2] =	sst s0;
	s0 =	simm.s32 @!p2 $0x0  }
0x16: {  	s3 =	sld [smem:$0x3FDB];
	s0 =	simm.s32 @p2 $0x1  }
0x17: {  	s4 =	simm.s32 $0x1BF5;
	[smem:$0x3FB4] =	sst s0  }
0x18: {  	s0 =	sld [smem:$0x3F97];
	_ =	swait.ge [sflag:s4], $0x0  }
0x19: {  	s7 =	sld [smem:$0x3F98]  }
0x1a: {  	s8 =	sadd.s32 $0xFFFFE003, lr  }
0x1b: {  	s9 =	sadd.s32 $0xFFFFFEF7, lr;
	s5 =	simm.s32 $0xFFFFFFFF;
	p2 =	slt.u32 s8, $0xFFFFF086  }
0x1c: {  	p1 =	slt.u32 s9, $0xF7A;
	s5 =	simm.s32 @!p2 $0x0  }
0x1d: {  	s5 =	simm.s32 @p1 $0x1;
	p0 =	seq.s32 s7, s2  }
0x1e: {  	s7 =	smul.u32 @!p0 $0xF7A, s2;
	p2 =	seq.s32 @!p0 s5, $0x0  }
0x1f: {  	s9 =	smul.u32 $0xF7A, s1;
	s8 =	simm.s32 @!p0 $0x1BF5;
	p2 =	por !p2, p0  }
0x20: {  	[sflag:s8] =	ssyncset.s32 @!p0 $0xFFFFF086;
	s6 =	sadd.s32 @!p0 s3, s7;
	s7 =	simm.s32 @!p0 $0x108  }
0x21: {  	s3 =	sadd.s32 s3, s9;
	s6 =	sadd.s32 @!p0 $0x88, s6;
	s7 =	simm.s32 @p2 $0x1082  }
0x22: {  	[simem:s7], [sflag:s8] =	dma.local @!p0 [hbm:s6], $0xF7A  }
0x23: {  	s9 =	sor.u32 $0xD0000000, s2;
	s6 =	simm.s32 $0x108;
	_ =	swait.ge @!p0 [sflag:s8], $0x0  }
0x24: {  	s3 =	sadd.s32 $0x88, s3;
	s6 =	simm.s32 @!p1 $0x1082;
	[sflag:s4] =	ssyncset.s32 $0xFFFFF086  }
0x25: {  	[simem:s6], [sflag:s4] =	dma.local [hbm:s3], $0xF7A  }
0x26: {  	[smem:$0x3F98] =	sst s1;
	(tag) =	ssettag s2;
	_ =	strace s9  }
0x27: {  	s1 =	sld [smem:$0x3FA8]  }
0x28: {  	s2 =	sld [smem:$0x3FA9]  }
0x29: {  	s4 =	sld [smem:$0x3FAB]  }
0x2a: {  	p0 =	seq.s32 s5, $0x0;
	s5 =	sld [smem:$0x3FAC]  }
0x2b: {  	s6 =	sld [smem:$0x3FAD]  }
0x2c: {  	s7 =	sld [smem:$0x3FAE]  }
0x2d: {  	s3 =	simm.s32 $0x108;
	s8 =	sld [smem:$0x3FAF]  }
0x2e: {  	s3 =	simm.s32 @!p0 $0x1082;
	s9 =	sld [smem:$0x3FB0]  }
0x2f: {  	lr =	sadd.s32 s0, s3;
	s0 =	sld [smem:$0x3FA7]  }
0x30: {  	s3 =	sld [smem:$0x3FAA]  }
0x31: {  	[smem:$0x3FB3] =	sst s10  }
0x32: {  	s10 =	sld [smem:$0x3FB1];
	_ =	sdelay $0x3  }
0x33: {  	p0 =	seq.s32 s10, $0x1;
	s10 =	sld [smem:$0x3FB3];
	_ =	sdelay $0x3  }
0x34: {  	[smem:$0x3FB3] =	sst s10  }
0x35: {  	s10 =	sld [smem:$0x3FB2];
	_ =	sdelay $0x3  }
0x36: {  	p1 =	seq.s32 s10, $0x1;
	s10 =	sld [smem:$0x3FB3];
	_ =	sdelay $0x3  }
0x37: {  	[smem:$0x3FB3] =	sst s10  }
0x38: {  	s10 =	sld [smem:$0x3FB4]  }
0x39: {  	_ = 	snop;
	(pc) =	sbr.ind lr, $3  }
0x3a: {  	_ = 	snop  }
0x3b: {  	_ = 	snop  }
0x3c: {  	p2 =	seq.s32 s10, $0x1;
	s10 =	sld [smem:$0x3FB3]  }
0x3d: {  	_ =	shalt  }
0x3e: {  	_ =	shalt  }
0x3f: {  	_ =	shalt  }
0x40: {  	_ =	shalt  }
0x41: {  	_ =	shalt  }
0x42: {  	_ =	shalt  }
0x43: {  	_ =	shalt  }
0x44: {  	_ =	shalt  }
0x45: {  	_ =	shalt  }
0x46: {  	_ =	shalt  }
0x47: {  	_ =	shalt  }
0x48: {  	_ =	shalt  }
0x49: {  	_ =	shalt  }
0x4a: {  	_ =	shalt  }
0x4b: {  	_ =	shalt  }
0x4c: {  	_ =	shalt  }
0x4d: {  	_ =	shalt  }
0x4e: {  	_ =	shalt  }
0x4f: {  	_ =	shalt  }
0x50: {  	_ =	shalt  }
0x51: {  	_ =	shalt  }
0x52: {  	_ =	shalt  }
0x53: {  	_ =	shalt  }
0x54: {  	_ =	shalt  }
0x55: {  	_ =	shalt  }
0x56: {  	_ =	shalt  }
0x57: {  	_ =	shalt  }
0x58: {  	_ =	shalt  }
0x59: {  	_ =	shalt  }
0x5a: {  	_ =	shalt  }
0x5b: {  	_ =	shalt  }
0x5c: {  	_ =	shalt  }
0x5d: {  	_ =	shalt  }
0x5e: {  	_ =	shalt  }
0x5f: {  	_ =	shalt  }
0x60: {  	_ =	shalt  }
0x61: {  	_ =	shalt  }
0x62: {  	_ =	shalt  }
0x63: {  	_ =	shalt  }
0x64: {  	_ =	shalt  }
0x65: {  	_ =	shalt  }
0x66: {  	_ =	shalt  }
0x67: {  	_ =	shalt  }
0x68: {  	_ =	shalt  }
0x69: {  	_ =	shalt  }
0x6a: {  	_ =	shalt  }
0x6b: {  	_ =	shalt  }
0x6c: {  	_ =	shalt  }
0x6d: {  	_ =	shalt  }
0x6e: {  	_ =	shalt  }
0x6f: {  	_ =	shalt  }
0x70: {  	_ =	shalt  }
0x71: {  	_ =	shalt  }
0x72: {  	_ =	shalt  }
0x73: {  	_ =	shalt  }
0x74: {  	_ =	shalt  }
0x75: {  	_ =	shalt  }
0x76: {  	_ =	shalt  }
0x77: {  	_ =	shalt  }
0x78: {  	_ =	shalt  }
0x79: {  	_ =	shalt  }
0x7a: {  	_ =	shalt  }
0x7b: {  	_ =	shalt  }
0x7c: {  	_ =	shalt  }
0x7d: {  	_ =	shalt  }
0x7e: {  	_ =	shalt  }
0x7f: {  	_ =	shalt  }
0x80: {  	_ =	shalt  }
0x81: {  	_ =	shalt  }
0x82: {  	_ =	shalt  }
0x83: {  	_ =	shalt  }
0x84: {  	_ =	shalt  }
0x85: {  	_ =	shalt  }
0x86: {  	_ =	shalt  }
0x87: {  	_ =	shalt  }
.Lfunc_end0:
.L_simem_size_0:
called_computation.2_lowered:
.L_overlay_start_0:
0x88: {  	s2 =	sld [smem:$0x3FD9]  }
0x89: {  	s3 =	sld [smem:$0x3FFE];
	_ =	sdelay $0x1  }
0x8a: {  	s1 =	srdreg.scid  }
0x8b: {  	s0 =	sand.u32 $0x1, s1  }
0x8c: {  	s16 =	sshll.u32 s0, $0xA;
	s2 =	sadd.s32 s3, s2  }
0x8d: {  	s2 =	sadd.s32 s2, s16  }
0x8e: {  	[smem:$0x3FBF] =	sst s2  }
0x8f: {  	_ = 	snop  }
0x90: {  	(tm) =	ssettm $0x1  }
0x91: {  	s17 =	sld [smem:$0x3FFB];
	_ =	sdelay $0x3  }
0x92: {  	_ =	strace s17  }
0x93: {  	s2 =	sld [smem:$0x3FFC];
	_ =	sdelay $0x3  }
0x94: {  	_ =	strace s2  }
0x95: {  	s2 =	sld [smem:$0x3FFD];
	_ =	sdelay $0x3  }
0x96: {  	_ =	strace s2  }
0x97: {  	_ =	strace $0x8FFFFFFF  }
0x98: {  	s18 =	sld [smem:$0x3FDB];
	_ =	sdelay $0x1  }
0x99: {  	s19 =	simm.s32 $_scs_section_size  }
0x9a: {  	s4 =	simm.s32 $_size__tile_overlayer_lowered;
	s5 =	simm.s32 $_tile_overlayer_lowered  }
0x9b: {  	s22 =	simm.s32 $0x1BFF;
	s21 =	sshll.u32 s5, $0x1;
	s2 =	sadd.s32 s19, s18  }
0x9c: {  	s6 =	simm.s32 $0x0;
	s20 =	sshll.u32 s4, $0x1;
	s4 =	sadd.s32 s21, s2  }
0x9d: {  	[timem:s6], [sflag:s22] =	dma.local [hbm:s4], s20  }
0x9e: {  	_ =	swait.ge [sflag:s22], s20  }
0x9f: {  	s3 =	ssub.s32 $0x0, s20;
	[sflag:s22] =	ssyncset.done $0x0  }
0xa0: {  	[sflag:s22] =	ssyncadd.s32 s3;
	_ =	sdelay $0x1  }
0xa1: {  	s23 =	simm.s32 $0x1B8B  }
0xa2: {  	_ =	swait.ge [sflag:s23], $0x1  }
0xa3: {  	[sflag:s23] =	ssyncset.done $0x0  }
0xa4: {  	s25 =	simm.s32 $0x1B8E;
	s24 =	sld [smem:$0x3FFE];
	[sflag:s23] =	ssyncadd.s32 $0xFFFFFFFF  }
0xa5: {  	s26 =	simm.s32 $execute0_lowered;
	[smem:$0x3FD2] =	sst s25  }
0xa6: {  	s4 =	sshll.u32 s26, $0x1;
	_ =	strace $0x8000004C;
	[dreg:$0x1] =	wrdreg $0xFFFFFFFF  }
0xa7: {  	s28 =	simm.s32 $_size_execute0_lowered;
	s2 =	sadd.s32 s2, s4;
	[dreg:$0x0] =	wrdreg $0x0  }
0xa8: {  	s4 =	sshll.u32 s28, $0x1;
	[dreg:$0x2] =	wrdreg s2  }
0xa9: {  	[dreg:$0x3] =	wrdreg s4  }
0xaa: {  	[dreg:$0x4] =	wrdreg $0xC0  }
0xab: {  	_ =	task [dreg:s6], $0x5FFFF  }
0xac: {  	[dreg:$0x1] =	wrdreg $0xFFFFFFFF  }
0xad: {  	[dreg:$0x0] =	wrdreg $0x60  }
0xae: {  	[dreg:$0x2] =	wrdreg s24  }
0xaf: {  	[dreg:$0x3] =	wrdreg $0x0  }
0xb0: {  	[dreg:$0x4] =	wrdreg $0x9  }
0xb1: {  	_ =	task.clear_ibuf [dreg:s6], $0x5FFFF;
	_ =	strace $0x9000004C  }
0xb2: {  	s29 =	simm.s32 $0x9;
	_ =	strace $0x8000004E  }
0xb3: {  	_ =	swait.ge [sflag:s29], $0x1  }
0xb4: {  	[sflag:s29] =	ssyncadd.s32 $0xFFFFFFFF  }
0xb5: {  	_ =	strace $0x9000004E  }
0xb6: {  	_ =	sfence  }
0xb7: {  	s30 =	sld [smem:$0x0];
	_ =	sdelay $0x2  }
0xb8: {  	s31 =	sshll.u32 s1, $0xD;
	s1 =	sshrl.u32 s1, $0x2  }
0xb9: {  	s3 =	sand.u32 $0x4000, s31;
	s1 =	sadd.s32 s1, s30  }
0xba: {  	s0 =	sor.u32 s3, s0;
	s1 =	sshll.u32 s1, $0x11  }
0xbb: {  	s0 =	sor.u32 s1, s0  }
0xbc: {  	s0 =	sadd.s32 $0x8F2B, s0  }
0xbd: {  	[sflag:s0] =	ssyncadd.remote.s32 $0x1  }
0xbe: {  	_ =	sfence.sel $0xFFFF  }
0xbf: {  	[dreg:$0x0] =	wrdreg $0xFFFFFFFF;
	(pc) =	sbr.abs _section_cstart, $3  }
0xc0: {  	[dreg:$0x1] =	wrdreg $0xFFFFFFFF  }
0xc1: {  	_ =	task.clear_ibuf [dreg:s6], $0x2FFFF;
	_ =	strace $0x9FFFFFFF  }
0xc2: {  	(tm) =	ssettm $0x7FFFFFFF  }
0xc3: {  	_ =	shalt  }
tec
execute0_lowered:
.L_overlay_start_1:
0x0: {  	(tag) =	ssettag $0x1  }
0x1: {  	s0 =	rddreg [dreg:$0x0]  }
0x2: {  	s1 =	rddreg [dreg:$0x1];
	s2 =	simm.s32 $0x0;
	s21 =	stileid.u32  }
0x3: {  	s7 =	srdreg.scid;
	s29 =	simm.s32 $0x13880;
	s31 =	simm.s32 $0x50  }
0x4: {  	[smem:$0x7FF] =	sst s2;
	s3 =	smul.u32 $0x4E2, s21;
	s4 =	sshll.u32 s21, $0xB  }
0x5: {  	s5 =	sadd.s32 $0x37800, s0;
	s9 =	smul.u32 $0x2700, s21;
	s6 =	sadd.s32 $0x85C00, s0  }
0x6: {  	s11 =	sand.u32 $0x1, s7;
	s10 =	smul.u32 $0x4E000, s21;
	s7 =	sadd.s32 $0xACE00, s0  }
0x7: {  	s30 =	simm.s32 $0x3;
	s22 =	sadd.s32 $0x122400, s0;
	s23 =	sadd.s32 $0x149600, s0  }
0x8: {  	p0 =	sne.s32 s21, $0x0;
	p2 =	seq.s32 s21, $0x0;
	s28 =	sadd.s32 $0x138000, s1  }
0x9: {  	s21 =	simm.s32 $0x2;
	_ =	strace $0x8000004D;
	s8 =	sadd.s32 s4, s0  }
0xa: {  	s4 =	sadd.s32 $0x10600, s0;
	s12 =	ssub.s32 $0x2, s11;
	[dreg:$0x3] =	wrdreg s22  }
0xb: {  	p1 =	sne.s32 s11, $0x0;
	[dreg:$0x4] =	wrdreg s23;
	s3 =	sadd.s32 s3, s0  }
0xc: {  	s19 =	sadd.s32 s9, s0;
	s13 =	sshrl.u32 s12, $0x1;
	s10 =	sshrl.u32 s10, $0x2  }
0xd: {  	s26 =	sadd.s32 $0x8600, s8;
	s24 =	sadd.s32 s22, s9;
	s25 =	sadd.s32 s23, s9  }
0xe: {  	s22 =	simm.s32 $0x19E00;
	s23 =	simm.s32 $0x0;
	[dreg:$0x6] =	wrdreg s26  }
0xf: {  	s20 =	ssub.s32 s12, s13;
	s10 =	sadd.s32 s10, s1;
	[dreg:$0xb] =	wrdreg s24  }
0x10: {  	s3 =	sadd.s32 $0x3600, s3;
	s8 =	sadd.s32 $0xFB200, s19;
	[dreg:$0xc] =	wrdreg s25  }
0x11: {  	s12 =	sadd.s32 $0x122200, s0;
	s19 =	sadd.s32 $0xD4000, s19;
	[dreg:$0x5] =	wrdreg s3  }
0x12: {  	s0 =	sadd.s32 $0xFB000, s0;
	s13 =	sadd.s32 $0x2800, s10;
	[dreg:$0x7] =	wrdreg s8  }
.Ltmp0:
0x13: {  	s14 =	sadd.s32 $0x5000, s10;
	[dreg:$0x8] =	wrdreg s12;
	(pc) =	sbr.rel .LBB2_1-.Ltmp0, $4  }
0x14: {  	s15 =	sadd.s32 $0x7800, s10;
	s16 =	sadd.s32 $0xA000, s10;
	[dreg:$0x9] =	wrdreg s19  }
0x15: {  	s17 =	sadd.s32 $0xC800, s10;
	s18 =	sadd.s32 $0xF000, s10;
	[dreg:$0xa] =	wrdreg s0  }
0x16: {  	s26 =	smax.u32 s20, $0x1;
	s0 =	simm.s32 $0x1A000;
	s19 =	simm.s32 $0x1C800  }
0x17: {  	v0 =	vimm.f32 $0.0e+00;
	s20 =	simm.s32 $0x1;
	[dreg:$0xd] =	wrdreg s26;
	s26 =	sadd.s32 $0x11800, s10  }
.LBB2_18:
0x18: {  	s3 =	sadd.s32 $0x27000, s3;
	s8 =	sshrl.u32 s28, $0x3  }
0x19: {  	[hbm:s3], [sflag:s24] =	dma.local [spmem:s8], $0x100  }
0x1a: {  	_ =	swait.ge [sflag:s30], $0x100  }
0x1b: {  	[sflag:s30] =	ssyncset.done $0x0  }
0x1c: {  	[sflag:s30] =	ssyncadd.s32 $0xFFFFFF00  }
.LBB2_19:
0x1d: {  	s23 =	sadd.s32 $0x1, s23;
	s3 =	rddreg [dreg:$0xd]  }
0x1e: {  	p3 =	sne.s32 s23, s3  }
.Ltmp1:
0x1f: {  	_ = 	snop;
	(pc) =	sbr.rel @!p3 .LBB2_20-.Ltmp1, $1  }
0x20: {  	_ =	sdelay $0x3  }
.LBB2_1:
0x21: {  	s3 =	rddreg [dreg:$0x5]  }
0x22: {  	[tilespmem:s29], [sflag:$0x3] =	stream.linear.gather [hbm4b:s3+s2], $0x2710, $0x38;
	[tilespmem:$0x1F000] =	vst v63  }
0x23: {  	_ =	swait.ge [sflag:s30], $0x2710  }
0x24: {  	s8 =	simm.s32 $0x16000;
	[sflag:s30] =	ssyncset.done $0x0  }
.Ltmp2:
0x25: {  	s25 =	rddreg [dreg:$0x6];
	[sflag:s30] =	ssyncadd.s32 $0xFFFFD8F0;
	(pc) =	sbr.rel @p1 .LBB2_10-.Ltmp2, $4  }
0x26: {  	[tilespmem:s8], [sflag:$0x3] =	stream.linear.gather [hbm4b:s25+s2], $0x3E80, $0x38;
	[tilespmem:$0x1F000] =	vst v63  }
0x27: {  	_ =	swait.ge [sflag:s30], $0x3E80  }
0x28: {  	[sflag:s30] =	ssyncset.done $0x0  }
0x29: {  	s3 =	sshra.s32 s2, $0x2;
	s8 =	sadd.s32 $0x200, s2;
	[sflag:s30] =	ssyncadd.s32 $0xFFFFC180  }
.LBB2_2:
0x2a: {  	p3 =	sne.s32 s8, $0x9E00;
	[tilespmem:s3+$0x1A070] =	vst v0  }
0x2b: {  	[tilespmem:s3+$0x1A000] =	vst v0  }
0x2c: {  	[tilespmem:s3+$0x1A010] =	vst v0  }
.Ltmp3:
0x2d: {  	[tilespmem:s3+$0x1A020] =	vst v0;
	(pc) =	sbr.rel @p3 .LBB2_2-.Ltmp3, $4  }
0x2e: {  	[tilespmem:s3+$0x1A030] =	vst v0  }
0x2f: {  	[tilespmem:s3+$0x1A040] =	vst v0  }
0x30: {  	[tilespmem:s3+$0x1A050] =	vst v0  }
0x31: {  	[tilespmem:s3+$0x1A060] =	vst v0;
	s3 =	sshra.s32 s8, $0x2;
	s8 =	sadd.s32 $0x200, s8  }
0x32: {  	[tilespmem:s3+$0x1A070] =	vst v0  }
0x33: {  	[tilespmem:s3+$0x1A000] =	vst v0  }
0x34: {  	[tilespmem:s3+$0x1A010] =	vst v0  }
0x35: {  	[tilespmem:s3+$0x1A020] =	vst v0  }
0x36: {  	[tilespmem:s3+$0x1A030] =	vst v0  }
0x37: {  	[tilespmem:s3+$0x1A040] =	vst v0  }
0x38: {  	[tilespmem:s3+$0x1A050] =	vst v0  }
0x39: {  	[tilespmem:s3+$0x1A060] =	vst v0  }
0x3a: {  	[spmem:s10] =	stream.linear.scatter [tilespmem:s0], [sflag:$0x3], $0x2800, $0x38;
	[tilespmem:$0x1F000] =	vst v63  }
0x3b: {  	_ =	swait.ge [sflag:s30], $0x2800  }
0x3c: {  	[sflag:s30] =	ssyncset.done $0x0  }
0x3d: {  	[sflag:s30] =	ssyncadd.s32 $0xFFFFD800  }
0x3e: {  	[spmem:s13] =	stream.linear.scatter [tilespmem:s0], [sflag:$0x3], $0x2800, $0x38;
	[tilespmem:$0x1F000] =	vst v63  }
0x3f: {  	_ =	swait.ge [sflag:s30], $0x2800  }
0x40: {  	[sflag:s30] =	ssyncset.done $0x0  }
0x41: {  	[sflag:s30] =	ssyncadd.s32 $0xFFFFD800  }
0x42: {  	[spmem:s14] =	stream.linear.scatter [tilespmem:s0], [sflag:$0x3], $0x2800, $0x38;
	[tilespmem:$0x1F000] =	vst v63  }
0x43: {  	_ =	swait.ge [sflag:s30], $0x2800  }
0x44: {  	[sflag:s30] =	ssyncset.done $0x0  }
0x45: {  	[sflag:s30] =	ssyncadd.s32 $0xFFFFD800  }
0x46: {  	[spmem:s15] =	stream.linear.scatter [tilespmem:s0], [sflag:$0x3], $0x2800, $0x38;
	[tilespmem:$0x1F000] =	vst v63  }
0x47: {  	_ =	swait.ge [sflag:s30], $0x2800  }
0x48: {  	[sflag:s30] =	ssyncset.done $0x0  }
0x49: {  	[sflag:s30] =	ssyncadd.s32 $0xFFFFD800  }
0x4a: {  	[spmem:s16] =	stream.linear.scatter [tilespmem:s0], [sflag:$0x3], $0x2800, $0x38;
	[tilespmem:$0x1F000] =	vst v63  }
0x4b: {  	_ =	swait.ge [sflag:s30], $0x2800  }
0x4c: {  	[sflag:s30] =	ssyncset.done $0x0  }
0x4d: {  	[sflag:s30] =	ssyncadd.s32 $0xFFFFD800  }
0x4e: {  	[spmem:s17] =	stream.linear.scatter [tilespmem:s0], [sflag:$0x3], $0x2800, $0x38;
	[tilespmem:$0x1F000] =	vst v63  }
0x4f: {  	_ =	swait.ge [sflag:s30], $0x2800  }
0x50: {  	[sflag:s30] =	ssyncset.done $0x0  }
0x51: {  	[sflag:s30] =	ssyncadd.s32 $0xFFFFD800  }
0x52: {  	[spmem:s18] =	stream.linear.scatter [tilespmem:s0], [sflag:$0x3], $0x2800, $0x38;
	[tilespmem:$0x1F000] =	vst v63  }
0x53: {  	_ =	swait.ge [sflag:s30], $0x2800  }
0x54: {  	[sflag:s30] =	ssyncset.done $0x0  }
0x55: {  	[sflag:s30] =	ssyncadd.s32 $0xFFFFD800  }
0x56: {  	[spmem:s26] =	stream.linear.scatter [tilespmem:s0], [sflag:$0x3], $0x2000, $0x38;
	[tilespmem:$0x1F000] =	vst v63  }
0x57: {  	_ =	swait.ge [sflag:s30], $0x2000  }
0x58: {  	[sflag:s30] =	ssyncset.done $0x0  }
0x59: {  	s3 =	simm.s32 @!p0 $0x1A000;
	[sflag:s30] =	ssyncadd.s32 $0xFFFFE000  }
0x5a: {  	[spmem:s28] =	stream.linear.scatter @!p0 [tilespmem:s3], [sflag:$0x3], $0x800, $0x38;
	[tilespmem:$0x1F000] =	vst v63  }
0x5b: {  	s3 =	simm.s32 @!p0 $0x3  }
0x5c: {  	_ =	swait.ge @!p0 [sflag:s3], $0x800  }
0x5d: {  	[sflag:s3] =	ssyncset.done @!p0 $0x0  }
0x5e: {  	[sflag:s3] =	ssyncadd.s32 @!p0 $0xFFFFF800  }
0x5f: {  	[bflag:$0x0] =	sbarrier.arrive $0xFFFF  }
0x60: {  	[tilespmem:s0], [sflag:$0x1] =	stream.indirect.gather [hbm4b:s4+s31], $0x80, s29, s31, $0xb8;
	[tilespmem:$0x1F000] =	vst v63  }
0x61: {  	s11 =	simm.s32 $0x138D0  }
0x62: {  	[tilespmem:s19], [sflag:$0x2] =	stream.indirect.gather [hbm4b:s4+s31], $0x80, s11, s31, $0xb8;
	[tilespmem:$0x1F000] =	vst v63  }
0x63: {  	_ =	swait.ge [sflag:s20], $0x2800  }
0x64: {  	[sflag:s20] =	ssyncset.done $0x0  }
0x65: {  	s12 =	simm.s32 $0x16000;
	[sflag:s20] =	ssyncadd.s32 $0xFFFFD800  }
0x66: {  	[spmem:s1] =	stream.indirect.scatter.add.f32 [tilespmem:s0], [sflag:$0x3], $0x80, s12, s31, $0xb8;
	[tilespmem:$0x1F000] =	vst v63  }
0x67: {  	_ =	swait.ge [sflag:s30], $0x2800  }
0x68: {  	[sflag:s30] =	ssyncset.done $0x0  }
0x69: {  	s24 =	simm.s32 $0x13920;
	[sflag:s30] =	ssyncadd.s32 $0xFFFFD800  }
0x6a: {  	[tilespmem:s0], [sflag:$0x1] =	stream.indirect.gather [hbm4b:s4+s31], $0x80, s24, s31, $0xb8;
	[tilespmem:$0x1F000] =	vst v63  }
0x6b: {  	_ =	swait.ge [sflag:s21], $0x2800  }
0x6c: {  	[sflag:s21] =	ssyncset.done $0x0  }
0x6d: {  	s25 =	simm.s32 $0x16080;
	[sflag:s21] =	ssyncadd.s32 $0xFFFFD800  }
0x6e: {  	[spmem:s1] =	stream.indirect.scatter.add.f32 [tilespmem:s19], [sflag:$0x3], $0x80, s25, s31, $0xb8;
	[tilespmem:$0x1F000] =	vst v63  }
0x6f: {  	s9 =	simm.s32 $0x400;
	_ =	swait.ge [sflag:s30], $0x2800  }
0x70: {  	s8 =	simm.s32 $0x139C0;
	s3 =	simm.s32 $0x800;
	[sflag:s30] =	ssyncset.done $0x0  }
.LBB2_4:
0x71: {  	p3 =	sne.s32 s3, $0xF400;
	s11 =	sadd.s32 $0xFFFFFFB0, s8;
	[sflag:s30] =	ssyncadd.s32 $0xFFFFD800  }
0x72: {  	[tilespmem:s19], [sflag:$0x2] =	stream.indirect.gather [hbm4b:s4+s31], $0x80, s11, s31, $0xb8;
	[tilespmem:$0x1F000] =	vst v63  }
0x73: {  	s11 =	smov.u32 s3;
	s3 =	sadd.s32 $0x400, s3;
	_ =	swait.ge [sflag:s20], $0x2800  }
0x74: {  	s24 =	sshra.s32 s9, $0x2;
	s9 =	smov.u32 s11;
	[sflag:s20] =	ssyncset.done $0x0  }
0x75: {  	s11 =	sadd.s32 $0x16000, s24;
	[sflag:s20] =	ssyncadd.s32 $0xFFFFD800  }
0x76: {  	[spmem:s1] =	stream.indirect.scatter.add.f32 [tilespmem:s0], [sflag:$0x3], $0x80, s11, s31, $0xb8;
	[tilespmem:$0x1F000] =	vst v63  }
0x77: {  	_ =	swait.ge [sflag:s30], $0x2800  }
0x78: {  	[sflag:s30] =	ssyncset.done $0x0  }
0x79: {  	[sflag:s30] =	ssyncadd.s32 $0xFFFFD800  }
0x7a: {  	[tilespmem:s0], [sflag:$0x1] =	stream.indirect.gather [hbm4b:s4+s31], $0x80, s8, s31, $0xb8;
	[tilespmem:$0x1F000] =	vst v63  }
0x7b: {  	_ =	swait.ge [sflag:s21], $0x2800  }
.Ltmp4:
0x7c: {  	[sflag:s21] =	ssyncset.done $0x0;
	(pc) =	sbr.rel @p3 .LBB2_4-.Ltmp4, $4  }
0x7d: {  	s11 =	sadd.s32 $0x16080, s24;
	[sflag:s21] =	ssyncadd.s32 $0xFFFFD800  }
0x7e: {  	[spmem:s1] =	stream.indirect.scatter.add.f32 [tilespmem:s19], [sflag:$0x3], $0x80, s11, s31, $0xb8;
	[tilespmem:$0x1F000] =	vst v63  }
0x7f: {  	_ =	swait.ge [sflag:s30], $0x2800  }
0x80: {  	s8 =	sadd.s32 $0xA0, s8;
	[sflag:s30] =	ssyncset.done $0x0  }
0x81: {  	s3 =	sadd.s32 $0xFFFFFFB0, s8;
	[sflag:s30] =	ssyncadd.s32 $0xFFFFD800  }
0x82: {  	[tilespmem:s19], [sflag:$0x2] =	stream.indirect.gather [hbm4b:s4+s31], $0x80, s3, s31, $0xb8;
	[tilespmem:$0x1F000] =	vst v63  }
0x83: {  	_ =	swait.ge [sflag:s20], $0x2800  }
0x84: {  	s12 =	sshra.s32 s9, $0x2;
	[sflag:s20] =	ssyncset.done $0x0  }
0x85: {  	s9 =	sadd.s32 $0x16000, s12;
	[sflag:s20] =	ssyncadd.s32 $0xFFFFD800  }
0x86: {  	[spmem:s1] =	stream.indirect.scatter.add.f32 [tilespmem:s0], [sflag:$0x3], $0x80, s9, s31, $0xb8;
	[tilespmem:$0x1F000] =	vst v63  }
0x87: {  	_ =	swait.ge [sflag:s30], $0x2800  }
0x88: {  	[sflag:s30] =	ssyncset.done $0x0  }
0x89: {  	[sflag:s30] =	ssyncadd.s32 $0xFFFFD800  }
0x8a: {  	[tilespmem:s0], [sflag:$0x1] =	stream.indirect.gather [hbm4b:s4+s31], $0x80, s8, s31, $0xb8;
	[tilespmem:$0x1F000] =	vst v63  }
0x8b: {  	_ =	swait.ge [sflag:s21], $0x2800  }
0x8c: {  	[sflag:s21] =	ssyncset.done $0x0  }
0x8d: {  	s3 =	sadd.s32 $0x16080, s12;
	[sflag:s21] =	ssyncadd.s32 $0xFFFFD800  }
0x8e: {  	[spmem:s1] =	stream.indirect.scatter.add.f32 [tilespmem:s19], [sflag:$0x3], $0x80, s3, s31, $0xb8;
	[tilespmem:$0x1F000] =	vst v63  }
0x8f: {  	_ =	swait.ge [sflag:s30], $0x2800  }
0x90: {  	[sflag:s30] =	ssyncset.done $0x0  }
0x91: {  	[sflag:s30] =	ssyncadd.s32 $0xFFFFD800  }
0x92: {  	_ =	swait.ge [sflag:s20], $0x2800  }
0x93: {  	[sflag:s20] =	ssyncset.done $0x0  }
0x94: {  	[sflag:s20] =	ssyncadd.s32 $0xFFFFD800  }
0x95: {  	[spmem:s1] =	stream.indirect.scatter.add.f32 [tilespmem:s0], [sflag:$0x3], $0x80, s22, s31, $0xb8;
	[tilespmem:$0x1F000] =	vst v63  }
0x96: {  	_ =	swait.ge [sflag:s30], $0x2800  }
0x97: {  	[sflag:s30] =	ssyncset.done $0x0  }
0x98: {  	s24 =	stileid.u32;
	[sflag:s30] =	ssyncadd.s32 $0xFFFFD800  }
0x99: {  	s3 =	sshll.u32 s24, $0x6;
	[bflag:$0x0] =	sbarrier.arrive $0xFFFF  }
0x9a: {  	s8 =	sshrl.u32 s10, $0x3;
	s24 =	sor.u32 $0x1C03, s3;
	s25 =	rddreg [dreg:$0x9]  }
0x9b: {  	[hbm:s25], [sflag:s24] =	dma.local [spmem:s8], $0x2700  }
0x9c: {  	_ =	swait.ge [sflag:s30], $0x2700  }
0x9d: {  	[sflag:s30] =	ssyncset.done $0x0  }
0x9e: {  	s3 =	sshrl.u32 @!p0 s28, $0x3;
	s9 =	rddreg [dreg:$0xa];
	[sflag:s30] =	ssyncadd.s32 $0xFFFFD900  }
0x9f: {  	[hbm:s9], [sflag:s24] =	dma.local @!p0 [spmem:s3], $0x100  }
0xa0: {  	s3 =	simm.s32 @!p0 $0x3  }
0xa1: {  	_ =	swait.ge @!p0 [sflag:s3], $0x100  }
0xa2: {  	[sflag:s3] =	ssyncset.done @!p0 $0x0  }
0xa3: {  	s9 =	simm.s32 $0x200;
	[sflag:s3] =	ssyncadd.s32 @!p0 $0xFFFFFF00;
	s3 =	simm.s32 $0x0  }
.LBB2_6:
0xa4: {  	p3 =	sne.s32 s9, $0x9E00;
	[tilespmem:s3+$0x1A070] =	vst v0  }
0xa5: {  	[tilespmem:s3+$0x1A000] =	vst v0  }
0xa6: {  	[tilespmem:s3+$0x1A010] =	vst v0  }
.Ltmp5:
0xa7: {  	[tilespmem:s3+$0x1A020] =	vst v0;
	(pc) =	sbr.rel @p3 .LBB2_6-.Ltmp5, $4  }
0xa8: {  	[tilespmem:s3+$0x1A030] =	vst v0  }
0xa9: {  	[tilespmem:s3+$0x1A040] =	vst v0  }
0xaa: {  	[tilespmem:s3+$0x1A050] =	vst v0  }
0xab: {  	[tilespmem:s3+$0x1A060] =	vst v0;
	s3 =	sshra.s32 s9, $0x2;
	s9 =	sadd.s32 $0x200, s9  }
0xac: {  	[tilespmem:s3+$0x1A070] =	vst v0  }
0xad: {  	[tilespmem:s3+$0x1A000] =	vst v0  }
0xae: {  	[tilespmem:s3+$0x1A010] =	vst v0  }
0xaf: {  	[tilespmem:s3+$0x1A020] =	vst v0  }
0xb0: {  	[tilespmem:s3+$0x1A030] =	vst v0  }
0xb1: {  	[tilespmem:s3+$0x1A040] =	vst v0  }
0xb2: {  	[tilespmem:s3+$0x1A050] =	vst v0  }
0xb3: {  	[tilespmem:s3+$0x1A060] =	vst v0  }
0xb4: {  	[spmem:s10] =	stream.linear.scatter [tilespmem:s0], [sflag:$0x3], $0x2800, $0x38;
	[tilespmem:$0x1F000] =	vst v63  }
0xb5: {  	_ =	swait.ge [sflag:s30], $0x2800  }
0xb6: {  	[sflag:s30] =	ssyncset.done $0x0  }
0xb7: {  	[sflag:s30] =	ssyncadd.s32 $0xFFFFD800  }
0xb8: {  	[spmem:s13] =	stream.linear.scatter [tilespmem:s0], [sflag:$0x3], $0x2800, $0x38;
	[tilespmem:$0x1F000] =	vst v63  }
0xb9: {  	_ =	swait.ge [sflag:s30], $0x2800  }
0xba: {  	[sflag:s30] =	ssyncset.done $0x0  }
0xbb: {  	[sflag:s30] =	ssyncadd.s32 $0xFFFFD800  }
0xbc: {  	[spmem:s14] =	stream.linear.scatter [tilespmem:s0], [sflag:$0x3], $0x2800, $0x38;
	[tilespmem:$0x1F000] =	vst v63  }
0xbd: {  	_ =	swait.ge [sflag:s30], $0x2800  }
0xbe: {  	[sflag:s30] =	ssyncset.done $0x0  }
0xbf: {  	[sflag:s30] =	ssyncadd.s32 $0xFFFFD800  }
0xc0: {  	[spmem:s15] =	stream.linear.scatter [tilespmem:s0], [sflag:$0x3], $0x2800, $0x38;
	[tilespmem:$0x1F000] =	vst v63  }
0xc1: {  	_ =	swait.ge [sflag:s30], $0x2800  }
0xc2: {  	[sflag:s30] =	ssyncset.done $0x0  }
0xc3: {  	[sflag:s30] =	ssyncadd.s32 $0xFFFFD800  }
0xc4: {  	[spmem:s16] =	stream.linear.scatter [tilespmem:s0], [sflag:$0x3], $0x2800, $0x38;
	[tilespmem:$0x1F000] =	vst v63  }
0xc5: {  	_ =	swait.ge [sflag:s30], $0x2800  }
0xc6: {  	[sflag:s30] =	ssyncset.done $0x0  }
0xc7: {  	[sflag:s30] =	ssyncadd.s32 $0xFFFFD800  }
0xc8: {  	[spmem:s17] =	stream.linear.scatter [tilespmem:s0], [sflag:$0x3], $0x2800, $0x38;
	[tilespmem:$0x1F000] =	vst v63  }
0xc9: {  	_ =	swait.ge [sflag:s30], $0x2800  }
0xca: {  	[sflag:s30] =	ssyncset.done $0x0  }
0xcb: {  	[sflag:s30] =	ssyncadd.s32 $0xFFFFD800  }
0xcc: {  	[spmem:s18] =	stream.linear.scatter [tilespmem:s0], [sflag:$0x3], $0x2800, $0x38;
	[tilespmem:$0x1F000] =	vst v63  }
0xcd: {  	_ =	swait.ge [sflag:s30], $0x2800  }
0xce: {  	[sflag:s30] =	ssyncset.done $0x0  }
0xcf: {  	[sflag:s30] =	ssyncadd.s32 $0xFFFFD800  }
0xd0: {  	[spmem:s26] =	stream.linear.scatter [tilespmem:s0], [sflag:$0x3], $0x2000, $0x38;
	[tilespmem:$0x1F000] =	vst v63  }
0xd1: {  	_ =	swait.ge [sflag:s30], $0x2000  }
0xd2: {  	[sflag:s30] =	ssyncset.done $0x0  }
0xd3: {  	s3 =	simm.s32 @!p0 $0x1A000;
	[sflag:s30] =	ssyncadd.s32 $0xFFFFE000  }
0xd4: {  	[spmem:s28] =	stream.linear.scatter @!p0 [tilespmem:s3], [sflag:$0x3], $0x800, $0x38;
	[tilespmem:$0x1F000] =	vst v63  }
0xd5: {  	s3 =	simm.s32 @!p0 $0x3  }
0xd6: {  	_ =	swait.ge @!p0 [sflag:s3], $0x800  }
0xd7: {  	[sflag:s3] =	ssyncset.done @!p0 $0x0  }
0xd8: {  	[sflag:s3] =	ssyncadd.s32 @!p0 $0xFFFFF800  }
0xd9: {  	[bflag:$0x0] =	sbarrier.arrive $0xFFFF  }
0xda: {  	[tilespmem:s0], [sflag:$0x1] =	stream.indirect.gather [hbm4b:s6+s31], $0x80, s29, s31, $0xb8;
	[tilespmem:$0x1F000] =	vst v63  }
0xdb: {  	s9 =	simm.s32 $0x138D0  }
0xdc: {  	[tilespmem:s19], [sflag:$0x2] =	stream.indirect.gather [hbm4b:s6+s31], $0x80, s9, s31, $0xb8;
	[tilespmem:$0x1F000] =	vst v63  }
0xdd: {  	_ =	swait.ge [sflag:s20], $0x2800  }
0xde: {  	[sflag:s20] =	ssyncset.done $0x0  }
0xdf: {  	s11 =	simm.s32 $0x16000;
	[sflag:s20] =	ssyncadd.s32 $0xFFFFD800  }
0xe0: {  	[spmem:s1] =	stream.indirect.scatter.add.f32 [tilespmem:s0], [sflag:$0x3], $0x80, s11, s31, $0xb8;
	[tilespmem:$0x1F000] =	vst v63  }
0xe1: {  	_ =	swait.ge [sflag:s30], $0x2800  }
0xe2: {  	[sflag:s30] =	ssyncset.done $0x0  }
0xe3: {  	s12 =	simm.s32 $0x13920;
	[sflag:s30] =	ssyncadd.s32 $0xFFFFD800  }
0xe4: {  	[tilespmem:s0], [sflag:$0x1] =	stream.indirect.gather [hbm4b:s6+s31], $0x80, s12, s31, $0xb8;
	[tilespmem:$0x1F000] =	vst v63  }
0xe5: {  	_ =	swait.ge [sflag:s21], $0x2800  }
0xe6: {  	[sflag:s21] =	ssyncset.done $0x0  }
0xe7: {  	s25 =	simm.s32 $0x16080;
	[sflag:s21] =	ssyncadd.s32 $0xFFFFD800  }
0xe8: {  	[spmem:s1] =	stream.indirect.scatter.add.f32 [tilespmem:s19], [sflag:$0x3], $0x80, s25, s31, $0xb8;
	[tilespmem:$0x1F000] =	vst v63  }
0xe9: {  	s3 =	simm.s32 $0x400;
	_ =	swait.ge [sflag:s30], $0x2800  }
0xea: {  	s9 =	simm.s32 $0x139C0;
	s11 =	simm.s32 $0x800;
	[sflag:s30] =	ssyncset.done $0x0  }
.LBB2_8:
0xeb: {  	p3 =	sne.s32 s11, $0xF400;
	s12 =	sadd.s32 $0xFFFFFFB0, s9;
	[sflag:s30] =	ssyncadd.s32 $0xFFFFD800  }
0xec: {  	[tilespmem:s19], [sflag:$0x2] =	stream.indirect.gather [hbm4b:s6+s31], $0x80, s12, s31, $0xb8;
	[tilespmem:$0x1F000] =	vst v63  }
0xed: {  	s12 =	smov.u32 s11;
	s11 =	sadd.s32 $0x400, s11;
	_ =	swait.ge [sflag:s20], $0x2800  }
0xee: {  	s25 =	sshra.s32 s3, $0x2;
	s3 =	smov.u32 s12;
	[sflag:s20] =	ssyncset.done $0x0  }
0xef: {  	s12 =	sadd.s32 $0x16000, s25;
	[sflag:s20] =	ssyncadd.s32 $0xFFFFD800  }
0xf0: {  	[spmem:s1] =	stream.indirect.scatter.add.f32 [tilespmem:s0], [sflag:$0x3], $0x80, s12, s31, $0xb8;
	[tilespmem:$0x1F000] =	vst v63  }
0xf1: {  	_ =	swait.ge [sflag:s30], $0x2800  }
0xf2: {  	[sflag:s30] =	ssyncset.done $0x0  }
0xf3: {  	[sflag:s30] =	ssyncadd.s32 $0xFFFFD800  }
0xf4: {  	[tilespmem:s0], [sflag:$0x1] =	stream.indirect.gather [hbm4b:s6+s31], $0x80, s9, s31, $0xb8;
	[tilespmem:$0x1F000] =	vst v63  }
0xf5: {  	_ =	swait.ge [sflag:s21], $0x2800  }
.Ltmp6:
0xf6: {  	[sflag:s21] =	ssyncset.done $0x0;
	(pc) =	sbr.rel @p3 .LBB2_8-.Ltmp6, $4  }
0xf7: {  	s12 =	sadd.s32 $0x16080, s25;
	[sflag:s21] =	ssyncadd.s32 $0xFFFFD800  }
0xf8: {  	[spmem:s1] =	stream.indirect.scatter.add.f32 [tilespmem:s19], [sflag:$0x3], $0x80, s12, s31, $0xb8;
	[tilespmem:$0x1F000] =	vst v63  }
0xf9: {  	_ =	swait.ge [sflag:s30], $0x2800  }
0xfa: {  	s9 =	sadd.s32 $0xA0, s9;
	[sflag:s30] =	ssyncset.done $0x0  }
0xfb: {  	s11 =	sadd.s32 $0xFFFFFFB0, s9;
	[sflag:s30] =	ssyncadd.s32 $0xFFFFD800  }
0xfc: {  	[tilespmem:s19], [sflag:$0x2] =	stream.indirect.gather [hbm4b:s6+s31], $0x80, s11, s31, $0xb8;
	[tilespmem:$0x1F000] =	vst v63  }
0xfd: {  	_ =	swait.ge [sflag:s20], $0x2800  }
0xfe: {  	s3 =	sshra.s32 s3, $0x2;
	[sflag:s20] =	ssyncset.done $0x0  }
0xff: {  	s12 =	sadd.s32 $0x16000, s3;
	[sflag:s20] =	ssyncadd.s32 $0xFFFFD800  }
0x100: {  	[spmem:s1] =	stream.indirect.scatter.add.f32 [tilespmem:s0], [sflag:$0x3], $0x80, s12, s31, $0xb8;
	[tilespmem:$0x1F000] =	vst v63  }
0x101: {  	_ =	swait.ge [sflag:s30], $0x2800  }
0x102: {  	[sflag:s30] =	ssyncset.done $0x0  }
0x103: {  	[sflag:s30] =	ssyncadd.s32 $0xFFFFD800  }
0x104: {  	[tilespmem:s0], [sflag:$0x1] =	stream.indirect.gather [hbm4b:s6+s31], $0x80, s9, s31, $0xb8;
	[tilespmem:$0x1F000] =	vst v63  }
0x105: {  	_ =	swait.ge [sflag:s21], $0x2800  }
0x106: {  	[sflag:s21] =	ssyncset.done $0x0  }
0x107: {  	s3 =	sadd.s32 $0x16080, s3;
	[sflag:s21] =	ssyncadd.s32 $0xFFFFD800  }
0x108: {  	[spmem:s1] =	stream.indirect.scatter.add.f32 [tilespmem:s19], [sflag:$0x3], $0x80, s3, s31, $0xb8;
	[tilespmem:$0x1F000] =	vst v63  }
0x109: {  	_ =	swait.ge [sflag:s30], $0x2800  }
0x10a: {  	[sflag:s30] =	ssyncset.done $0x0  }
0x10b: {  	[sflag:s30] =	ssyncadd.s32 $0xFFFFD800  }
0x10c: {  	_ =	swait.ge [sflag:s20], $0x2800  }
0x10d: {  	[sflag:s20] =	ssyncset.done $0x0  }
0x10e: {  	[sflag:s20] =	ssyncadd.s32 $0xFFFFD800  }
0x10f: {  	[spmem:s1] =	stream.indirect.scatter.add.f32 [tilespmem:s0], [sflag:$0x3], $0x80, s22, s31, $0xb8;
	[tilespmem:$0x1F000] =	vst v63  }
0x110: {  	_ =	swait.ge [sflag:s30], $0x2800  }
0x111: {  	[sflag:s30] =	ssyncset.done $0x0  }
0x112: {  	[sflag:s30] =	ssyncadd.s32 $0xFFFFD800  }
0x113: {  	[bflag:$0x0] =	sbarrier.arrive $0xFFFF  }
0x114: {  	s25 =	rddreg [dreg:$0xb]  }
0x115: {  	[hbm:s25], [sflag:s24] =	dma.local [spmem:s8], $0x2700  }
.Ltmp7:
0x116: {  	_ = 	snop;
	(pc) =	sbr.rel @!p2 .LBB2_19-.Ltmp7, $4  }
.Ltmp8:
0x117: {  	_ = 	snop;
	(pc) =	sbr.rel @p2 .LBB2_18-.Ltmp8, $4  }
0x118: {  	_ =	swait.ge [sflag:s30], $0x2700  }
0x119: {  	[sflag:s30] =	ssyncset.done $0x0  }
0x11a: {  	s3 =	rddreg [dreg:$0x3];
	[sflag:s30] =	ssyncadd.s32 $0xFFFFD900  }
0x11b: {  	_ = 	snop  }
.LBB2_10:
0x11c: {  	p3 =	sne.s32 s8, $0x9E00;
	[tilespmem:s3+$0x1A070] =	vst v0  }
0x11d: {  	[tilespmem:s3+$0x1A000] =	vst v0  }
0x11e: {  	[tilespmem:s3+$0x1A010] =	vst v0  }
.Ltmp9:
0x11f: {  	[tilespmem:s3+$0x1A020] =	vst v0;
	(pc) =	sbr.rel @p3 .LBB2_10-.Ltmp9, $4  }
0x120: {  	[tilespmem:s3+$0x1A030] =	vst v0  }
0x121: {  	[tilespmem:s3+$0x1A040] =	vst v0  }
0x122: {  	[tilespmem:s3+$0x1A050] =	vst v0  }
0x123: {  	[tilespmem:s3+$0x1A060] =	vst v0;
	s3 =	sshra.s32 s8, $0x2;
	s8 =	sadd.s32 $0x200, s8  }
0x124: {  	[tilespmem:s3+$0x1A070] =	vst v0  }
0x125: {  	[tilespmem:s3+$0x1A000] =	vst v0  }
0x126: {  	[tilespmem:s3+$0x1A010] =	vst v0  }
0x127: {  	[tilespmem:s3+$0x1A020] =	vst v0  }
0x128: {  	[tilespmem:s3+$0x1A030] =	vst v0  }
0x129: {  	[tilespmem:s3+$0x1A040] =	vst v0  }
0x12a: {  	[tilespmem:s3+$0x1A050] =	vst v0  }
0x12b: {  	[tilespmem:s3+$0x1A060] =	vst v0  }
0x12c: {  	[spmem:s10] =	stream.linear.scatter [tilespmem:s0], [sflag:$0x3], $0x2800, $0x38;
	[tilespmem:$0x1F000] =	vst v63  }
0x12d: {  	_ =	swait.ge [sflag:s30], $0x2800  }
0x12e: {  	[sflag:s30] =	ssyncset.done $0x0  }
0x12f: {  	[sflag:s30] =	ssyncadd.s32 $0xFFFFD800  }
0x130: {  	[spmem:s13] =	stream.linear.scatter [tilespmem:s0], [sflag:$0x3], $0x2800, $0x38;
	[tilespmem:$0x1F000] =	vst v63  }
0x131: {  	_ =	swait.ge [sflag:s30], $0x2800  }
0x132: {  	[sflag:s30] =	ssyncset.done $0x0  }
0x133: {  	[sflag:s30] =	ssyncadd.s32 $0xFFFFD800  }
0x134: {  	[spmem:s14] =	stream.linear.scatter [tilespmem:s0], [sflag:$0x3], $0x2800, $0x38;
	[tilespmem:$0x1F000] =	vst v63  }
0x135: {  	_ =	swait.ge [sflag:s30], $0x2800  }
0x136: {  	[sflag:s30] =	ssyncset.done $0x0  }
0x137: {  	[sflag:s30] =	ssyncadd.s32 $0xFFFFD800  }
0x138: {  	[spmem:s15] =	stream.linear.scatter [tilespmem:s0], [sflag:$0x3], $0x2800, $0x38;
	[tilespmem:$0x1F000] =	vst v63  }
0x139: {  	_ =	swait.ge [sflag:s30], $0x2800  }
0x13a: {  	[sflag:s30] =	ssyncset.done $0x0  }
0x13b: {  	[sflag:s30] =	ssyncadd.s32 $0xFFFFD800  }
0x13c: {  	[spmem:s16] =	stream.linear.scatter [tilespmem:s0], [sflag:$0x3], $0x2800, $0x38;
	[tilespmem:$0x1F000] =	vst v63  }
0x13d: {  	_ =	swait.ge [sflag:s30], $0x2800  }
0x13e: {  	[sflag:s30] =	ssyncset.done $0x0  }
0x13f: {  	[sflag:s30] =	ssyncadd.s32 $0xFFFFD800  }
0x140: {  	[spmem:s17] =	stream.linear.scatter [tilespmem:s0], [sflag:$0x3], $0x2800, $0x38;
	[tilespmem:$0x1F000] =	vst v63  }
0x141: {  	_ =	swait.ge [sflag:s30], $0x2800  }
0x142: {  	[sflag:s30] =	ssyncset.done $0x0  }
0x143: {  	[sflag:s30] =	ssyncadd.s32 $0xFFFFD800  }
0x144: {  	[spmem:s18] =	stream.linear.scatter [tilespmem:s0], [sflag:$0x3], $0x2800, $0x38;
	[tilespmem:$0x1F000] =	vst v63  }
0x145: {  	_ =	swait.ge [sflag:s30], $0x2800  }
0x146: {  	[sflag:s30] =	ssyncset.done $0x0  }
0x147: {  	[sflag:s30] =	ssyncadd.s32 $0xFFFFD800  }
0x148: {  	[spmem:s26] =	stream.linear.scatter [tilespmem:s0], [sflag:$0x3], $0x2000, $0x38;
	[tilespmem:$0x1F000] =	vst v63  }
0x149: {  	_ =	swait.ge [sflag:s30], $0x2000  }
0x14a: {  	[sflag:s30] =	ssyncset.done $0x0  }
0x14b: {  	s3 =	simm.s32 @!p0 $0x1A000;
	[sflag:s30] =	ssyncadd.s32 $0xFFFFE000  }
0x14c: {  	[spmem:s28] =	stream.linear.scatter @!p0 [tilespmem:s3], [sflag:$0x3], $0x800, $0x38;
	[tilespmem:$0x1F000] =	vst v63  }
0x14d: {  	s3 =	simm.s32 @!p0 $0x3  }
0x14e: {  	_ =	swait.ge @!p0 [sflag:s3], $0x800  }
0x14f: {  	[sflag:s3] =	ssyncset.done @!p0 $0x0  }
0x150: {  	[sflag:s3] =	ssyncadd.s32 @!p0 $0xFFFFF800  }
0x151: {  	[bflag:$0x0] =	sbarrier.arrive $0xFFFF  }
0x152: {  	[tilespmem:s0], [sflag:$0x1] =	stream.indirect.gather [hbm4b:s5+s31], $0x80, s29, s31, $0xb8;
	[tilespmem:$0x1F000] =	vst v63  }
0x153: {  	s11 =	simm.s32 $0x138D0  }
0x154: {  	[tilespmem:s19], [sflag:$0x2] =	stream.indirect.gather [hbm4b:s5+s31], $0x80, s11, s31, $0xb8;
	[tilespmem:$0x1F000] =	vst v63  }
0x155: {  	_ =	swait.ge [sflag:s20], $0x2800  }
0x156: {  	[sflag:s20] =	ssyncset.done $0x0  }
0x157: {  	s12 =	simm.s32 $0x16000;
	[sflag:s20] =	ssyncadd.s32 $0xFFFFD800  }
0x158: {  	[spmem:s1] =	stream.indirect.scatter.add.f32 [tilespmem:s0], [sflag:$0x3], $0x80, s12, s31, $0xb8;
	[tilespmem:$0x1F000] =	vst v63  }
0x159: {  	_ =	swait.ge [sflag:s30], $0x2800  }
0x15a: {  	[sflag:s30] =	ssyncset.done $0x0  }
0x15b: {  	s24 =	simm.s32 $0x13920;
	[sflag:s30] =	ssyncadd.s32 $0xFFFFD800  }
0x15c: {  	[tilespmem:s0], [sflag:$0x1] =	stream.indirect.gather [hbm4b:s5+s31], $0x80, s24, s31, $0xb8;
	[tilespmem:$0x1F000] =	vst v63  }
0x15d: {  	_ =	swait.ge [sflag:s21], $0x2800  }
0x15e: {  	[sflag:s21] =	ssyncset.done $0x0  }
0x15f: {  	s25 =	simm.s32 $0x16080;
	[sflag:s21] =	ssyncadd.s32 $0xFFFFD800  }
0x160: {  	[spmem:s1] =	stream.indirect.scatter.add.f32 [tilespmem:s19], [sflag:$0x3], $0x80, s25, s31, $0xb8;
	[tilespmem:$0x1F000] =	vst v63  }
0x161: {  	s9 =	simm.s32 $0x400;
	_ =	swait.ge [sflag:s30], $0x2800  }
0x162: {  	s8 =	simm.s32 $0x139C0;
	s3 =	simm.s32 $0x800;
	[sflag:s30] =	ssyncset.done $0x0  }
.LBB2_12:
0x163: {  	p3 =	sne.s32 s3, $0xF400;
	s11 =	sadd.s32 $0xFFFFFFB0, s8;
	[sflag:s30] =	ssyncadd.s32 $0xFFFFD800  }
0x164: {  	[tilespmem:s19], [sflag:$0x2] =	stream.indirect.gather [hbm4b:s5+s31], $0x80, s11, s31, $0xb8;
	[tilespmem:$0x1F000] =	vst v63  }
0x165: {  	s11 =	smov.u32 s3;
	s3 =	sadd.s32 $0x400, s3;
	_ =	swait.ge [sflag:s20], $0x2800  }
0x166: {  	s24 =	sshra.s32 s9, $0x2;
	s9 =	smov.u32 s11;
	[sflag:s20] =	ssyncset.done $0x0  }
0x167: {  	s11 =	sadd.s32 $0x16000, s24;
	[sflag:s20] =	ssyncadd.s32 $0xFFFFD800  }
0x168: {  	[spmem:s1] =	stream.indirect.scatter.add.f32 [tilespmem:s0], [sflag:$0x3], $0x80, s11, s31, $0xb8;
	[tilespmem:$0x1F000] =	vst v63  }
0x169: {  	_ =	swait.ge [sflag:s30], $0x2800  }
0x16a: {  	[sflag:s30] =	ssyncset.done $0x0  }
0x16b: {  	[sflag:s30] =	ssyncadd.s32 $0xFFFFD800  }
0x16c: {  	[tilespmem:s0], [sflag:$0x1] =	stream.indirect.gather [hbm4b:s5+s31], $0x80, s8, s31, $0xb8;
	[tilespmem:$0x1F000] =	vst v63  }
0x16d: {  	_ =	swait.ge [sflag:s21], $0x2800  }
.Ltmp10:
0x16e: {  	[sflag:s21] =	ssyncset.done $0x0;
	(pc) =	sbr.rel @p3 .LBB2_12-.Ltmp10, $4  }
0x16f: {  	s11 =	sadd.s32 $0x16080, s24;
	[sflag:s21] =	ssyncadd.s32 $0xFFFFD800  }
0x170: {  	[spmem:s1] =	stream.indirect.scatter.add.f32 [tilespmem:s19], [sflag:$0x3], $0x80, s11, s31, $0xb8;
	[tilespmem:$0x1F000] =	vst v63  }
0x171: {  	_ =	swait.ge [sflag:s30], $0x2800  }
0x172: {  	s8 =	sadd.s32 $0xA0, s8;
	[sflag:s30] =	ssyncset.done $0x0  }
0x173: {  	s3 =	sadd.s32 $0xFFFFFFB0, s8;
	[sflag:s30] =	ssyncadd.s32 $0xFFFFD800  }
0x174: {  	[tilespmem:s19], [sflag:$0x2] =	stream.indirect.gather [hbm4b:s5+s31], $0x80, s3, s31, $0xb8;
	[tilespmem:$0x1F000] =	vst v63  }
0x175: {  	_ =	swait.ge [sflag:s20], $0x2800  }
0x176: {  	s12 =	sshra.s32 s9, $0x2;
	[sflag:s20] =	ssyncset.done $0x0  }
0x177: {  	s9 =	sadd.s32 $0x16000, s12;
	[sflag:s20] =	ssyncadd.s32 $0xFFFFD800  }
0x178: {  	[spmem:s1] =	stream.indirect.scatter.add.f32 [tilespmem:s0], [sflag:$0x3], $0x80, s9, s31, $0xb8;
	[tilespmem:$0x1F000] =	vst v63  }
0x179: {  	_ =	swait.ge [sflag:s30], $0x2800  }
0x17a: {  	[sflag:s30] =	ssyncset.done $0x0  }
0x17b: {  	[sflag:s30] =	ssyncadd.s32 $0xFFFFD800  }
0x17c: {  	[tilespmem:s0], [sflag:$0x1] =	stream.indirect.gather [hbm4b:s5+s31], $0x80, s8, s31, $0xb8;
	[tilespmem:$0x1F000] =	vst v63  }
0x17d: {  	_ =	swait.ge [sflag:s21], $0x2800  }
0x17e: {  	[sflag:s21] =	ssyncset.done $0x0  }
0x17f: {  	s3 =	sadd.s32 $0x16080, s12;
	[sflag:s21] =	ssyncadd.s32 $0xFFFFD800  }
0x180: {  	[spmem:s1] =	stream.indirect.scatter.add.f32 [tilespmem:s19], [sflag:$0x3], $0x80, s3, s31, $0xb8;
	[tilespmem:$0x1F000] =	vst v63  }
0x181: {  	_ =	swait.ge [sflag:s30], $0x2800  }
0x182: {  	[sflag:s30] =	ssyncset.done $0x0  }
0x183: {  	[sflag:s30] =	ssyncadd.s32 $0xFFFFD800  }
0x184: {  	_ =	swait.ge [sflag:s20], $0x2800  }
0x185: {  	[sflag:s20] =	ssyncset.done $0x0  }
0x186: {  	[sflag:s20] =	ssyncadd.s32 $0xFFFFD800  }
0x187: {  	[spmem:s1] =	stream.indirect.scatter.add.f32 [tilespmem:s0], [sflag:$0x3], $0x80, s22, s31, $0xb8;
	[tilespmem:$0x1F000] =	vst v63  }
0x188: {  	_ =	swait.ge [sflag:s30], $0x2800  }
0x189: {  	[sflag:s30] =	ssyncset.done $0x0  }
0x18a: {  	s24 =	stileid.u32;
	[sflag:s30] =	ssyncadd.s32 $0xFFFFD800  }
0x18b: {  	s3 =	sshll.u32 s24, $0x6;
	[bflag:$0x0] =	sbarrier.arrive $0xFFFF  }
0x18c: {  	s8 =	sshrl.u32 s10, $0x3;
	s24 =	sor.u32 $0x1C03, s3;
	s25 =	rddreg [dreg:$0x7]  }
0x18d: {  	[hbm:s25], [sflag:s24] =	dma.local [spmem:s8], $0x2700  }
0x18e: {  	_ =	swait.ge [sflag:s30], $0x2700  }
0x18f: {  	[sflag:s30] =	ssyncset.done $0x0  }
0x190: {  	s3 =	sshrl.u32 @p2 s28, $0x3;
	s9 =	rddreg [dreg:$0x8];
	[sflag:s30] =	ssyncadd.s32 $0xFFFFD900  }
0x191: {  	[hbm:s9], [sflag:s24] =	dma.local @p2 [spmem:s3], $0x100  }
0x192: {  	s3 =	simm.s32 @p2 $0x3  }
0x193: {  	_ =	swait.ge @p2 [sflag:s3], $0x100  }
0x194: {  	[sflag:s3] =	ssyncset.done @p2 $0x0  }
0x195: {  	s9 =	simm.s32 $0x200;
	[sflag:s3] =	ssyncadd.s32 @p2 $0xFFFFFF00;
	s3 =	simm.s32 $0x0  }
.LBB2_14:
0x196: {  	p3 =	sne.s32 s9, $0x9E00;
	[tilespmem:s3+$0x1A070] =	vst v0  }
0x197: {  	[tilespmem:s3+$0x1A000] =	vst v0  }
0x198: {  	[tilespmem:s3+$0x1A010] =	vst v0  }
.Ltmp11:
0x199: {  	[tilespmem:s3+$0x1A020] =	vst v0;
	(pc) =	sbr.rel @p3 .LBB2_14-.Ltmp11, $4  }
0x19a: {  	[tilespmem:s3+$0x1A030] =	vst v0  }
0x19b: {  	[tilespmem:s3+$0x1A040] =	vst v0  }
0x19c: {  	[tilespmem:s3+$0x1A050] =	vst v0  }
0x19d: {  	[tilespmem:s3+$0x1A060] =	vst v0;
	s3 =	sshra.s32 s9, $0x2;
	s9 =	sadd.s32 $0x200, s9  }
0x19e: {  	[tilespmem:s3+$0x1A070] =	vst v0  }
0x19f: {  	[tilespmem:s3+$0x1A000] =	vst v0  }
0x1a0: {  	[tilespmem:s3+$0x1A010] =	vst v0  }
0x1a1: {  	[tilespmem:s3+$0x1A020] =	vst v0  }
0x1a2: {  	[tilespmem:s3+$0x1A030] =	vst v0  }
0x1a3: {  	[tilespmem:s3+$0x1A040] =	vst v0  }
0x1a4: {  	[tilespmem:s3+$0x1A050] =	vst v0  }
0x1a5: {  	[tilespmem:s3+$0x1A060] =	vst v0  }
0x1a6: {  	[spmem:s10] =	stream.linear.scatter [tilespmem:s0], [sflag:$0x3], $0x2800, $0x38;
	[tilespmem:$0x1F000] =	vst v63  }
0x1a7: {  	_ =	swait.ge [sflag:s30], $0x2800  }
0x1a8: {  	[sflag:s30] =	ssyncset.done $0x0  }
0x1a9: {  	[sflag:s30] =	ssyncadd.s32 $0xFFFFD800  }
0x1aa: {  	[spmem:s13] =	stream.linear.scatter [tilespmem:s0], [sflag:$0x3], $0x2800, $0x38;
	[tilespmem:$0x1F000] =	vst v63  }
0x1ab: {  	_ =	swait.ge [sflag:s30], $0x2800  }
0x1ac: {  	[sflag:s30] =	ssyncset.done $0x0  }
0x1ad: {  	[sflag:s30] =	ssyncadd.s32 $0xFFFFD800  }
0x1ae: {  	[spmem:s14] =	stream.linear.scatter [tilespmem:s0], [sflag:$0x3], $0x2800, $0x38;
	[tilespmem:$0x1F000] =	vst v63  }
0x1af: {  	_ =	swait.ge [sflag:s30], $0x2800  }
0x1b0: {  	[sflag:s30] =	ssyncset.done $0x0  }
0x1b1: {  	[sflag:s30] =	ssyncadd.s32 $0xFFFFD800  }
0x1b2: {  	[spmem:s15] =	stream.linear.scatter [tilespmem:s0], [sflag:$0x3], $0x2800, $0x38;
	[tilespmem:$0x1F000] =	vst v63  }
0x1b3: {  	_ =	swait.ge [sflag:s30], $0x2800  }
0x1b4: {  	[sflag:s30] =	ssyncset.done $0x0  }
0x1b5: {  	[sflag:s30] =	ssyncadd.s32 $0xFFFFD800  }
0x1b6: {  	[spmem:s16] =	stream.linear.scatter [tilespmem:s0], [sflag:$0x3], $0x2800, $0x38;
	[tilespmem:$0x1F000] =	vst v63  }
0x1b7: {  	_ =	swait.ge [sflag:s30], $0x2800  }
0x1b8: {  	[sflag:s30] =	ssyncset.done $0x0  }
0x1b9: {  	[sflag:s30] =	ssyncadd.s32 $0xFFFFD800  }
0x1ba: {  	[spmem:s17] =	stream.linear.scatter [tilespmem:s0], [sflag:$0x3], $0x2800, $0x38;
	[tilespmem:$0x1F000] =	vst v63  }
0x1bb: {  	_ =	swait.ge [sflag:s30], $0x2800  }
0x1bc: {  	[sflag:s30] =	ssyncset.done $0x0  }
0x1bd: {  	[sflag:s30] =	ssyncadd.s32 $0xFFFFD800  }
0x1be: {  	[spmem:s18] =	stream.linear.scatter [tilespmem:s0], [sflag:$0x3], $0x2800, $0x38;
	[tilespmem:$0x1F000] =	vst v63  }
0x1bf: {  	_ =	swait.ge [sflag:s30], $0x2800  }
0x1c0: {  	[sflag:s30] =	ssyncset.done $0x0  }
0x1c1: {  	[sflag:s30] =	ssyncadd.s32 $0xFFFFD800  }
0x1c2: {  	[spmem:s26] =	stream.linear.scatter [tilespmem:s0], [sflag:$0x3], $0x2000, $0x38;
	[tilespmem:$0x1F000] =	vst v63  }
0x1c3: {  	_ =	swait.ge [sflag:s30], $0x2000  }
0x1c4: {  	[sflag:s30] =	ssyncset.done $0x0  }
0x1c5: {  	s3 =	simm.s32 @!p0 $0x1A000;
	[sflag:s30] =	ssyncadd.s32 $0xFFFFE000  }
0x1c6: {  	[spmem:s28] =	stream.linear.scatter @!p0 [tilespmem:s3], [sflag:$0x3], $0x800, $0x38;
	[tilespmem:$0x1F000] =	vst v63  }
0x1c7: {  	s3 =	simm.s32 @!p0 $0x3  }
0x1c8: {  	_ =	swait.ge @!p0 [sflag:s3], $0x800  }
0x1c9: {  	[sflag:s3] =	ssyncset.done @!p0 $0x0  }
0x1ca: {  	[sflag:s3] =	ssyncadd.s32 @!p0 $0xFFFFF800  }
0x1cb: {  	[bflag:$0x0] =	sbarrier.arrive $0xFFFF  }
0x1cc: {  	[tilespmem:s0], [sflag:$0x1] =	stream.indirect.gather [hbm4b:s7+s31], $0x80, s29, s31, $0xb8;
	[tilespmem:$0x1F000] =	vst v63  }
0x1cd: {  	s9 =	simm.s32 $0x138D0  }
0x1ce: {  	[tilespmem:s19], [sflag:$0x2] =	stream.indirect.gather [hbm4b:s7+s31], $0x80, s9, s31, $0xb8;
	[tilespmem:$0x1F000] =	vst v63  }
0x1cf: {  	_ =	swait.ge [sflag:s20], $0x2800  }
0x1d0: {  	[sflag:s20] =	ssyncset.done $0x0  }
0x1d1: {  	s11 =	simm.s32 $0x16000;
	[sflag:s20] =	ssyncadd.s32 $0xFFFFD800  }
0x1d2: {  	[spmem:s1] =	stream.indirect.scatter.add.f32 [tilespmem:s0], [sflag:$0x3], $0x80, s11, s31, $0xb8;
	[tilespmem:$0x1F000] =	vst v63  }
0x1d3: {  	_ =	swait.ge [sflag:s30], $0x2800  }
0x1d4: {  	[sflag:s30] =	ssyncset.done $0x0  }
0x1d5: {  	s12 =	simm.s32 $0x13920;
	[sflag:s30] =	ssyncadd.s32 $0xFFFFD800  }
0x1d6: {  	[tilespmem:s0], [sflag:$0x1] =	stream.indirect.gather [hbm4b:s7+s31], $0x80, s12, s31, $0xb8;
	[tilespmem:$0x1F000] =	vst v63  }
0x1d7: {  	_ =	swait.ge [sflag:s21], $0x2800  }
0x1d8: {  	[sflag:s21] =	ssyncset.done $0x0  }
0x1d9: {  	s25 =	simm.s32 $0x16080;
	[sflag:s21] =	ssyncadd.s32 $0xFFFFD800  }
0x1da: {  	[spmem:s1] =	stream.indirect.scatter.add.f32 [tilespmem:s19], [sflag:$0x3], $0x80, s25, s31, $0xb8;
	[tilespmem:$0x1F000] =	vst v63  }
0x1db: {  	s3 =	simm.s32 $0x400;
	_ =	swait.ge [sflag:s30], $0x2800  }
0x1dc: {  	s9 =	simm.s32 $0x139C0;
	s11 =	simm.s32 $0x800;
	[sflag:s30] =	ssyncset.done $0x0  }
.LBB2_16:
0x1dd: {  	p3 =	sne.s32 s11, $0xF400;
	s12 =	sadd.s32 $0xFFFFFFB0, s9;
	[sflag:s30] =	ssyncadd.s32 $0xFFFFD800  }
0x1de: {  	[tilespmem:s19], [sflag:$0x2] =	stream.indirect.gather [hbm4b:s7+s31], $0x80, s12, s31, $0xb8;
	[tilespmem:$0x1F000] =	vst v63  }
0x1df: {  	s12 =	smov.u32 s11;
	s11 =	sadd.s32 $0x400, s11;
	_ =	swait.ge [sflag:s20], $0x2800  }
0x1e0: {  	s25 =	sshra.s32 s3, $0x2;
	s3 =	smov.u32 s12;
	[sflag:s20] =	ssyncset.done $0x0  }
0x1e1: {  	s12 =	sadd.s32 $0x16000, s25;
	[sflag:s20] =	ssyncadd.s32 $0xFFFFD800  }
0x1e2: {  	[spmem:s1] =	stream.indirect.scatter.add.f32 [tilespmem:s0], [sflag:$0x3], $0x80, s12, s31, $0xb8;
	[tilespmem:$0x1F000] =	vst v63  }
0x1e3: {  	_ =	swait.ge [sflag:s30], $0x2800  }
0x1e4: {  	[sflag:s30] =	ssyncset.done $0x0  }
0x1e5: {  	[sflag:s30] =	ssyncadd.s32 $0xFFFFD800  }
0x1e6: {  	[tilespmem:s0], [sflag:$0x1] =	stream.indirect.gather [hbm4b:s7+s31], $0x80, s9, s31, $0xb8;
	[tilespmem:$0x1F000] =	vst v63  }
0x1e7: {  	_ =	swait.ge [sflag:s21], $0x2800  }
.Ltmp12:
0x1e8: {  	[sflag:s21] =	ssyncset.done $0x0;
	(pc) =	sbr.rel @p3 .LBB2_16-.Ltmp12, $4  }
0x1e9: {  	s12 =	sadd.s32 $0x16080, s25;
	[sflag:s21] =	ssyncadd.s32 $0xFFFFD800  }
0x1ea: {  	[spmem:s1] =	stream.indirect.scatter.add.f32 [tilespmem:s19], [sflag:$0x3], $0x80, s12, s31, $0xb8;
	[tilespmem:$0x1F000] =	vst v63  }
0x1eb: {  	_ =	swait.ge [sflag:s30], $0x2800  }
0x1ec: {  	s9 =	sadd.s32 $0xA0, s9;
	[sflag:s30] =	ssyncset.done $0x0  }
0x1ed: {  	s11 =	sadd.s32 $0xFFFFFFB0, s9;
	[sflag:s30] =	ssyncadd.s32 $0xFFFFD800  }
0x1ee: {  	[tilespmem:s19], [sflag:$0x2] =	stream.indirect.gather [hbm4b:s7+s31], $0x80, s11, s31, $0xb8;
	[tilespmem:$0x1F000] =	vst v63  }
0x1ef: {  	_ =	swait.ge [sflag:s20], $0x2800  }
0x1f0: {  	s3 =	sshra.s32 s3, $0x2;
	[sflag:s20] =	ssyncset.done $0x0  }
0x1f1: {  	s12 =	sadd.s32 $0x16000, s3;
	[sflag:s20] =	ssyncadd.s32 $0xFFFFD800  }
0x1f2: {  	[spmem:s1] =	stream.indirect.scatter.add.f32 [tilespmem:s0], [sflag:$0x3], $0x80, s12, s31, $0xb8;
	[tilespmem:$0x1F000] =	vst v63  }
0x1f3: {  	_ =	swait.ge [sflag:s30], $0x2800  }
0x1f4: {  	[sflag:s30] =	ssyncset.done $0x0  }
0x1f5: {  	[sflag:s30] =	ssyncadd.s32 $0xFFFFD800  }
0x1f6: {  	[tilespmem:s0], [sflag:$0x1] =	stream.indirect.gather [hbm4b:s7+s31], $0x80, s9, s31, $0xb8;
	[tilespmem:$0x1F000] =	vst v63  }
0x1f7: {  	_ =	swait.ge [sflag:s21], $0x2800  }
0x1f8: {  	[sflag:s21] =	ssyncset.done $0x0  }
0x1f9: {  	s3 =	sadd.s32 $0x16080, s3;
	[sflag:s21] =	ssyncadd.s32 $0xFFFFD800  }
0x1fa: {  	[spmem:s1] =	stream.indirect.scatter.add.f32 [tilespmem:s19], [sflag:$0x3], $0x80, s3, s31, $0xb8;
	[tilespmem:$0x1F000] =	vst v63  }
0x1fb: {  	_ =	swait.ge [sflag:s30], $0x2800  }
0x1fc: {  	[sflag:s30] =	ssyncset.done $0x0  }
0x1fd: {  	[sflag:s30] =	ssyncadd.s32 $0xFFFFD800  }
0x1fe: {  	_ =	swait.ge [sflag:s20], $0x2800  }
0x1ff: {  	[sflag:s20] =	ssyncset.done $0x0  }
0x200: {  	[sflag:s20] =	ssyncadd.s32 $0xFFFFD800  }
0x201: {  	[spmem:s1] =	stream.indirect.scatter.add.f32 [tilespmem:s0], [sflag:$0x3], $0x80, s22, s31, $0xb8;
	[tilespmem:$0x1F000] =	vst v63  }
0x202: {  	_ =	swait.ge [sflag:s30], $0x2800  }
0x203: {  	[sflag:s30] =	ssyncset.done $0x0  }
0x204: {  	[sflag:s30] =	ssyncadd.s32 $0xFFFFD800  }
0x205: {  	[bflag:$0x0] =	sbarrier.arrive $0xFFFF  }
0x206: {  	s25 =	rddreg [dreg:$0xc]  }
0x207: {  	[hbm:s25], [sflag:s24] =	dma.local [spmem:s8], $0x2700  }
.Ltmp13:
0x208: {  	_ = 	snop;
	(pc) =	sbr.rel @p0 .LBB2_19-.Ltmp13, $4  }
.Ltmp14:
0x209: {  	_ = 	snop;
	(pc) =	sbr.rel @!p0 .LBB2_18-.Ltmp14, $4  }
0x20a: {  	_ =	swait.ge [sflag:s30], $0x2700  }
0x20b: {  	[sflag:s30] =	ssyncset.done $0x0  }
0x20c: {  	s3 =	rddreg [dreg:$0x4];
	[sflag:s30] =	ssyncadd.s32 $0xFFFFD900  }
0x20d: {  	_ = 	snop  }
.LBB2_20:
0x20e: {  	_ =	sfence.sel $0x180000  }
0x20f: {  	[bflag:$0x0] =	sbarrier.arrive $0xFFFF  }
0x210: {  	_ =	strace $0x9000004D  }
0x211: {  	[bflag:$0x2] =	sbarrier.arrive $0xFFFF  }
0x212: {  	s0 =	rddreg [dreg:$0x2]  }
0x213: {  	s0 =	sadd.s32 @!p0 $0x100000, s0  }
0x214: {  	[sflag:s0] =	ssyncadd.tile.s32 @!p0 $0x1;
	_ =	shalt  }
.Lfunc_end2:
_tile_overlayer_lowered:
.L_overlay_start_2:
0x215: {  	(tag) =	ssettag $0x2  }
0x216: {  	s0 =	rddreg [dreg:$0x0];
	s2 =	stileid.u32  }
0x217: {  	s1 =	rddreg [dreg:$0x1];
	p0 =	sne.s32 s2, $0x0  }
0x218: {  	s3 =	rddreg [dreg:$0x2];
	[bflag:$0x3] =	sbarrier.arrive $0xFFFF;
	s2 =	simm.s32 @!p0 $0x1C03  }
0x219: {  	[timem:s3], [sflag:s2] =	dma.local @!p0 [hbm:s0], s1  }
0x21a: {  	s0 =	simm.s32 @!p0 $0x3  }
0x21b: {  	_ =	swait.ge @!p0 [sflag:s0], s1  }
0x21c: {  	s1 =	ssub.s32 @!p0 $0x0, s1;
	[sflag:s0] =	ssyncset.done @!p0 $0x0  }
0x21d: {  	[sflag:s0] =	ssyncadd.s32 @!p0 s1  }
0x21e: {  	[bflag:$0x3] =	sbarrier.arrive $0xFFFF  }
0x21f: {  	_ =	shalt  }

// kernel: kernel.8.cloned.1.call-start
scs
__scs_entry_jumppad:
0x0: {  	(pc) =	sbr.rel $0x88, $3  }
0x1: {  	(tag) =	ssettag $0x0;
	lr =	simm.s32 $0x1  }
0x2: {  	[smem:$0x3F98] =	sst lr;
	_ =	strace $0xD0000000  }
0x3: {  	_ = 	snop  }
0x4: {  	_ = 	snop  }
0x5: {  	_ = 	snop  }
0x6: {  	_ = 	snop  }
0x7: {  	_ = 	snop  }
__scs_overlays_trampoline_lowered:
0x8: {  	[smem:$0x3FA7] =	sst s0  }
0x9: {  	[smem:$0x3FA8] =	sst s1  }
0xa: {  	[smem:$0x3FA9] =	sst s2  }
0xb: {  	[smem:$0x3FAA] =	sst s3  }
0xc: {  	[smem:$0x3FAB] =	sst s4  }
0xd: {  	[smem:$0x3FAC] =	sst s5  }
0xe: {  	[smem:$0x3FAD] =	sst s6  }
0xf: {  	[smem:$0x3FAE] =	sst s7  }
0x10: {  	[smem:$0x3FAF] =	sst s8  }
0x11: {  	[smem:$0x3FB0] =	sst s9;
	s0 =	simm.s32 @!p0 $0x0  }
0x12: {  	s1 =	sld [smem:$0x3F96];
	s0 =	simm.s32 @p0 $0x1  }
0x13: {  	[smem:$0x3FB1] =	sst s0;
	s0 =	simm.s32 @!p1 $0x0  }
0x14: {  	s2 =	sld [smem:$0x3F95];
	s0 =	simm.s32 @p1 $0x1  }
0x15: {  	[smem:$0x3FB2] =	sst s0;
	s0 =	simm.s32 @!p2 $0x0  }
0x16: {  	s3 =	sld [smem:$0x3FDB];
	s0 =	simm.s32 @p2 $0x1  }
0x17: {  	s4 =	simm.s32 $0x1BF5;
	[smem:$0x3FB4] =	sst s0  }
0x18: {  	s0 =	sld [smem:$0x3F97];
	_ =	swait.ge [sflag:s4], $0x0  }
0x19: {  	s7 =	sld [smem:$0x3F98]  }
0x1a: {  	s8 =	sadd.s32 $0xFFFFE003, lr  }
0x1b: {  	s9 =	sadd.s32 $0xFFFFFEF7, lr;
	s5 =	simm.s32 $0xFFFFFFFF;
	p2 =	slt.u32 s8, $0xFFFFF086  }
0x1c: {  	p1 =	slt.u32 s9, $0xF7A;
	s5 =	simm.s32 @!p2 $0x0  }
0x1d: {  	s5 =	simm.s32 @p1 $0x1;
	p0 =	seq.s32 s7, s2  }
0x1e: {  	s7 =	smul.u32 @!p0 $0xF7A, s2;
	p2 =	seq.s32 @!p0 s5, $0x0  }
0x1f: {  	s9 =	smul.u32 $0xF7A, s1;
	s8 =	simm.s32 @!p0 $0x1BF5;
	p2 =	por !p2, p0  }
0x20: {  	[sflag:s8] =	ssyncset.s32 @!p0 $0xFFFFF086;
	s6 =	sadd.s32 @!p0 s3, s7;
	s7 =	simm.s32 @!p0 $0x108  }
0x21: {  	s3 =	sadd.s32 s3, s9;
	s6 =	sadd.s32 @!p0 $0x88, s6;
	s7 =	simm.s32 @p2 $0x1082  }
0x22: {  	[simem:s7], [sflag:s8] =	dma.local @!p0 [hbm:s6], $0xF7A  }
0x23: {  	s9 =	sor.u32 $0xD0000000, s2;
	s6 =	simm.s32 $0x108;
	_ =	swait.ge @!p0 [sflag:s8], $0x0  }
0x24: {  	s3 =	sadd.s32 $0x88, s3;
	s6 =	simm.s32 @!p1 $0x1082;
	[sflag:s4] =	ssyncset.s32 $0xFFFFF086  }
0x25: {  	[simem:s6], [sflag:s4] =	dma.local [hbm:s3], $0xF7A  }
0x26: {  	[smem:$0x3F98] =	sst s1;
	(tag) =	ssettag s2;
	_ =	strace s9  }
0x27: {  	s1 =	sld [smem:$0x3FA8]  }
0x28: {  	s2 =	sld [smem:$0x3FA9]  }
0x29: {  	s4 =	sld [smem:$0x3FAB]  }
0x2a: {  	p0 =	seq.s32 s5, $0x0;
	s5 =	sld [smem:$0x3FAC]  }
0x2b: {  	s6 =	sld [smem:$0x3FAD]  }
0x2c: {  	s7 =	sld [smem:$0x3FAE]  }
0x2d: {  	s3 =	simm.s32 $0x108;
	s8 =	sld [smem:$0x3FAF]  }
0x2e: {  	s3 =	simm.s32 @!p0 $0x1082;
	s9 =	sld [smem:$0x3FB0]  }
0x2f: {  	lr =	sadd.s32 s0, s3;
	s0 =	sld [smem:$0x3FA7]  }
0x30: {  	s3 =	sld [smem:$0x3FAA]  }
0x31: {  	[smem:$0x3FB3] =	sst s10  }
0x32: {  	s10 =	sld [smem:$0x3FB1];
	_ =	sdelay $0x3  }
0x33: {  	p0 =	seq.s32 s10, $0x1;
	s10 =	sld [smem:$0x3FB3];
	_ =	sdelay $0x3  }
0x34: {  	[smem:$0x3FB3] =	sst s10  }
0x35: {  	s10 =	sld [smem:$0x3FB2];
	_ =	sdelay $0x3  }
0x36: {  	p1 =	seq.s32 s10, $0x1;
	s10 =	sld [smem:$0x3FB3];
	_ =	sdelay $0x3  }
0x37: {  	[smem:$0x3FB3] =	sst s10  }
0x38: {  	s10 =	sld [smem:$0x3FB4]  }
0x39: {  	_ = 	snop;
	(pc) =	sbr.ind lr, $3  }
0x3a: {  	_ = 	snop  }
0x3b: {  	_ = 	snop  }
0x3c: {  	p2 =	seq.s32 s10, $0x1;
	s10 =	sld [smem:$0x3FB3]  }
0x3d: {  	_ =	shalt  }
0x3e: {  	_ =	shalt  }
0x3f: {  	_ =	shalt  }
0x40: {  	_ =	shalt  }
0x41: {  	_ =	shalt  }
0x42: {  	_ =	shalt  }
0x43: {  	_ =	shalt  }
0x44: {  	_ =	shalt  }
0x45: {  	_ =	shalt  }
0x46: {  	_ =	shalt  }
0x47: {  	_ =	shalt  }
0x48: {  	_ =	shalt  }
0x49: {  	_ =	shalt  }
0x4a: {  	_ =	shalt  }
0x4b: {  	_ =	shalt  }
0x4c: {  	_ =	shalt  }
0x4d: {  	_ =	shalt  }
0x4e: {  	_ =	shalt  }
0x4f: {  	_ =	shalt  }
0x50: {  	_ =	shalt  }
0x51: {  	_ =	shalt  }
0x52: {  	_ =	shalt  }
0x53: {  	_ =	shalt  }
0x54: {  	_ =	shalt  }
0x55: {  	_ =	shalt  }
0x56: {  	_ =	shalt  }
0x57: {  	_ =	shalt  }
0x58: {  	_ =	shalt  }
0x59: {  	_ =	shalt  }
0x5a: {  	_ =	shalt  }
0x5b: {  	_ =	shalt  }
0x5c: {  	_ =	shalt  }
0x5d: {  	_ =	shalt  }
0x5e: {  	_ =	shalt  }
0x5f: {  	_ =	shalt  }
0x60: {  	_ =	shalt  }
0x61: {  	_ =	shalt  }
0x62: {  	_ =	shalt  }
0x63: {  	_ =	shalt  }
0x64: {  	_ =	shalt  }
0x65: {  	_ =	shalt  }
0x66: {  	_ =	shalt  }
0x67: {  	_ =	shalt  }
0x68: {  	_ =	shalt  }
0x69: {  	_ =	shalt  }
0x6a: {  	_ =	shalt  }
0x6b: {  	_ =	shalt  }
0x6c: {  	_ =	shalt  }
0x6d: {  	_ =	shalt  }
0x6e: {  	_ =	shalt  }
0x6f: {  	_ =	shalt  }
0x70: {  	_ =	shalt  }
0x71: {  	_ =	shalt  }
0x72: {  	_ =	shalt  }
0x73: {  	_ =	shalt  }
0x74: {  	_ =	shalt  }
0x75: {  	_ =	shalt  }
0x76: {  	_ =	shalt  }
0x77: {  	_ =	shalt  }
0x78: {  	_ =	shalt  }
0x79: {  	_ =	shalt  }
0x7a: {  	_ =	shalt  }
0x7b: {  	_ =	shalt  }
0x7c: {  	_ =	shalt  }
0x7d: {  	_ =	shalt  }
0x7e: {  	_ =	shalt  }
0x7f: {  	_ =	shalt  }
0x80: {  	_ =	shalt  }
0x81: {  	_ =	shalt  }
0x82: {  	_ =	shalt  }
0x83: {  	_ =	shalt  }
0x84: {  	_ =	shalt  }
0x85: {  	_ =	shalt  }
0x86: {  	_ =	shalt  }
0x87: {  	_ =	shalt  }
.Lfunc_end0:
.L_simem_size_0:
called_computation_lowered:
.L_overlay_start_0:
0x88: {  	s2 =	sld [smem:$0x3FD9]  }
0x89: {  	s3 =	sld [smem:$0x3FFE];
	_ =	sdelay $0x1  }
0x8a: {  	s1 =	srdreg.scid  }
0x8b: {  	s0 =	sand.u32 $0x1, s1  }
0x8c: {  	s16 =	sshll.u32 s0, $0xA;
	s2 =	sadd.s32 s3, s2  }
0x8d: {  	s2 =	sadd.s32 s2, s16  }
0x8e: {  	[smem:$0x3FBF] =	sst s2  }
0x8f: {  	_ = 	snop  }
0x90: {  	(tm) =	ssettm $0x1  }
0x91: {  	s17 =	sld [smem:$0x3FFB];
	_ =	sdelay $0x3  }
0x92: {  	_ =	strace s17  }
0x93: {  	s2 =	sld [smem:$0x3FFC];
	_ =	sdelay $0x3  }
0x94: {  	_ =	strace s2  }
0x95: {  	s2 =	sld [smem:$0x3FFD];
	_ =	sdelay $0x3  }
0x96: {  	_ =	strace s2  }
0x97: {  	_ =	strace $0x8FFFFFFF  }
0x98: {  	s18 =	sld [smem:$0x3FDB];
	_ =	sdelay $0x1  }
0x99: {  	s19 =	simm.s32 $_scs_section_size  }
0x9a: {  	s4 =	simm.s32 $_size__tile_overlayer_lowered;
	s5 =	simm.s32 $_tile_overlayer_lowered  }
0x9b: {  	s22 =	simm.s32 $0x1BFF;
	s21 =	sshll.u32 s5, $0x1;
	s2 =	sadd.s32 s19, s18  }
0x9c: {  	s6 =	simm.s32 $0x0;
	s20 =	sshll.u32 s4, $0x1;
	s4 =	sadd.s32 s21, s2  }
0x9d: {  	[timem:s6], [sflag:s22] =	dma.local [hbm:s4], s20  }
0x9e: {  	_ =	swait.ge [sflag:s22], s20  }
0x9f: {  	s3 =	ssub.s32 $0x0, s20;
	[sflag:s22] =	ssyncset.done $0x0  }
0xa0: {  	[sflag:s22] =	ssyncadd.s32 s3;
	_ =	sdelay $0x1  }
0xa1: {  	s23 =	simm.s32 $0x1B8B  }
0xa2: {  	_ =	swait.ge [sflag:s23], $0x1  }
0xa3: {  	[sflag:s23] =	ssyncset.done $0x0  }
0xa4: {  	s25 =	simm.s32 $0x1B8E;
	s24 =	sld [smem:$0x3FFE];
	[sflag:s23] =	ssyncadd.s32 $0xFFFFFFFF  }
0xa5: {  	s26 =	simm.s32 $execute0_lowered;
	[smem:$0x3FD2] =	sst s25  }
0xa6: {  	s4 =	sshll.u32 s26, $0x1;
	_ =	strace $0x80000046;
	[dreg:$0x1] =	wrdreg $0xFFFFFFFF  }
0xa7: {  	s28 =	simm.s32 $_size_execute0_lowered;
	s2 =	sadd.s32 s2, s4;
	[dreg:$0x0] =	wrdreg $0x0  }
0xa8: {  	s4 =	sshll.u32 s28, $0x1;
	[dreg:$0x2] =	wrdreg s2  }
0xa9: {  	[dreg:$0x3] =	wrdreg s4  }
0xaa: {  	[dreg:$0x4] =	wrdreg $0xC0  }
0xab: {  	_ =	task [dreg:s6], $0x5FFFF  }
0xac: {  	[dreg:$0x1] =	wrdreg $0xFFFFFFFF  }
0xad: {  	[dreg:$0x0] =	wrdreg $0x60  }
0xae: {  	[dreg:$0x2] =	wrdreg s24  }
0xaf: {  	[dreg:$0x3] =	wrdreg $0x0  }
0xb0: {  	[dreg:$0x4] =	wrdreg $0x9  }
0xb1: {  	_ =	task.clear_ibuf [dreg:s6], $0x5FFFF;
	_ =	strace $0x90000046  }
0xb2: {  	s29 =	simm.s32 $0x9;
	_ =	strace $0x80000048  }
0xb3: {  	_ =	swait.ge [sflag:s29], $0x1  }
0xb4: {  	[sflag:s29] =	ssyncadd.s32 $0xFFFFFFFF  }
0xb5: {  	_ =	strace $0x90000048  }
0xb6: {  	_ =	sfence  }
0xb7: {  	s30 =	sld [smem:$0x0];
	_ =	sdelay $0x2  }
0xb8: {  	s31 =	sshll.u32 s1, $0xD;
	s1 =	sshrl.u32 s1, $0x2  }
0xb9: {  	s3 =	sand.u32 $0x4000, s31;
	s1 =	sadd.s32 s1, s30  }
0xba: {  	s0 =	sor.u32 s3, s0;
	s1 =	sshll.u32 s1, $0x11  }
0xbb: {  	s0 =	sor.u32 s1, s0  }
0xbc: {  	s0 =	sadd.s32 $0x8F2B, s0  }
0xbd: {  	[sflag:s0] =	ssyncadd.remote.s32 $0x1  }
0xbe: {  	_ =	sfence.sel $0xFFFF  }
0xbf: {  	[dreg:$0x0] =	wrdreg $0xFFFFFFFF;
	(pc) =	sbr.abs _section_cstart, $3  }
0xc0: {  	[dreg:$0x1] =	wrdreg $0xFFFFFFFF  }
0xc1: {  	_ =	task.clear_ibuf [dreg:s6], $0x2FFFF;
	_ =	strace $0x9FFFFFFF  }
0xc2: {  	(tm) =	ssettm $0x7FFFFFFF  }
0xc3: {  	_ =	shalt  }
tec
execute0_lowered:
.L_overlay_start_1:
0x0: {  	(tag) =	ssettag $0x1  }
0x1: {  	s0 =	srdreg.scid  }
0x2: {  	s0 =	sand.u32 $0x1, s0  }
0x3: {  	p0 =	seq.s32 s0, $0x1  }
.Ltmp0:
0x4: {  	_ = 	snop;
	(pc) =	sbr.rel @p0 .LBB2_8-.Ltmp0, $4  }
0x5: {  	s6 =	rddreg [dreg:$0x0]  }
0x6: {  	s2 =	rddreg [dreg:$0x1];
	s1 =	simm.s32 $0x0  }
0x7: {  	[smem:$0x7FF] =	sst s1  }
0x8: {  	s3 =	rddreg [dreg:$0x2];
	s1 =	stileid.u32;
	_ =	strace $0x80000047  }
0x9: {  	s0 =	smul.u32 $0x4E000, s1  }
0xa: {  	s3 =	sshll.u32 s1, $0xB;
	s4 =	smul.u32 $0x2700, s1  }
0xb: {  	s7 =	sadd.s32 s3, s6  }
0xc: {  	s0 =	sshrl.u32 s0, $0x2;
	s18 =	sadd.s32 s4, s6;
	s7 =	sadd.s32 $0x8600, s7  }
0xd: {  	s3 =	sadd.s32 s0, s2;
	[dreg:$0x5] =	wrdreg s7;
	s25 =	sadd.s32 $0x10600, s18  }
0xe: {  	s7 =	sadd.s32 $0x37600, s6;
	s6 =	sadd.s32 $0x138000, s2;
	s21 =	sadd.s32 $0x800, s3  }
0xf: {  	s20 =	sadd.s32 $0x1000, s3;
	s19 =	sadd.s32 $0x1800, s3;
	s17 =	sadd.s32 $0x2000, s3  }
0x10: {  	s16 =	sadd.s32 $0x2800, s3;
	s15 =	sadd.s32 $0x3000, s3;
	s14 =	sadd.s32 $0x3800, s3  }
0x11: {  	s13 =	sadd.s32 $0x4000, s3;
	s12 =	sadd.s32 $0x4800, s3;
	s11 =	sadd.s32 $0x5000, s3  }
0x12: {  	s10 =	sadd.s32 $0x5800, s3;
	s9 =	sadd.s32 $0x6000, s3;
	[dreg:$0x4] =	wrdreg s25  }
0x13: {  	s8 =	sadd.s32 $0x6800, s3;
	[dreg:$0x3] =	wrdreg s7;
	s18 =	sadd.s32 $0xD000, s3  }
0x14: {  	s5 =	sadd.s32 $0x7000, s3;
	s7 =	sadd.s32 $0xD800, s3;
	[dreg:$0x12] =	wrdreg s18  }
0x15: {  	s4 =	sadd.s32 $0x7800, s3;
	[dreg:$0x11] =	wrdreg s7;
	s18 =	sadd.s32 $0xE000, s3  }
0x16: {  	s0 =	sadd.s32 $0x8000, s3;
	s7 =	sadd.s32 $0xE800, s3;
	[dreg:$0x10] =	wrdreg s18  }
0x17: {  	s31 =	sadd.s32 $0x8800, s3;
	[dreg:$0xf] =	wrdreg s7;
	s18 =	sadd.s32 $0xF000, s3  }
0x18: {  	s30 =	sadd.s32 $0x9000, s3;
	s7 =	sadd.s32 $0xF800, s3;
	[dreg:$0xe] =	wrdreg s18  }
0x19: {  	s29 =	sadd.s32 $0x9800, s3;
	[dreg:$0xd] =	wrdreg s7;
	s18 =	sadd.s32 $0x10000, s3  }
0x1a: {  	s28 =	sadd.s32 $0xA000, s3;
	s7 =	sadd.s32 $0x10800, s3;
	[dreg:$0xc] =	wrdreg s18  }
0x1b: {  	s26 =	sadd.s32 $0xA800, s3;
	[dreg:$0xb] =	wrdreg s7;
	s18 =	sadd.s32 $0x11000, s3  }
0x1c: {  	s24 =	sadd.s32 $0xB000, s3;
	s7 =	sadd.s32 $0x11800, s3;
	[dreg:$0xa] =	wrdreg s18  }
0x1d: {  	s25 =	sadd.s32 $0xB800, s3;
	[dreg:$0x9] =	wrdreg s7;
	s18 =	sadd.s32 $0x12000, s3  }
0x1e: {  	s23 =	sadd.s32 $0xC000, s3;
	s7 =	sadd.s32 $0x12800, s3;
	[dreg:$0x8] =	wrdreg s18  }
0x1f: {  	s22 =	sadd.s32 $0xC800, s3;
	[dreg:$0x7] =	wrdreg s7;
	s18 =	sadd.s32 $0x13000, s3  }
0x20: {  	v0 =	vimm.f32 $0.0e+00;
	s7 =	simm.s32 $0x0;
	[dreg:$0x6] =	wrdreg s18;
	s18 =	simm.s32 $0x200  }
.LBB2_2:
0x21: {  	p0 =	sne.s32 s18, $0x1E00;
	[tilespmem:s7+$0x178F0] =	vst v0  }
0x22: {  	[tilespmem:s7+$0x17880] =	vst v0  }
0x23: {  	[tilespmem:s7+$0x17890] =	vst v0  }
.Ltmp1:
0x24: {  	[tilespmem:s7+$0x178A0] =	vst v0;
	(pc) =	sbr.rel @p0 .LBB2_2-.Ltmp1, $4  }
0x25: {  	[tilespmem:s7+$0x178B0] =	vst v0  }
0x26: {  	[tilespmem:s7+$0x178C0] =	vst v0  }
0x27: {  	[tilespmem:s7+$0x178D0] =	vst v0  }
0x28: {  	[tilespmem:s7+$0x178E0] =	vst v0;
	s7 =	sshra.s32 s18, $0x2;
	s18 =	sadd.s32 $0x200, s18  }
0x29: {  	[tilespmem:s7+$0x178F0] =	vst v0  }
0x2a: {  	[tilespmem:s7+$0x17880] =	vst v0  }
0x2b: {  	[tilespmem:s7+$0x17890] =	vst v0  }
0x2c: {  	[tilespmem:s7+$0x178A0] =	vst v0  }
0x2d: {  	[tilespmem:s7+$0x178B0] =	vst v0  }
0x2e: {  	[tilespmem:s7+$0x178C0] =	vst v0  }
0x2f: {  	[tilespmem:s7+$0x178D0] =	vst v0  }
0x30: {  	[tilespmem:s7+$0x178E0] =	vst v0;
	v0 =	vimm.f32 $1.000000000e+00;
	s7 =	simm.s32 $0x0;
	s18 =	simm.s32 $0x200  }
.LBB2_4:
0x31: {  	p0 =	sne.s32 s18, $0x9E00;
	[tilespmem:s7+$0x180F0] =	vst v0  }
0x32: {  	[tilespmem:s7+$0x18080] =	vst v0  }
0x33: {  	[tilespmem:s7+$0x18090] =	vst v0  }
.Ltmp2:
0x34: {  	[tilespmem:s7+$0x180A0] =	vst v0;
	(pc) =	sbr.rel @p0 .LBB2_4-.Ltmp2, $4  }
0x35: {  	[tilespmem:s7+$0x180B0] =	vst v0  }
0x36: {  	[tilespmem:s7+$0x180C0] =	vst v0  }
0x37: {  	[tilespmem:s7+$0x180D0] =	vst v0  }
0x38: {  	[tilespmem:s7+$0x180E0] =	vst v0;
	s7 =	sshra.s32 s18, $0x2;
	s18 =	sadd.s32 $0x200, s18  }
0x39: {  	[tilespmem:s7+$0x180F0] =	vst v0  }
0x3a: {  	[tilespmem:s7+$0x18080] =	vst v0  }
0x3b: {  	[tilespmem:s7+$0x18090] =	vst v0  }
0x3c: {  	[tilespmem:s7+$0x180A0] =	vst v0  }
0x3d: {  	[tilespmem:s7+$0x180B0] =	vst v0  }
0x3e: {  	[tilespmem:s7+$0x180C0] =	vst v0  }
0x3f: {  	[tilespmem:s7+$0x180D0] =	vst v0  }
0x40: {  	[tilespmem:s7+$0x180E0] =	vst v0;
	s7 =	simm.s32 $0x17880;
	s18 =	simm.s32 $0x1  }
0x41: {  	[spmem:s3] =	stream.linear.scatter [tilespmem:s7], [sflag:$0x1], $0x800, $0x38;
	[tilespmem:$0x1A880] =	vst v63  }
0x42: {  	_ =	swait.ge [sflag:s18], $0x800  }
0x43: {  	[sflag:s18] =	ssyncset.done $0x0  }
0x44: {  	[sflag:s18] =	ssyncadd.s32 $0xFFFFF800  }
0x45: {  	[spmem:s21] =	stream.linear.scatter [tilespmem:s7], [sflag:$0x1], $0x800, $0x38;
	[tilespmem:$0x1A880] =	vst v63  }
0x46: {  	_ =	swait.ge [sflag:s18], $0x800  }
0x47: {  	[sflag:s18] =	ssyncset.done $0x0  }
0x48: {  	[sflag:s18] =	ssyncadd.s32 $0xFFFFF800  }
0x49: {  	[spmem:s20] =	stream.linear.scatter [tilespmem:s7], [sflag:$0x1], $0x800, $0x38;
	[tilespmem:$0x1A880] =	vst v63  }
0x4a: {  	_ =	swait.ge [sflag:s18], $0x800  }
0x4b: {  	[sflag:s18] =	ssyncset.done $0x0  }
0x4c: {  	[sflag:s18] =	ssyncadd.s32 $0xFFFFF800  }
0x4d: {  	[spmem:s19] =	stream.linear.scatter [tilespmem:s7], [sflag:$0x1], $0x800, $0x38;
	[tilespmem:$0x1A880] =	vst v63  }
0x4e: {  	_ =	swait.ge [sflag:s18], $0x800  }
0x4f: {  	[sflag:s18] =	ssyncset.done $0x0  }
0x50: {  	[sflag:s18] =	ssyncadd.s32 $0xFFFFF800  }
0x51: {  	[spmem:s17] =	stream.linear.scatter [tilespmem:s7], [sflag:$0x1], $0x800, $0x38;
	[tilespmem:$0x1A880] =	vst v63  }
0x52: {  	_ =	swait.ge [sflag:s18], $0x800  }
0x53: {  	[sflag:s18] =	ssyncset.done $0x0  }
0x54: {  	[sflag:s18] =	ssyncadd.s32 $0xFFFFF800  }
0x55: {  	[spmem:s16] =	stream.linear.scatter [tilespmem:s7], [sflag:$0x1], $0x800, $0x38;
	[tilespmem:$0x1A880] =	vst v63  }
0x56: {  	_ =	swait.ge [sflag:s18], $0x800  }
0x57: {  	[sflag:s18] =	ssyncset.done $0x0  }
0x58: {  	[sflag:s18] =	ssyncadd.s32 $0xFFFFF800  }
0x59: {  	[spmem:s15] =	stream.linear.scatter [tilespmem:s7], [sflag:$0x1], $0x800, $0x38;
	[tilespmem:$0x1A880] =	vst v63  }
0x5a: {  	_ =	swait.ge [sflag:s18], $0x800  }
0x5b: {  	[sflag:s18] =	ssyncset.done $0x0  }
0x5c: {  	[sflag:s18] =	ssyncadd.s32 $0xFFFFF800  }
0x5d: {  	[spmem:s14] =	stream.linear.scatter [tilespmem:s7], [sflag:$0x1], $0x800, $0x38;
	[tilespmem:$0x1A880] =	vst v63  }
0x5e: {  	_ =	swait.ge [sflag:s18], $0x800  }
0x5f: {  	[sflag:s18] =	ssyncset.done $0x0  }
0x60: {  	[sflag:s18] =	ssyncadd.s32 $0xFFFFF800  }
0x61: {  	[spmem:s13] =	stream.linear.scatter [tilespmem:s7], [sflag:$0x1], $0x800, $0x38;
	[tilespmem:$0x1A880] =	vst v63  }
0x62: {  	_ =	swait.ge [sflag:s18], $0x800  }
0x63: {  	[sflag:s18] =	ssyncset.done $0x0  }
0x64: {  	[sflag:s18] =	ssyncadd.s32 $0xFFFFF800  }
0x65: {  	[spmem:s12] =	stream.linear.scatter [tilespmem:s7], [sflag:$0x1], $0x800, $0x38;
	[tilespmem:$0x1A880] =	vst v63  }
0x66: {  	_ =	swait.ge [sflag:s18], $0x800  }
0x67: {  	[sflag:s18] =	ssyncset.done $0x0  }
0x68: {  	[sflag:s18] =	ssyncadd.s32 $0xFFFFF800  }
0x69: {  	[spmem:s11] =	stream.linear.scatter [tilespmem:s7], [sflag:$0x1], $0x800, $0x38;
	[tilespmem:$0x1A880] =	vst v63  }
0x6a: {  	_ =	swait.ge [sflag:s18], $0x800  }
0x6b: {  	[sflag:s18] =	ssyncset.done $0x0  }
0x6c: {  	[sflag:s18] =	ssyncadd.s32 $0xFFFFF800  }
0x6d: {  	[spmem:s10] =	stream.linear.scatter [tilespmem:s7], [sflag:$0x1], $0x800, $0x38;
	[tilespmem:$0x1A880] =	vst v63  }
0x6e: {  	_ =	swait.ge [sflag:s18], $0x800  }
0x6f: {  	[sflag:s18] =	ssyncset.done $0x0  }
0x70: {  	[sflag:s18] =	ssyncadd.s32 $0xFFFFF800  }
0x71: {  	[spmem:s9] =	stream.linear.scatter [tilespmem:s7], [sflag:$0x1], $0x800, $0x38;
	[tilespmem:$0x1A880] =	vst v63  }
0x72: {  	_ =	swait.ge [sflag:s18], $0x800  }
0x73: {  	[sflag:s18] =	ssyncset.done $0x0  }
0x74: {  	[sflag:s18] =	ssyncadd.s32 $0xFFFFF800  }
0x75: {  	[spmem:s8] =	stream.linear.scatter [tilespmem:s7], [sflag:$0x1], $0x800, $0x38;
	[tilespmem:$0x1A880] =	vst v63  }
0x76: {  	_ =	swait.ge [sflag:s18], $0x800  }
0x77: {  	[sflag:s18] =	ssyncset.done $0x0  }
0x78: {  	[sflag:s18] =	ssyncadd.s32 $0xFFFFF800  }
0x79: {  	[spmem:s5] =	stream.linear.scatter [tilespmem:s7], [sflag:$0x1], $0x800, $0x38;
	[tilespmem:$0x1A880] =	vst v63  }
0x7a: {  	_ =	swait.ge [sflag:s18], $0x800  }
0x7b: {  	[sflag:s18] =	ssyncset.done $0x0  }
0x7c: {  	[sflag:s18] =	ssyncadd.s32 $0xFFFFF800  }
0x7d: {  	[spmem:s4] =	stream.linear.scatter [tilespmem:s7], [sflag:$0x1], $0x800, $0x38;
	[tilespmem:$0x1A880] =	vst v63  }
0x7e: {  	_ =	swait.ge [sflag:s18], $0x800  }
0x7f: {  	[sflag:s18] =	ssyncset.done $0x0  }
0x80: {  	[sflag:s18] =	ssyncadd.s32 $0xFFFFF800  }
0x81: {  	[spmem:s0] =	stream.linear.scatter [tilespmem:s7], [sflag:$0x1], $0x800, $0x38;
	[tilespmem:$0x1A880] =	vst v63  }
0x82: {  	_ =	swait.ge [sflag:s18], $0x800  }
0x83: {  	[sflag:s18] =	ssyncset.done $0x0  }
0x84: {  	[sflag:s18] =	ssyncadd.s32 $0xFFFFF800  }
0x85: {  	[spmem:s31] =	stream.linear.scatter [tilespmem:s7], [sflag:$0x1], $0x800, $0x38;
	[tilespmem:$0x1A880] =	vst v63  }
0x86: {  	_ =	swait.ge [sflag:s18], $0x800  }
0x87: {  	[sflag:s18] =	ssyncset.done $0x0  }
0x88: {  	[sflag:s18] =	ssyncadd.s32 $0xFFFFF800  }
0x89: {  	[spmem:s30] =	stream.linear.scatter [tilespmem:s7], [sflag:$0x1], $0x800, $0x38;
	[tilespmem:$0x1A880] =	vst v63  }
0x8a: {  	_ =	swait.ge [sflag:s18], $0x800  }
0x8b: {  	[sflag:s18] =	ssyncset.done $0x0  }
0x8c: {  	[sflag:s18] =	ssyncadd.s32 $0xFFFFF800  }
0x8d: {  	[spmem:s29] =	stream.linear.scatter [tilespmem:s7], [sflag:$0x1], $0x800, $0x38;
	[tilespmem:$0x1A880] =	vst v63  }
0x8e: {  	_ =	swait.ge [sflag:s18], $0x800  }
0x8f: {  	[sflag:s18] =	ssyncset.done $0x0  }
0x90: {  	[sflag:s18] =	ssyncadd.s32 $0xFFFFF800  }
0x91: {  	[spmem:s28] =	stream.linear.scatter [tilespmem:s7], [sflag:$0x1], $0x800, $0x38;
	[tilespmem:$0x1A880] =	vst v63  }
0x92: {  	_ =	swait.ge [sflag:s18], $0x800  }
0x93: {  	[sflag:s18] =	ssyncset.done $0x0  }
0x94: {  	[sflag:s18] =	ssyncadd.s32 $0xFFFFF800  }
0x95: {  	[spmem:s26] =	stream.linear.scatter [tilespmem:s7], [sflag:$0x1], $0x800, $0x38;
	[tilespmem:$0x1A880] =	vst v63  }
0x96: {  	_ =	swait.ge [sflag:s18], $0x800  }
0x97: {  	[sflag:s18] =	ssyncset.done $0x0  }
0x98: {  	[sflag:s18] =	ssyncadd.s32 $0xFFFFF800  }
0x99: {  	[spmem:s24] =	stream.linear.scatter [tilespmem:s7], [sflag:$0x1], $0x800, $0x38;
	[tilespmem:$0x1A880] =	vst v63  }
0x9a: {  	_ =	swait.ge [sflag:s18], $0x800  }
0x9b: {  	[sflag:s18] =	ssyncset.done $0x0  }
0x9c: {  	[sflag:s18] =	ssyncadd.s32 $0xFFFFF800  }
0x9d: {  	[spmem:s25] =	stream.linear.scatter [tilespmem:s7], [sflag:$0x1], $0x800, $0x38;
	[tilespmem:$0x1A880] =	vst v63  }
0x9e: {  	_ =	swait.ge [sflag:s18], $0x800  }
0x9f: {  	[sflag:s18] =	ssyncset.done $0x0  }
0xa0: {  	[sflag:s18] =	ssyncadd.s32 $0xFFFFF800  }
0xa1: {  	[spmem:s23] =	stream.linear.scatter [tilespmem:s7], [sflag:$0x1], $0x800, $0x38;
	[tilespmem:$0x1A880] =	vst v63  }
0xa2: {  	_ =	swait.ge [sflag:s18], $0x800  }
0xa3: {  	[sflag:s18] =	ssyncset.done $0x0  }
0xa4: {  	[sflag:s18] =	ssyncadd.s32 $0xFFFFF800  }
0xa5: {  	[spmem:s22] =	stream.linear.scatter [tilespmem:s7], [sflag:$0x1], $0x800, $0x38;
	[tilespmem:$0x1A880] =	vst v63  }
0xa6: {  	_ =	swait.ge [sflag:s18], $0x800  }
0xa7: {  	[sflag:s18] =	ssyncset.done $0x0  }
0xa8: {  	s13 =	rddreg [dreg:$0x12];
	[sflag:s18] =	ssyncadd.s32 $0xFFFFF800  }
0xa9: {  	[spmem:s13] =	stream.linear.scatter [tilespmem:s7], [sflag:$0x1], $0x800, $0x38;
	[tilespmem:$0x1A880] =	vst v63  }
0xaa: {  	_ =	swait.ge [sflag:s18], $0x800  }
0xab: {  	[sflag:s18] =	ssyncset.done $0x0  }
0xac: {  	s14 =	rddreg [dreg:$0x11];
	[sflag:s18] =	ssyncadd.s32 $0xFFFFF800  }
0xad: {  	[spmem:s14] =	stream.linear.scatter [tilespmem:s7], [sflag:$0x1], $0x800, $0x38;
	[tilespmem:$0x1A880] =	vst v63  }
0xae: {  	_ =	swait.ge [sflag:s18], $0x800  }
0xaf: {  	[sflag:s18] =	ssyncset.done $0x0  }
0xb0: {  	s15 =	rddreg [dreg:$0x10];
	[sflag:s18] =	ssyncadd.s32 $0xFFFFF800  }
0xb1: {  	[spmem:s15] =	stream.linear.scatter [tilespmem:s7], [sflag:$0x1], $0x800, $0x38;
	[tilespmem:$0x1A880] =	vst v63  }
0xb2: {  	_ =	swait.ge [sflag:s18], $0x800  }
0xb3: {  	[sflag:s18] =	ssyncset.done $0x0  }
0xb4: {  	s16 =	rddreg [dreg:$0xf];
	[sflag:s18] =	ssyncadd.s32 $0xFFFFF800  }
0xb5: {  	[spmem:s16] =	stream.linear.scatter [tilespmem:s7], [sflag:$0x1], $0x800, $0x38;
	[tilespmem:$0x1A880] =	vst v63  }
0xb6: {  	_ =	swait.ge [sflag:s18], $0x800  }
0xb7: {  	[sflag:s18] =	ssyncset.done $0x0  }
0xb8: {  	s17 =	rddreg [dreg:$0xe];
	[sflag:s18] =	ssyncadd.s32 $0xFFFFF800  }
0xb9: {  	[spmem:s17] =	stream.linear.scatter [tilespmem:s7], [sflag:$0x1], $0x800, $0x38;
	[tilespmem:$0x1A880] =	vst v63  }
0xba: {  	_ =	swait.ge [sflag:s18], $0x800  }
0xbb: {  	[sflag:s18] =	ssyncset.done $0x0  }
0xbc: {  	s19 =	rddreg [dreg:$0xd];
	[sflag:s18] =	ssyncadd.s32 $0xFFFFF800  }
0xbd: {  	[spmem:s19] =	stream.linear.scatter [tilespmem:s7], [sflag:$0x1], $0x800, $0x38;
	[tilespmem:$0x1A880] =	vst v63  }
0xbe: {  	_ =	swait.ge [sflag:s18], $0x800  }
0xbf: {  	[sflag:s18] =	ssyncset.done $0x0  }
0xc0: {  	s20 =	rddreg [dreg:$0xc];
	[sflag:s18] =	ssyncadd.s32 $0xFFFFF800  }
0xc1: {  	[spmem:s20] =	stream.linear.scatter [tilespmem:s7], [sflag:$0x1], $0x800, $0x38;
	[tilespmem:$0x1A880] =	vst v63  }
0xc2: {  	_ =	swait.ge [sflag:s18], $0x800  }
0xc3: {  	[sflag:s18] =	ssyncset.done $0x0  }
0xc4: {  	s21 =	rddreg [dreg:$0xb];
	[sflag:s18] =	ssyncadd.s32 $0xFFFFF800  }
0xc5: {  	[spmem:s21] =	stream.linear.scatter [tilespmem:s7], [sflag:$0x1], $0x800, $0x38;
	[tilespmem:$0x1A880] =	vst v63  }
0xc6: {  	_ =	swait.ge [sflag:s18], $0x800  }
0xc7: {  	[sflag:s18] =	ssyncset.done $0x0  }
0xc8: {  	s22 =	rddreg [dreg:$0xa];
	[sflag:s18] =	ssyncadd.s32 $0xFFFFF800  }
0xc9: {  	[spmem:s22] =	stream.linear.scatter [tilespmem:s7], [sflag:$0x1], $0x800, $0x38;
	[tilespmem:$0x1A880] =	vst v63  }
0xca: {  	_ =	swait.ge [sflag:s18], $0x800  }
0xcb: {  	[sflag:s18] =	ssyncset.done $0x0  }
0xcc: {  	s23 =	rddreg [dreg:$0x9];
	[sflag:s18] =	ssyncadd.s32 $0xFFFFF800  }
0xcd: {  	[spmem:s23] =	stream.linear.scatter [tilespmem:s7], [sflag:$0x1], $0x800, $0x38;
	[tilespmem:$0x1A880] =	vst v63  }
0xce: {  	_ =	swait.ge [sflag:s18], $0x800  }
0xcf: {  	[sflag:s18] =	ssyncset.done $0x0  }
0xd0: {  	s24 =	rddreg [dreg:$0x8];
	[sflag:s18] =	ssyncadd.s32 $0xFFFFF800  }
0xd1: {  	[spmem:s24] =	stream.linear.scatter [tilespmem:s7], [sflag:$0x1], $0x800, $0x38;
	[tilespmem:$0x1A880] =	vst v63  }
0xd2: {  	_ =	swait.ge [sflag:s18], $0x800  }
0xd3: {  	[sflag:s18] =	ssyncset.done $0x0  }
0xd4: {  	s25 =	rddreg [dreg:$0x7];
	[sflag:s18] =	ssyncadd.s32 $0xFFFFF800  }
0xd5: {  	[spmem:s25] =	stream.linear.scatter [tilespmem:s7], [sflag:$0x1], $0x800, $0x38;
	[tilespmem:$0x1A880] =	vst v63  }
0xd6: {  	_ =	swait.ge [sflag:s18], $0x800  }
0xd7: {  	[sflag:s18] =	ssyncset.done $0x0  }
0xd8: {  	s26 =	rddreg [dreg:$0x6];
	[sflag:s18] =	ssyncadd.s32 $0xFFFFF800  }
0xd9: {  	[spmem:s26] =	stream.linear.scatter [tilespmem:s7], [sflag:$0x1], $0x800, $0x38;
	[tilespmem:$0x1A880] =	vst v63  }
0xda: {  	_ =	swait.ge [sflag:s18], $0x800  }
0xdb: {  	p0 =	sne.s32 s1, $0x0;
	[sflag:s18] =	ssyncset.done $0x0  }
0xdc: {  	s0 =	simm.s32 @!p0 $0x17880;
	[sflag:s18] =	ssyncadd.s32 $0xFFFFF800  }
0xdd: {  	[spmem:s6] =	stream.linear.scatter @!p0 [tilespmem:s0], [sflag:$0x1], $0x800, $0x38;
	[tilespmem:$0x1A880] =	vst v63  }
0xde: {  	s0 =	simm.s32 @!p0 $0x1  }
0xdf: {  	_ =	swait.ge @!p0 [sflag:s0], $0x800  }
0xe0: {  	[sflag:s0] =	ssyncset.done @!p0 $0x0  }
0xe1: {  	[sflag:s0] =	ssyncadd.s32 @!p0 $0xFFFFF800  }
0xe2: {  	[bflag:$0x0] =	sbarrier.arrive $0xFFFF  }
0xe3: {  	s29 =	simm.s32 $0x13880;
	s28 =	simm.s32 $0x0;
	s30 =	rddreg [dreg:$0x5]  }
0xe4: {  	[tilespmem:s29], [sflag:$0x1] =	stream.linear.gather [hbm4b:s30+s28], $0x3E80, $0x38;
	[tilespmem:$0x1A880] =	vst v63  }
0xe5: {  	_ =	swait.ge [sflag:s18], $0x3E80  }
0xe6: {  	s4 =	simm.s32 $0x18080;
	[sflag:s18] =	ssyncset.done $0x0  }
0xe7: {  	s31 =	simm.s32 $0x13880;
	s0 =	simm.s32 $0x50;
	[sflag:s18] =	ssyncadd.s32 $0xFFFFC180  }
0xe8: {  	[spmem:s2] =	stream.indirect.scatter.add.f32 [tilespmem:s4], [sflag:$0x1], $0x80, s31, s0, $0xb8;
	[tilespmem:$0x1A880] =	vst v63  }
0xe9: {  	s5 =	simm.s32 $0x200;
	_ =	swait.ge [sflag:s18], $0x2800  }
.LBB2_6:
0xea: {  	s7 =	sshra.s32 s5, $0x2;
	[sflag:s18] =	ssyncset.done $0x0;
	p1 =	sne.s32 s5, $0xF800  }
.Ltmp3:
0xeb: {  	s7 =	sadd.s32 $0x13880, s7;
	[sflag:s18] =	ssyncadd.s32 $0xFFFFD800;
	(pc) =	sbr.rel @p1 .LBB2_6-.Ltmp3, $3  }
0xec: {  	[spmem:s2] =	stream.indirect.scatter.add.f32 [tilespmem:s4], [sflag:$0x1], $0x80, s7, s0, $0xb8;
	[tilespmem:$0x1A880] =	vst v63  }
0xed: {  	s5 =	sadd.s32 $0x200, s5;
	_ =	sdelay $0x1  }
0xee: {  	_ =	swait.ge [sflag:s18], $0x2800  }
0xef: {  	[sflag:s18] =	ssyncset.done $0x0  }
0xf0: {  	[sflag:s18] =	ssyncadd.s32 $0xFFFFD800  }
0xf1: {  	s0 =	sshll.u32 s1, $0x6;
	s2 =	sshrl.u32 s3, $0x3;
	[bflag:$0x0] =	sbarrier.arrive $0xFFFF  }
0xf2: {  	s31 =	simm.s32 $0x1;
	s0 =	sor.u32 $0x1C01, s0;
	s30 =	rddreg [dreg:$0x4]  }
0xf3: {  	[hbm:s30], [sflag:s0] =	dma.local [spmem:s2], $0x2700  }
0xf4: {  	_ =	swait.ge [sflag:s31], $0x2700  }
0xf5: {  	[sflag:s31] =	ssyncset.done $0x0  }
0xf6: {  	s2 =	sshrl.u32 @!p0 s6, $0x3;
	s3 =	rddreg [dreg:$0x3];
	[sflag:s31] =	ssyncadd.s32 $0xFFFFD900  }
0xf7: {  	[hbm:s3], [sflag:s0] =	dma.local @!p0 [spmem:s2], $0x100  }
0xf8: {  	s0 =	simm.s32 @!p0 $0x1  }
0xf9: {  	_ =	swait.ge @!p0 [sflag:s0], $0x100  }
0xfa: {  	[sflag:s0] =	ssyncset.done @!p0 $0x0  }
0xfb: {  	[sflag:s0] =	ssyncadd.s32 @!p0 $0xFFFFFF00  }
0xfc: {  	s3 =	rddreg [dreg:$0x2]  }
.LBB2_8:
0xfd: {  	_ =	sfence.sel $0x180000  }
0xfe: {  	[bflag:$0x0] =	sbarrier.arrive $0xFFFF  }
0xff: {  	p0 =	sne.s32 s1, $0x0;
	_ =	strace $0x90000047  }
0x100: {  	s0 =	sadd.s32 @!p0 $0x100000, s3;
	[bflag:$0x2] =	sbarrier.arrive $0xFFFF  }
0x101: {  	[sflag:s0] =	ssyncadd.tile.s32 @!p0 $0x1;
	_ =	shalt  }
.Lfunc_end2:
_tile_overlayer_lowered:
.L_overlay_start_2:
0x102: {  	(tag) =	ssettag $0x2  }
0x103: {  	s0 =	rddreg [dreg:$0x0];
	s2 =	stileid.u32  }
0x104: {  	s1 =	rddreg [dreg:$0x1];
	p0 =	sne.s32 s2, $0x0  }
0x105: {  	s3 =	rddreg [dreg:$0x2];
	[bflag:$0x3] =	sbarrier.arrive $0xFFFF;
	s2 =	simm.s32 @!p0 $0x1C01  }
0x106: {  	[timem:s3], [sflag:s2] =	dma.local @!p0 [hbm:s0], s1  }
0x107: {  	s0 =	simm.s32 @!p0 $0x1  }
0x108: {  	_ =	swait.ge @!p0 [sflag:s0], s1  }
0x109: {  	s1 =	ssub.s32 @!p0 $0x0, s1;
	[sflag:s0] =	ssyncset.done @!p0 $0x0  }
0x10a: {  	[sflag:s0] =	ssyncadd.s32 @!p0 s1  }
0x10b: {  	[bflag:$0x3] =	sbarrier.arrive $0xFFFF  }
0x10c: {  	_ =	shalt  }

</sc_bundles>
